<compile_context>
chip_gen: v7x
topology: tpu7x:2x2x1
jax: 0.10.2.dev20260603
libtpu: 0.0.44.dev20260713+nightly
codegen_flags: <defaults>
</compile_context>

<pallas_src>
import functools

import jax
import jax.numpy as jnp
from jax import lax
from jax.experimental import pallas as pl
from jax.experimental.pallas import tpu as pltpu
from jax.experimental.pallas import tpu_sc as plsc

NC = 2
NS = 16
NW = NC * NS

N = 10000
NPAD = 10240
ROWS_T = NPAD // NS
EB = 128
LB = 128

_mesh = plsc.VectorSubcoreMesh(
    core_axis_name="c", subcore_axis_name="s", num_cores=NC, num_subcores=NS)


def _make_deg(EPAD):
    ti = EPAD // NW // EB

    @functools.partial(
        pl.kernel,
        out_type=jax.ShapeDtypeStruct((NC, NPAD, 128), jnp.float32),
        mesh=_mesh,
        scratch_types=[
            pltpu.VMEM((ti, EB), jnp.int32),
            pltpu.VMEM((EB, 128), jnp.float32),
            pltpu.SemaphoreType.DMA,
            pltpu.VMEM_SHARED((NPAD, 128), jnp.float32),
        ],
    )
    def deg_k(dst2_hbm, zeros_hbm, ones_hbm, out_hbm, dall, ones_v, ssem,
              acc):
        c = lax.axis_index("c")
        s = lax.axis_index("s")
        w = s * NC + c
        pltpu.sync_copy(zeros_hbm, acc.at[pl.ds(s * ROWS_T, ROWS_T)])
        pltpu.sync_copy(ones_hbm, ones_v)
        pltpu.sync_copy(dst2_hbm.at[pl.ds(pl.multiple_of(w * ti, 8), ti)], dall)
        plsc.subcore_barrier()

        pltpu.async_copy(ones_v, acc.at[dall.at[0]], ssem, add=True)

        def step(j, carry):
            pltpu.async_copy(ones_v, acc.at[dall.at[j]], ssem, add=True)
            pltpu.make_async_copy(ones_v, acc.at[dall.at[0]], ssem).wait()
            return carry

        lax.fori_loop(1, ti, step, 0)
        pltpu.make_async_copy(ones_v, acc.at[dall.at[0]], ssem).wait()
        plsc.subcore_barrier()
        pltpu.sync_copy(acc.at[pl.ds(s * ROWS_T, ROWS_T)],
                        out_hbm.at[c, pl.ds(s * ROWS_T, ROWS_T)])

    return deg_k


def _make_prop(EPAD, split_cols):
    CH = 16
    ti = EPAD // (NS if split_cols else NW) // EB
    assert ti % CH == 0

    scratch = [
        pltpu.VMEM((CH, EB), jnp.int32),
        pltpu.VMEM((CH, EB), jnp.int32),
        pltpu.VMEM((EB, 128), jnp.float32),
        pltpu.VMEM((EB, 128), jnp.float32),
        pltpu.SemaphoreType.DMA,
        pltpu.SemaphoreType.DMA,
        pltpu.VMEM_SHARED((NPAD, 128), jnp.float32),
    ]

    def body(tabs, src2_hbm, dst2_hbm, zeros_hbm, out_hbm,
             sidx, didx, rows0, rows1, gsem, ssem, acc):
        c = lax.axis_index("c")
        s = lax.axis_index("s")
        pltpu.sync_copy(zeros_hbm, acc.at[pl.ds(s * ROWS_T, ROWS_T)])
        base_row = (s if split_cols else s * NC + c) * ti
        plsc.subcore_barrier()

        def run(tab):
            def g_issue(j, buf):
                pltpu.async_copy(tab.at[sidx.at[j]], buf, gsem)

            def g_wait(buf):
                pltpu.make_async_copy(tab.at[sidx.at[0]], buf, gsem).wait()

            def s_issue(j, buf):
                pltpu.async_copy(buf, acc.at[didx.at[j]], ssem, add=True)

            def s_wait():
                pltpu.make_async_copy(
                    rows0, acc.at[didx.at[0]], ssem).wait()

            def chunk(cc, carry):
                row0 = pl.multiple_of(base_row + cc * CH, 8)
                pltpu.sync_copy(src2_hbm.at[pl.ds(row0, CH)], sidx)
                pltpu.sync_copy(dst2_hbm.at[pl.ds(row0, CH)], didx)
                g_issue(0, rows0)
                g_wait(rows0)
                g_issue(1, rows1)
                s_issue(0, rows0)

                def step2(jj, c2):
                    k = 2 * jj
                    g_wait(rows1)
                    s_wait()
                    g_issue(k + 2, rows0)
                    s_issue(k + 1, rows1)
                    g_wait(rows0)
                    s_wait()
                    g_issue(k + 3, rows1)
                    s_issue(k + 2, rows0)
                    return c2

                lax.fori_loop(0, (CH - 2) // 2, step2, 0)
                g_wait(rows1)
                s_wait()
                s_issue(CH - 1, rows1)
                s_wait()
                return carry

            lax.fori_loop(0, ti // CH, chunk, 0)

        if split_cols:
            @pl.when(c == 0)
            def _():
                run(tabs[0])

            @pl.when(c == 1)
            def _():
                run(tabs[1])
        else:
            run(tabs[0])
        plsc.subcore_barrier()
        pltpu.sync_copy(acc.at[pl.ds(s * ROWS_T, ROWS_T)],
                        out_hbm.at[c, pl.ds(s * ROWS_T, ROWS_T)])

    kw = dict(
        out_type=jax.ShapeDtypeStruct((NC, NPAD, 128), jnp.float32),
        mesh=_mesh,
        scratch_types=scratch,
    )
    if split_cols:
        @functools.partial(pl.kernel, **kw)
        def prop_k(ta, tb, src_hbm, dst_hbm, zeros_hbm, out_hbm, *scr):
            body((ta, tb), src_hbm, dst_hbm, zeros_hbm, out_hbm, *scr)
    else:
        @functools.partial(pl.kernel, **kw)
        def prop_k(ta, src_hbm, dst_hbm, zeros_hbm, out_hbm, *scr):
            body((ta,), src_hbm, dst_hbm, zeros_hbm, out_hbm, *scr)
    return prop_k


def _make_link(EP):
    ti = EP // NW // LB
    assert ti % 2 == 0
    per_w = EP // NW

    @functools.partial(
        pl.kernel,
        out_type=jax.ShapeDtypeStruct((EP // 8, 128), jnp.float32),
        mesh=_mesh,
        scratch_types=[
            pltpu.VMEM((per_w,), jnp.int32),
            pltpu.VMEM((per_w,), jnp.int32),
            pltpu.VMEM((LB, 128), jnp.float32),
            pltpu.VMEM((LB, 128), jnp.float32),
            pltpu.VMEM((LB, 128), jnp.float32),
            pltpu.VMEM((LB, 128), jnp.float32),
            pltpu.VMEM((LB // 8, 128), jnp.float32),
            pltpu.SemaphoreType.DMA,
        ],
    )
    def link_k(tab_hbm, ia_hbm, ib_hbm, out_hbm,
               iav, ibv, ra0, rb0, ra1, rb1, tbuf, gsem):
        c = lax.axis_index("c")
        s = lax.axis_index("s")
        w = s * NC + c
        base = pl.multiple_of(w * per_w, 8)
        pltpu.sync_copy(ia_hbm.at[pl.ds(base, per_w)], iav)
        pltpu.sync_copy(ib_hbm.at[pl.ds(base, per_w)], ibv)

        def g_issue(j, bufa, bufb):
            off = pl.multiple_of(j * LB, 8)
            pltpu.async_copy(tab_hbm.at[iav.at[pl.ds(off, LB)]], bufa, gsem)
            pltpu.async_copy(tab_hbm.at[ibv.at[pl.ds(off, LB)]], bufb, gsem)

        def g_wait(bufa, bufb):
            pltpu.make_async_copy(
                tab_hbm.at[iav.at[pl.ds(0, LB)]], bufa, gsem).wait()
            pltpu.make_async_copy(
                tab_hbm.at[ibv.at[pl.ds(0, LB)]], bufb, gsem).wait()

        def compute(j, ra, rb):
            @plsc.parallel_loop(0, LB, step=1, unroll=4)
            def pair(p):
                t = ra[p, pl.ds(0, 16)] * rb[p, pl.ds(0, 16)]
                for k in range(1, 8):
                    t = t + (ra[p, pl.ds(16 * k, 16)]
                             * rb[p, pl.ds(16 * k, 16)])
                tbuf[p // 8, pl.ds((p % 8) * 16, 16)] = t

            pltpu.sync_copy(
                tbuf,
                out_hbm.at[pl.ds(pl.multiple_of((base + j * LB) // 8, 8), LB // 8)])

        g_issue(0, ra0, rb0)

        def step2(jj, carry):
            j0 = 2 * jj
            g_wait(ra0, rb0)
            g_issue(j0 + 1, ra1, rb1)
            compute(j0, ra0, rb0)
            g_wait(ra1, rb1)
            g_issue(lax.min(j0 + 2, ti - 1), ra0, rb0)
            compute(j0 + 1, ra1, rb1)
            return carry

        lax.fori_loop(0, ti // 2, step2, 0)
        g_wait(ra0, rb0)

    return link_k


_BN = 1000


def _tc_call(body, grid, in_specs, out_specs, out_shapes):
    return pl.pallas_call(
        body,
        grid=grid,
        in_specs=in_specs,
        out_specs=out_specs,
        out_shape=out_shapes,
    )


def _prep_body(x_ref, degp_ref, xhat_ref, dinv_ref):
    d = degp_ref[0] + degp_ref[1] + 1.0
    dv = lax.rsqrt(d)
    dinv_ref[...] = dv[:, :16]
    xhat_ref[...] = x_ref[...] * dv[:, 0:1]


def _k2_body(p_ref, xhat_ref, dinv_ref, w_ref, b_ref, ha_ref, hb_ref):
    dv = dinv_ref[:, 0:1]
    u = (p_ref[0] + p_ref[1] + xhat_ref[...]) * dv
    z = jnp.maximum(
        jnp.dot(u, w_ref[...], preferred_element_type=jnp.float32)
        + b_ref[...], 0.0)
    h = z * dv
    ha_ref[...] = h[:, :128]
    hb_ref[...] = h[:, 128:]


def _k3_body(p_ref, ha_ref, hb_ref, dinv_ref, w2_ref, b2_ref, w3_ref,
             g_ref):
    dv = dinv_ref[:, 0:1]
    ua = (p_ref[0] + ha_ref[...]) * dv
    ub = (p_ref[1] + hb_ref[...]) * dv
    u = jnp.concatenate([ua, ub], axis=1)
    z2 = jnp.maximum(
        jnp.dot(u, w2_ref[...], preferred_element_type=jnp.float32)
        + b2_ref[...], 0.0)
    g = jnp.dot(z2, w3_ref[...], preferred_element_type=jnp.float32)
    g_ref[...] = g * dv


def _k4_body(p_ref, g_ref, dinv_ref, b3_ref, z_ref):
    dv = dinv_ref[:, 0:1]
    z_ref[...] = jnp.maximum(
        (p_ref[0] + p_ref[1] + g_ref[...]) * dv + b3_ref[...], 0.0)


def _k4b_body(z_ref, wc_ref, bc_ref, logit_ref):
    lg = (jnp.dot(z_ref[...], wc_ref[...],
                  preferred_element_type=jnp.float32) + bc_ref[...])
    logit_ref[...] = lg[:, :logit_ref.shape[1]]


def _k5_body(t_ref, g_ref, out_ref):
    s = jnp.dot(t_ref[...], g_ref[...], preferred_element_type=jnp.float32)
    out_ref[...] = 1.0 / (1.0 + jnp.exp(-s))


def kernel(x, edge_index, pos_edge, neg_edge, W1, b1, W2, b2, W3, b3, Wc, bc):
    E = edge_index.shape[1]
    src = edge_index[0].astype(jnp.int32)
    dst = edge_index[1].astype(jnp.int32)

    EPAD = -(-E // (NW * 2 * EB)) * (NW * 2 * EB)
    pad_src = (jnp.arange(EPAD - E) % N).astype(jnp.int32)
    pad_dst = (N + jnp.arange(EPAD - E) % (NPAD - N)).astype(jnp.int32)
    src2 = jnp.concatenate([src, pad_src]).reshape(-1, EB)
    dst2 = jnp.concatenate([dst, pad_dst]).reshape(-1, EB)

    zeros128 = jnp.zeros((ROWS_T, 128), jnp.float32)
    ones128 = jnp.ones((EB, 128), jnp.float32)

    degp = _make_deg(EPAD)(dst2, zeros128, ones128)

    grid = (N // _BN,)
    bspec = pl.BlockSpec

    xhat, dinv = _tc_call(
        _prep_body, grid,
        [bspec((_BN, 128), lambda i: (i, 0)),
         bspec((NC, _BN, 128), lambda i: (0, i, 0))],
        [bspec((_BN, 128), lambda i: (i, 0)),
         bspec((_BN, 16), lambda i: (i, 0))],
        [jax.ShapeDtypeStruct((N, 128), jnp.float32),
         jax.ShapeDtypeStruct((N, 16), jnp.float32)],
    )(x, degp)

    prop128 = _make_prop(EPAD, split_cols=False)
    prop256 = _make_prop(EPAD, split_cols=True)

    p1 = prop128(xhat, src2, dst2, zeros128)

    b1r = b1.reshape(1, -1)
    ha, hb = _tc_call(
        _k2_body, grid,
        [bspec((NC, _BN, 128), lambda i: (0, i, 0)),
         bspec((_BN, 128), lambda i: (i, 0)),
         bspec((_BN, 16), lambda i: (i, 0)),
         bspec((128, 256), lambda i: (0, 0)),
         bspec((1, 256), lambda i: (0, 0))],
        [bspec((_BN, 128), lambda i: (i, 0)),
         bspec((_BN, 128), lambda i: (i, 0))],
        [jax.ShapeDtypeStruct((N, 128), jnp.float32),
         jax.ShapeDtypeStruct((N, 128), jnp.float32)],
    )(p1, xhat, dinv, W1, b1r)

    p2 = prop256(ha, hb, src2, dst2, zeros128)

    b2r = b2.reshape(1, -1)
    ghat = _tc_call(
        _k3_body, grid,
        [bspec((NC, _BN, 128), lambda i: (0, i, 0)),
         bspec((_BN, 128), lambda i: (i, 0)),
         bspec((_BN, 128), lambda i: (i, 0)),
         bspec((_BN, 16), lambda i: (i, 0)),
         bspec((256, 256), lambda i: (0, 0)),
         bspec((1, 256), lambda i: (0, 0)),
         bspec((256, 128), lambda i: (0, 0))],
        bspec((_BN, 128), lambda i: (i, 0)),
        jax.ShapeDtypeStruct((N, 128), jnp.float32),
    )(p2, ha, hb, dinv, W2, b2r, W3)

    p3 = prop128(ghat, src2, dst2, zeros128)

    b3r = b3.reshape(1, -1)
    z3 = _tc_call(
        _k4_body, grid,
        [bspec((NC, _BN, 128), lambda i: (0, i, 0)),
         bspec((_BN, 128), lambda i: (i, 0)),
         bspec((_BN, 16), lambda i: (i, 0)),
         bspec((1, 128), lambda i: (0, 0))],
        bspec((_BN, 128), lambda i: (i, 0)),
        jax.ShapeDtypeStruct((N, 128), jnp.float32),
    )(p3, ghat, dinv, b3r)

    n_link = pos_edge.shape[1] + neg_edge.shape[1]
    EP = -(-n_link // (NW * LB * 2)) * (NW * LB * 2)
    pad_idx = (jnp.arange(EP - n_link) % N).astype(jnp.int32)
    ia = jnp.concatenate([pos_edge[0].astype(jnp.int32),
                          neg_edge[0].astype(jnp.int32), pad_idx])
    ib = jnp.concatenate([pos_edge[1].astype(jnp.int32),
                          neg_edge[1].astype(jnp.int32), pad_idx])

    t128 = _make_link(EP)(z3, ia, ib)

    ncls = Wc.shape[1]
    wcp = jnp.pad(Wc, ((0, 0), (0, 128 - ncls)))
    bcp = jnp.pad(bc, (0, 128 - ncls)).reshape(1, -1)
    node_logits = _tc_call(
        _k4b_body, grid,
        [bspec((_BN, 128), lambda i: (i, 0)),
         bspec((128, 128), lambda i: (0, 0)),
         bspec((1, 128), lambda i: (0, 0))],
        bspec((_BN, ncls), lambda i: (i, 0)),
        jax.ShapeDtypeStruct((N, ncls), jnp.float32),
    )(z3, wcp, bcp)

    gmat = (jnp.arange(128)[:, None] // 16
            == jnp.arange(8)[None, :]).astype(jnp.float32)
    bt = EP // 8 // 16
    preds8 = _tc_call(
        _k5_body, (16,),
        [bspec((bt, 128), lambda i: (i, 0)),
         bspec((128, 8), lambda i: (0, 0))],
        bspec((bt, 8), lambda i: (i, 0)),
        jax.ShapeDtypeStruct((EP // 8, 8), jnp.float32),
    )(t128, gmat)

    preds = preds8.reshape(EP)[:n_link]
    return z3, node_logits, preds

# --- scband reference (transcript-rebuilt; emitter-appended) ---
"""Pipeline reference for scband-social-graph-gnn-41626823032841 (READ-ONLY COPY).

The authoritative reference and input builder live on the scoring server;
editing this copy changes nothing except your own understanding.
"""

import jax, jax.numpy as jnp
import numpy as np

N = 10000
E = 320000
E_LINK = 100000
IN_DIM = 128
HIDDEN_DIM = 256
EMBEDDING_DIM = 128
NUM_CLASSES = 4


def _glorot(key, fan_in, fan_out):
    s = float(np.sqrt(6.0 / (fan_in + fan_out)))
    return jax.random.uniform(key, (fan_in, fan_out), jnp.float32, -s, s)


def setup_inputs(seed: int = 0) -> dict:
    key = jax.random.key(seed)
    ks = jax.random.split(key, 9)
    x = jax.random.normal(ks[0], (N, IN_DIM), dtype=jnp.float32)
    edge_index = jax.random.randint(ks[1], (2, E), 0, N)
    pos_edge = jax.random.randint(ks[2], (2, E_LINK), 0, N)
    neg_edge = jax.random.randint(ks[3], (2, E_LINK), 0, N)
    W1 = _glorot(ks[4], IN_DIM, HIDDEN_DIM)
    b1 = jnp.zeros((HIDDEN_DIM,), jnp.float32)
    W2 = _glorot(ks[5], HIDDEN_DIM, HIDDEN_DIM)
    b2 = jnp.zeros((HIDDEN_DIM,), jnp.float32)
    W3 = _glorot(ks[6], HIDDEN_DIM, EMBEDDING_DIM)
    b3 = jnp.zeros((EMBEDDING_DIM,), jnp.float32)
    Wc = _glorot(ks[7], EMBEDDING_DIM, NUM_CLASSES)
    bc = jnp.zeros((NUM_CLASSES,), jnp.float32)
    return {"x": x, "edge_index": edge_index, "pos_edge": pos_edge, "neg_edge": neg_edge,
            "W1": W1, "b1": b1, "W2": W2, "b2": b2, "W3": W3, "b3": b3, "Wc": Wc, "bc": bc}


def _gcn_layer(x, src, dst, W, b, n):
    # GCNConv: linear transform, add self-loops, symmetric normalization, sum aggregation
    h = x @ W
    loop = jnp.arange(n, dtype=src.dtype)
    s = jnp.concatenate([src, loop])
    d = jnp.concatenate([dst, loop])
    deg = jnp.zeros((n,), jnp.float32).at[d].add(1.0)
    dinv = jnp.where(deg > 0, jax.lax.rsqrt(deg), 0.0)
    norm = dinv[s] * dinv[d]
    msg = h[s] * norm[:, None]
    out = jnp.zeros((n, h.shape[1]), jnp.float32).at[d].add(msg)
    return out + b


def reference(x, edge_index, pos_edge, neg_edge, W1, b1, W2, b2, W3, b3, Wc, bc):
    src, dst = edge_index[0], edge_index[1]
    z = jax.nn.relu(_gcn_layer(x, src, dst, W1, b1, N))
    z = jax.nn.relu(_gcn_layer(z, src, dst, W2, b2, N))
    z = jax.nn.relu(_gcn_layer(z, src, dst, W3, b3, N))
    node_logits = z @ Wc + bc
    pos_pred = jax.nn.sigmoid(jnp.sum(z[pos_edge[0]] * z[pos_edge[1]], axis=1))
    neg_pred = jax.nn.sigmoid(jnp.sum(z[neg_edge[0]] * z[neg_edge[1]], axis=1))
    return (z, node_logits, jnp.concatenate([pos_pred, neg_pred]))

if __name__ == "__main__":
    import jax
    _d = setup_inputs()
    print(jax.jit(kernel)(*tuple(_d.values())))

</pallas_src>

<mosaic_0001>
#map = affine_map<(d0, d1) -> (0, 0)>
#map1 = affine_map<(d0, d1) -> (0, 0, 0)>
module attributes {stable_mosaic.version = 14 : i64} {
  func.func @deg_k(%arg0: i32, %arg1: i32, %arg2: memref<2560x128xi32, #tpu.memory_space<hbm>>, %arg3: memref<640x128xf32, #tpu.memory_space<hbm>>, %arg4: memref<128x128xf32, #tpu.memory_space<hbm>>, %arg5: memref<2x10240x128xf32, #tpu.memory_space<hbm>>, %arg6: memref<80x128xi32, #tpu.memory_space<vmem>>, %arg7: memref<128x128xf32, #tpu.memory_space<vmem>>, %arg8: memref<!tpu.dma_semaphore, #tpu.memory_space<semaphore_mem>>, %arg9: memref<10240x128xf32, #tpu.memory_space<vmem_shared>>) attributes {dimension_semantics = [#tpu.dimension_semantics<core_parallel>, #tpu.dimension_semantics<subcore_parallel>], iteration_bounds = array<i64: 2, 16>, scalar_prefetch = 0 : i64, scratch_operands = 4 : i64, tpu.core_type = #tpu.core_type<sc_vector_subcore>, window_params = [{transform_indices = #map}, {transform_indices = #map}, {transform_indices = #map}, {transform_indices = #map1}]} {
    %mul3A = arith.constant 2 : i32
    %mul3A_0 = arith.muli %arg1, %mul3A : i32
    %add3A = arith.addi %mul3A_0, %arg0 : i32
    %mul3A_1 = arith.constant 640 : i32
    %mul3A_2 = arith.muli %arg1, %mul3A_1 : i32
    "tpu.region"() ({
      %run_scoped3A = tpu.sem_alloc : memref<!tpu.dma_semaphore, #tpu.memory_space<semaphore_mem>>
      %dma_start3A_27 = arith.constant 0 : i32
      %dma_start3A_28 = tpu.memref_slice %arg9[%mul3A_2, %dma_start3A_27] : memref<10240x128xf32, #tpu.memory_space<vmem_shared>> -> memref<640x128xf32, #tpu.memory_space<vmem_shared>>
      tpu.enqueue_dma source(%arg3 : memref<640x128xf32, #tpu.memory_space<hbm>>) target(%dma_start3A_28 : memref<640x128xf32, #tpu.memory_space<vmem_shared>>) target_semaphore(%run_scoped3A : memref<!tpu.dma_semaphore, #tpu.memory_space<semaphore_mem>>)
      %dma_wait3A_29 = arith.constant 0 : i32
      %dma_wait3A_30 = tpu.memref_slice %arg9[%mul3A_2, %dma_wait3A_29] : memref<10240x128xf32, #tpu.memory_space<vmem_shared>> -> memref<640x128xf32, #tpu.memory_space<vmem_shared>>
      tpu.wait_dma2 semaphore(%run_scoped3A : memref<!tpu.dma_semaphore, #tpu.memory_space<semaphore_mem>>) src(%arg3 : memref<640x128xf32, #tpu.memory_space<hbm>>) dst(%dma_wait3A_30 : memref<640x128xf32, #tpu.memory_space<vmem_shared>>)
      tpu.yield
    }) : () -> ()
    "tpu.region"() ({
      %run_scoped3A = tpu.sem_alloc : memref<!tpu.dma_semaphore, #tpu.memory_space<semaphore_mem>>
      tpu.enqueue_dma source(%arg4 : memref<128x128xf32, #tpu.memory_space<hbm>>) target(%arg7 : memref<128x128xf32, #tpu.memory_space<vmem>>) target_semaphore(%run_scoped3A : memref<!tpu.dma_semaphore, #tpu.memory_space<semaphore_mem>>)
      tpu.wait_dma2 semaphore(%run_scoped3A : memref<!tpu.dma_semaphore, #tpu.memory_space<semaphore_mem>>) src(%arg4 : memref<128x128xf32, #tpu.memory_space<hbm>>) dst(%arg7 : memref<128x128xf32, #tpu.memory_space<vmem>>)
      tpu.yield
    }) : () -> ()
    %mul3A_3 = arith.constant 80 : i32
    %mul3A_4 = arith.muli %add3A, %mul3A_3 : i32
    %multiple_of3A = tpu.assume_multiple %mul3A_4, 8 : i32
    "tpu.region"() ({
      %run_scoped3A = tpu.sem_alloc : memref<!tpu.dma_semaphore, #tpu.memory_space<semaphore_mem>>
      %dma_start3A_27 = arith.constant 0 : i32
      %dma_start3A_28 = tpu.memref_slice %arg2[%multiple_of3A, %dma_start3A_27] : memref<2560x128xi32, #tpu.memory_space<hbm>> -> memref<80x128xi32, #tpu.memory_space<hbm>>
      %dma_start3A_29 = arith.constant 0 : i32
      %dma_start3A_30 = tpu.memref_slice %arg2[%multiple_of3A, %dma_start3A_29] : memref<2560x128xi32, #tpu.memory_space<hbm>> -> memref<80x128xi32, #tpu.memory_space<hbm>>
      tpu.enqueue_dma source(%dma_start3A_30 : memref<80x128xi32, #tpu.memory_space<hbm>>) target(%arg6 : memref<80x128xi32, #tpu.memory_space<vmem>>) target_semaphore(%run_scoped3A : memref<!tpu.dma_semaphore, #tpu.memory_space<semaphore_mem>>)
      %dma_wait3A_31 = arith.constant 0 : i32
      %dma_wait3A_32 = tpu.memref_slice %arg2[%multiple_of3A, %dma_wait3A_31] : memref<2560x128xi32, #tpu.memory_space<hbm>> -> memref<80x128xi32, #tpu.memory_space<hbm>>
      %dma_wait3A_33 = arith.constant 0 : i32
      %dma_wait3A_34 = tpu.memref_slice %arg2[%multiple_of3A, %dma_wait3A_33] : memref<2560x128xi32, #tpu.memory_space<hbm>> -> memref<80x128xi32, #tpu.memory_space<hbm>>
      tpu.wait_dma2 semaphore(%run_scoped3A : memref<!tpu.dma_semaphore, #tpu.memory_space<semaphore_mem>>) src(%dma_wait3A_34 : memref<80x128xi32, #tpu.memory_space<hbm>>) dst(%arg6 : memref<80x128xi32, #tpu.memory_space<vmem>>)
      tpu.yield
    }) : () -> ()
    %barrier3A = arith.constant 0 : index
    tpu.barrier barrier_id(%barrier3A)
    %dma_start3A = arith.constant 0 : i32
    %dma_start3A_5 = arith.constant 0 : i32
    %dma_start3A_6 = tpu.memref_slice %arg6[%dma_start3A, %dma_start3A_5] : memref<80x128xi32, #tpu.memory_space<vmem>> -> memref<1x128xi32, #tpu.memory_space<vmem>>
    %dma_start3A_7 = tpu.memref_squeeze %dma_start3A_6 : memref<1x128xi32, #tpu.memory_space<vmem>> -> memref<128xi32, #tpu.memory_space<vmem>>
    %dma_start3A_8 = arith.constant 0 : i32
    %dma_start3A_9 = arith.constant 0 : i32
    %dma_start3A_10 = tpu.memref_slice %arg9[%dma_start3A_8, %dma_start3A_9] : memref<10240x128xf32, #tpu.memory_space<vmem_shared>> -> memref<10240x128xf32, #tpu.memory_space<vmem_shared>>
    tpu.enqueue_indirect_dma source(%arg7 : memref<128x128xf32, #tpu.memory_space<vmem>>) target(%dma_start3A_10 : memref<10240x128xf32, #tpu.memory_space<vmem_shared>>) offsets(%dma_start3A_7 : memref<128xi32, #tpu.memory_space<vmem>>) semaphore(%arg8 : memref<!tpu.dma_semaphore, #tpu.memory_space<semaphore_mem>>) {add = true}
    %scan3A = arith.constant 0 : i32
    %scan3A_11 = arith.constant 1 : i32
    %scan3A_12 = arith.constant 79 : i32
    %scan3A_13 = arith.addi %scan3A_11, %scan3A_12 : i32
    %scan3A_14 = arith.constant 1 : i32
    scf.for %scan3A_27 = %scan3A_11 to %scan3A_13 step %scan3A_14  : i32 {
      %dma_start3A_28 = arith.constant 0 : i32
      %dma_start3A_29 = tpu.memref_slice %arg6[%scan3A_27, %dma_start3A_28] : memref<80x128xi32, #tpu.memory_space<vmem>> -> memref<1x128xi32, #tpu.memory_space<vmem>>
      %dma_start3A_30 = tpu.memref_squeeze %dma_start3A_29 : memref<1x128xi32, #tpu.memory_space<vmem>> -> memref<128xi32, #tpu.memory_space<vmem>>
      %dma_start3A_31 = arith.constant 0 : i32
      %dma_start3A_32 = arith.constant 0 : i32
      %dma_start3A_33 = tpu.memref_slice %arg9[%dma_start3A_31, %dma_start3A_32] : memref<10240x128xf32, #tpu.memory_space<vmem_shared>> -> memref<10240x128xf32, #tpu.memory_space<vmem_shared>>
      tpu.enqueue_indirect_dma source(%arg7 : memref<128x128xf32, #tpu.memory_space<vmem>>) target(%dma_start3A_33 : memref<10240x128xf32, #tpu.memory_space<vmem_shared>>) offsets(%dma_start3A_30 : memref<128xi32, #tpu.memory_space<vmem>>) semaphore(%arg8 : memref<!tpu.dma_semaphore, #tpu.memory_space<semaphore_mem>>) {add = true}
      %dma_wait3A_34 = arith.constant 0 : i32
      %dma_wait3A_35 = arith.constant 0 : i32
      %dma_wait3A_36 = tpu.memref_slice %arg6[%dma_wait3A_34, %dma_wait3A_35] : memref<80x128xi32, #tpu.memory_space<vmem>> -> memref<1x128xi32, #tpu.memory_space<vmem>>
      %dma_wait3A_37 = tpu.memref_squeeze %dma_wait3A_36 : memref<1x128xi32, #tpu.memory_space<vmem>> -> memref<128xi32, #tpu.memory_space<vmem>>
      %dma_wait3A_38 = arith.constant 0 : i32
      %dma_wait3A_39 = arith.constant 0 : i32
      %dma_wait3A_40 = tpu.memref_slice %arg9[%dma_wait3A_38, %dma_wait3A_39] : memref<10240x128xf32, #tpu.memory_space<vmem_shared>> -> memref<10240x128xf32, #tpu.memory_space<vmem_shared>>
      tpu.wait_indirect_dma semaphore(%arg8 : memref<!tpu.dma_semaphore, #tpu.memory_space<semaphore_mem>>) src(%arg7 : memref<128x128xf32, #tpu.memory_space<vmem>>) dst(%dma_wait3A_40 : memref<10240x128xf32, #tpu.memory_space<vmem_shared>>)
    }
    %scan3A_15 = arith.constant 79 : i32
    %dma_wait3A = arith.constant 0 : i32
    %dma_wait3A_16 = arith.constant 0 : i32
    %dma_wait3A_17 = tpu.memref_slice %arg6[%dma_wait3A, %dma_wait3A_16] : memref<80x128xi32, #tpu.memory_space<vmem>> -> memref<1x128xi32, #tpu.memory_space<vmem>>
    %dma_wait3A_18 = tpu.memref_squeeze %dma_wait3A_17 : memref<1x128xi32, #tpu.memory_space<vmem>> -> memref<128xi32, #tpu.memory_space<vmem>>
    %dma_wait3A_19 = arith.constant 0 : i32
    %dma_wait3A_20 = arith.constant 0 : i32
    %dma_wait3A_21 = tpu.memref_slice %arg9[%dma_wait3A_19, %dma_wait3A_20] : memref<10240x128xf32, #tpu.memory_space<vmem_shared>> -> memref<10240x128xf32, #tpu.memory_space<vmem_shared>>
    tpu.wait_indirect_dma semaphore(%arg8 : memref<!tpu.dma_semaphore, #tpu.memory_space<semaphore_mem>>) src(%arg7 : memref<128x128xf32, #tpu.memory_space<vmem>>) dst(%dma_wait3A_21 : memref<10240x128xf32, #tpu.memory_space<vmem_shared>>)
    %barrier3A_22 = arith.constant 0 : index
    tpu.barrier barrier_id(%barrier3A_22)
    %mul3A_23 = arith.constant 640 : i32
    %mul3A_24 = arith.muli %arg1, %mul3A_23 : i32
    %mul3A_25 = arith.constant 640 : i32
    %mul3A_26 = arith.muli %arg1, %mul3A_25 : i32
    "tpu.region"() ({
      %run_scoped3A = tpu.sem_alloc : memref<!tpu.dma_semaphore, #tpu.memory_space<semaphore_mem>>
      %dma_start3A_27 = arith.constant 0 : i32
      %dma_start3A_28 = tpu.memref_slice %arg5[%arg0, %mul3A_26, %dma_start3A_27] : memref<2x10240x128xf32, #tpu.memory_space<hbm>> -> memref<1x640x128xf32, #tpu.memory_space<hbm>>
      %dma_start3A_29 = tpu.memref_squeeze %dma_start3A_28 : memref<1x640x128xf32, #tpu.memory_space<hbm>> -> memref<640x128xf32, #tpu.memory_space<hbm>>
      %dma_start3A_30 = arith.constant 0 : i32
      %dma_start3A_31 = tpu.memref_slice %arg9[%mul3A_24, %dma_start3A_30] : memref<10240x128xf32, #tpu.memory_space<vmem_shared>> -> memref<640x128xf32, #tpu.memory_space<vmem_shared>>
      tpu.enqueue_dma source(%dma_start3A_31 : memref<640x128xf32, #tpu.memory_space<vmem_shared>>) target(%dma_start3A_29 : memref<640x128xf32, #tpu.memory_space<hbm>>) target_semaphore(%run_scoped3A : memref<!tpu.dma_semaphore, #tpu.memory_space<semaphore_mem>>)
      %dma_wait3A_32 = arith.constant 0 : i32
      %dma_wait3A_33 = tpu.memref_slice %arg5[%arg0, %mul3A_26, %dma_wait3A_32] : memref<2x10240x128xf32, #tpu.memory_space<hbm>> -> memref<1x640x128xf32, #tpu.memory_space<hbm>>
      %dma_wait3A_34 = tpu.memref_squeeze %dma_wait3A_33 : memref<1x640x128xf32, #tpu.memory_space<hbm>> -> memref<640x128xf32, #tpu.memory_space<hbm>>
      %dma_wait3A_35 = arith.constant 0 : i32
      %dma_wait3A_36 = tpu.memref_slice %arg9[%mul3A_24, %dma_wait3A_35] : memref<10240x128xf32, #tpu.memory_space<vmem_shared>> -> memref<640x128xf32, #tpu.memory_space<vmem_shared>>
      tpu.wait_dma2 semaphore(%run_scoped3A : memref<!tpu.dma_semaphore, #tpu.memory_space<semaphore_mem>>) src(%dma_wait3A_36 : memref<640x128xf32, #tpu.memory_space<vmem_shared>>) dst(%dma_wait3A_34 : memref<640x128xf32, #tpu.memory_space<hbm>>)
      tpu.yield
    }) : () -> ()
    return
  }
}

#map = affine_map<(d0, d1) -> (0, 0)>
#map1 = affine_map<(d0, d1) -> (0, 0, 0)>
module attributes {stable_mosaic.version = 14 : i64} {
  func.func @prop_k(%arg0: i32, %arg1: i32, %arg2: memref<10000x128xf32, #tpu.memory_space<hbm>>, %arg3: memref<2560x128xi32, #tpu.memory_space<hbm>>, %arg4: memref<2560x128xi32, #tpu.memory_space<hbm>>, %arg5: memref<640x128xf32, #tpu.memory_space<hbm>>, %arg6: memref<2x10240x128xf32, #tpu.memory_space<hbm>>, %arg7: memref<16x128xi32, #tpu.memory_space<vmem>>, %arg8: memref<16x128xi32, #tpu.memory_space<vmem>>, %arg9: memref<128x128xf32, #tpu.memory_space<vmem>>, %arg10: memref<128x128xf32, #tpu.memory_space<vmem>>, %arg11: memref<!tpu.dma_semaphore, #tpu.memory_space<semaphore_mem>>, %arg12: memref<!tpu.dma_semaphore, #tpu.memory_space<semaphore_mem>>, %arg13: memref<10240x128xf32, #tpu.memory_space<vmem_shared>>) attributes {dimension_semantics = [#tpu.dimension_semantics<core_parallel>, #tpu.dimension_semantics<subcore_parallel>], iteration_bounds = array<i64: 2, 16>, scalar_prefetch = 0 : i64, scratch_operands = 7 : i64, tpu.core_type = #tpu.core_type<sc_vector_subcore>, window_params = [{transform_indices = #map}, {transform_indices = #map}, {transform_indices = #map}, {transform_indices = #map}, {transform_indices = #map1}]} {
    %mul3A = arith.constant 640 : i32
    %mul3A_0 = arith.muli %arg1, %mul3A : i32
    "tpu.region"() ({
      %run_scoped3A = tpu.sem_alloc : memref<!tpu.dma_semaphore, #tpu.memory_space<semaphore_mem>>
      %dma_start3A = arith.constant 0 : i32
      %dma_start3A_15 = tpu.memref_slice %arg13[%mul3A_0, %dma_start3A] : memref<10240x128xf32, #tpu.memory_space<vmem_shared>> -> memref<640x128xf32, #tpu.memory_space<vmem_shared>>
      tpu.enqueue_dma source(%arg5 : memref<640x128xf32, #tpu.memory_space<hbm>>) target(%dma_start3A_15 : memref<640x128xf32, #tpu.memory_space<vmem_shared>>) target_semaphore(%run_scoped3A : memref<!tpu.dma_semaphore, #tpu.memory_space<semaphore_mem>>)
      %dma_wait3A = arith.constant 0 : i32
      %dma_wait3A_16 = tpu.memref_slice %arg13[%mul3A_0, %dma_wait3A] : memref<10240x128xf32, #tpu.memory_space<vmem_shared>> -> memref<640x128xf32, #tpu.memory_space<vmem_shared>>
      tpu.wait_dma2 semaphore(%run_scoped3A : memref<!tpu.dma_semaphore, #tpu.memory_space<semaphore_mem>>) src(%arg5 : memref<640x128xf32, #tpu.memory_space<hbm>>) dst(%dma_wait3A_16 : memref<640x128xf32, #tpu.memory_space<vmem_shared>>)
      tpu.yield
    }) : () -> ()
    %mul3A_1 = arith.constant 2 : i32
    %mul3A_2 = arith.muli %arg1, %mul3A_1 : i32
    %add3A = arith.addi %mul3A_2, %arg0 : i32
    %mul3A_3 = arith.constant 80 : i32
    %mul3A_4 = arith.muli %add3A, %mul3A_3 : i32
    %barrier3A = arith.constant 0 : index
    tpu.barrier barrier_id(%barrier3A)
    %scan3A = arith.constant 0 : i32
    %scan3A_5 = arith.constant 0 : i32
    %scan3A_6 = arith.constant 5 : i32
    %scan3A_7 = arith.addi %scan3A_5, %scan3A_6 : i32
    %scan3A_8 = arith.constant 1 : i32
    scf.for %scan3A_15 = %scan3A_5 to %scan3A_7 step %scan3A_8  : i32 {
      %mul3A_16 = arith.constant 16 : i32
      %mul3A_17 = arith.muli %scan3A_15, %mul3A_16 : i32
      %add3A_18 = arith.addi %mul3A_4, %mul3A_17 : i32
      %multiple_of3A = tpu.assume_multiple %add3A_18, 8 : i32
      "tpu.region"() ({
        %run_scoped3A = tpu.sem_alloc : memref<!tpu.dma_semaphore, #tpu.memory_space<semaphore_mem>>
        %dma_start3A_79 = arith.constant 0 : i32
        %dma_start3A_80 = tpu.memref_slice %arg3[%multiple_of3A, %dma_start3A_79] : memref<2560x128xi32, #tpu.memory_space<hbm>> -> memref<16x128xi32, #tpu.memory_space<hbm>>
        %dma_start3A_81 = arith.constant 0 : i32
        %dma_start3A_82 = tpu.memref_slice %arg3[%multiple_of3A, %dma_start3A_81] : memref<2560x128xi32, #tpu.memory_space<hbm>> -> memref<16x128xi32, #tpu.memory_space<hbm>>
        tpu.enqueue_dma source(%dma_start3A_82 : memref<16x128xi32, #tpu.memory_space<hbm>>) target(%arg7 : memref<16x128xi32, #tpu.memory_space<vmem>>) target_semaphore(%run_scoped3A : memref<!tpu.dma_semaphore, #tpu.memory_space<semaphore_mem>>)
        %dma_wait3A_83 = arith.constant 0 : i32
        %dma_wait3A_84 = tpu.memref_slice %arg3[%multiple_of3A, %dma_wait3A_83] : memref<2560x128xi32, #tpu.memory_space<hbm>> -> memref<16x128xi32, #tpu.memory_space<hbm>>
        %dma_wait3A_85 = arith.constant 0 : i32
        %dma_wait3A_86 = tpu.memref_slice %arg3[%multiple_of3A, %dma_wait3A_85] : memref<2560x128xi32, #tpu.memory_space<hbm>> -> memref<16x128xi32, #tpu.memory_space<hbm>>
        tpu.wait_dma2 semaphore(%run_scoped3A : memref<!tpu.dma_semaphore, #tpu.memory_space<semaphore_mem>>) src(%dma_wait3A_86 : memref<16x128xi32, #tpu.memory_space<hbm>>) dst(%arg7 : memref<16x128xi32, #tpu.memory_space<vmem>>)
        tpu.yield
      }) : () -> ()
      "tpu.region"() ({
        %run_scoped3A = tpu.sem_alloc : memref<!tpu.dma_semaphore, #tpu.memory_space<semaphore_mem>>
        %dma_start3A_79 = arith.constant 0 : i32
        %dma_start3A_80 = tpu.memref_slice %arg4[%multiple_of3A, %dma_start3A_79] : memref<2560x128xi32, #tpu.memory_space<hbm>> -> memref<16x128xi32, #tpu.memory_space<hbm>>
        %dma_start3A_81 = arith.constant 0 : i32
        %dma_start3A_82 = tpu.memref_slice %arg4[%multiple_of3A, %dma_start3A_81] : memref<2560x128xi32, #tpu.memory_space<hbm>> -> memref<16x128xi32, #tpu.memory_space<hbm>>
        tpu.enqueue_dma source(%dma_start3A_82 : memref<16x128xi32, #tpu.memory_space<hbm>>) target(%arg8 : memref<16x128xi32, #tpu.memory_space<vmem>>) target_semaphore(%run_scoped3A : memref<!tpu.dma_semaphore, #tpu.memory_space<semaphore_mem>>)
        %dma_wait3A_83 = arith.constant 0 : i32
        %dma_wait3A_84 = tpu.memref_slice %arg4[%multiple_of3A, %dma_wait3A_83] : memref<2560x128xi32, #tpu.memory_space<hbm>> -> memref<16x128xi32, #tpu.memory_space<hbm>>
        %dma_wait3A_85 = arith.constant 0 : i32
        %dma_wait3A_86 = tpu.memref_slice %arg4[%multiple_of3A, %dma_wait3A_85] : memref<2560x128xi32, #tpu.memory_space<hbm>> -> memref<16x128xi32, #tpu.memory_space<hbm>>
        tpu.wait_dma2 semaphore(%run_scoped3A : memref<!tpu.dma_semaphore, #tpu.memory_space<semaphore_mem>>) src(%dma_wait3A_86 : memref<16x128xi32, #tpu.memory_space<hbm>>) dst(%arg8 : memref<16x128xi32, #tpu.memory_space<vmem>>)
        tpu.yield
      }) : () -> ()
      %dma_start3A = arith.constant 0 : i32
      %dma_start3A_19 = arith.constant 0 : i32
      %dma_start3A_20 = tpu.memref_slice %arg7[%dma_start3A, %dma_start3A_19] : memref<16x128xi32, #tpu.memory_space<vmem>> -> memref<1x128xi32, #tpu.memory_space<vmem>>
      %dma_start3A_21 = tpu.memref_squeeze %dma_start3A_20 : memref<1x128xi32, #tpu.memory_space<vmem>> -> memref<128xi32, #tpu.memory_space<vmem>>
      %dma_start3A_22 = arith.constant 0 : i32
      %dma_start3A_23 = arith.constant 0 : i32
      %dma_start3A_24 = tpu.memref_slice %arg2[%dma_start3A_22, %dma_start3A_23] : memref<10000x128xf32, #tpu.memory_space<hbm>> -> memref<10000x128xf32, #tpu.memory_space<hbm>>
      tpu.enqueue_indirect_dma source(%dma_start3A_24 : memref<10000x128xf32, #tpu.memory_space<hbm>>) target(%arg9 : memref<128x128xf32, #tpu.memory_space<vmem>>) offsets(%dma_start3A_21 : memref<128xi32, #tpu.memory_space<vmem>>) semaphore(%arg11 : memref<!tpu.dma_semaphore, #tpu.memory_space<semaphore_mem>>)
      %dma_wait3A = arith.constant 0 : i32
      %dma_wait3A_25 = arith.constant 0 : i32
      %dma_wait3A_26 = tpu.memref_slice %arg7[%dma_wait3A, %dma_wait3A_25] : memref<16x128xi32, #tpu.memory_space<vmem>> -> memref<1x128xi32, #tpu.memory_space<vmem>>
      %dma_wait3A_27 = tpu.memref_squeeze %dma_wait3A_26 : memref<1x128xi32, #tpu.memory_space<vmem>> -> memref<128xi32, #tpu.memory_space<vmem>>
      %dma_wait3A_28 = arith.constant 0 : i32
      %dma_wait3A_29 = arith.constant 0 : i32
      %dma_wait3A_30 = tpu.memref_slice %arg2[%dma_wait3A_28, %dma_wait3A_29] : memref<10000x128xf32, #tpu.memory_space<hbm>> -> memref<10000x128xf32, #tpu.memory_space<hbm>>
      tpu.wait_indirect_dma semaphore(%arg11 : memref<!tpu.dma_semaphore, #tpu.memory_space<semaphore_mem>>) src(%dma_wait3A_30 : memref<10000x128xf32, #tpu.memory_space<hbm>>) dst(%arg9 : memref<128x128xf32, #tpu.memory_space<vmem>>)
      %dma_start3A_31 = arith.constant 1 : i32
      %dma_start3A_32 = arith.constant 0 : i32
      %dma_start3A_33 = tpu.memref_slice %arg7[%dma_start3A_31, %dma_start3A_32] : memref<16x128xi32, #tpu.memory_space<vmem>> -> memref<1x128xi32, #tpu.memory_space<vmem>>
      %dma_start3A_34 = tpu.memref_squeeze %dma_start3A_33 : memref<1x128xi32, #tpu.memory_space<vmem>> -> memref<128xi32, #tpu.memory_space<vmem>>
      %dma_start3A_35 = arith.constant 0 : i32
      %dma_start3A_36 = arith.constant 0 : i32
      %dma_start3A_37 = tpu.memref_slice %arg2[%dma_start3A_35, %dma_start3A_36] : memref<10000x128xf32, #tpu.memory_space<hbm>> -> memref<10000x128xf32, #tpu.memory_space<hbm>>
      tpu.enqueue_indirect_dma source(%dma_start3A_37 : memref<10000x128xf32, #tpu.memory_space<hbm>>) target(%arg10 : memref<128x128xf32, #tpu.memory_space<vmem>>) offsets(%dma_start3A_34 : memref<128xi32, #tpu.memory_space<vmem>>) semaphore(%arg11 : memref<!tpu.dma_semaphore, #tpu.memory_space<semaphore_mem>>)
      %dma_start3A_38 = arith.constant 0 : i32
      %dma_start3A_39 = arith.constant 0 : i32
      %dma_start3A_40 = tpu.memref_slice %arg8[%dma_start3A_38, %dma_start3A_39] : memref<16x128xi32, #tpu.memory_space<vmem>> -> memref<1x128xi32, #tpu.memory_space<vmem>>
      %dma_start3A_41 = tpu.memref_squeeze %dma_start3A_40 : memref<1x128xi32, #tpu.memory_space<vmem>> -> memref<128xi32, #tpu.memory_space<vmem>>
      %dma_start3A_42 = arith.constant 0 : i32
      %dma_start3A_43 = arith.constant 0 : i32
      %dma_start3A_44 = tpu.memref_slice %arg13[%dma_start3A_42, %dma_start3A_43] : memref<10240x128xf32, #tpu.memory_space<vmem_shared>> -> memref<10240x128xf32, #tpu.memory_space<vmem_shared>>
      tpu.enqueue_indirect_dma source(%arg9 : memref<128x128xf32, #tpu.memory_space<vmem>>) target(%dma_start3A_44 : memref<10240x128xf32, #tpu.memory_space<vmem_shared>>) offsets(%dma_start3A_41 : memref<128xi32, #tpu.memory_space<vmem>>) semaphore(%arg12 : memref<!tpu.dma_semaphore, #tpu.memory_space<semaphore_mem>>) {add = true}
      %scan3A_45 = arith.constant 0 : i32
      %scan3A_46 = arith.constant 0 : i32
      %scan3A_47 = arith.constant 7 : i32
      %scan3A_48 = arith.addi %scan3A_46, %scan3A_47 : i32
      %scan3A_49 = arith.constant 1 : i32
      scf.for %scan3A_79 = %scan3A_46 to %scan3A_48 step %scan3A_49  : i32 {
        %mul3A_80 = arith.constant 2 : i32
        %mul3A_81 = arith.muli %mul3A_80, %scan3A_79 : i32
        %dma_wait3A_82 = arith.constant 0 : i32
        %dma_wait3A_83 = arith.constant 0 : i32
        %dma_wait3A_84 = tpu.memref_slice %arg7[%dma_wait3A_82, %dma_wait3A_83] : memref<16x128xi32, #tpu.memory_space<vmem>> -> memref<1x128xi32, #tpu.memory_space<vmem>>
        %dma_wait3A_85 = tpu.memref_squeeze %dma_wait3A_84 : memref<1x128xi32, #tpu.memory_space<vmem>> -> memref<128xi32, #tpu.memory_space<vmem>>
        %dma_wait3A_86 = arith.constant 0 : i32
        %dma_wait3A_87 = arith.constant 0 : i32
        %dma_wait3A_88 = tpu.memref_slice %arg2[%dma_wait3A_86, %dma_wait3A_87] : memref<10000x128xf32, #tpu.memory_space<hbm>> -> memref<10000x128xf32, #tpu.memory_space<hbm>>
        tpu.wait_indirect_dma semaphore(%arg11 : memref<!tpu.dma_semaphore, #tpu.memory_space<semaphore_mem>>) src(%dma_wait3A_88 : memref<10000x128xf32, #tpu.memory_space<hbm>>) dst(%arg10 : memref<128x128xf32, #tpu.memory_space<vmem>>)
        %dma_wait3A_89 = arith.constant 0 : i32
        %dma_wait3A_90 = arith.constant 0 : i32
        %dma_wait3A_91 = tpu.memref_slice %arg8[%dma_wait3A_89, %dma_wait3A_90] : memref<16x128xi32, #tpu.memory_space<vmem>> -> memref<1x128xi32, #tpu.memory_space<vmem>>
        %dma_wait3A_92 = tpu.memref_squeeze %dma_wait3A_91 : memref<1x128xi32, #tpu.memory_space<vmem>> -> memref<128xi32, #tpu.memory_space<vmem>>
        %dma_wait3A_93 = arith.constant 0 : i32
        %dma_wait3A_94 = arith.constant 0 : i32
        %dma_wait3A_95 = tpu.memref_slice %arg13[%dma_wait3A_93, %dma_wait3A_94] : memref<10240x128xf32, #tpu.memory_space<vmem_shared>> -> memref<10240x128xf32, #tpu.memory_space<vmem_shared>>
        tpu.wait_indirect_dma semaphore(%arg12 : memref<!tpu.dma_semaphore, #tpu.memory_space<semaphore_mem>>) src(%arg9 : memref<128x128xf32, #tpu.memory_space<vmem>>) dst(%dma_wait3A_95 : memref<10240x128xf32, #tpu.memory_space<vmem_shared>>)
        %add3A_96 = arith.constant 2 : i32
        %add3A_97 = arith.addi %mul3A_81, %add3A_96 : i32
        %dma_start3A_98 = arith.constant 0 : i32
        %dma_start3A_99 = tpu.memref_slice %arg7[%add3A_97, %dma_start3A_98] : memref<16x128xi32, #tpu.memory_space<vmem>> -> memref<1x128xi32, #tpu.memory_space<vmem>>
        %dma_start3A_100 = tpu.memref_squeeze %dma_start3A_99 : memref<1x128xi32, #tpu.memory_space<vmem>> -> memref<128xi32, #tpu.memory_space<vmem>>
        %dma_start3A_101 = arith.constant 0 : i32
        %dma_start3A_102 = arith.constant 0 : i32
        %dma_start3A_103 = tpu.memref_slice %arg2[%dma_start3A_101, %dma_start3A_102] : memref<10000x128xf32, #tpu.memory_space<hbm>> -> memref<10000x128xf32, #tpu.memory_space<hbm>>
        tpu.enqueue_indirect_dma source(%dma_start3A_103 : memref<10000x128xf32, #tpu.memory_space<hbm>>) target(%arg9 : memref<128x128xf32, #tpu.memory_space<vmem>>) offsets(%dma_start3A_100 : memref<128xi32, #tpu.memory_space<vmem>>) semaphore(%arg11 : memref<!tpu.dma_semaphore, #tpu.memory_space<semaphore_mem>>)
        %add3A_104 = arith.constant 1 : i32
        %add3A_105 = arith.addi %mul3A_81, %add3A_104 : i32
        %dma_start3A_106 = arith.constant 0 : i32
        %dma_start3A_107 = tpu.memref_slice %arg8[%add3A_105, %dma_start3A_106] : memref<16x128xi32, #tpu.memory_space<vmem>> -> memref<1x128xi32, #tpu.memory_space<vmem>>
        %dma_start3A_108 = tpu.memref_squeeze %dma_start3A_107 : memref<1x128xi32, #tpu.memory_space<vmem>> -> memref<128xi32, #tpu.memory_space<vmem>>
        %dma_start3A_109 = arith.constant 0 : i32
        %dma_start3A_110 = arith.constant 0 : i32
        %dma_start3A_111 = tpu.memref_slice %arg13[%dma_start3A_109, %dma_start3A_110] : memref<10240x128xf32, #tpu.memory_space<vmem_shared>> -> memref<10240x128xf32, #tpu.memory_space<vmem_shared>>
        tpu.enqueue_indirect_dma source(%arg10 : memref<128x128xf32, #tpu.memory_space<vmem>>) target(%dma_start3A_111 : memref<10240x128xf32, #tpu.memory_space<vmem_shared>>) offsets(%dma_start3A_108 : memref<128xi32, #tpu.memory_space<vmem>>) semaphore(%arg12 : memref<!tpu.dma_semaphore, #tpu.memory_space<semaphore_mem>>) {add = true}
        %dma_wait3A_112 = arith.constant 0 : i32
        %dma_wait3A_113 = arith.constant 0 : i32
        %dma_wait3A_114 = tpu.memref_slice %arg7[%dma_wait3A_112, %dma_wait3A_113] : memref<16x128xi32, #tpu.memory_space<vmem>> -> memref<1x128xi32, #tpu.memory_space<vmem>>
        %dma_wait3A_115 = tpu.memref_squeeze %dma_wait3A_114 : memref<1x128xi32, #tpu.memory_space<vmem>> -> memref<128xi32, #tpu.memory_space<vmem>>
        %dma_wait3A_116 = arith.constant 0 : i32
        %dma_wait3A_117 = arith.constant 0 : i32
        %dma_wait3A_118 = tpu.memref_slice %arg2[%dma_wait3A_116, %dma_wait3A_117] : memref<10000x128xf32, #tpu.memory_space<hbm>> -> memref<10000x128xf32, #tpu.memory_space<hbm>>
        tpu.wait_indirect_dma semaphore(%arg11 : memref<!tpu.dma_semaphore, #tpu.memory_space<semaphore_mem>>) src(%dma_wait3A_118 : memref<10000x128xf32, #tpu.memory_space<hbm>>) dst(%arg9 : memref<128x128xf32, #tpu.memory_space<vmem>>)
        %dma_wait3A_119 = arith.constant 0 : i32
        %dma_wait3A_120 = arith.constant 0 : i32
        %dma_wait3A_121 = tpu.memref_slice %arg8[%dma_wait3A_119, %dma_wait3A_120] : memref<16x128xi32, #tpu.memory_space<vmem>> -> memref<1x128xi32, #tpu.memory_space<vmem>>
        %dma_wait3A_122 = tpu.memref_squeeze %dma_wait3A_121 : memref<1x128xi32, #tpu.memory_space<vmem>> -> memref<128xi32, #tpu.memory_space<vmem>>
        %dma_wait3A_123 = arith.constant 0 : i32
        %dma_wait3A_124 = arith.constant 0 : i32
        %dma_wait3A_125 = tpu.memref_slice %arg13[%dma_wait3A_123, %dma_wait3A_124] : memref<10240x128xf32, #tpu.memory_space<vmem_shared>> -> memref<10240x128xf32, #tpu.memory_space<vmem_shared>>
        tpu.wait_indirect_dma semaphore(%arg12 : memref<!tpu.dma_semaphore, #tpu.memory_space<semaphore_mem>>) src(%arg9 : memref<128x128xf32, #tpu.memory_space<vmem>>) dst(%dma_wait3A_125 : memref<10240x128xf32, #tpu.memory_space<vmem_shared>>)
        %add3A_126 = arith.constant 3 : i32
        %add3A_127 = arith.addi %mul3A_81, %add3A_126 : i32
        %dma_start3A_128 = arith.constant 0 : i32
        %dma_start3A_129 = tpu.memref_slice %arg7[%add3A_127, %dma_start3A_128] : memref<16x128xi32, #tpu.memory_space<vmem>> -> memref<1x128xi32, #tpu.memory_space<vmem>>
        %dma_start3A_130 = tpu.memref_squeeze %dma_start3A_129 : memref<1x128xi32, #tpu.memory_space<vmem>> -> memref<128xi32, #tpu.memory_space<vmem>>
        %dma_start3A_131 = arith.constant 0 : i32
        %dma_start3A_132 = arith.constant 0 : i32
        %dma_start3A_133 = tpu.memref_slice %arg2[%dma_start3A_131, %dma_start3A_132] : memref<10000x128xf32, #tpu.memory_space<hbm>> -> memref<10000x128xf32, #tpu.memory_space<hbm>>
        tpu.enqueue_indirect_dma source(%dma_start3A_133 : memref<10000x128xf32, #tpu.memory_space<hbm>>) target(%arg10 : memref<128x128xf32, #tpu.memory_space<vmem>>) offsets(%dma_start3A_130 : memref<128xi32, #tpu.memory_space<vmem>>) semaphore(%arg11 : memref<!tpu.dma_semaphore, #tpu.memory_space<semaphore_mem>>)
        %add3A_134 = arith.constant 2 : i32
        %add3A_135 = arith.addi %mul3A_81, %add3A_134 : i32
        %dma_start3A_136 = arith.constant 0 : i32
        %dma_start3A_137 = tpu.memref_slice %arg8[%add3A_135, %dma_start3A_136] : memref<16x128xi32, #tpu.memory_space<vmem>> -> memref<1x128xi32, #tpu.memory_space<vmem>>
        %dma_start3A_138 = tpu.memref_squeeze %dma_start3A_137 : memref<1x128xi32, #tpu.memory_space<vmem>> -> memref<128xi32, #tpu.memory_space<vmem>>
        %dma_start3A_139 = arith.constant 0 : i32
        %dma_start3A_140 = arith.constant 0 : i32
        %dma_start3A_141 = tpu.memref_slice %arg13[%dma_start3A_139, %dma_start3A_140] : memref<10240x128xf32, #tpu.memory_space<vmem_shared>> -> memref<10240x128xf32, #tpu.memory_space<vmem_shared>>
        tpu.enqueue_indirect_dma source(%arg9 : memref<128x128xf32, #tpu.memory_space<vmem>>) target(%dma_start3A_141 : memref<10240x128xf32, #tpu.memory_space<vmem_shared>>) offsets(%dma_start3A_138 : memref<128xi32, #tpu.memory_space<vmem>>) semaphore(%arg12 : memref<!tpu.dma_semaphore, #tpu.memory_space<semaphore_mem>>) {add = true}
      }
      %scan3A_50 = arith.constant 7 : i32
      %dma_wait3A_51 = arith.constant 0 : i32
      %dma_wait3A_52 = arith.constant 0 : i32
      %dma_wait3A_53 = tpu.memref_slice %arg7[%dma_wait3A_51, %dma_wait3A_52] : memref<16x128xi32, #tpu.memory_space<vmem>> -> memref<1x128xi32, #tpu.memory_space<vmem>>
      %dma_wait3A_54 = tpu.memref_squeeze %dma_wait3A_53 : memref<1x128xi32, #tpu.memory_space<vmem>> -> memref<128xi32, #tpu.memory_space<vmem>>
      %dma_wait3A_55 = arith.constant 0 : i32
      %dma_wait3A_56 = arith.constant 0 : i32
      %dma_wait3A_57 = tpu.memref_slice %arg2[%dma_wait3A_55, %dma_wait3A_56] : memref<10000x128xf32, #tpu.memory_space<hbm>> -> memref<10000x128xf32, #tpu.memory_space<hbm>>
      tpu.wait_indirect_dma semaphore(%arg11 : memref<!tpu.dma_semaphore, #tpu.memory_space<semaphore_mem>>) src(%dma_wait3A_57 : memref<10000x128xf32, #tpu.memory_space<hbm>>) dst(%arg10 : memref<128x128xf32, #tpu.memory_space<vmem>>)
      %dma_wait3A_58 = arith.constant 0 : i32
      %dma_wait3A_59 = arith.constant 0 : i32
      %dma_wait3A_60 = tpu.memref_slice %arg8[%dma_wait3A_58, %dma_wait3A_59] : memref<16x128xi32, #tpu.memory_space<vmem>> -> memref<1x128xi32, #tpu.memory_space<vmem>>
      %dma_wait3A_61 = tpu.memref_squeeze %dma_wait3A_60 : memref<1x128xi32, #tpu.memory_space<vmem>> -> memref<128xi32, #tpu.memory_space<vmem>>
      %dma_wait3A_62 = arith.constant 0 : i32
      %dma_wait3A_63 = arith.constant 0 : i32
      %dma_wait3A_64 = tpu.memref_slice %arg13[%dma_wait3A_62, %dma_wait3A_63] : memref<10240x128xf32, #tpu.memory_space<vmem_shared>> -> memref<10240x128xf32, #tpu.memory_space<vmem_shared>>
      tpu.wait_indirect_dma semaphore(%arg12 : memref<!tpu.dma_semaphore, #tpu.memory_space<semaphore_mem>>) src(%arg9 : memref<128x128xf32, #tpu.memory_space<vmem>>) dst(%dma_wait3A_64 : memref<10240x128xf32, #tpu.memory_space<vmem_shared>>)
      %dma_start3A_65 = arith.constant 15 : i32
      %dma_start3A_66 = arith.constant 0 : i32
      %dma_start3A_67 = tpu.memref_slice %arg8[%dma_start3A_65, %dma_start3A_66] : memref<16x128xi32, #tpu.memory_space<vmem>> -> memref<1x128xi32, #tpu.memory_space<vmem>>
      %dma_start3A_68 = tpu.memref_squeeze %dma_start3A_67 : memref<1x128xi32, #tpu.memory_space<vmem>> -> memref<128xi32, #tpu.memory_space<vmem>>
      %dma_start3A_69 = arith.constant 0 : i32
      %dma_start3A_70 = arith.constant 0 : i32
      %dma_start3A_71 = tpu.memref_slice %arg13[%dma_start3A_69, %dma_start3A_70] : memref<10240x128xf32, #tpu.memory_space<vmem_shared>> -> memref<10240x128xf32, #tpu.memory_space<vmem_shared>>
      tpu.enqueue_indirect_dma source(%arg10 : memref<128x128xf32, #tpu.memory_space<vmem>>) target(%dma_start3A_71 : memref<10240x128xf32, #tpu.memory_space<vmem_shared>>) offsets(%dma_start3A_68 : memref<128xi32, #tpu.memory_space<vmem>>) semaphore(%arg12 : memref<!tpu.dma_semaphore, #tpu.memory_space<semaphore_mem>>) {add = true}
      %dma_wait3A_72 = arith.constant 0 : i32
      %dma_wait3A_73 = arith.constant 0 : i32
      %dma_wait3A_74 = tpu.memref_slice %arg8[%dma_wait3A_72, %dma_wait3A_73] : memref<16x128xi32, #tpu.memory_space<vmem>> -> memref<1x128xi32, #tpu.memory_space<vmem>>
      %dma_wait3A_75 = tpu.memref_squeeze %dma_wait3A_74 : memref<1x128xi32, #tpu.memory_space<vmem>> -> memref<128xi32, #tpu.memory_space<vmem>>
      %dma_wait3A_76 = arith.constant 0 : i32
      %dma_wait3A_77 = arith.constant 0 : i32
      %dma_wait3A_78 = tpu.memref_slice %arg13[%dma_wait3A_76, %dma_wait3A_77] : memref<10240x128xf32, #tpu.memory_space<vmem_shared>> -> memref<10240x128xf32, #tpu.memory_space<vmem_shared>>
      tpu.wait_indirect_dma semaphore(%arg12 : memref<!tpu.dma_semaphore, #tpu.memory_space<semaphore_mem>>) src(%arg9 : memref<128x128xf32, #tpu.memory_space<vmem>>) dst(%dma_wait3A_78 : memref<10240x128xf32, #tpu.memory_space<vmem_shared>>)
    }
    %scan3A_9 = arith.constant 5 : i32
    %barrier3A_10 = arith.constant 0 : index
    tpu.barrier barrier_id(%barrier3A_10)
    %mul3A_11 = arith.constant 640 : i32
    %mul3A_12 = arith.muli %arg1, %mul3A_11 : i32
    %mul3A_13 = arith.constant 640 : i32
    %mul3A_14 = arith.muli %arg1, %mul3A_13 : i32
    "tpu.region"() ({
      %run_scoped3A = tpu.sem_alloc : memref<!tpu.dma_semaphore, #tpu.memory_space<semaphore_mem>>
      %dma_start3A = arith.constant 0 : i32
      %dma_start3A_15 = tpu.memref_slice %arg6[%arg0, %mul3A_14, %dma_start3A] : memref<2x10240x128xf32, #tpu.memory_space<hbm>> -> memref<1x640x128xf32, #tpu.memory_space<hbm>>
      %dma_start3A_16 = tpu.memref_squeeze %dma_start3A_15 : memref<1x640x128xf32, #tpu.memory_space<hbm>> -> memref<640x128xf32, #tpu.memory_space<hbm>>
      %dma_start3A_17 = arith.constant 0 : i32
      %dma_start3A_18 = tpu.memref_slice %arg13[%mul3A_12, %dma_start3A_17] : memref<10240x128xf32, #tpu.memory_space<vmem_shared>> -> memref<640x128xf32, #tpu.memory_space<vmem_shared>>
      tpu.enqueue_dma source(%dma_start3A_18 : memref<640x128xf32, #tpu.memory_space<vmem_shared>>) target(%dma_start3A_16 : memref<640x128xf32, #tpu.memory_space<hbm>>) target_semaphore(%run_scoped3A : memref<!tpu.dma_semaphore, #tpu.memory_space<semaphore_mem>>)
      %dma_wait3A = arith.constant 0 : i32
      %dma_wait3A_19 = tpu.memref_slice %arg6[%arg0, %mul3A_14, %dma_wait3A] : memref<2x10240x128xf32, #tpu.memory_space<hbm>> -> memref<1x640x128xf32, #tpu.memory_space<hbm>>
      %dma_wait3A_20 = tpu.memref_squeeze %dma_wait3A_19 : memref<1x640x128xf32, #tpu.memory_space<hbm>> -> memref<640x128xf32, #tpu.memory_space<hbm>>
      %dma_wait3A_21 = arith.constant 0 : i32
      %dma_wait3A_22 = tpu.memref_slice %arg13[%mul3A_12, %dma_wait3A_21] : memref<10240x128xf32, #tpu.memory_space<vmem_shared>> -> memref<640x128xf32, #tpu.memory_space<vmem_shared>>
      tpu.wait_dma2 semaphore(%run_scoped3A : memref<!tpu.dma_semaphore, #tpu.memory_space<semaphore_mem>>) src(%dma_wait3A_22 : memref<640x128xf32, #tpu.memory_space<vmem_shared>>) dst(%dma_wait3A_20 : memref<640x128xf32, #tpu.memory_space<hbm>>)
      tpu.yield
    }) : () -> ()
    return
  }
}

#map = affine_map<(d0, d1) -> (0, 0)>
#map1 = affine_map<(d0, d1) -> (0, 0, 0)>
module attributes {stable_mosaic.version = 14 : i64} {
  func.func @prop_k(%arg0: i32, %arg1: i32, %arg2: memref<10000x128xf32, #tpu.memory_space<hbm>>, %arg3: memref<10000x128xf32, #tpu.memory_space<hbm>>, %arg4: memref<2560x128xi32, #tpu.memory_space<hbm>>, %arg5: memref<2560x128xi32, #tpu.memory_space<hbm>>, %arg6: memref<640x128xf32, #tpu.memory_space<hbm>>, %arg7: memref<2x10240x128xf32, #tpu.memory_space<hbm>>, %arg8: memref<16x128xi32, #tpu.memory_space<vmem>>, %arg9: memref<16x128xi32, #tpu.memory_space<vmem>>, %arg10: memref<128x128xf32, #tpu.memory_space<vmem>>, %arg11: memref<128x128xf32, #tpu.memory_space<vmem>>, %arg12: memref<!tpu.dma_semaphore, #tpu.memory_space<semaphore_mem>>, %arg13: memref<!tpu.dma_semaphore, #tpu.memory_space<semaphore_mem>>, %arg14: memref<10240x128xf32, #tpu.memory_space<vmem_shared>>) attributes {dimension_semantics = [#tpu.dimension_semantics<core_parallel>, #tpu.dimension_semantics<subcore_parallel>], iteration_bounds = array<i64: 2, 16>, scalar_prefetch = 0 : i64, scratch_operands = 7 : i64, tpu.core_type = #tpu.core_type<sc_vector_subcore>, window_params = [{transform_indices = #map}, {transform_indices = #map}, {transform_indices = #map}, {transform_indices = #map}, {transform_indices = #map}, {transform_indices = #map1}]} {
    %mul3A = arith.constant 640 : i32
    %mul3A_0 = arith.muli %arg1, %mul3A : i32
    "tpu.region"() ({
      %run_scoped3A = tpu.sem_alloc : memref<!tpu.dma_semaphore, #tpu.memory_space<semaphore_mem>>
      %dma_start3A = arith.constant 0 : i32
      %dma_start3A_15 = tpu.memref_slice %arg14[%mul3A_0, %dma_start3A] : memref<10240x128xf32, #tpu.memory_space<vmem_shared>> -> memref<640x128xf32, #tpu.memory_space<vmem_shared>>
      tpu.enqueue_dma source(%arg6 : memref<640x128xf32, #tpu.memory_space<hbm>>) target(%dma_start3A_15 : memref<640x128xf32, #tpu.memory_space<vmem_shared>>) target_semaphore(%run_scoped3A : memref<!tpu.dma_semaphore, #tpu.memory_space<semaphore_mem>>)
      %dma_wait3A = arith.constant 0 : i32
      %dma_wait3A_16 = tpu.memref_slice %arg14[%mul3A_0, %dma_wait3A] : memref<10240x128xf32, #tpu.memory_space<vmem_shared>> -> memref<640x128xf32, #tpu.memory_space<vmem_shared>>
      tpu.wait_dma2 semaphore(%run_scoped3A : memref<!tpu.dma_semaphore, #tpu.memory_space<semaphore_mem>>) src(%arg6 : memref<640x128xf32, #tpu.memory_space<hbm>>) dst(%dma_wait3A_16 : memref<640x128xf32, #tpu.memory_space<vmem_shared>>)
      tpu.yield
    }) : () -> ()
    %mul3A_1 = arith.constant 160 : i32
    %mul3A_2 = arith.muli %arg1, %mul3A_1 : i32
    %barrier3A = arith.constant 0 : index
    tpu.barrier barrier_id(%barrier3A)
    %eq3A = arith.constant 0 : i32
    %eq3A_3 = arith.cmpi eq, %arg0, %eq3A : i32
    %convert_element_type3A = arith.extui %eq3A_3 : i1 to i32
    %cond3A = arith.constant 0 : i32
    %cond3A_4 = arith.cmpi ne, %convert_element_type3A, %cond3A : i32
    scf.if %cond3A_4 {
      %scan3A = arith.constant 0 : i32
      %scan3A_15 = arith.constant 0 : i32
      %scan3A_16 = arith.constant 10 : i32
      %scan3A_17 = arith.addi %scan3A_15, %scan3A_16 : i32
      %scan3A_18 = arith.constant 1 : i32
      scf.for %scan3A_20 = %scan3A_15 to %scan3A_17 step %scan3A_18  : i32 {
        %mul3A_21 = arith.constant 16 : i32
        %mul3A_22 = arith.muli %scan3A_20, %mul3A_21 : i32
        %add3A = arith.addi %mul3A_2, %mul3A_22 : i32
        %multiple_of3A = tpu.assume_multiple %add3A, 8 : i32
        "tpu.region"() ({
          %run_scoped3A = tpu.sem_alloc : memref<!tpu.dma_semaphore, #tpu.memory_space<semaphore_mem>>
          %dma_start3A_83 = arith.constant 0 : i32
          %dma_start3A_84 = tpu.memref_slice %arg4[%multiple_of3A, %dma_start3A_83] : memref<2560x128xi32, #tpu.memory_space<hbm>> -> memref<16x128xi32, #tpu.memory_space<hbm>>
          %dma_start3A_85 = arith.constant 0 : i32
          %dma_start3A_86 = tpu.memref_slice %arg4[%multiple_of3A, %dma_start3A_85] : memref<2560x128xi32, #tpu.memory_space<hbm>> -> memref<16x128xi32, #tpu.memory_space<hbm>>
          tpu.enqueue_dma source(%dma_start3A_86 : memref<16x128xi32, #tpu.memory_space<hbm>>) target(%arg8 : memref<16x128xi32, #tpu.memory_space<vmem>>) target_semaphore(%run_scoped3A : memref<!tpu.dma_semaphore, #tpu.memory_space<semaphore_mem>>)
          %dma_wait3A_87 = arith.constant 0 : i32
          %dma_wait3A_88 = tpu.memref_slice %arg4[%multiple_of3A, %dma_wait3A_87] : memref<2560x128xi32, #tpu.memory_space<hbm>> -> memref<16x128xi32, #tpu.memory_space<hbm>>
          %dma_wait3A_89 = arith.constant 0 : i32
          %dma_wait3A_90 = tpu.memref_slice %arg4[%multiple_of3A, %dma_wait3A_89] : memref<2560x128xi32, #tpu.memory_space<hbm>> -> memref<16x128xi32, #tpu.memory_space<hbm>>
          tpu.wait_dma2 semaphore(%run_scoped3A : memref<!tpu.dma_semaphore, #tpu.memory_space<semaphore_mem>>) src(%dma_wait3A_90 : memref<16x128xi32, #tpu.memory_space<hbm>>) dst(%arg8 : memref<16x128xi32, #tpu.memory_space<vmem>>)
          tpu.yield
        }) : () -> ()
        "tpu.region"() ({
          %run_scoped3A = tpu.sem_alloc : memref<!tpu.dma_semaphore, #tpu.memory_space<semaphore_mem>>
          %dma_start3A_83 = arith.constant 0 : i32
          %dma_start3A_84 = tpu.memref_slice %arg5[%multiple_of3A, %dma_start3A_83] : memref<2560x128xi32, #tpu.memory_space<hbm>> -> memref<16x128xi32, #tpu.memory_space<hbm>>
          %dma_start3A_85 = arith.constant 0 : i32
          %dma_start3A_86 = tpu.memref_slice %arg5[%multiple_of3A, %dma_start3A_85] : memref<2560x128xi32, #tpu.memory_space<hbm>> -> memref<16x128xi32, #tpu.memory_space<hbm>>
          tpu.enqueue_dma source(%dma_start3A_86 : memref<16x128xi32, #tpu.memory_space<hbm>>) target(%arg9 : memref<16x128xi32, #tpu.memory_space<vmem>>) target_semaphore(%run_scoped3A : memref<!tpu.dma_semaphore, #tpu.memory_space<semaphore_mem>>)
          %dma_wait3A_87 = arith.constant 0 : i32
          %dma_wait3A_88 = tpu.memref_slice %arg5[%multiple_of3A, %dma_wait3A_87] : memref<2560x128xi32, #tpu.memory_space<hbm>> -> memref<16x128xi32, #tpu.memory_space<hbm>>
          %dma_wait3A_89 = arith.constant 0 : i32
          %dma_wait3A_90 = tpu.memref_slice %arg5[%multiple_of3A, %dma_wait3A_89] : memref<2560x128xi32, #tpu.memory_space<hbm>> -> memref<16x128xi32, #tpu.memory_space<hbm>>
          tpu.wait_dma2 semaphore(%run_scoped3A : memref<!tpu.dma_semaphore, #tpu.memory_space<semaphore_mem>>) src(%dma_wait3A_90 : memref<16x128xi32, #tpu.memory_space<hbm>>) dst(%arg9 : memref<16x128xi32, #tpu.memory_space<vmem>>)
          tpu.yield
        }) : () -> ()
        %dma_start3A = arith.constant 0 : i32
        %dma_start3A_23 = arith.constant 0 : i32
        %dma_start3A_24 = tpu.memref_slice %arg8[%dma_start3A, %dma_start3A_23] : memref<16x128xi32, #tpu.memory_space<vmem>> -> memref<1x128xi32, #tpu.memory_space<vmem>>
        %dma_start3A_25 = tpu.memref_squeeze %dma_start3A_24 : memref<1x128xi32, #tpu.memory_space<vmem>> -> memref<128xi32, #tpu.memory_space<vmem>>
        %dma_start3A_26 = arith.constant 0 : i32
        %dma_start3A_27 = arith.constant 0 : i32
        %dma_start3A_28 = tpu.memref_slice %arg2[%dma_start3A_26, %dma_start3A_27] : memref<10000x128xf32, #tpu.memory_space<hbm>> -> memref<10000x128xf32, #tpu.memory_space<hbm>>
        tpu.enqueue_indirect_dma source(%dma_start3A_28 : memref<10000x128xf32, #tpu.memory_space<hbm>>) target(%arg10 : memref<128x128xf32, #tpu.memory_space<vmem>>) offsets(%dma_start3A_25 : memref<128xi32, #tpu.memory_space<vmem>>) semaphore(%arg12 : memref<!tpu.dma_semaphore, #tpu.memory_space<semaphore_mem>>)
        %dma_wait3A = arith.constant 0 : i32
        %dma_wait3A_29 = arith.constant 0 : i32
        %dma_wait3A_30 = tpu.memref_slice %arg8[%dma_wait3A, %dma_wait3A_29] : memref<16x128xi32, #tpu.memory_space<vmem>> -> memref<1x128xi32, #tpu.memory_space<vmem>>
        %dma_wait3A_31 = tpu.memref_squeeze %dma_wait3A_30 : memref<1x128xi32, #tpu.memory_space<vmem>> -> memref<128xi32, #tpu.memory_space<vmem>>
        %dma_wait3A_32 = arith.constant 0 : i32
        %dma_wait3A_33 = arith.constant 0 : i32
        %dma_wait3A_34 = tpu.memref_slice %arg2[%dma_wait3A_32, %dma_wait3A_33] : memref<10000x128xf32, #tpu.memory_space<hbm>> -> memref<10000x128xf32, #tpu.memory_space<hbm>>
        tpu.wait_indirect_dma semaphore(%arg12 : memref<!tpu.dma_semaphore, #tpu.memory_space<semaphore_mem>>) src(%dma_wait3A_34 : memref<10000x128xf32, #tpu.memory_space<hbm>>) dst(%arg10 : memref<128x128xf32, #tpu.memory_space<vmem>>)
        %dma_start3A_35 = arith.constant 1 : i32
        %dma_start3A_36 = arith.constant 0 : i32
        %dma_start3A_37 = tpu.memref_slice %arg8[%dma_start3A_35, %dma_start3A_36] : memref<16x128xi32, #tpu.memory_space<vmem>> -> memref<1x128xi32, #tpu.memory_space<vmem>>
        %dma_start3A_38 = tpu.memref_squeeze %dma_start3A_37 : memref<1x128xi32, #tpu.memory_space<vmem>> -> memref<128xi32, #tpu.memory_space<vmem>>
        %dma_start3A_39 = arith.constant 0 : i32
        %dma_start3A_40 = arith.constant 0 : i32
        %dma_start3A_41 = tpu.memref_slice %arg2[%dma_start3A_39, %dma_start3A_40] : memref<10000x128xf32, #tpu.memory_space<hbm>> -> memref<10000x128xf32, #tpu.memory_space<hbm>>
        tpu.enqueue_indirect_dma source(%dma_start3A_41 : memref<10000x128xf32, #tpu.memory_space<hbm>>) target(%arg11 : memref<128x128xf32, #tpu.memory_space<vmem>>) offsets(%dma_start3A_38 : memref<128xi32, #tpu.memory_space<vmem>>) semaphore(%arg12 : memref<!tpu.dma_semaphore, #tpu.memory_space<semaphore_mem>>)
        %dma_start3A_42 = arith.constant 0 : i32
        %dma_start3A_43 = arith.constant 0 : i32
        %dma_start3A_44 = tpu.memref_slice %arg9[%dma_start3A_42, %dma_start3A_43] : memref<16x128xi32, #tpu.memory_space<vmem>> -> memref<1x128xi32, #tpu.memory_space<vmem>>
        %dma_start3A_45 = tpu.memref_squeeze %dma_start3A_44 : memref<1x128xi32, #tpu.memory_space<vmem>> -> memref<128xi32, #tpu.memory_space<vmem>>
        %dma_start3A_46 = arith.constant 0 : i32
        %dma_start3A_47 = arith.constant 0 : i32
        %dma_start3A_48 = tpu.memref_slice %arg14[%dma_start3A_46, %dma_start3A_47] : memref<10240x128xf32, #tpu.memory_space<vmem_shared>> -> memref<10240x128xf32, #tpu.memory_space<vmem_shared>>
        tpu.enqueue_indirect_dma source(%arg10 : memref<128x128xf32, #tpu.memory_space<vmem>>) target(%dma_start3A_48 : memref<10240x128xf32, #tpu.memory_space<vmem_shared>>) offsets(%dma_start3A_45 : memref<128xi32, #tpu.memory_space<vmem>>) semaphore(%arg13 : memref<!tpu.dma_semaphore, #tpu.memory_space<semaphore_mem>>) {add = true}
        %scan3A_49 = arith.constant 0 : i32
        %scan3A_50 = arith.constant 0 : i32
        %scan3A_51 = arith.constant 7 : i32
        %scan3A_52 = arith.addi %scan3A_50, %scan3A_51 : i32
        %scan3A_53 = arith.constant 1 : i32
        scf.for %scan3A_83 = %scan3A_50 to %scan3A_52 step %scan3A_53  : i32 {
          %mul3A_84 = arith.constant 2 : i32
          %mul3A_85 = arith.muli %mul3A_84, %scan3A_83 : i32
          %dma_wait3A_86 = arith.constant 0 : i32
          %dma_wait3A_87 = arith.constant 0 : i32
          %dma_wait3A_88 = tpu.memref_slice %arg8[%dma_wait3A_86, %dma_wait3A_87] : memref<16x128xi32, #tpu.memory_space<vmem>> -> memref<1x128xi32, #tpu.memory_space<vmem>>
          %dma_wait3A_89 = tpu.memref_squeeze %dma_wait3A_88 : memref<1x128xi32, #tpu.memory_space<vmem>> -> memref<128xi32, #tpu.memory_space<vmem>>
          %dma_wait3A_90 = arith.constant 0 : i32
          %dma_wait3A_91 = arith.constant 0 : i32
          %dma_wait3A_92 = tpu.memref_slice %arg2[%dma_wait3A_90, %dma_wait3A_91] : memref<10000x128xf32, #tpu.memory_space<hbm>> -> memref<10000x128xf32, #tpu.memory_space<hbm>>
          tpu.wait_indirect_dma semaphore(%arg12 : memref<!tpu.dma_semaphore, #tpu.memory_space<semaphore_mem>>) src(%dma_wait3A_92 : memref<10000x128xf32, #tpu.memory_space<hbm>>) dst(%arg11 : memref<128x128xf32, #tpu.memory_space<vmem>>)
          %dma_wait3A_93 = arith.constant 0 : i32
          %dma_wait3A_94 = arith.constant 0 : i32
          %dma_wait3A_95 = tpu.memref_slice %arg9[%dma_wait3A_93, %dma_wait3A_94] : memref<16x128xi32, #tpu.memory_space<vmem>> -> memref<1x128xi32, #tpu.memory_space<vmem>>
          %dma_wait3A_96 = tpu.memref_squeeze %dma_wait3A_95 : memref<1x128xi32, #tpu.memory_space<vmem>> -> memref<128xi32, #tpu.memory_space<vmem>>
          %dma_wait3A_97 = arith.constant 0 : i32
          %dma_wait3A_98 = arith.constant 0 : i32
          %dma_wait3A_99 = tpu.memref_slice %arg14[%dma_wait3A_97, %dma_wait3A_98] : memref<10240x128xf32, #tpu.memory_space<vmem_shared>> -> memref<10240x128xf32, #tpu.memory_space<vmem_shared>>
          tpu.wait_indirect_dma semaphore(%arg13 : memref<!tpu.dma_semaphore, #tpu.memory_space<semaphore_mem>>) src(%arg10 : memref<128x128xf32, #tpu.memory_space<vmem>>) dst(%dma_wait3A_99 : memref<10240x128xf32, #tpu.memory_space<vmem_shared>>)
          %add3A_100 = arith.constant 2 : i32
          %add3A_101 = arith.addi %mul3A_85, %add3A_100 : i32
          %dma_start3A_102 = arith.constant 0 : i32
          %dma_start3A_103 = tpu.memref_slice %arg8[%add3A_101, %dma_start3A_102] : memref<16x128xi32, #tpu.memory_space<vmem>> -> memref<1x128xi32, #tpu.memory_space<vmem>>
          %dma_start3A_104 = tpu.memref_squeeze %dma_start3A_103 : memref<1x128xi32, #tpu.memory_space<vmem>> -> memref<128xi32, #tpu.memory_space<vmem>>
          %dma_start3A_105 = arith.constant 0 : i32
          %dma_start3A_106 = arith.constant 0 : i32
          %dma_start3A_107 = tpu.memref_slice %arg2[%dma_start3A_105, %dma_start3A_106] : memref<10000x128xf32, #tpu.memory_space<hbm>> -> memref<10000x128xf32, #tpu.memory_space<hbm>>
          tpu.enqueue_indirect_dma source(%dma_start3A_107 : memref<10000x128xf32, #tpu.memory_space<hbm>>) target(%arg10 : memref<128x128xf32, #tpu.memory_space<vmem>>) offsets(%dma_start3A_104 : memref<128xi32, #tpu.memory_space<vmem>>) semaphore(%arg12 : memref<!tpu.dma_semaphore, #tpu.memory_space<semaphore_mem>>)
          %add3A_108 = arith.constant 1 : i32
          %add3A_109 = arith.addi %mul3A_85, %add3A_108 : i32
          %dma_start3A_110 = arith.constant 0 : i32
          %dma_start3A_111 = tpu.memref_slice %arg9[%add3A_109, %dma_start3A_110] : memref<16x128xi32, #tpu.memory_space<vmem>> -> memref<1x128xi32, #tpu.memory_space<vmem>>
          %dma_start3A_112 = tpu.memref_squeeze %dma_start3A_111 : memref<1x128xi32, #tpu.memory_space<vmem>> -> memref<128xi32, #tpu.memory_space<vmem>>
          %dma_start3A_113 = arith.constant 0 : i32
          %dma_start3A_114 = arith.constant 0 : i32
          %dma_start3A_115 = tpu.memref_slice %arg14[%dma_start3A_113, %dma_start3A_114] : memref<10240x128xf32, #tpu.memory_space<vmem_shared>> -> memref<10240x128xf32, #tpu.memory_space<vmem_shared>>
          tpu.enqueue_indirect_dma source(%arg11 : memref<128x128xf32, #tpu.memory_space<vmem>>) target(%dma_start3A_115 : memref<10240x128xf32, #tpu.memory_space<vmem_shared>>) offsets(%dma_start3A_112 : memref<128xi32, #tpu.memory_space<vmem>>) semaphore(%arg13 : memref<!tpu.dma_semaphore, #tpu.memory_space<semaphore_mem>>) {add = true}
          %dma_wait3A_116 = arith.constant 0 : i32
          %dma_wait3A_117 = arith.constant 0 : i32
          %dma_wait3A_118 = tpu.memref_slice %arg8[%dma_wait3A_116, %dma_wait3A_117] : memref<16x128xi32, #tpu.memory_space<vmem>> -> memref<1x128xi32, #tpu.memory_space<vmem>>
          %dma_wait3A_119 = tpu.memref_squeeze %dma_wait3A_118 : memref<1x128xi32, #tpu.memory_space<vmem>> -> memref<128xi32, #tpu.memory_space<vmem>>
          %dma_wait3A_120 = arith.constant 0 : i32
          %dma_wait3A_121 = arith.constant 0 : i32
          %dma_wait3A_122 = tpu.memref_slice %arg2[%dma_wait3A_120, %dma_wait3A_121] : memref<10000x128xf32, #tpu.memory_space<hbm>> -> memref<10000x128xf32, #tpu.memory_space<hbm>>
          tpu.wait_indirect_dma semaphore(%arg12 : memref<!tpu.dma_semaphore, #tpu.memory_space<semaphore_mem>>) src(%dma_wait3A_122 : memref<10000x128xf32, #tpu.memory_space<hbm>>) dst(%arg10 : memref<128x128xf32, #tpu.memory_space<vmem>>)
          %dma_wait3A_123 = arith.constant 0 : i32
          %dma_wait3A_124 = arith.constant 0 : i32
          %dma_wait3A_125 = tpu.memref_slice %arg9[%dma_wait3A_123, %dma_wait3A_124] : memref<16x128xi32, #tpu.memory_space<vmem>> -> memref<1x128xi32, #tpu.memory_space<vmem>>
          %dma_wait3A_126 = tpu.memref_squeeze %dma_wait3A_125 : memref<1x128xi32, #tpu.memory_space<vmem>> -> memref<128xi32, #tpu.memory_space<vmem>>
          %dma_wait3A_127 = arith.constant 0 : i32
          %dma_wait3A_128 = arith.constant 0 : i32
          %dma_wait3A_129 = tpu.memref_slice %arg14[%dma_wait3A_127, %dma_wait3A_128] : memref<10240x128xf32, #tpu.memory_space<vmem_shared>> -> memref<10240x128xf32, #tpu.memory_space<vmem_shared>>
          tpu.wait_indirect_dma semaphore(%arg13 : memref<!tpu.dma_semaphore, #tpu.memory_space<semaphore_mem>>) src(%arg10 : memref<128x128xf32, #tpu.memory_space<vmem>>) dst(%dma_wait3A_129 : memref<10240x128xf32, #tpu.memory_space<vmem_shared>>)
          %add3A_130 = arith.constant 3 : i32
          %add3A_131 = arith.addi %mul3A_85, %add3A_130 : i32
          %dma_start3A_132 = arith.constant 0 : i32
          %dma_start3A_133 = tpu.memref_slice %arg8[%add3A_131, %dma_start3A_132] : memref<16x128xi32, #tpu.memory_space<vmem>> -> memref<1x128xi32, #tpu.memory_space<vmem>>
          %dma_start3A_134 = tpu.memref_squeeze %dma_start3A_133 : memref<1x128xi32, #tpu.memory_space<vmem>> -> memref<128xi32, #tpu.memory_space<vmem>>
          %dma_start3A_135 = arith.constant 0 : i32
          %dma_start3A_136 = arith.constant 0 : i32
          %dma_start3A_137 = tpu.memref_slice %arg2[%dma_start3A_135, %dma_start3A_136] : memref<10000x128xf32, #tpu.memory_space<hbm>> -> memref<10000x128xf32, #tpu.memory_space<hbm>>
          tpu.enqueue_indirect_dma source(%dma_start3A_137 : memref<10000x128xf32, #tpu.memory_space<hbm>>) target(%arg11 : memref<128x128xf32, #tpu.memory_space<vmem>>) offsets(%dma_start3A_134 : memref<128xi32, #tpu.memory_space<vmem>>) semaphore(%arg12 : memref<!tpu.dma_semaphore, #tpu.memory_space<semaphore_mem>>)
          %add3A_138 = arith.constant 2 : i32
          %add3A_139 = arith.addi %mul3A_85, %add3A_138 : i32
          %dma_start3A_140 = arith.constant 0 : i32
          %dma_start3A_141 = tpu.memref_slice %arg9[%add3A_139, %dma_start3A_140] : memref<16x128xi32, #tpu.memory_space<vmem>> -> memref<1x128xi32, #tpu.memory_space<vmem>>
          %dma_start3A_142 = tpu.memref_squeeze %dma_start3A_141 : memref<1x128xi32, #tpu.memory_space<vmem>> -> memref<128xi32, #tpu.memory_space<vmem>>
          %dma_start3A_143 = arith.constant 0 : i32
          %dma_start3A_144 = arith.constant 0 : i32
          %dma_start3A_145 = tpu.memref_slice %arg14[%dma_start3A_143, %dma_start3A_144] : memref<10240x128xf32, #tpu.memory_space<vmem_shared>> -> memref<10240x128xf32, #tpu.memory_space<vmem_shared>>
          tpu.enqueue_indirect_dma source(%arg10 : memref<128x128xf32, #tpu.memory_space<vmem>>) target(%dma_start3A_145 : memref<10240x128xf32, #tpu.memory_space<vmem_shared>>) offsets(%dma_start3A_142 : memref<128xi32, #tpu.memory_space<vmem>>) semaphore(%arg13 : memref<!tpu.dma_semaphore, #tpu.memory_space<semaphore_mem>>) {add = true}
        }
        %scan3A_54 = arith.constant 7 : i32
        %dma_wait3A_55 = arith.constant 0 : i32
        %dma_wait3A_56 = arith.constant 0 : i32
        %dma_wait3A_57 = tpu.memref_slice %arg8[%dma_wait3A_55, %dma_wait3A_56] : memref<16x128xi32, #tpu.memory_space<vmem>> -> memref<1x128xi32, #tpu.memory_space<vmem>>
        %dma_wait3A_58 = tpu.memref_squeeze %dma_wait3A_57 : memref<1x128xi32, #tpu.memory_space<vmem>> -> memref<128xi32, #tpu.memory_space<vmem>>
        %dma_wait3A_59 = arith.constant 0 : i32
        %dma_wait3A_60 = arith.constant 0 : i32
        %dma_wait3A_61 = tpu.memref_slice %arg2[%dma_wait3A_59, %dma_wait3A_60] : memref<10000x128xf32, #tpu.memory_space<hbm>> -> memref<10000x128xf32, #tpu.memory_space<hbm>>
        tpu.wait_indirect_dma semaphore(%arg12 : memref<!tpu.dma_semaphore, #tpu.memory_space<semaphore_mem>>) src(%dma_wait3A_61 : memref<10000x128xf32, #tpu.memory_space<hbm>>) dst(%arg11 : memref<128x128xf32, #tpu.memory_space<vmem>>)
        %dma_wait3A_62 = arith.constant 0 : i32
        %dma_wait3A_63 = arith.constant 0 : i32
        %dma_wait3A_64 = tpu.memref_slice %arg9[%dma_wait3A_62, %dma_wait3A_63] : memref<16x128xi32, #tpu.memory_space<vmem>> -> memref<1x128xi32, #tpu.memory_space<vmem>>
        %dma_wait3A_65 = tpu.memref_squeeze %dma_wait3A_64 : memref<1x128xi32, #tpu.memory_space<vmem>> -> memref<128xi32, #tpu.memory_space<vmem>>
        %dma_wait3A_66 = arith.constant 0 : i32
        %dma_wait3A_67 = arith.constant 0 : i32
        %dma_wait3A_68 = tpu.memref_slice %arg14[%dma_wait3A_66, %dma_wait3A_67] : memref<10240x128xf32, #tpu.memory_space<vmem_shared>> -> memref<10240x128xf32, #tpu.memory_space<vmem_shared>>
        tpu.wait_indirect_dma semaphore(%arg13 : memref<!tpu.dma_semaphore, #tpu.memory_space<semaphore_mem>>) src(%arg10 : memref<128x128xf32, #tpu.memory_space<vmem>>) dst(%dma_wait3A_68 : memref<10240x128xf32, #tpu.memory_space<vmem_shared>>)
        %dma_start3A_69 = arith.constant 15 : i32
        %dma_start3A_70 = arith.constant 0 : i32
        %dma_start3A_71 = tpu.memref_slice %arg9[%dma_start3A_69, %dma_start3A_70] : memref<16x128xi32, #tpu.memory_space<vmem>> -> memref<1x128xi32, #tpu.memory_space<vmem>>
        %dma_start3A_72 = tpu.memref_squeeze %dma_start3A_71 : memref<1x128xi32, #tpu.memory_space<vmem>> -> memref<128xi32, #tpu.memory_space<vmem>>
        %dma_start3A_73 = arith.constant 0 : i32
        %dma_start3A_74 = arith.constant 0 : i32
        %dma_start3A_75 = tpu.memref_slice %arg14[%dma_start3A_73, %dma_start3A_74] : memref<10240x128xf32, #tpu.memory_space<vmem_shared>> -> memref<10240x128xf32, #tpu.memory_space<vmem_shared>>
        tpu.enqueue_indirect_dma source(%arg11 : memref<128x128xf32, #tpu.memory_space<vmem>>) target(%dma_start3A_75 : memref<10240x128xf32, #tpu.memory_space<vmem_shared>>) offsets(%dma_start3A_72 : memref<128xi32, #tpu.memory_space<vmem>>) semaphore(%arg13 : memref<!tpu.dma_semaphore, #tpu.memory_space<semaphore_mem>>) {add = true}
        %dma_wait3A_76 = arith.constant 0 : i32
        %dma_wait3A_77 = arith.constant 0 : i32
        %dma_wait3A_78 = tpu.memref_slice %arg9[%dma_wait3A_76, %dma_wait3A_77] : memref<16x128xi32, #tpu.memory_space<vmem>> -> memref<1x128xi32, #tpu.memory_space<vmem>>
        %dma_wait3A_79 = tpu.memref_squeeze %dma_wait3A_78 : memref<1x128xi32, #tpu.memory_space<vmem>> -> memref<128xi32, #tpu.memory_space<vmem>>
        %dma_wait3A_80 = arith.constant 0 : i32
        %dma_wait3A_81 = arith.constant 0 : i32
        %dma_wait3A_82 = tpu.memref_slice %arg14[%dma_wait3A_80, %dma_wait3A_81] : memref<10240x128xf32, #tpu.memory_space<vmem_shared>> -> memref<10240x128xf32, #tpu.memory_space<vmem_shared>>
        tpu.wait_indirect_dma semaphore(%arg13 : memref<!tpu.dma_semaphore, #tpu.memory_space<semaphore_mem>>) src(%arg10 : memref<128x128xf32, #tpu.memory_space<vmem>>) dst(%dma_wait3A_82 : memref<10240x128xf32, #tpu.memory_space<vmem_shared>>)
      }
      %scan3A_19 = arith.constant 10 : i32
    } else {
    }
    %eq3A_5 = arith.constant 1 : i32
    %eq3A_6 = arith.cmpi eq, %arg0, %eq3A_5 : i32
    %convert_element_type3A_7 = arith.extui %eq3A_6 : i1 to i32
    %cond3A_8 = arith.constant 0 : i32
    %cond3A_9 = arith.cmpi ne, %convert_element_type3A_7, %cond3A_8 : i32
    scf.if %cond3A_9 {
      %scan3A = arith.constant 0 : i32
      %scan3A_15 = arith.constant 0 : i32
      %scan3A_16 = arith.constant 10 : i32
      %scan3A_17 = arith.addi %scan3A_15, %scan3A_16 : i32
      %scan3A_18 = arith.constant 1 : i32
      scf.for %scan3A_20 = %scan3A_15 to %scan3A_17 step %scan3A_18  : i32 {
        %mul3A_21 = arith.constant 16 : i32
        %mul3A_22 = arith.muli %scan3A_20, %mul3A_21 : i32
        %add3A = arith.addi %mul3A_2, %mul3A_22 : i32
        %multiple_of3A = tpu.assume_multiple %add3A, 8 : i32
        "tpu.region"() ({
          %run_scoped3A = tpu.sem_alloc : memref<!tpu.dma_semaphore, #tpu.memory_space<semaphore_mem>>
          %dma_start3A_83 = arith.constant 0 : i32
          %dma_start3A_84 = tpu.memref_slice %arg4[%multiple_of3A, %dma_start3A_83] : memref<2560x128xi32, #tpu.memory_space<hbm>> -> memref<16x128xi32, #tpu.memory_space<hbm>>
          %dma_start3A_85 = arith.constant 0 : i32
          %dma_start3A_86 = tpu.memref_slice %arg4[%multiple_of3A, %dma_start3A_85] : memref<2560x128xi32, #tpu.memory_space<hbm>> -> memref<16x128xi32, #tpu.memory_space<hbm>>
          tpu.enqueue_dma source(%dma_start3A_86 : memref<16x128xi32, #tpu.memory_space<hbm>>) target(%arg8 : memref<16x128xi32, #tpu.memory_space<vmem>>) target_semaphore(%run_scoped3A : memref<!tpu.dma_semaphore, #tpu.memory_space<semaphore_mem>>)
          %dma_wait3A_87 = arith.constant 0 : i32
          %dma_wait3A_88 = tpu.memref_slice %arg4[%multiple_of3A, %dma_wait3A_87] : memref<2560x128xi32, #tpu.memory_space<hbm>> -> memref<16x128xi32, #tpu.memory_space<hbm>>
          %dma_wait3A_89 = arith.constant 0 : i32
          %dma_wait3A_90 = tpu.memref_slice %arg4[%multiple_of3A, %dma_wait3A_89] : memref<2560x128xi32, #tpu.memory_space<hbm>> -> memref<16x128xi32, #tpu.memory_space<hbm>>
          tpu.wait_dma2 semaphore(%run_scoped3A : memref<!tpu.dma_semaphore, #tpu.memory_space<semaphore_mem>>) src(%dma_wait3A_90 : memref<16x128xi32, #tpu.memory_space<hbm>>) dst(%arg8 : memref<16x128xi32, #tpu.memory_space<vmem>>)
          tpu.yield
        }) : () -> ()
        "tpu.region"() ({
          %run_scoped3A = tpu.sem_alloc : memref<!tpu.dma_semaphore, #tpu.memory_space<semaphore_mem>>
          %dma_start3A_83 = arith.constant 0 : i32
          %dma_start3A_84 = tpu.memref_slice %arg5[%multiple_of3A, %dma_start3A_83] : memref<2560x128xi32, #tpu.memory_space<hbm>> -> memref<16x128xi32, #tpu.memory_space<hbm>>
          %dma_start3A_85 = arith.constant 0 : i32
          %dma_start3A_86 = tpu.memref_slice %arg5[%multiple_of3A, %dma_start3A_85] : memref<2560x128xi32, #tpu.memory_space<hbm>> -> memref<16x128xi32, #tpu.memory_space<hbm>>
          tpu.enqueue_dma source(%dma_start3A_86 : memref<16x128xi32, #tpu.memory_space<hbm>>) target(%arg9 : memref<16x128xi32, #tpu.memory_space<vmem>>) target_semaphore(%run_scoped3A : memref<!tpu.dma_semaphore, #tpu.memory_space<semaphore_mem>>)
          %dma_wait3A_87 = arith.constant 0 : i32
          %dma_wait3A_88 = tpu.memref_slice %arg5[%multiple_of3A, %dma_wait3A_87] : memref<2560x128xi32, #tpu.memory_space<hbm>> -> memref<16x128xi32, #tpu.memory_space<hbm>>
          %dma_wait3A_89 = arith.constant 0 : i32
          %dma_wait3A_90 = tpu.memref_slice %arg5[%multiple_of3A, %dma_wait3A_89] : memref<2560x128xi32, #tpu.memory_space<hbm>> -> memref<16x128xi32, #tpu.memory_space<hbm>>
          tpu.wait_dma2 semaphore(%run_scoped3A : memref<!tpu.dma_semaphore, #tpu.memory_space<semaphore_mem>>) src(%dma_wait3A_90 : memref<16x128xi32, #tpu.memory_space<hbm>>) dst(%arg9 : memref<16x128xi32, #tpu.memory_space<vmem>>)
          tpu.yield
        }) : () -> ()
        %dma_start3A = arith.constant 0 : i32
        %dma_start3A_23 = arith.constant 0 : i32
        %dma_start3A_24 = tpu.memref_slice %arg8[%dma_start3A, %dma_start3A_23] : memref<16x128xi32, #tpu.memory_space<vmem>> -> memref<1x128xi32, #tpu.memory_space<vmem>>
        %dma_start3A_25 = tpu.memref_squeeze %dma_start3A_24 : memref<1x128xi32, #tpu.memory_space<vmem>> -> memref<128xi32, #tpu.memory_space<vmem>>
        %dma_start3A_26 = arith.constant 0 : i32
        %dma_start3A_27 = arith.constant 0 : i32
        %dma_start3A_28 = tpu.memref_slice %arg3[%dma_start3A_26, %dma_start3A_27] : memref<10000x128xf32, #tpu.memory_space<hbm>> -> memref<10000x128xf32, #tpu.memory_space<hbm>>
        tpu.enqueue_indirect_dma source(%dma_start3A_28 : memref<10000x128xf32, #tpu.memory_space<hbm>>) target(%arg10 : memref<128x128xf32, #tpu.memory_space<vmem>>) offsets(%dma_start3A_25 : memref<128xi32, #tpu.memory_space<vmem>>) semaphore(%arg12 : memref<!tpu.dma_semaphore, #tpu.memory_space<semaphore_mem>>)
        %dma_wait3A = arith.constant 0 : i32
        %dma_wait3A_29 = arith.constant 0 : i32
        %dma_wait3A_30 = tpu.memref_slice %arg8[%dma_wait3A, %dma_wait3A_29] : memref<16x128xi32, #tpu.memory_space<vmem>> -> memref<1x128xi32, #tpu.memory_space<vmem>>
        %dma_wait3A_31 = tpu.memref_squeeze %dma_wait3A_30 : memref<1x128xi32, #tpu.memory_space<vmem>> -> memref<128xi32, #tpu.memory_space<vmem>>
        %dma_wait3A_32 = arith.constant 0 : i32
        %dma_wait3A_33 = arith.constant 0 : i32
        %dma_wait3A_34 = tpu.memref_slice %arg3[%dma_wait3A_32, %dma_wait3A_33] : memref<10000x128xf32, #tpu.memory_space<hbm>> -> memref<10000x128xf32, #tpu.memory_space<hbm>>
        tpu.wait_indirect_dma semaphore(%arg12 : memref<!tpu.dma_semaphore, #tpu.memory_space<semaphore_mem>>) src(%dma_wait3A_34 : memref<10000x128xf32, #tpu.memory_space<hbm>>) dst(%arg10 : memref<128x128xf32, #tpu.memory_space<vmem>>)
        %dma_start3A_35 = arith.constant 1 : i32
        %dma_start3A_36 = arith.constant 0 : i32
        %dma_start3A_37 = tpu.memref_slice %arg8[%dma_start3A_35, %dma_start3A_36] : memref<16x128xi32, #tpu.memory_space<vmem>> -> memref<1x128xi32, #tpu.memory_space<vmem>>
        %dma_start3A_38 = tpu.memref_squeeze %dma_start3A_37 : memref<1x128xi32, #tpu.memory_space<vmem>> -> memref<128xi32, #tpu.memory_space<vmem>>
        %dma_start3A_39 = arith.constant 0 : i32
        %dma_start3A_40 = arith.constant 0 : i32
        %dma_start3A_41 = tpu.memref_slice %arg3[%dma_start3A_39, %dma_start3A_40] : memref<10000x128xf32, #tpu.memory_space<hbm>> -> memref<10000x128xf32, #tpu.memory_space<hbm>>
        tpu.enqueue_indirect_dma source(%dma_start3A_41 : memref<10000x128xf32, #tpu.memory_space<hbm>>) target(%arg11 : memref<128x128xf32, #tpu.memory_space<vmem>>) offsets(%dma_start3A_38 : memref<128xi32, #tpu.memory_space<vmem>>) semaphore(%arg12 : memref<!tpu.dma_semaphore, #tpu.memory_space<semaphore_mem>>)
        %dma_start3A_42 = arith.constant 0 : i32
        %dma_start3A_43 = arith.constant 0 : i32
        %dma_start3A_44 = tpu.memref_slice %arg9[%dma_start3A_42, %dma_start3A_43] : memref<16x128xi32, #tpu.memory_space<vmem>> -> memref<1x128xi32, #tpu.memory_space<vmem>>
        %dma_start3A_45 = tpu.memref_squeeze %dma_start3A_44 : memref<1x128xi32, #tpu.memory_space<vmem>> -> memref<128xi32, #tpu.memory_space<vmem>>
        %dma_start3A_46 = arith.constant 0 : i32
        %dma_start3A_47 = arith.constant 0 : i32
        %dma_start3A_48 = tpu.memref_slice %arg14[%dma_start3A_46, %dma_start3A_47] : memref<10240x128xf32, #tpu.memory_space<vmem_shared>> -> memref<10240x128xf32, #tpu.memory_space<vmem_shared>>
        tpu.enqueue_indirect_dma source(%arg10 : memref<128x128xf32, #tpu.memory_space<vmem>>) target(%dma_start3A_48 : memref<10240x128xf32, #tpu.memory_space<vmem_shared>>) offsets(%dma_start3A_45 : memref<128xi32, #tpu.memory_space<vmem>>) semaphore(%arg13 : memref<!tpu.dma_semaphore, #tpu.memory_space<semaphore_mem>>) {add = true}
        %scan3A_49 = arith.constant 0 : i32
        %scan3A_50 = arith.constant 0 : i32
        %scan3A_51 = arith.constant 7 : i32
        %scan3A_52 = arith.addi %scan3A_50, %scan3A_51 : i32
        %scan3A_53 = arith.constant 1 : i32
        scf.for %scan3A_83 = %scan3A_50 to %scan3A_52 step %scan3A_53  : i32 {
          %mul3A_84 = arith.constant 2 : i32
          %mul3A_85 = arith.muli %mul3A_84, %scan3A_83 : i32
          %dma_wait3A_86 = arith.constant 0 : i32
          %dma_wait3A_87 = arith.constant 0 : i32
          %dma_wait3A_88 = tpu.memref_slice %arg8[%dma_wait3A_86, %dma_wait3A_87] : memref<16x128xi32, #tpu.memory_space<vmem>> -> memref<1x128xi32, #tpu.memory_space<vmem>>
          %dma_wait3A_89 = tpu.memref_squeeze %dma_wait3A_88 : memref<1x128xi32, #tpu.memory_space<vmem>> -> memref<128xi32, #tpu.memory_space<vmem>>
          %dma_wait3A_90 = arith.constant 0 : i32
          %dma_wait3A_91 = arith.constant 0 : i32
          %dma_wait3A_92 = tpu.memref_slice %arg3[%dma_wait3A_90, %dma_wait3A_91] : memref<10000x128xf32, #tpu.memory_space<hbm>> -> memref<10000x128xf32, #tpu.memory_space<hbm>>
          tpu.wait_indirect_dma semaphore(%arg12 : memref<!tpu.dma_semaphore, #tpu.memory_space<semaphore_mem>>) src(%dma_wait3A_92 : memref<10000x128xf32, #tpu.memory_space<hbm>>) dst(%arg11 : memref<128x128xf32, #tpu.memory_space<vmem>>)
          %dma_wait3A_93 = arith.constant 0 : i32
          %dma_wait3A_94 = arith.constant 0 : i32
          %dma_wait3A_95 = tpu.memref_slice %arg9[%dma_wait3A_93, %dma_wait3A_94] : memref<16x128xi32, #tpu.memory_space<vmem>> -> memref<1x128xi32, #tpu.memory_space<vmem>>
          %dma_wait3A_96 = tpu.memref_squeeze %dma_wait3A_95 : memref<1x128xi32, #tpu.memory_space<vmem>> -> memref<128xi32, #tpu.memory_space<vmem>>
          %dma_wait3A_97 = arith.constant 0 : i32
          %dma_wait3A_98 = arith.constant 0 : i32
          %dma_wait3A_99 = tpu.memref_slice %arg14[%dma_wait3A_97, %dma_wait3A_98] : memref<10240x128xf32, #tpu.memory_space<vmem_shared>> -> memref<10240x128xf32, #tpu.memory_space<vmem_shared>>
          tpu.wait_indirect_dma semaphore(%arg13 : memref<!tpu.dma_semaphore, #tpu.memory_space<semaphore_mem>>) src(%arg10 : memref<128x128xf32, #tpu.memory_space<vmem>>) dst(%dma_wait3A_99 : memref<10240x128xf32, #tpu.memory_space<vmem_shared>>)
          %add3A_100 = arith.constant 2 : i32
          %add3A_101 = arith.addi %mul3A_85, %add3A_100 : i32
          %dma_start3A_102 = arith.constant 0 : i32
          %dma_start3A_103 = tpu.memref_slice %arg8[%add3A_101, %dma_start3A_102] : memref<16x128xi32, #tpu.memory_space<vmem>> -> memref<1x128xi32, #tpu.memory_space<vmem>>
          %dma_start3A_104 = tpu.memref_squeeze %dma_start3A_103 : memref<1x128xi32, #tpu.memory_space<vmem>> -> memref<128xi32, #tpu.memory_space<vmem>>
          %dma_start3A_105 = arith.constant 0 : i32
          %dma_start3A_106 = arith.constant 0 : i32
          %dma_start3A_107 = tpu.memref_slice %arg3[%dma_start3A_105, %dma_start3A_106] : memref<10000x128xf32, #tpu.memory_space<hbm>> -> memref<10000x128xf32, #tpu.memory_space<hbm>>
          tpu.enqueue_indirect_dma source(%dma_start3A_107 : memref<10000x128xf32, #tpu.memory_space<hbm>>) target(%arg10 : memref<128x128xf32, #tpu.memory_space<vmem>>) offsets(%dma_start3A_104 : memref<128xi32, #tpu.memory_space<vmem>>) semaphore(%arg12 : memref<!tpu.dma_semaphore, #tpu.memory_space<semaphore_mem>>)
          %add3A_108 = arith.constant 1 : i32
          %add3A_109 = arith.addi %mul3A_85, %add3A_108 : i32
          %dma_start3A_110 = arith.constant 0 : i32
          %dma_start3A_111 = tpu.memref_slice %arg9[%add3A_109, %dma_start3A_110] : memref<16x128xi32, #tpu.memory_space<vmem>> -> memref<1x128xi32, #tpu.memory_space<vmem>>
          %dma_start3A_112 = tpu.memref_squeeze %dma_start3A_111 : memref<1x128xi32, #tpu.memory_space<vmem>> -> memref<128xi32, #tpu.memory_space<vmem>>
          %dma_start3A_113 = arith.constant 0 : i32
          %dma_start3A_114 = arith.constant 0 : i32
          %dma_start3A_115 = tpu.memref_slice %arg14[%dma_start3A_113, %dma_start3A_114] : memref<10240x128xf32, #tpu.memory_space<vmem_shared>> -> memref<10240x128xf32, #tpu.memory_space<vmem_shared>>
          tpu.enqueue_indirect_dma source(%arg11 : memref<128x128xf32, #tpu.memory_space<vmem>>) target(%dma_start3A_115 : memref<10240x128xf32, #tpu.memory_space<vmem_shared>>) offsets(%dma_start3A_112 : memref<128xi32, #tpu.memory_space<vmem>>) semaphore(%arg13 : memref<!tpu.dma_semaphore, #tpu.memory_space<semaphore_mem>>) {add = true}
          %dma_wait3A_116 = arith.constant 0 : i32
          %dma_wait3A_117 = arith.constant 0 : i32
          %dma_wait3A_118 = tpu.memref_slice %arg8[%dma_wait3A_116, %dma_wait3A_117] : memref<16x128xi32, #tpu.memory_space<vmem>> -> memref<1x128xi32, #tpu.memory_space<vmem>>
          %dma_wait3A_119 = tpu.memref_squeeze %dma_wait3A_118 : memref<1x128xi32, #tpu.memory_space<vmem>> -> memref<128xi32, #tpu.memory_space<vmem>>
          %dma_wait3A_120 = arith.constant 0 : i32
          %dma_wait3A_121 = arith.constant 0 : i32
          %dma_wait3A_122 = tpu.memref_slice %arg3[%dma_wait3A_120, %dma_wait3A_121] : memref<10000x128xf32, #tpu.memory_space<hbm>> -> memref<10000x128xf32, #tpu.memory_space<hbm>>
          tpu.wait_indirect_dma semaphore(%arg12 : memref<!tpu.dma_semaphore, #tpu.memory_space<semaphore_mem>>) src(%dma_wait3A_122 : memref<10000x128xf32, #tpu.memory_space<hbm>>) dst(%arg10 : memref<128x128xf32, #tpu.memory_space<vmem>>)
          %dma_wait3A_123 = arith.constant 0 : i32
          %dma_wait3A_124 = arith.constant 0 : i32
          %dma_wait3A_125 = tpu.memref_slice %arg9[%dma_wait3A_123, %dma_wait3A_124] : memref<16x128xi32, #tpu.memory_space<vmem>> -> memref<1x128xi32, #tpu.memory_space<vmem>>
          %dma_wait3A_126 = tpu.memref_squeeze %dma_wait3A_125 : memref<1x128xi32, #tpu.memory_space<vmem>> -> memref<128xi32, #tpu.memory_space<vmem>>
          %dma_wait3A_127 = arith.constant 0 : i32
          %dma_wait3A_128 = arith.constant 0 : i32
          %dma_wait3A_129 = tpu.memref_slice %arg14[%dma_wait3A_127, %dma_wait3A_128] : memref<10240x128xf32, #tpu.memory_space<vmem_shared>> -> memref<10240x128xf32, #tpu.memory_space<vmem_shared>>
          tpu.wait_indirect_dma semaphore(%arg13 : memref<!tpu.dma_semaphore, #tpu.memory_space<semaphore_mem>>) src(%arg10 : memref<128x128xf32, #tpu.memory_space<vmem>>) dst(%dma_wait3A_129 : memref<10240x128xf32, #tpu.memory_space<vmem_shared>>)
          %add3A_130 = arith.constant 3 : i32
          %add3A_131 = arith.addi %mul3A_85, %add3A_130 : i32
          %dma_start3A_132 = arith.constant 0 : i32
          %dma_start3A_133 = tpu.memref_slice %arg8[%add3A_131, %dma_start3A_132] : memref<16x128xi32, #tpu.memory_space<vmem>> -> memref<1x128xi32, #tpu.memory_space<vmem>>
          %dma_start3A_134 = tpu.memref_squeeze %dma_start3A_133 : memref<1x128xi32, #tpu.memory_space<vmem>> -> memref<128xi32, #tpu.memory_space<vmem>>
          %dma_start3A_135 = arith.constant 0 : i32
          %dma_start3A_136 = arith.constant 0 : i32
          %dma_start3A_137 = tpu.memref_slice %arg3[%dma_start3A_135, %dma_start3A_136] : memref<10000x128xf32, #tpu.memory_space<hbm>> -> memref<10000x128xf32, #tpu.memory_space<hbm>>
          tpu.enqueue_indirect_dma source(%dma_start3A_137 : memref<10000x128xf32, #tpu.memory_space<hbm>>) target(%arg11 : memref<128x128xf32, #tpu.memory_space<vmem>>) offsets(%dma_start3A_134 : memref<128xi32, #tpu.memory_space<vmem>>) semaphore(%arg12 : memref<!tpu.dma_semaphore, #tpu.memory_space<semaphore_mem>>)
          %add3A_138 = arith.constant 2 : i32
          %add3A_139 = arith.addi %mul3A_85, %add3A_138 : i32
          %dma_start3A_140 = arith.constant 0 : i32
          %dma_start3A_141 = tpu.memref_slice %arg9[%add3A_139, %dma_start3A_140] : memref<16x128xi32, #tpu.memory_space<vmem>> -> memref<1x128xi32, #tpu.memory_space<vmem>>
          %dma_start3A_142 = tpu.memref_squeeze %dma_start3A_141 : memref<1x128xi32, #tpu.memory_space<vmem>> -> memref<128xi32, #tpu.memory_space<vmem>>
          %dma_start3A_143 = arith.constant 0 : i32
          %dma_start3A_144 = arith.constant 0 : i32
          %dma_start3A_145 = tpu.memref_slice %arg14[%dma_start3A_143, %dma_start3A_144] : memref<10240x128xf32, #tpu.memory_space<vmem_shared>> -> memref<10240x128xf32, #tpu.memory_space<vmem_shared>>
          tpu.enqueue_indirect_dma source(%arg10 : memref<128x128xf32, #tpu.memory_space<vmem>>) target(%dma_start3A_145 : memref<10240x128xf32, #tpu.memory_space<vmem_shared>>) offsets(%dma_start3A_142 : memref<128xi32, #tpu.memory_space<vmem>>) semaphore(%arg13 : memref<!tpu.dma_semaphore, #tpu.memory_space<semaphore_mem>>) {add = true}
        }
        %scan3A_54 = arith.constant 7 : i32
        %dma_wait3A_55 = arith.constant 0 : i32
        %dma_wait3A_56 = arith.constant 0 : i32
        %dma_wait3A_57 = tpu.memref_slice %arg8[%dma_wait3A_55, %dma_wait3A_56] : memref<16x128xi32, #tpu.memory_space<vmem>> -> memref<1x128xi32, #tpu.memory_space<vmem>>
        %dma_wait3A_58 = tpu.memref_squeeze %dma_wait3A_57 : memref<1x128xi32, #tpu.memory_space<vmem>> -> memref<128xi32, #tpu.memory_space<vmem>>
        %dma_wait3A_59 = arith.constant 0 : i32
        %dma_wait3A_60 = arith.constant 0 : i32
        %dma_wait3A_61 = tpu.memref_slice %arg3[%dma_wait3A_59, %dma_wait3A_60] : memref<10000x128xf32, #tpu.memory_space<hbm>> -> memref<10000x128xf32, #tpu.memory_space<hbm>>
        tpu.wait_indirect_dma semaphore(%arg12 : memref<!tpu.dma_semaphore, #tpu.memory_space<semaphore_mem>>) src(%dma_wait3A_61 : memref<10000x128xf32, #tpu.memory_space<hbm>>) dst(%arg11 : memref<128x128xf32, #tpu.memory_space<vmem>>)
        %dma_wait3A_62 = arith.constant 0 : i32
        %dma_wait3A_63 = arith.constant 0 : i32
        %dma_wait3A_64 = tpu.memref_slice %arg9[%dma_wait3A_62, %dma_wait3A_63] : memref<16x128xi32, #tpu.memory_space<vmem>> -> memref<1x128xi32, #tpu.memory_space<vmem>>
        %dma_wait3A_65 = tpu.memref_squeeze %dma_wait3A_64 : memref<1x128xi32, #tpu.memory_space<vmem>> -> memref<128xi32, #tpu.memory_space<vmem>>
        %dma_wait3A_66 = arith.constant 0 : i32
        %dma_wait3A_67 = arith.constant 0 : i32
        %dma_wait3A_68 = tpu.memref_slice %arg14[%dma_wait3A_66, %dma_wait3A_67] : memref<10240x128xf32, #tpu.memory_space<vmem_shared>> -> memref<10240x128xf32, #tpu.memory_space<vmem_shared>>
        tpu.wait_indirect_dma semaphore(%arg13 : memref<!tpu.dma_semaphore, #tpu.memory_space<semaphore_mem>>) src(%arg10 : memref<128x128xf32, #tpu.memory_space<vmem>>) dst(%dma_wait3A_68 : memref<10240x128xf32, #tpu.memory_space<vmem_shared>>)
        %dma_start3A_69 = arith.constant 15 : i32
        %dma_start3A_70 = arith.constant 0 : i32
        %dma_start3A_71 = tpu.memref_slice %arg9[%dma_start3A_69, %dma_start3A_70] : memref<16x128xi32, #tpu.memory_space<vmem>> -> memref<1x128xi32, #tpu.memory_space<vmem>>
        %dma_start3A_72 = tpu.memref_squeeze %dma_start3A_71 : memref<1x128xi32, #tpu.memory_space<vmem>> -> memref<128xi32, #tpu.memory_space<vmem>>
        %dma_start3A_73 = arith.constant 0 : i32
        %dma_start3A_74 = arith.constant 0 : i32
        %dma_start3A_75 = tpu.memref_slice %arg14[%dma_start3A_73, %dma_start3A_74] : memref<10240x128xf32, #tpu.memory_space<vmem_shared>> -> memref<10240x128xf32, #tpu.memory_space<vmem_shared>>
        tpu.enqueue_indirect_dma source(%arg11 : memref<128x128xf32, #tpu.memory_space<vmem>>) target(%dma_start3A_75 : memref<10240x128xf32, #tpu.memory_space<vmem_shared>>) offsets(%dma_start3A_72 : memref<128xi32, #tpu.memory_space<vmem>>) semaphore(%arg13 : memref<!tpu.dma_semaphore, #tpu.memory_space<semaphore_mem>>) {add = true}
        %dma_wait3A_76 = arith.constant 0 : i32
        %dma_wait3A_77 = arith.constant 0 : i32
        %dma_wait3A_78 = tpu.memref_slice %arg9[%dma_wait3A_76, %dma_wait3A_77] : memref<16x128xi32, #tpu.memory_space<vmem>> -> memref<1x128xi32, #tpu.memory_space<vmem>>
        %dma_wait3A_79 = tpu.memref_squeeze %dma_wait3A_78 : memref<1x128xi32, #tpu.memory_space<vmem>> -> memref<128xi32, #tpu.memory_space<vmem>>
        %dma_wait3A_80 = arith.constant 0 : i32
        %dma_wait3A_81 = arith.constant 0 : i32
        %dma_wait3A_82 = tpu.memref_slice %arg14[%dma_wait3A_80, %dma_wait3A_81] : memref<10240x128xf32, #tpu.memory_space<vmem_shared>> -> memref<10240x128xf32, #tpu.memory_space<vmem_shared>>
        tpu.wait_indirect_dma semaphore(%arg13 : memref<!tpu.dma_semaphore, #tpu.memory_space<semaphore_mem>>) src(%arg10 : memref<128x128xf32, #tpu.memory_space<vmem>>) dst(%dma_wait3A_82 : memref<10240x128xf32, #tpu.memory_space<vmem_shared>>)
      }
      %scan3A_19 = arith.constant 10 : i32
    } else {
    }
    %barrier3A_10 = arith.constant 0 : index
    tpu.barrier barrier_id(%barrier3A_10)
    %mul3A_11 = arith.constant 640 : i32
    %mul3A_12 = arith.muli %arg1, %mul3A_11 : i32
    %mul3A_13 = arith.constant 640 : i32
    %mul3A_14 = arith.muli %arg1, %mul3A_13 : i32
    "tpu.region"() ({
      %run_scoped3A = tpu.sem_alloc : memref<!tpu.dma_semaphore, #tpu.memory_space<semaphore_mem>>
      %dma_start3A = arith.constant 0 : i32
      %dma_start3A_15 = tpu.memref_slice %arg7[%arg0, %mul3A_14, %dma_start3A] : memref<2x10240x128xf32, #tpu.memory_space<hbm>> -> memref<1x640x128xf32, #tpu.memory_space<hbm>>
      %dma_start3A_16 = tpu.memref_squeeze %dma_start3A_15 : memref<1x640x128xf32, #tpu.memory_space<hbm>> -> memref<640x128xf32, #tpu.memory_space<hbm>>
      %dma_start3A_17 = arith.constant 0 : i32
      %dma_start3A_18 = tpu.memref_slice %arg14[%mul3A_12, %dma_start3A_17] : memref<10240x128xf32, #tpu.memory_space<vmem_shared>> -> memref<640x128xf32, #tpu.memory_space<vmem_shared>>
      tpu.enqueue_dma source(%dma_start3A_18 : memref<640x128xf32, #tpu.memory_space<vmem_shared>>) target(%dma_start3A_16 : memref<640x128xf32, #tpu.memory_space<hbm>>) target_semaphore(%run_scoped3A : memref<!tpu.dma_semaphore, #tpu.memory_space<semaphore_mem>>)
      %dma_wait3A = arith.constant 0 : i32
      %dma_wait3A_19 = tpu.memref_slice %arg7[%arg0, %mul3A_14, %dma_wait3A] : memref<2x10240x128xf32, #tpu.memory_space<hbm>> -> memref<1x640x128xf32, #tpu.memory_space<hbm>>
      %dma_wait3A_20 = tpu.memref_squeeze %dma_wait3A_19 : memref<1x640x128xf32, #tpu.memory_space<hbm>> -> memref<640x128xf32, #tpu.memory_space<hbm>>
      %dma_wait3A_21 = arith.constant 0 : i32
      %dma_wait3A_22 = tpu.memref_slice %arg14[%mul3A_12, %dma_wait3A_21] : memref<10240x128xf32, #tpu.memory_space<vmem_shared>> -> memref<640x128xf32, #tpu.memory_space<vmem_shared>>
      tpu.wait_dma2 semaphore(%run_scoped3A : memref<!tpu.dma_semaphore, #tpu.memory_space<semaphore_mem>>) src(%dma_wait3A_22 : memref<640x128xf32, #tpu.memory_space<vmem_shared>>) dst(%dma_wait3A_20 : memref<640x128xf32, #tpu.memory_space<hbm>>)
      tpu.yield
    }) : () -> ()
    return
  }
}

#map = affine_map<(d0, d1) -> (0, 0)>
#map1 = affine_map<(d0, d1) -> (0, 0, 0)>
module attributes {stable_mosaic.version = 14 : i64} {
  func.func @prop_k(%arg0: i32, %arg1: i32, %arg2: memref<10000x128xf32, #tpu.memory_space<hbm>>, %arg3: memref<2560x128xi32, #tpu.memory_space<hbm>>, %arg4: memref<2560x128xi32, #tpu.memory_space<hbm>>, %arg5: memref<640x128xf32, #tpu.memory_space<hbm>>, %arg6: memref<2x10240x128xf32, #tpu.memory_space<hbm>>, %arg7: memref<16x128xi32, #tpu.memory_space<vmem>>, %arg8: memref<16x128xi32, #tpu.memory_space<vmem>>, %arg9: memref<128x128xf32, #tpu.memory_space<vmem>>, %arg10: memref<128x128xf32, #tpu.memory_space<vmem>>, %arg11: memref<!tpu.dma_semaphore, #tpu.memory_space<semaphore_mem>>, %arg12: memref<!tpu.dma_semaphore, #tpu.memory_space<semaphore_mem>>, %arg13: memref<10240x128xf32, #tpu.memory_space<vmem_shared>>) attributes {dimension_semantics = [#tpu.dimension_semantics<core_parallel>, #tpu.dimension_semantics<subcore_parallel>], iteration_bounds = array<i64: 2, 16>, scalar_prefetch = 0 : i64, scratch_operands = 7 : i64, tpu.core_type = #tpu.core_type<sc_vector_subcore>, window_params = [{transform_indices = #map}, {transform_indices = #map}, {transform_indices = #map}, {transform_indices = #map}, {transform_indices = #map1}]} {
    %mul3A = arith.constant 640 : i32
    %mul3A_0 = arith.muli %arg1, %mul3A : i32
    "tpu.region"() ({
      %run_scoped3A = tpu.sem_alloc : memref<!tpu.dma_semaphore, #tpu.memory_space<semaphore_mem>>
      %dma_start3A = arith.constant 0 : i32
      %dma_start3A_15 = tpu.memref_slice %arg13[%mul3A_0, %dma_start3A] : memref<10240x128xf32, #tpu.memory_space<vmem_shared>> -> memref<640x128xf32, #tpu.memory_space<vmem_shared>>
      tpu.enqueue_dma source(%arg5 : memref<640x128xf32, #tpu.memory_space<hbm>>) target(%dma_start3A_15 : memref<640x128xf32, #tpu.memory_space<vmem_shared>>) target_semaphore(%run_scoped3A : memref<!tpu.dma_semaphore, #tpu.memory_space<semaphore_mem>>)
      %dma_wait3A = arith.constant 0 : i32
      %dma_wait3A_16 = tpu.memref_slice %arg13[%mul3A_0, %dma_wait3A] : memref<10240x128xf32, #tpu.memory_space<vmem_shared>> -> memref<640x128xf32, #tpu.memory_space<vmem_shared>>
      tpu.wait_dma2 semaphore(%run_scoped3A : memref<!tpu.dma_semaphore, #tpu.memory_space<semaphore_mem>>) src(%arg5 : memref<640x128xf32, #tpu.memory_space<hbm>>) dst(%dma_wait3A_16 : memref<640x128xf32, #tpu.memory_space<vmem_shared>>)
      tpu.yield
    }) : () -> ()
    %mul3A_1 = arith.constant 2 : i32
    %mul3A_2 = arith.muli %arg1, %mul3A_1 : i32
    %add3A = arith.addi %mul3A_2, %arg0 : i32
    %mul3A_3 = arith.constant 80 : i32
    %mul3A_4 = arith.muli %add3A, %mul3A_3 : i32
    %barrier3A = arith.constant 0 : index
    tpu.barrier barrier_id(%barrier3A)
    %scan3A = arith.constant 0 : i32
    %scan3A_5 = arith.constant 0 : i32
    %scan3A_6 = arith.constant 5 : i32
    %scan3A_7 = arith.addi %scan3A_5, %scan3A_6 : i32
    %scan3A_8 = arith.constant 1 : i32
    scf.for %scan3A_15 = %scan3A_5 to %scan3A_7 step %scan3A_8  : i32 {
      %mul3A_16 = arith.constant 16 : i32
      %mul3A_17 = arith.muli %scan3A_15, %mul3A_16 : i32
      %add3A_18 = arith.addi %mul3A_4, %mul3A_17 : i32
      %multiple_of3A = tpu.assume_multiple %add3A_18, 8 : i32
      "tpu.region"() ({
        %run_scoped3A = tpu.sem_alloc : memref<!tpu.dma_semaphore, #tpu.memory_space<semaphore_mem>>
        %dma_start3A_79 = arith.constant 0 : i32
        %dma_start3A_80 = tpu.memref_slice %arg3[%multiple_of3A, %dma_start3A_79] : memref<2560x128xi32, #tpu.memory_space<hbm>> -> memref<16x128xi32, #tpu.memory_space<hbm>>
        %dma_start3A_81 = arith.constant 0 : i32
        %dma_start3A_82 = tpu.memref_slice %arg3[%multiple_of3A, %dma_start3A_81] : memref<2560x128xi32, #tpu.memory_space<hbm>> -> memref<16x128xi32, #tpu.memory_space<hbm>>
        tpu.enqueue_dma source(%dma_start3A_82 : memref<16x128xi32, #tpu.memory_space<hbm>>) target(%arg7 : memref<16x128xi32, #tpu.memory_space<vmem>>) target_semaphore(%run_scoped3A : memref<!tpu.dma_semaphore, #tpu.memory_space<semaphore_mem>>)
        %dma_wait3A_83 = arith.constant 0 : i32
        %dma_wait3A_84 = tpu.memref_slice %arg3[%multiple_of3A, %dma_wait3A_83] : memref<2560x128xi32, #tpu.memory_space<hbm>> -> memref<16x128xi32, #tpu.memory_space<hbm>>
        %dma_wait3A_85 = arith.constant 0 : i32
        %dma_wait3A_86 = tpu.memref_slice %arg3[%multiple_of3A, %dma_wait3A_85] : memref<2560x128xi32, #tpu.memory_space<hbm>> -> memref<16x128xi32, #tpu.memory_space<hbm>>
        tpu.wait_dma2 semaphore(%run_scoped3A : memref<!tpu.dma_semaphore, #tpu.memory_space<semaphore_mem>>) src(%dma_wait3A_86 : memref<16x128xi32, #tpu.memory_space<hbm>>) dst(%arg7 : memref<16x128xi32, #tpu.memory_space<vmem>>)
        tpu.yield
      }) : () -> ()
      "tpu.region"() ({
        %run_scoped3A = tpu.sem_alloc : memref<!tpu.dma_semaphore, #tpu.memory_space<semaphore_mem>>
        %dma_start3A_79 = arith.constant 0 : i32
        %dma_start3A_80 = tpu.memref_slice %arg4[%multiple_of3A, %dma_start3A_79] : memref<2560x128xi32, #tpu.memory_space<hbm>> -> memref<16x128xi32, #tpu.memory_space<hbm>>
        %dma_start3A_81 = arith.constant 0 : i32
        %dma_start3A_82 = tpu.memref_slice %arg4[%multiple_of3A, %dma_start3A_81] : memref<2560x128xi32, #tpu.memory_space<hbm>> -> memref<16x128xi32, #tpu.memory_space<hbm>>
        tpu.enqueue_dma source(%dma_start3A_82 : memref<16x128xi32, #tpu.memory_space<hbm>>) target(%arg8 : memref<16x128xi32, #tpu.memory_space<vmem>>) target_semaphore(%run_scoped3A : memref<!tpu.dma_semaphore, #tpu.memory_space<semaphore_mem>>)
        %dma_wait3A_83 = arith.constant 0 : i32
        %dma_wait3A_84 = tpu.memref_slice %arg4[%multiple_of3A, %dma_wait3A_83] : memref<2560x128xi32, #tpu.memory_space<hbm>> -> memref<16x128xi32, #tpu.memory_space<hbm>>
        %dma_wait3A_85 = arith.constant 0 : i32
        %dma_wait3A_86 = tpu.memref_slice %arg4[%multiple_of3A, %dma_wait3A_85] : memref<2560x128xi32, #tpu.memory_space<hbm>> -> memref<16x128xi32, #tpu.memory_space<hbm>>
        tpu.wait_dma2 semaphore(%run_scoped3A : memref<!tpu.dma_semaphore, #tpu.memory_space<semaphore_mem>>) src(%dma_wait3A_86 : memref<16x128xi32, #tpu.memory_space<hbm>>) dst(%arg8 : memref<16x128xi32, #tpu.memory_space<vmem>>)
        tpu.yield
      }) : () -> ()
      %dma_start3A = arith.constant 0 : i32
      %dma_start3A_19 = arith.constant 0 : i32
      %dma_start3A_20 = tpu.memref_slice %arg7[%dma_start3A, %dma_start3A_19] : memref<16x128xi32, #tpu.memory_space<vmem>> -> memref<1x128xi32, #tpu.memory_space<vmem>>
      %dma_start3A_21 = tpu.memref_squeeze %dma_start3A_20 : memref<1x128xi32, #tpu.memory_space<vmem>> -> memref<128xi32, #tpu.memory_space<vmem>>
      %dma_start3A_22 = arith.constant 0 : i32
      %dma_start3A_23 = arith.constant 0 : i32
      %dma_start3A_24 = tpu.memref_slice %arg2[%dma_start3A_22, %dma_start3A_23] : memref<10000x128xf32, #tpu.memory_space<hbm>> -> memref<10000x128xf32, #tpu.memory_space<hbm>>
      tpu.enqueue_indirect_dma source(%dma_start3A_24 : memref<10000x128xf32, #tpu.memory_space<hbm>>) target(%arg9 : memref<128x128xf32, #tpu.memory_space<vmem>>) offsets(%dma_start3A_21 : memref<128xi32, #tpu.memory_space<vmem>>) semaphore(%arg11 : memref<!tpu.dma_semaphore, #tpu.memory_space<semaphore_mem>>)
      %dma_wait3A = arith.constant 0 : i32
      %dma_wait3A_25 = arith.constant 0 : i32
      %dma_wait3A_26 = tpu.memref_slice %arg7[%dma_wait3A, %dma_wait3A_25] : memref<16x128xi32, #tpu.memory_space<vmem>> -> memref<1x128xi32, #tpu.memory_space<vmem>>
      %dma_wait3A_27 = tpu.memref_squeeze %dma_wait3A_26 : memref<1x128xi32, #tpu.memory_space<vmem>> -> memref<128xi32, #tpu.memory_space<vmem>>
      %dma_wait3A_28 = arith.constant 0 : i32
      %dma_wait3A_29 = arith.constant 0 : i32
      %dma_wait3A_30 = tpu.memref_slice %arg2[%dma_wait3A_28, %dma_wait3A_29] : memref<10000x128xf32, #tpu.memory_space<hbm>> -> memref<10000x128xf32, #tpu.memory_space<hbm>>
      tpu.wait_indirect_dma semaphore(%arg11 : memref<!tpu.dma_semaphore, #tpu.memory_space<semaphore_mem>>) src(%dma_wait3A_30 : memref<10000x128xf32, #tpu.memory_space<hbm>>) dst(%arg9 : memref<128x128xf32, #tpu.memory_space<vmem>>)
      %dma_start3A_31 = arith.constant 1 : i32
      %dma_start3A_32 = arith.constant 0 : i32
      %dma_start3A_33 = tpu.memref_slice %arg7[%dma_start3A_31, %dma_start3A_32] : memref<16x128xi32, #tpu.memory_space<vmem>> -> memref<1x128xi32, #tpu.memory_space<vmem>>
      %dma_start3A_34 = tpu.memref_squeeze %dma_start3A_33 : memref<1x128xi32, #tpu.memory_space<vmem>> -> memref<128xi32, #tpu.memory_space<vmem>>
      %dma_start3A_35 = arith.constant 0 : i32
      %dma_start3A_36 = arith.constant 0 : i32
      %dma_start3A_37 = tpu.memref_slice %arg2[%dma_start3A_35, %dma_start3A_36] : memref<10000x128xf32, #tpu.memory_space<hbm>> -> memref<10000x128xf32, #tpu.memory_space<hbm>>
      tpu.enqueue_indirect_dma source(%dma_start3A_37 : memref<10000x128xf32, #tpu.memory_space<hbm>>) target(%arg10 : memref<128x128xf32, #tpu.memory_space<vmem>>) offsets(%dma_start3A_34 : memref<128xi32, #tpu.memory_space<vmem>>) semaphore(%arg11 : memref<!tpu.dma_semaphore, #tpu.memory_space<semaphore_mem>>)
      %dma_start3A_38 = arith.constant 0 : i32
      %dma_start3A_39 = arith.constant 0 : i32
      %dma_start3A_40 = tpu.memref_slice %arg8[%dma_start3A_38, %dma_start3A_39] : memref<16x128xi32, #tpu.memory_space<vmem>> -> memref<1x128xi32, #tpu.memory_space<vmem>>
      %dma_start3A_41 = tpu.memref_squeeze %dma_start3A_40 : memref<1x128xi32, #tpu.memory_space<vmem>> -> memref<128xi32, #tpu.memory_space<vmem>>
      %dma_start3A_42 = arith.constant 0 : i32
      %dma_start3A_43 = arith.constant 0 : i32
      %dma_start3A_44 = tpu.memref_slice %arg13[%dma_start3A_42, %dma_start3A_43] : memref<10240x128xf32, #tpu.memory_space<vmem_shared>> -> memref<10240x128xf32, #tpu.memory_space<vmem_shared>>
      tpu.enqueue_indirect_dma source(%arg9 : memref<128x128xf32, #tpu.memory_space<vmem>>) target(%dma_start3A_44 : memref<10240x128xf32, #tpu.memory_space<vmem_shared>>) offsets(%dma_start3A_41 : memref<128xi32, #tpu.memory_space<vmem>>) semaphore(%arg12 : memref<!tpu.dma_semaphore, #tpu.memory_space<semaphore_mem>>) {add = true}
      %scan3A_45 = arith.constant 0 : i32
      %scan3A_46 = arith.constant 0 : i32
      %scan3A_47 = arith.constant 7 : i32
      %scan3A_48 = arith.addi %scan3A_46, %scan3A_47 : i32
      %scan3A_49 = arith.constant 1 : i32
      scf.for %scan3A_79 = %scan3A_46 to %scan3A_48 step %scan3A_49  : i32 {
        %mul3A_80 = arith.constant 2 : i32
        %mul3A_81 = arith.muli %mul3A_80, %scan3A_79 : i32
        %dma_wait3A_82 = arith.constant 0 : i32
        %dma_wait3A_83 = arith.constant 0 : i32
        %dma_wait3A_84 = tpu.memref_slice %arg7[%dma_wait3A_82, %dma_wait3A_83] : memref<16x128xi32, #tpu.memory_space<vmem>> -> memref<1x128xi32, #tpu.memory_space<vmem>>
        %dma_wait3A_85 = tpu.memref_squeeze %dma_wait3A_84 : memref<1x128xi32, #tpu.memory_space<vmem>> -> memref<128xi32, #tpu.memory_space<vmem>>
        %dma_wait3A_86 = arith.constant 0 : i32
        %dma_wait3A_87 = arith.constant 0 : i32
        %dma_wait3A_88 = tpu.memref_slice %arg2[%dma_wait3A_86, %dma_wait3A_87] : memref<10000x128xf32, #tpu.memory_space<hbm>> -> memref<10000x128xf32, #tpu.memory_space<hbm>>
        tpu.wait_indirect_dma semaphore(%arg11 : memref<!tpu.dma_semaphore, #tpu.memory_space<semaphore_mem>>) src(%dma_wait3A_88 : memref<10000x128xf32, #tpu.memory_space<hbm>>) dst(%arg10 : memref<128x128xf32, #tpu.memory_space<vmem>>)
        %dma_wait3A_89 = arith.constant 0 : i32
        %dma_wait3A_90 = arith.constant 0 : i32
        %dma_wait3A_91 = tpu.memref_slice %arg8[%dma_wait3A_89, %dma_wait3A_90] : memref<16x128xi32, #tpu.memory_space<vmem>> -> memref<1x128xi32, #tpu.memory_space<vmem>>
        %dma_wait3A_92 = tpu.memref_squeeze %dma_wait3A_91 : memref<1x128xi32, #tpu.memory_space<vmem>> -> memref<128xi32, #tpu.memory_space<vmem>>
        %dma_wait3A_93 = arith.constant 0 : i32
        %dma_wait3A_94 = arith.constant 0 : i32
        %dma_wait3A_95 = tpu.memref_slice %arg13[%dma_wait3A_93, %dma_wait3A_94] : memref<10240x128xf32, #tpu.memory_space<vmem_shared>> -> memref<10240x128xf32, #tpu.memory_space<vmem_shared>>
        tpu.wait_indirect_dma semaphore(%arg12 : memref<!tpu.dma_semaphore, #tpu.memory_space<semaphore_mem>>) src(%arg9 : memref<128x128xf32, #tpu.memory_space<vmem>>) dst(%dma_wait3A_95 : memref<10240x128xf32, #tpu.memory_space<vmem_shared>>)
        %add3A_96 = arith.constant 2 : i32
        %add3A_97 = arith.addi %mul3A_81, %add3A_96 : i32
        %dma_start3A_98 = arith.constant 0 : i32
        %dma_start3A_99 = tpu.memref_slice %arg7[%add3A_97, %dma_start3A_98] : memref<16x128xi32, #tpu.memory_space<vmem>> -> memref<1x128xi32, #tpu.memory_space<vmem>>
        %dma_start3A_100 = tpu.memref_squeeze %dma_start3A_99 : memref<1x128xi32, #tpu.memory_space<vmem>> -> memref<128xi32, #tpu.memory_space<vmem>>
        %dma_start3A_101 = arith.constant 0 : i32
        %dma_start3A_102 = arith.constant 0 : i32
        %dma_start3A_103 = tpu.memref_slice %arg2[%dma_start3A_101, %dma_start3A_102] : memref<10000x128xf32, #tpu.memory_space<hbm>> -> memref<10000x128xf32, #tpu.memory_space<hbm>>
        tpu.enqueue_indirect_dma source(%dma_start3A_103 : memref<10000x128xf32, #tpu.memory_space<hbm>>) target(%arg9 : memref<128x128xf32, #tpu.memory_space<vmem>>) offsets(%dma_start3A_100 : memref<128xi32, #tpu.memory_space<vmem>>) semaphore(%arg11 : memref<!tpu.dma_semaphore, #tpu.memory_space<semaphore_mem>>)
        %add3A_104 = arith.constant 1 : i32
        %add3A_105 = arith.addi %mul3A_81, %add3A_104 : i32
        %dma_start3A_106 = arith.constant 0 : i32
        %dma_start3A_107 = tpu.memref_slice %arg8[%add3A_105, %dma_start3A_106] : memref<16x128xi32, #tpu.memory_space<vmem>> -> memref<1x128xi32, #tpu.memory_space<vmem>>
        %dma_start3A_108 = tpu.memref_squeeze %dma_start3A_107 : memref<1x128xi32, #tpu.memory_space<vmem>> -> memref<128xi32, #tpu.memory_space<vmem>>
        %dma_start3A_109 = arith.constant 0 : i32
        %dma_start3A_110 = arith.constant 0 : i32
        %dma_start3A_111 = tpu.memref_slice %arg13[%dma_start3A_109, %dma_start3A_110] : memref<10240x128xf32, #tpu.memory_space<vmem_shared>> -> memref<10240x128xf32, #tpu.memory_space<vmem_shared>>
        tpu.enqueue_indirect_dma source(%arg10 : memref<128x128xf32, #tpu.memory_space<vmem>>) target(%dma_start3A_111 : memref<10240x128xf32, #tpu.memory_space<vmem_shared>>) offsets(%dma_start3A_108 : memref<128xi32, #tpu.memory_space<vmem>>) semaphore(%arg12 : memref<!tpu.dma_semaphore, #tpu.memory_space<semaphore_mem>>) {add = true}
        %dma_wait3A_112 = arith.constant 0 : i32
        %dma_wait3A_113 = arith.constant 0 : i32
        %dma_wait3A_114 = tpu.memref_slice %arg7[%dma_wait3A_112, %dma_wait3A_113] : memref<16x128xi32, #tpu.memory_space<vmem>> -> memref<1x128xi32, #tpu.memory_space<vmem>>
        %dma_wait3A_115 = tpu.memref_squeeze %dma_wait3A_114 : memref<1x128xi32, #tpu.memory_space<vmem>> -> memref<128xi32, #tpu.memory_space<vmem>>
        %dma_wait3A_116 = arith.constant 0 : i32
        %dma_wait3A_117 = arith.constant 0 : i32
        %dma_wait3A_118 = tpu.memref_slice %arg2[%dma_wait3A_116, %dma_wait3A_117] : memref<10000x128xf32, #tpu.memory_space<hbm>> -> memref<10000x128xf32, #tpu.memory_space<hbm>>
        tpu.wait_indirect_dma semaphore(%arg11 : memref<!tpu.dma_semaphore, #tpu.memory_space<semaphore_mem>>) src(%dma_wait3A_118 : memref<10000x128xf32, #tpu.memory_space<hbm>>) dst(%arg9 : memref<128x128xf32, #tpu.memory_space<vmem>>)
        %dma_wait3A_119 = arith.constant 0 : i32
        %dma_wait3A_120 = arith.constant 0 : i32
        %dma_wait3A_121 = tpu.memref_slice %arg8[%dma_wait3A_119, %dma_wait3A_120] : memref<16x128xi32, #tpu.memory_space<vmem>> -> memref<1x128xi32, #tpu.memory_space<vmem>>
        %dma_wait3A_122 = tpu.memref_squeeze %dma_wait3A_121 : memref<1x128xi32, #tpu.memory_space<vmem>> -> memref<128xi32, #tpu.memory_space<vmem>>
        %dma_wait3A_123 = arith.constant 0 : i32
        %dma_wait3A_124 = arith.constant 0 : i32
        %dma_wait3A_125 = tpu.memref_slice %arg13[%dma_wait3A_123, %dma_wait3A_124] : memref<10240x128xf32, #tpu.memory_space<vmem_shared>> -> memref<10240x128xf32, #tpu.memory_space<vmem_shared>>
        tpu.wait_indirect_dma semaphore(%arg12 : memref<!tpu.dma_semaphore, #tpu.memory_space<semaphore_mem>>) src(%arg9 : memref<128x128xf32, #tpu.memory_space<vmem>>) dst(%dma_wait3A_125 : memref<10240x128xf32, #tpu.memory_space<vmem_shared>>)
        %add3A_126 = arith.constant 3 : i32
        %add3A_127 = arith.addi %mul3A_81, %add3A_126 : i32
        %dma_start3A_128 = arith.constant 0 : i32
        %dma_start3A_129 = tpu.memref_slice %arg7[%add3A_127, %dma_start3A_128] : memref<16x128xi32, #tpu.memory_space<vmem>> -> memref<1x128xi32, #tpu.memory_space<vmem>>
        %dma_start3A_130 = tpu.memref_squeeze %dma_start3A_129 : memref<1x128xi32, #tpu.memory_space<vmem>> -> memref<128xi32, #tpu.memory_space<vmem>>
        %dma_start3A_131 = arith.constant 0 : i32
        %dma_start3A_132 = arith.constant 0 : i32
        %dma_start3A_133 = tpu.memref_slice %arg2[%dma_start3A_131, %dma_start3A_132] : memref<10000x128xf32, #tpu.memory_space<hbm>> -> memref<10000x128xf32, #tpu.memory_space<hbm>>
        tpu.enqueue_indirect_dma source(%dma_start3A_133 : memref<10000x128xf32, #tpu.memory_space<hbm>>) target(%arg10 : memref<128x128xf32, #tpu.memory_space<vmem>>) offsets(%dma_start3A_130 : memref<128xi32, #tpu.memory_space<vmem>>) semaphore(%arg11 : memref<!tpu.dma_semaphore, #tpu.memory_space<semaphore_mem>>)
        %add3A_134 = arith.constant 2 : i32
        %add3A_135 = arith.addi %mul3A_81, %add3A_134 : i32
        %dma_start3A_136 = arith.constant 0 : i32
        %dma_start3A_137 = tpu.memref_slice %arg8[%add3A_135, %dma_start3A_136] : memref<16x128xi32, #tpu.memory_space<vmem>> -> memref<1x128xi32, #tpu.memory_space<vmem>>
        %dma_start3A_138 = tpu.memref_squeeze %dma_start3A_137 : memref<1x128xi32, #tpu.memory_space<vmem>> -> memref<128xi32, #tpu.memory_space<vmem>>
        %dma_start3A_139 = arith.constant 0 : i32
        %dma_start3A_140 = arith.constant 0 : i32
        %dma_start3A_141 = tpu.memref_slice %arg13[%dma_start3A_139, %dma_start3A_140] : memref<10240x128xf32, #tpu.memory_space<vmem_shared>> -> memref<10240x128xf32, #tpu.memory_space<vmem_shared>>
        tpu.enqueue_indirect_dma source(%arg9 : memref<128x128xf32, #tpu.memory_space<vmem>>) target(%dma_start3A_141 : memref<10240x128xf32, #tpu.memory_space<vmem_shared>>) offsets(%dma_start3A_138 : memref<128xi32, #tpu.memory_space<vmem>>) semaphore(%arg12 : memref<!tpu.dma_semaphore, #tpu.memory_space<semaphore_mem>>) {add = true}
      }
      %scan3A_50 = arith.constant 7 : i32
      %dma_wait3A_51 = arith.constant 0 : i32
      %dma_wait3A_52 = arith.constant 0 : i32
      %dma_wait3A_53 = tpu.memref_slice %arg7[%dma_wait3A_51, %dma_wait3A_52] : memref<16x128xi32, #tpu.memory_space<vmem>> -> memref<1x128xi32, #tpu.memory_space<vmem>>
      %dma_wait3A_54 = tpu.memref_squeeze %dma_wait3A_53 : memref<1x128xi32, #tpu.memory_space<vmem>> -> memref<128xi32, #tpu.memory_space<vmem>>
      %dma_wait3A_55 = arith.constant 0 : i32
      %dma_wait3A_56 = arith.constant 0 : i32
      %dma_wait3A_57 = tpu.memref_slice %arg2[%dma_wait3A_55, %dma_wait3A_56] : memref<10000x128xf32, #tpu.memory_space<hbm>> -> memref<10000x128xf32, #tpu.memory_space<hbm>>
      tpu.wait_indirect_dma semaphore(%arg11 : memref<!tpu.dma_semaphore, #tpu.memory_space<semaphore_mem>>) src(%dma_wait3A_57 : memref<10000x128xf32, #tpu.memory_space<hbm>>) dst(%arg10 : memref<128x128xf32, #tpu.memory_space<vmem>>)
      %dma_wait3A_58 = arith.constant 0 : i32
      %dma_wait3A_59 = arith.constant 0 : i32
      %dma_wait3A_60 = tpu.memref_slice %arg8[%dma_wait3A_58, %dma_wait3A_59] : memref<16x128xi32, #tpu.memory_space<vmem>> -> memref<1x128xi32, #tpu.memory_space<vmem>>
      %dma_wait3A_61 = tpu.memref_squeeze %dma_wait3A_60 : memref<1x128xi32, #tpu.memory_space<vmem>> -> memref<128xi32, #tpu.memory_space<vmem>>
      %dma_wait3A_62 = arith.constant 0 : i32
      %dma_wait3A_63 = arith.constant 0 : i32
      %dma_wait3A_64 = tpu.memref_slice %arg13[%dma_wait3A_62, %dma_wait3A_63] : memref<10240x128xf32, #tpu.memory_space<vmem_shared>> -> memref<10240x128xf32, #tpu.memory_space<vmem_shared>>
      tpu.wait_indirect_dma semaphore(%arg12 : memref<!tpu.dma_semaphore, #tpu.memory_space<semaphore_mem>>) src(%arg9 : memref<128x128xf32, #tpu.memory_space<vmem>>) dst(%dma_wait3A_64 : memref<10240x128xf32, #tpu.memory_space<vmem_shared>>)
      %dma_start3A_65 = arith.constant 15 : i32
      %dma_start3A_66 = arith.constant 0 : i32
      %dma_start3A_67 = tpu.memref_slice %arg8[%dma_start3A_65, %dma_start3A_66] : memref<16x128xi32, #tpu.memory_space<vmem>> -> memref<1x128xi32, #tpu.memory_space<vmem>>
      %dma_start3A_68 = tpu.memref_squeeze %dma_start3A_67 : memref<1x128xi32, #tpu.memory_space<vmem>> -> memref<128xi32, #tpu.memory_space<vmem>>
      %dma_start3A_69 = arith.constant 0 : i32
      %dma_start3A_70 = arith.constant 0 : i32
      %dma_start3A_71 = tpu.memref_slice %arg13[%dma_start3A_69, %dma_start3A_70] : memref<10240x128xf32, #tpu.memory_space<vmem_shared>> -> memref<10240x128xf32, #tpu.memory_space<vmem_shared>>
      tpu.enqueue_indirect_dma source(%arg10 : memref<128x128xf32, #tpu.memory_space<vmem>>) target(%dma_start3A_71 : memref<10240x128xf32, #tpu.memory_space<vmem_shared>>) offsets(%dma_start3A_68 : memref<128xi32, #tpu.memory_space<vmem>>) semaphore(%arg12 : memref<!tpu.dma_semaphore, #tpu.memory_space<semaphore_mem>>) {add = true}
      %dma_wait3A_72 = arith.constant 0 : i32
      %dma_wait3A_73 = arith.constant 0 : i32
      %dma_wait3A_74 = tpu.memref_slice %arg8[%dma_wait3A_72, %dma_wait3A_73] : memref<16x128xi32, #tpu.memory_space<vmem>> -> memref<1x128xi32, #tpu.memory_space<vmem>>
      %dma_wait3A_75 = tpu.memref_squeeze %dma_wait3A_74 : memref<1x128xi32, #tpu.memory_space<vmem>> -> memref<128xi32, #tpu.memory_space<vmem>>
      %dma_wait3A_76 = arith.constant 0 : i32
      %dma_wait3A_77 = arith.constant 0 : i32
      %dma_wait3A_78 = tpu.memref_slice %arg13[%dma_wait3A_76, %dma_wait3A_77] : memref<10240x128xf32, #tpu.memory_space<vmem_shared>> -> memref<10240x128xf32, #tpu.memory_space<vmem_shared>>
      tpu.wait_indirect_dma semaphore(%arg12 : memref<!tpu.dma_semaphore, #tpu.memory_space<semaphore_mem>>) src(%arg9 : memref<128x128xf32, #tpu.memory_space<vmem>>) dst(%dma_wait3A_78 : memref<10240x128xf32, #tpu.memory_space<vmem_shared>>)
    }
    %scan3A_9 = arith.constant 5 : i32
    %barrier3A_10 = arith.constant 0 : index
    tpu.barrier barrier_id(%barrier3A_10)
    %mul3A_11 = arith.constant 640 : i32
    %mul3A_12 = arith.muli %arg1, %mul3A_11 : i32
    %mul3A_13 = arith.constant 640 : i32
    %mul3A_14 = arith.muli %arg1, %mul3A_13 : i32
    "tpu.region"() ({
      %run_scoped3A = tpu.sem_alloc : memref<!tpu.dma_semaphore, #tpu.memory_space<semaphore_mem>>
      %dma_start3A = arith.constant 0 : i32
      %dma_start3A_15 = tpu.memref_slice %arg6[%arg0, %mul3A_14, %dma_start3A] : memref<2x10240x128xf32, #tpu.memory_space<hbm>> -> memref<1x640x128xf32, #tpu.memory_space<hbm>>
      %dma_start3A_16 = tpu.memref_squeeze %dma_start3A_15 : memref<1x640x128xf32, #tpu.memory_space<hbm>> -> memref<640x128xf32, #tpu.memory_space<hbm>>
      %dma_start3A_17 = arith.constant 0 : i32
      %dma_start3A_18 = tpu.memref_slice %arg13[%mul3A_12, %dma_start3A_17] : memref<10240x128xf32, #tpu.memory_space<vmem_shared>> -> memref<640x128xf32, #tpu.memory_space<vmem_shared>>
      tpu.enqueue_dma source(%dma_start3A_18 : memref<640x128xf32, #tpu.memory_space<vmem_shared>>) target(%dma_start3A_16 : memref<640x128xf32, #tpu.memory_space<hbm>>) target_semaphore(%run_scoped3A : memref<!tpu.dma_semaphore, #tpu.memory_space<semaphore_mem>>)
      %dma_wait3A = arith.constant 0 : i32
      %dma_wait3A_19 = tpu.memref_slice %arg6[%arg0, %mul3A_14, %dma_wait3A] : memref<2x10240x128xf32, #tpu.memory_space<hbm>> -> memref<1x640x128xf32, #tpu.memory_space<hbm>>
      %dma_wait3A_20 = tpu.memref_squeeze %dma_wait3A_19 : memref<1x640x128xf32, #tpu.memory_space<hbm>> -> memref<640x128xf32, #tpu.memory_space<hbm>>
      %dma_wait3A_21 = arith.constant 0 : i32
      %dma_wait3A_22 = tpu.memref_slice %arg13[%mul3A_12, %dma_wait3A_21] : memref<10240x128xf32, #tpu.memory_space<vmem_shared>> -> memref<640x128xf32, #tpu.memory_space<vmem_shared>>
      tpu.wait_dma2 semaphore(%run_scoped3A : memref<!tpu.dma_semaphore, #tpu.memory_space<semaphore_mem>>) src(%dma_wait3A_22 : memref<640x128xf32, #tpu.memory_space<vmem_shared>>) dst(%dma_wait3A_20 : memref<640x128xf32, #tpu.memory_space<hbm>>)
      tpu.yield
    }) : () -> ()
    return
  }
}

#map = affine_map<(d0, d1) -> (0, 0)>
#map1 = affine_map<(d0, d1) -> (0)>
module attributes {stable_mosaic.version = 14 : i64} {
  func.func @link_k(%arg0: i32, %arg1: i32, %arg2: memref<10000x128xf32, #tpu.memory_space<hbm>>, %arg3: memref<204800xi32, #tpu.memory_space<hbm>>, %arg4: memref<204800xi32, #tpu.memory_space<hbm>>, %arg5: memref<25600x128xf32, #tpu.memory_space<hbm>>, %arg6: memref<6400xi32, #tpu.memory_space<vmem>>, %arg7: memref<6400xi32, #tpu.memory_space<vmem>>, %arg8: memref<128x128xf32, #tpu.memory_space<vmem>>, %arg9: memref<128x128xf32, #tpu.memory_space<vmem>>, %arg10: memref<128x128xf32, #tpu.memory_space<vmem>>, %arg11: memref<128x128xf32, #tpu.memory_space<vmem>>, %arg12: memref<16x128xf32, #tpu.memory_space<vmem>>, %arg13: memref<!tpu.dma_semaphore, #tpu.memory_space<semaphore_mem>>) attributes {dimension_semantics = [#tpu.dimension_semantics<core_parallel>, #tpu.dimension_semantics<subcore_parallel>], iteration_bounds = array<i64: 2, 16>, scalar_prefetch = 0 : i64, scratch_operands = 8 : i64, tpu.core_type = #tpu.core_type<sc_vector_subcore>, window_params = [{transform_indices = #map}, {transform_indices = #map1}, {transform_indices = #map1}, {transform_indices = #map}]} {
    %mul3A = arith.constant 2 : i32
    %mul3A_0 = arith.muli %arg1, %mul3A : i32
    %add3A = arith.addi %mul3A_0, %arg0 : i32
    %mul3A_1 = arith.constant 6400 : i32
    %mul3A_2 = arith.muli %add3A, %mul3A_1 : i32
    %multiple_of3A = tpu.assume_multiple %mul3A_2, 8 : i32
    "tpu.region"() ({
      %run_scoped3A = tpu.sem_alloc : memref<!tpu.dma_semaphore, #tpu.memory_space<semaphore_mem>>
      %dma_start3A_26 = tpu.memref_slice %arg3[%multiple_of3A] : memref<204800xi32, #tpu.memory_space<hbm>> -> memref<6400xi32, #tpu.memory_space<hbm>>
      %dma_start3A_27 = tpu.memref_slice %arg3[%multiple_of3A] : memref<204800xi32, #tpu.memory_space<hbm>> -> memref<6400xi32, #tpu.memory_space<hbm>>
      tpu.enqueue_dma source(%dma_start3A_27 : memref<6400xi32, #tpu.memory_space<hbm>>) target(%arg6 : memref<6400xi32, #tpu.memory_space<vmem>>) target_semaphore(%run_scoped3A : memref<!tpu.dma_semaphore, #tpu.memory_space<semaphore_mem>>)
      %dma_wait3A_28 = tpu.memref_slice %arg3[%multiple_of3A] : memref<204800xi32, #tpu.memory_space<hbm>> -> memref<6400xi32, #tpu.memory_space<hbm>>
      %dma_wait3A_29 = tpu.memref_slice %arg3[%multiple_of3A] : memref<204800xi32, #tpu.memory_space<hbm>> -> memref<6400xi32, #tpu.memory_space<hbm>>
      tpu.wait_dma2 semaphore(%run_scoped3A : memref<!tpu.dma_semaphore, #tpu.memory_space<semaphore_mem>>) src(%dma_wait3A_29 : memref<6400xi32, #tpu.memory_space<hbm>>) dst(%arg6 : memref<6400xi32, #tpu.memory_space<vmem>>)
      tpu.yield
    }) : () -> ()
    "tpu.region"() ({
      %run_scoped3A = tpu.sem_alloc : memref<!tpu.dma_semaphore, #tpu.memory_space<semaphore_mem>>
      %dma_start3A_26 = tpu.memref_slice %arg4[%multiple_of3A] : memref<204800xi32, #tpu.memory_space<hbm>> -> memref<6400xi32, #tpu.memory_space<hbm>>
      %dma_start3A_27 = tpu.memref_slice %arg4[%multiple_of3A] : memref<204800xi32, #tpu.memory_space<hbm>> -> memref<6400xi32, #tpu.memory_space<hbm>>
      tpu.enqueue_dma source(%dma_start3A_27 : memref<6400xi32, #tpu.memory_space<hbm>>) target(%arg7 : memref<6400xi32, #tpu.memory_space<vmem>>) target_semaphore(%run_scoped3A : memref<!tpu.dma_semaphore, #tpu.memory_space<semaphore_mem>>)
      %dma_wait3A_28 = tpu.memref_slice %arg4[%multiple_of3A] : memref<204800xi32, #tpu.memory_space<hbm>> -> memref<6400xi32, #tpu.memory_space<hbm>>
      %dma_wait3A_29 = tpu.memref_slice %arg4[%multiple_of3A] : memref<204800xi32, #tpu.memory_space<hbm>> -> memref<6400xi32, #tpu.memory_space<hbm>>
      tpu.wait_dma2 semaphore(%run_scoped3A : memref<!tpu.dma_semaphore, #tpu.memory_space<semaphore_mem>>) src(%dma_wait3A_29 : memref<6400xi32, #tpu.memory_space<hbm>>) dst(%arg7 : memref<6400xi32, #tpu.memory_space<vmem>>)
      tpu.yield
    }) : () -> ()
    %multiple_of3A_3 = arith.constant 0 : i32
    %multiple_of3A_4 = tpu.assume_multiple %multiple_of3A_3, 8 : i32
    %dma_start3A = tpu.memref_slice %arg6[%multiple_of3A_4] : memref<6400xi32, #tpu.memory_space<vmem>> -> memref<128xi32, #tpu.memory_space<vmem>>
    %dma_start3A_5 = arith.constant 0 : i32
    %dma_start3A_6 = arith.constant 0 : i32
    %dma_start3A_7 = tpu.memref_slice %arg2[%dma_start3A_5, %dma_start3A_6] : memref<10000x128xf32, #tpu.memory_space<hbm>> -> memref<10000x128xf32, #tpu.memory_space<hbm>>
    tpu.enqueue_indirect_dma source(%dma_start3A_7 : memref<10000x128xf32, #tpu.memory_space<hbm>>) target(%arg8 : memref<128x128xf32, #tpu.memory_space<vmem>>) offsets(%dma_start3A : memref<128xi32, #tpu.memory_space<vmem>>) semaphore(%arg13 : memref<!tpu.dma_semaphore, #tpu.memory_space<semaphore_mem>>)
    %dma_start3A_8 = tpu.memref_slice %arg7[%multiple_of3A_4] : memref<6400xi32, #tpu.memory_space<vmem>> -> memref<128xi32, #tpu.memory_space<vmem>>
    %dma_start3A_9 = arith.constant 0 : i32
    %dma_start3A_10 = arith.constant 0 : i32
    %dma_start3A_11 = tpu.memref_slice %arg2[%dma_start3A_9, %dma_start3A_10] : memref<10000x128xf32, #tpu.memory_space<hbm>> -> memref<10000x128xf32, #tpu.memory_space<hbm>>
    tpu.enqueue_indirect_dma source(%dma_start3A_11 : memref<10000x128xf32, #tpu.memory_space<hbm>>) target(%arg9 : memref<128x128xf32, #tpu.memory_space<vmem>>) offsets(%dma_start3A_8 : memref<128xi32, #tpu.memory_space<vmem>>) semaphore(%arg13 : memref<!tpu.dma_semaphore, #tpu.memory_space<semaphore_mem>>)
    %scan3A = arith.constant 0 : i32
    %scan3A_12 = arith.constant 0 : i32
    %scan3A_13 = arith.constant 25 : i32
    %scan3A_14 = arith.addi %scan3A_12, %scan3A_13 : i32
    %scan3A_15 = arith.constant 1 : i32
    scf.for %scan3A_26 = %scan3A_12 to %scan3A_14 step %scan3A_15  : i32 {
      %mul3A_27 = arith.constant 2 : i32
      %mul3A_28 = arith.muli %mul3A_27, %scan3A_26 : i32
      %dma_wait3A_29 = arith.constant 0 : i32
      %dma_wait3A_30 = tpu.memref_slice %arg6[%dma_wait3A_29] : memref<6400xi32, #tpu.memory_space<vmem>> -> memref<128xi32, #tpu.memory_space<vmem>>
      %dma_wait3A_31 = arith.constant 0 : i32
      %dma_wait3A_32 = arith.constant 0 : i32
      %dma_wait3A_33 = tpu.memref_slice %arg2[%dma_wait3A_31, %dma_wait3A_32] : memref<10000x128xf32, #tpu.memory_space<hbm>> -> memref<10000x128xf32, #tpu.memory_space<hbm>>
      tpu.wait_indirect_dma semaphore(%arg13 : memref<!tpu.dma_semaphore, #tpu.memory_space<semaphore_mem>>) src(%dma_wait3A_33 : memref<10000x128xf32, #tpu.memory_space<hbm>>) dst(%arg8 : memref<128x128xf32, #tpu.memory_space<vmem>>)
      %dma_wait3A_34 = arith.constant 0 : i32
      %dma_wait3A_35 = tpu.memref_slice %arg7[%dma_wait3A_34] : memref<6400xi32, #tpu.memory_space<vmem>> -> memref<128xi32, #tpu.memory_space<vmem>>
      %dma_wait3A_36 = arith.constant 0 : i32
      %dma_wait3A_37 = arith.constant 0 : i32
      %dma_wait3A_38 = tpu.memref_slice %arg2[%dma_wait3A_36, %dma_wait3A_37] : memref<10000x128xf32, #tpu.memory_space<hbm>> -> memref<10000x128xf32, #tpu.memory_space<hbm>>
      tpu.wait_indirect_dma semaphore(%arg13 : memref<!tpu.dma_semaphore, #tpu.memory_space<semaphore_mem>>) src(%dma_wait3A_38 : memref<10000x128xf32, #tpu.memory_space<hbm>>) dst(%arg9 : memref<128x128xf32, #tpu.memory_space<vmem>>)
      %add3A_39 = arith.constant 1 : i32
      %add3A_40 = arith.addi %mul3A_28, %add3A_39 : i32
      %mul3A_41 = arith.constant 128 : i32
      %mul3A_42 = arith.muli %add3A_40, %mul3A_41 : i32
      %multiple_of3A_43 = tpu.assume_multiple %mul3A_42, 8 : i32
      %dma_start3A_44 = tpu.memref_slice %arg6[%multiple_of3A_43] : memref<6400xi32, #tpu.memory_space<vmem>> -> memref<128xi32, #tpu.memory_space<vmem>>
      %dma_start3A_45 = arith.constant 0 : i32
      %dma_start3A_46 = arith.constant 0 : i32
      %dma_start3A_47 = tpu.memref_slice %arg2[%dma_start3A_45, %dma_start3A_46] : memref<10000x128xf32, #tpu.memory_space<hbm>> -> memref<10000x128xf32, #tpu.memory_space<hbm>>
      tpu.enqueue_indirect_dma source(%dma_start3A_47 : memref<10000x128xf32, #tpu.memory_space<hbm>>) target(%arg10 : memref<128x128xf32, #tpu.memory_space<vmem>>) offsets(%dma_start3A_44 : memref<128xi32, #tpu.memory_space<vmem>>) semaphore(%arg13 : memref<!tpu.dma_semaphore, #tpu.memory_space<semaphore_mem>>)
      %dma_start3A_48 = tpu.memref_slice %arg7[%multiple_of3A_43] : memref<6400xi32, #tpu.memory_space<vmem>> -> memref<128xi32, #tpu.memory_space<vmem>>
      %dma_start3A_49 = arith.constant 0 : i32
      %dma_start3A_50 = arith.constant 0 : i32
      %dma_start3A_51 = tpu.memref_slice %arg2[%dma_start3A_49, %dma_start3A_50] : memref<10000x128xf32, #tpu.memory_space<hbm>> -> memref<10000x128xf32, #tpu.memory_space<hbm>>
      tpu.enqueue_indirect_dma source(%dma_start3A_51 : memref<10000x128xf32, #tpu.memory_space<hbm>>) target(%arg11 : memref<128x128xf32, #tpu.memory_space<vmem>>) offsets(%dma_start3A_48 : memref<128xi32, #tpu.memory_space<vmem>>) semaphore(%arg13 : memref<!tpu.dma_semaphore, #tpu.memory_space<semaphore_mem>>)
      %parallel_loop3A = arith.constant 0 : i32
      %parallel_loop3A_52 = arith.constant 128 : i32
      %parallel_loop3A_53 = arith.constant 1 : i32
      scf.for %parallel_loop3A_131 = %parallel_loop3A to %parallel_loop3A_52 step %parallel_loop3A_53  : i32 {
        %parallel_loop3A_132 = arith.index_cast %parallel_loop3A_131 : i32 to index
        %parallel_loop3A_133 = arith.constant 0 : index
        %parallel_loop3A_134 = tpu.vector_load %arg8[%parallel_loop3A_132, %parallel_loop3A_133] {strides = array<i32>} : memref<128x128xf32, #tpu.memory_space<vmem>>, vector<1x16xf32>,
        %parallel_loop3A_135 = vector.shape_cast %parallel_loop3A_134 : vector<1x16xf32> to vector<16xf32>
        %parallel_loop3A_136 = arith.index_cast %parallel_loop3A_131 : i32 to index
        %parallel_loop3A_137 = arith.constant 0 : index
        %parallel_loop3A_138 = tpu.vector_load %arg9[%parallel_loop3A_136, %parallel_loop3A_137] {strides = array<i32>} : memref<128x128xf32, #tpu.memory_space<vmem>>, vector<1x16xf32>,
        %parallel_loop3A_139 = vector.shape_cast %parallel_loop3A_138 : vector<1x16xf32> to vector<16xf32>
        %parallel_loop3A_140 = arith.mulf %parallel_loop3A_135, %parallel_loop3A_139 : vector<16xf32>
        %parallel_loop3A_141 = arith.index_cast %parallel_loop3A_131 : i32 to index
        %parallel_loop3A_142 = arith.constant 16 : index
        %parallel_loop3A_143 = tpu.vector_load %arg8[%parallel_loop3A_141, %parallel_loop3A_142] {strides = array<i32>} : memref<128x128xf32, #tpu.memory_space<vmem>>, vector<1x16xf32>,
        %parallel_loop3A_144 = vector.shape_cast %parallel_loop3A_143 : vector<1x16xf32> to vector<16xf32>
        %parallel_loop3A_145 = arith.index_cast %parallel_loop3A_131 : i32 to index
        %parallel_loop3A_146 = arith.constant 16 : index
        %parallel_loop3A_147 = tpu.vector_load %arg9[%parallel_loop3A_145, %parallel_loop3A_146] {strides = array<i32>} : memref<128x128xf32, #tpu.memory_space<vmem>>, vector<1x16xf32>,
        %parallel_loop3A_148 = vector.shape_cast %parallel_loop3A_147 : vector<1x16xf32> to vector<16xf32>
        %parallel_loop3A_149 = arith.mulf %parallel_loop3A_144, %parallel_loop3A_148 : vector<16xf32>
        %parallel_loop3A_150 = arith.addf %parallel_loop3A_140, %parallel_loop3A_149 : vector<16xf32>
        %parallel_loop3A_151 = arith.index_cast %parallel_loop3A_131 : i32 to index
        %parallel_loop3A_152 = arith.constant 32 : index
        %parallel_loop3A_153 = tpu.vector_load %arg8[%parallel_loop3A_151, %parallel_loop3A_152] {strides = array<i32>} : memref<128x128xf32, #tpu.memory_space<vmem>>, vector<1x16xf32>,
        %parallel_loop3A_154 = vector.shape_cast %parallel_loop3A_153 : vector<1x16xf32> to vector<16xf32>
        %parallel_loop3A_155 = arith.index_cast %parallel_loop3A_131 : i32 to index
        %parallel_loop3A_156 = arith.constant 32 : index
        %parallel_loop3A_157 = tpu.vector_load %arg9[%parallel_loop3A_155, %parallel_loop3A_156] {strides = array<i32>} : memref<128x128xf32, #tpu.memory_space<vmem>>, vector<1x16xf32>,
        %parallel_loop3A_158 = vector.shape_cast %parallel_loop3A_157 : vector<1x16xf32> to vector<16xf32>
        %parallel_loop3A_159 = arith.mulf %parallel_loop3A_154, %parallel_loop3A_158 : vector<16xf32>
        %parallel_loop3A_160 = arith.addf %parallel_loop3A_150, %parallel_loop3A_159 : vector<16xf32>
        %parallel_loop3A_161 = arith.index_cast %parallel_loop3A_131 : i32 to index
        %parallel_loop3A_162 = arith.constant 48 : index
        %parallel_loop3A_163 = tpu.vector_load %arg8[%parallel_loop3A_161, %parallel_loop3A_162] {strides = array<i32>} : memref<128x128xf32, #tpu.memory_space<vmem>>, vector<1x16xf32>,
        %parallel_loop3A_164 = vector.shape_cast %parallel_loop3A_163 : vector<1x16xf32> to vector<16xf32>
        %parallel_loop3A_165 = arith.index_cast %parallel_loop3A_131 : i32 to index
        %parallel_loop3A_166 = arith.constant 48 : index
        %parallel_loop3A_167 = tpu.vector_load %arg9[%parallel_loop3A_165, %parallel_loop3A_166] {strides = array<i32>} : memref<128x128xf32, #tpu.memory_space<vmem>>, vector<1x16xf32>,
        %parallel_loop3A_168 = vector.shape_cast %parallel_loop3A_167 : vector<1x16xf32> to vector<16xf32>
        %parallel_loop3A_169 = arith.mulf %parallel_loop3A_164, %parallel_loop3A_168 : vector<16xf32>
        %parallel_loop3A_170 = arith.addf %parallel_loop3A_160, %parallel_loop3A_169 : vector<16xf32>
        %parallel_loop3A_171 = arith.index_cast %parallel_loop3A_131 : i32 to index
        %parallel_loop3A_172 = arith.constant 64 : index
        %parallel_loop3A_173 = tpu.vector_load %arg8[%parallel_loop3A_171, %parallel_loop3A_172] {strides = array<i32>} : memref<128x128xf32, #tpu.memory_space<vmem>>, vector<1x16xf32>,
        %parallel_loop3A_174 = vector.shape_cast %parallel_loop3A_173 : vector<1x16xf32> to vector<16xf32>
        %parallel_loop3A_175 = arith.index_cast %parallel_loop3A_131 : i32 to index
        %parallel_loop3A_176 = arith.constant 64 : index
        %parallel_loop3A_177 = tpu.vector_load %arg9[%parallel_loop3A_175, %parallel_loop3A_176] {strides = array<i32>} : memref<128x128xf32, #tpu.memory_space<vmem>>, vector<1x16xf32>,
        %parallel_loop3A_178 = vector.shape_cast %parallel_loop3A_177 : vector<1x16xf32> to vector<16xf32>
        %parallel_loop3A_179 = arith.mulf %parallel_loop3A_174, %parallel_loop3A_178 : vector<16xf32>
        %parallel_loop3A_180 = arith.addf %parallel_loop3A_170, %parallel_loop3A_179 : vector<16xf32>
        %parallel_loop3A_181 = arith.index_cast %parallel_loop3A_131 : i32 to index
        %parallel_loop3A_182 = arith.constant 80 : index
        %parallel_loop3A_183 = tpu.vector_load %arg8[%parallel_loop3A_181, %parallel_loop3A_182] {strides = array<i32>} : memref<128x128xf32, #tpu.memory_space<vmem>>, vector<1x16xf32>,
        %parallel_loop3A_184 = vector.shape_cast %parallel_loop3A_183 : vector<1x16xf32> to vector<16xf32>
        %parallel_loop3A_185 = arith.index_cast %parallel_loop3A_131 : i32 to index
        %parallel_loop3A_186 = arith.constant 80 : index
        %parallel_loop3A_187 = tpu.vector_load %arg9[%parallel_loop3A_185, %parallel_loop3A_186] {strides = array<i32>} : memref<128x128xf32, #tpu.memory_space<vmem>>, vector<1x16xf32>,
        %parallel_loop3A_188 = vector.shape_cast %parallel_loop3A_187 : vector<1x16xf32> to vector<16xf32>
        %parallel_loop3A_189 = arith.mulf %parallel_loop3A_184, %parallel_loop3A_188 : vector<16xf32>
        %parallel_loop3A_190 = arith.addf %parallel_loop3A_180, %parallel_loop3A_189 : vector<16xf32>
        %parallel_loop3A_191 = arith.index_cast %parallel_loop3A_131 : i32 to index
        %parallel_loop3A_192 = arith.constant 96 : index
        %parallel_loop3A_193 = tpu.vector_load %arg8[%parallel_loop3A_191, %parallel_loop3A_192] {strides = array<i32>} : memref<128x128xf32, #tpu.memory_space<vmem>>, vector<1x16xf32>,
        %parallel_loop3A_194 = vector.shape_cast %parallel_loop3A_193 : vector<1x16xf32> to vector<16xf32>
        %parallel_loop3A_195 = arith.index_cast %parallel_loop3A_131 : i32 to index
        %parallel_loop3A_196 = arith.constant 96 : index
        %parallel_loop3A_197 = tpu.vector_load %arg9[%parallel_loop3A_195, %parallel_loop3A_196] {strides = array<i32>} : memref<128x128xf32, #tpu.memory_space<vmem>>, vector<1x16xf32>,
        %parallel_loop3A_198 = vector.shape_cast %parallel_loop3A_197 : vector<1x16xf32> to vector<16xf32>
        %parallel_loop3A_199 = arith.mulf %parallel_loop3A_194, %parallel_loop3A_198 : vector<16xf32>
        %parallel_loop3A_200 = arith.addf %parallel_loop3A_190, %parallel_loop3A_199 : vector<16xf32>
        %parallel_loop3A_201 = arith.index_cast %parallel_loop3A_131 : i32 to index
        %parallel_loop3A_202 = arith.constant 112 : index
        %parallel_loop3A_203 = tpu.vector_load %arg8[%parallel_loop3A_201, %parallel_loop3A_202] {strides = array<i32>} : memref<128x128xf32, #tpu.memory_space<vmem>>, vector<1x16xf32>,
        %parallel_loop3A_204 = vector.shape_cast %parallel_loop3A_203 : vector<1x16xf32> to vector<16xf32>
        %parallel_loop3A_205 = arith.index_cast %parallel_loop3A_131 : i32 to index
        %parallel_loop3A_206 = arith.constant 112 : index
        %parallel_loop3A_207 = tpu.vector_load %arg9[%parallel_loop3A_205, %parallel_loop3A_206] {strides = array<i32>} : memref<128x128xf32, #tpu.memory_space<vmem>>, vector<1x16xf32>,
        %parallel_loop3A_208 = vector.shape_cast %parallel_loop3A_207 : vector<1x16xf32> to vector<16xf32>
        %parallel_loop3A_209 = arith.mulf %parallel_loop3A_204, %parallel_loop3A_208 : vector<16xf32>
        %parallel_loop3A_210 = arith.addf %parallel_loop3A_200, %parallel_loop3A_209 : vector<16xf32>
        %parallel_loop3A_211 = arith.constant 8 : i32
        %parallel_loop3A_212 = arith.divsi %parallel_loop3A_131, %parallel_loop3A_211 : i32
        %parallel_loop3A_213 = arith.constant 0 : i32
        %parallel_loop3A_214 = arith.cmpi sgt, %parallel_loop3A_131, %parallel_loop3A_213 : i32
        %parallel_loop3A_215 = arith.extui %parallel_loop3A_214 : i1 to i32
        %parallel_loop3A_216 = arith.constant 0 : i32
        %parallel_loop3A_217 = arith.cmpi slt, %parallel_loop3A_131, %parallel_loop3A_216 : i32
        %parallel_loop3A_218 = arith.extui %parallel_loop3A_217 : i1 to i32
        %parallel_loop3A_219 = arith.subi %parallel_loop3A_215, %parallel_loop3A_218 : i32
        %parallel_loop3A_220 = arith.constant 0 : i32
        %parallel_loop3A_221 = arith.cmpi sgt, %parallel_loop3A_211, %parallel_loop3A_220 : i32
        %parallel_loop3A_222 = arith.extui %parallel_loop3A_221 : i1 to i32
        %parallel_loop3A_223 = arith.constant 0 : i32
        %parallel_loop3A_224 = arith.cmpi slt, %parallel_loop3A_211, %parallel_loop3A_223 : i32
        %parallel_loop3A_225 = arith.extui %parallel_loop3A_224 : i1 to i32
        %parallel_loop3A_226 = arith.subi %parallel_loop3A_222, %parallel_loop3A_225 : i32
        %parallel_loop3A_227 = arith.cmpi ne, %parallel_loop3A_219, %parallel_loop3A_226 : i32
        %parallel_loop3A_228 = arith.remsi %parallel_loop3A_131, %parallel_loop3A_211 : i32
        %parallel_loop3A_229 = arith.constant 0 : i32
        %parallel_loop3A_230 = arith.cmpi ne, %parallel_loop3A_228, %parallel_loop3A_229 : i32
        %parallel_loop3A_231 = arith.andi %parallel_loop3A_227, %parallel_loop3A_230 : i1
        %parallel_loop3A_232 = arith.constant 1 : i32
        %parallel_loop3A_233 = arith.subi %parallel_loop3A_212, %parallel_loop3A_232 : i32
        %parallel_loop3A_234 = arith.select %parallel_loop3A_231, %parallel_loop3A_233, %parallel_loop3A_212 : i32
        %parallel_loop3A_235 = arith.constant 8 : i32
        %parallel_loop3A_236 = arith.constant 0 : i32
        %parallel_loop3A_237 = arith.cmpi eq, %parallel_loop3A_235, %parallel_loop3A_236 : i32
        %parallel_loop3A_238 = arith.constant 1 : i32
        %parallel_loop3A_239 = arith.select %parallel_loop3A_237, %parallel_loop3A_238, %parallel_loop3A_235 : i32
        %parallel_loop3A_240 = arith.remsi %parallel_loop3A_131, %parallel_loop3A_239 : i32
        %parallel_loop3A_241 = arith.constant 0 : i32
        %parallel_loop3A_242 = arith.cmpi ne, %parallel_loop3A_240, %parallel_loop3A_241 : i32
        %parallel_loop3A_243 = arith.constant 0 : i32
        %parallel_loop3A_244 = arith.cmpi slt, %parallel_loop3A_240, %parallel_loop3A_243 : i32
        %parallel_loop3A_245 = arith.constant 0 : i32
        %parallel_loop3A_246 = arith.cmpi slt, %parallel_loop3A_239, %parallel_loop3A_245 : i32
        %parallel_loop3A_247 = arith.xori %parallel_loop3A_244, %parallel_loop3A_246 : i1
        %parallel_loop3A_248 = arith.andi %parallel_loop3A_247, %parallel_loop3A_242 : i1
        %parallel_loop3A_249 = arith.addi %parallel_loop3A_240, %parallel_loop3A_239 : i32
        %parallel_loop3A_250 = arith.select %parallel_loop3A_248, %parallel_loop3A_249, %parallel_loop3A_240 : i32
        %parallel_loop3A_251 = arith.constant 16 : i32
        %parallel_loop3A_252 = arith.muli %parallel_loop3A_250, %parallel_loop3A_251 : i32
        %parallel_loop3A_253 = arith.index_cast %parallel_loop3A_234 : i32 to index
        %parallel_loop3A_254 = arith.index_cast %parallel_loop3A_252 : i32 to index
        %parallel_loop3A_255 = tpu.vector_load %arg12[%parallel_loop3A_253, %parallel_loop3A_254] {strides = array<i32>} : memref<16x128xf32, #tpu.memory_space<vmem>>, vector<1x16xf32>,
        %parallel_loop3A_256 = vector.shape_cast %parallel_loop3A_255 : vector<1x16xf32> to vector<16xf32>
        %parallel_loop3A_257 = vector.shape_cast %parallel_loop3A_210 : vector<16xf32> to vector<1x16xf32>
        tpu.vector_store %arg12[%parallel_loop3A_253, %parallel_loop3A_254], %parallel_loop3A_257 {strides = array<i32>} : memref<16x128xf32, #tpu.memory_space<vmem>>, vector<1x16xf32>,
      } {sc.loop_unroll_factor = 4 : i64, sc.parallel_access}
      %mul3A_54 = arith.constant 128 : i32
      %mul3A_55 = arith.muli %mul3A_28, %mul3A_54 : i32
      %add3A_56 = arith.addi %multiple_of3A, %mul3A_55 : i32
      %jit3A = arith.constant 8 : i32
      %div3A = arith.divsi %add3A_56, %jit3A : i32
      %sign3A = arith.constant 0 : i32
      %sign3A_57 = arith.cmpi sgt, %add3A_56, %sign3A : i32
      %sign3A_58 = arith.extui %sign3A_57 : i1 to i32
      %sign3A_59 = arith.constant 0 : i32
      %sign3A_60 = arith.cmpi slt, %add3A_56, %sign3A_59 : i32
      %sign3A_61 = arith.extui %sign3A_60 : i1 to i32
      %sign3A_62 = arith.subi %sign3A_58, %sign3A_61 : i32
      %sign3A_63 = arith.constant 0 : i32
      %sign3A_64 = arith.cmpi sgt, %jit3A, %sign3A_63 : i32
      %sign3A_65 = arith.extui %sign3A_64 : i1 to i32
      %sign3A_66 = arith.constant 0 : i32
      %sign3A_67 = arith.cmpi slt, %jit3A, %sign3A_66 : i32
      %sign3A_68 = arith.extui %sign3A_67 : i1 to i32
      %sign3A_69 = arith.subi %sign3A_65, %sign3A_68 : i32
      %ne3A = arith.cmpi ne, %sign3A_62, %sign3A_69 : i32
      %rem3A = arith.remsi %add3A_56, %jit3A : i32
      %ne3A_70 = arith.constant 0 : i32
      %ne3A_71 = arith.cmpi ne, %rem3A, %ne3A_70 : i32
      %and3A = arith.andi %ne3A, %ne3A_71 : i1
      %sub3A = arith.constant 1 : i32
      %sub3A_72 = arith.subi %div3A, %sub3A : i32
      %select_n3A = arith.select %and3A, %sub3A_72, %div3A : i32
      %multiple_of3A_73 = tpu.assume_multiple %select_n3A, 8 : i32
      "tpu.region"() ({
        %run_scoped3A = tpu.sem_alloc : memref<!tpu.dma_semaphore, #tpu.memory_space<semaphore_mem>>
        %dma_start3A_131 = arith.constant 0 : i32
        %dma_start3A_132 = tpu.memref_slice %arg5[%multiple_of3A_73, %dma_start3A_131] : memref<25600x128xf32, #tpu.memory_space<hbm>> -> memref<16x128xf32, #tpu.memory_space<hbm>>
        %dma_start3A_133 = arith.constant 0 : i32
        %dma_start3A_134 = tpu.memref_slice %arg5[%multiple_of3A_73, %dma_start3A_133] : memref<25600x128xf32, #tpu.memory_space<hbm>> -> memref<16x128xf32, #tpu.memory_space<hbm>>
        tpu.enqueue_dma source(%arg12 : memref<16x128xf32, #tpu.memory_space<vmem>>) target(%dma_start3A_134 : memref<16x128xf32, #tpu.memory_space<hbm>>) target_semaphore(%run_scoped3A : memref<!tpu.dma_semaphore, #tpu.memory_space<semaphore_mem>>)
        %dma_wait3A_135 = arith.constant 0 : i32
        %dma_wait3A_136 = tpu.memref_slice %arg5[%multiple_of3A_73, %dma_wait3A_135] : memref<25600x128xf32, #tpu.memory_space<hbm>> -> memref<16x128xf32, #tpu.memory_space<hbm>>
        %dma_wait3A_137 = arith.constant 0 : i32
        %dma_wait3A_138 = tpu.memref_slice %arg5[%multiple_of3A_73, %dma_wait3A_137] : memref<25600x128xf32, #tpu.memory_space<hbm>> -> memref<16x128xf32, #tpu.memory_space<hbm>>
        tpu.wait_dma2 semaphore(%run_scoped3A : memref<!tpu.dma_semaphore, #tpu.memory_space<semaphore_mem>>) src(%arg12 : memref<16x128xf32, #tpu.memory_space<vmem>>) dst(%dma_wait3A_138 : memref<16x128xf32, #tpu.memory_space<hbm>>)
        tpu.yield
      }) : () -> ()
      %dma_wait3A_74 = arith.constant 0 : i32
      %dma_wait3A_75 = tpu.memref_slice %arg6[%dma_wait3A_74] : memref<6400xi32, #tpu.memory_space<vmem>> -> memref<128xi32, #tpu.memory_space<vmem>>
      %dma_wait3A_76 = arith.constant 0 : i32
      %dma_wait3A_77 = arith.constant 0 : i32
      %dma_wait3A_78 = tpu.memref_slice %arg2[%dma_wait3A_76, %dma_wait3A_77] : memref<10000x128xf32, #tpu.memory_space<hbm>> -> memref<10000x128xf32, #tpu.memory_space<hbm>>
      tpu.wait_indirect_dma semaphore(%arg13 : memref<!tpu.dma_semaphore, #tpu.memory_space<semaphore_mem>>) src(%dma_wait3A_78 : memref<10000x128xf32, #tpu.memory_space<hbm>>) dst(%arg10 : memref<128x128xf32, #tpu.memory_space<vmem>>)
      %dma_wait3A_79 = arith.constant 0 : i32
      %dma_wait3A_80 = tpu.memref_slice %arg7[%dma_wait3A_79] : memref<6400xi32, #tpu.memory_space<vmem>> -> memref<128xi32, #tpu.memory_space<vmem>>
      %dma_wait3A_81 = arith.constant 0 : i32
      %dma_wait3A_82 = arith.constant 0 : i32
      %dma_wait3A_83 = tpu.memref_slice %arg2[%dma_wait3A_81, %dma_wait3A_82] : memref<10000x128xf32, #tpu.memory_space<hbm>> -> memref<10000x128xf32, #tpu.memory_space<hbm>>
      tpu.wait_indirect_dma semaphore(%arg13 : memref<!tpu.dma_semaphore, #tpu.memory_space<semaphore_mem>>) src(%dma_wait3A_83 : memref<10000x128xf32, #tpu.memory_space<hbm>>) dst(%arg11 : memref<128x128xf32, #tpu.memory_space<vmem>>)
      %add3A_84 = arith.constant 2 : i32
      %add3A_85 = arith.addi %mul3A_28, %add3A_84 : i32
      %min3A = arith.constant 49 : i32
      %min3A_86 = arith.minsi %add3A_85, %min3A : i32
      %mul3A_87 = arith.constant 128 : i32
      %mul3A_88 = arith.muli %min3A_86, %mul3A_87 : i32
      %multiple_of3A_89 = tpu.assume_multiple %mul3A_88, 8 : i32
      %dma_start3A_90 = tpu.memref_slice %arg6[%multiple_of3A_89] : memref<6400xi32, #tpu.memory_space<vmem>> -> memref<128xi32, #tpu.memory_space<vmem>>
      %dma_start3A_91 = arith.constant 0 : i32
      %dma_start3A_92 = arith.constant 0 : i32
      %dma_start3A_93 = tpu.memref_slice %arg2[%dma_start3A_91, %dma_start3A_92] : memref<10000x128xf32, #tpu.memory_space<hbm>> -> memref<10000x128xf32, #tpu.memory_space<hbm>>
      tpu.enqueue_indirect_dma source(%dma_start3A_93 : memref<10000x128xf32, #tpu.memory_space<hbm>>) target(%arg8 : memref<128x128xf32, #tpu.memory_space<vmem>>) offsets(%dma_start3A_90 : memref<128xi32, #tpu.memory_space<vmem>>) semaphore(%arg13 : memref<!tpu.dma_semaphore, #tpu.memory_space<semaphore_mem>>)
      %dma_start3A_94 = tpu.memref_slice %arg7[%multiple_of3A_89] : memref<6400xi32, #tpu.memory_space<vmem>> -> memref<128xi32, #tpu.memory_space<vmem>>
      %dma_start3A_95 = arith.constant 0 : i32
      %dma_start3A_96 = arith.constant 0 : i32
      %dma_start3A_97 = tpu.memref_slice %arg2[%dma_start3A_95, %dma_start3A_96] : memref<10000x128xf32, #tpu.memory_space<hbm>> -> memref<10000x128xf32, #tpu.memory_space<hbm>>
      tpu.enqueue_indirect_dma source(%dma_start3A_97 : memref<10000x128xf32, #tpu.memory_space<hbm>>) target(%arg9 : memref<128x128xf32, #tpu.memory_space<vmem>>) offsets(%dma_start3A_94 : memref<128xi32, #tpu.memory_space<vmem>>) semaphore(%arg13 : memref<!tpu.dma_semaphore, #tpu.memory_space<semaphore_mem>>)
      %add3A_98 = arith.constant 1 : i32
      %add3A_99 = arith.addi %mul3A_28, %add3A_98 : i32
      %parallel_loop3A_100 = arith.constant 0 : i32
      %parallel_loop3A_101 = arith.constant 128 : i32
      %parallel_loop3A_102 = arith.constant 1 : i32
      scf.for %parallel_loop3A_131 = %parallel_loop3A_100 to %parallel_loop3A_101 step %parallel_loop3A_102  : i32 {
        %parallel_loop3A_132 = arith.index_cast %parallel_loop3A_131 : i32 to index
        %parallel_loop3A_133 = arith.constant 0 : index
        %parallel_loop3A_134 = tpu.vector_load %arg10[%parallel_loop3A_132, %parallel_loop3A_133] {strides = array<i32>} : memref<128x128xf32, #tpu.memory_space<vmem>>, vector<1x16xf32>,
        %parallel_loop3A_135 = vector.shape_cast %parallel_loop3A_134 : vector<1x16xf32> to vector<16xf32>
        %parallel_loop3A_136 = arith.index_cast %parallel_loop3A_131 : i32 to index
        %parallel_loop3A_137 = arith.constant 0 : index
        %parallel_loop3A_138 = tpu.vector_load %arg11[%parallel_loop3A_136, %parallel_loop3A_137] {strides = array<i32>} : memref<128x128xf32, #tpu.memory_space<vmem>>, vector<1x16xf32>,
        %parallel_loop3A_139 = vector.shape_cast %parallel_loop3A_138 : vector<1x16xf32> to vector<16xf32>
        %parallel_loop3A_140 = arith.mulf %parallel_loop3A_135, %parallel_loop3A_139 : vector<16xf32>
        %parallel_loop3A_141 = arith.index_cast %parallel_loop3A_131 : i32 to index
        %parallel_loop3A_142 = arith.constant 16 : index
        %parallel_loop3A_143 = tpu.vector_load %arg10[%parallel_loop3A_141, %parallel_loop3A_142] {strides = array<i32>} : memref<128x128xf32, #tpu.memory_space<vmem>>, vector<1x16xf32>,
        %parallel_loop3A_144 = vector.shape_cast %parallel_loop3A_143 : vector<1x16xf32> to vector<16xf32>
        %parallel_loop3A_145 = arith.index_cast %parallel_loop3A_131 : i32 to index
        %parallel_loop3A_146 = arith.constant 16 : index
        %parallel_loop3A_147 = tpu.vector_load %arg11[%parallel_loop3A_145, %parallel_loop3A_146] {strides = array<i32>} : memref<128x128xf32, #tpu.memory_space<vmem>>, vector<1x16xf32>,
        %parallel_loop3A_148 = vector.shape_cast %parallel_loop3A_147 : vector<1x16xf32> to vector<16xf32>
        %parallel_loop3A_149 = arith.mulf %parallel_loop3A_144, %parallel_loop3A_148 : vector<16xf32>
        %parallel_loop3A_150 = arith.addf %parallel_loop3A_140, %parallel_loop3A_149 : vector<16xf32>
        %parallel_loop3A_151 = arith.index_cast %parallel_loop3A_131 : i32 to index
        %parallel_loop3A_152 = arith.constant 32 : index
        %parallel_loop3A_153 = tpu.vector_load %arg10[%parallel_loop3A_151, %parallel_loop3A_152] {strides = array<i32>} : memref<128x128xf32, #tpu.memory_space<vmem>>, vector<1x16xf32>,
        %parallel_loop3A_154 = vector.shape_cast %parallel_loop3A_153 : vector<1x16xf32> to vector<16xf32>
        %parallel_loop3A_155 = arith.index_cast %parallel_loop3A_131 : i32 to index
        %parallel_loop3A_156 = arith.constant 32 : index
        %parallel_loop3A_157 = tpu.vector_load %arg11[%parallel_loop3A_155, %parallel_loop3A_156] {strides = array<i32>} : memref<128x128xf32, #tpu.memory_space<vmem>>, vector<1x16xf32>,
        %parallel_loop3A_158 = vector.shape_cast %parallel_loop3A_157 : vector<1x16xf32> to vector<16xf32>
        %parallel_loop3A_159 = arith.mulf %parallel_loop3A_154, %parallel_loop3A_158 : vector<16xf32>
        %parallel_loop3A_160 = arith.addf %parallel_loop3A_150, %parallel_loop3A_159 : vector<16xf32>
        %parallel_loop3A_161 = arith.index_cast %parallel_loop3A_131 : i32 to index
        %parallel_loop3A_162 = arith.constant 48 : index
        %parallel_loop3A_163 = tpu.vector_load %arg10[%parallel_loop3A_161, %parallel_loop3A_162] {strides = array<i32>} : memref<128x128xf32, #tpu.memory_space<vmem>>, vector<1x16xf32>,
        %parallel_loop3A_164 = vector.shape_cast %parallel_loop3A_163 : vector<1x16xf32> to vector<16xf32>
        %parallel_loop3A_165 = arith.index_cast %parallel_loop3A_131 : i32 to index
        %parallel_loop3A_166 = arith.constant 48 : index
        %parallel_loop3A_167 = tpu.vector_load %arg11[%parallel_loop3A_165, %parallel_loop3A_166] {strides = array<i32>} : memref<128x128xf32, #tpu.memory_space<vmem>>, vector<1x16xf32>,
        %parallel_loop3A_168 = vector.shape_cast %parallel_loop3A_167 : vector<1x16xf32> to vector<16xf32>
        %parallel_loop3A_169 = arith.mulf %parallel_loop3A_164, %parallel_loop3A_168 : vector<16xf32>
        %parallel_loop3A_170 = arith.addf %parallel_loop3A_160, %parallel_loop3A_169 : vector<16xf32>
        %parallel_loop3A_171 = arith.index_cast %parallel_loop3A_131 : i32 to index
        %parallel_loop3A_172 = arith.constant 64 : index
        %parallel_loop3A_173 = tpu.vector_load %arg10[%parallel_loop3A_171, %parallel_loop3A_172] {strides = array<i32>} : memref<128x128xf32, #tpu.memory_space<vmem>>, vector<1x16xf32>,
        %parallel_loop3A_174 = vector.shape_cast %parallel_loop3A_173 : vector<1x16xf32> to vector<16xf32>
        %parallel_loop3A_175 = arith.index_cast %parallel_loop3A_131 : i32 to index
        %parallel_loop3A_176 = arith.constant 64 : index
        %parallel_loop3A_177 = tpu.vector_load %arg11[%parallel_loop3A_175, %parallel_loop3A_176] {strides = array<i32>} : memref<128x128xf32, #tpu.memory_space<vmem>>, vector<1x16xf32>,
        %parallel_loop3A_178 = vector.shape_cast %parallel_loop3A_177 : vector<1x16xf32> to vector<16xf32>
        %parallel_loop3A_179 = arith.mulf %parallel_loop3A_174, %parallel_loop3A_178 : vector<16xf32>
        %parallel_loop3A_180 = arith.addf %parallel_loop3A_170, %parallel_loop3A_179 : vector<16xf32>
        %parallel_loop3A_181 = arith.index_cast %parallel_loop3A_131 : i32 to index
        %parallel_loop3A_182 = arith.constant 80 : index
        %parallel_loop3A_183 = tpu.vector_load %arg10[%parallel_loop3A_181, %parallel_loop3A_182] {strides = array<i32>} : memref<128x128xf32, #tpu.memory_space<vmem>>, vector<1x16xf32>,
        %parallel_loop3A_184 = vector.shape_cast %parallel_loop3A_183 : vector<1x16xf32> to vector<16xf32>
        %parallel_loop3A_185 = arith.index_cast %parallel_loop3A_131 : i32 to index
        %parallel_loop3A_186 = arith.constant 80 : index
        %parallel_loop3A_187 = tpu.vector_load %arg11[%parallel_loop3A_185, %parallel_loop3A_186] {strides = array<i32>} : memref<128x128xf32, #tpu.memory_space<vmem>>, vector<1x16xf32>,
        %parallel_loop3A_188 = vector.shape_cast %parallel_loop3A_187 : vector<1x16xf32> to vector<16xf32>
        %parallel_loop3A_189 = arith.mulf %parallel_loop3A_184, %parallel_loop3A_188 : vector<16xf32>
        %parallel_loop3A_190 = arith.addf %parallel_loop3A_180, %parallel_loop3A_189 : vector<16xf32>
        %parallel_loop3A_191 = arith.index_cast %parallel_loop3A_131 : i32 to index
        %parallel_loop3A_192 = arith.constant 96 : index
        %parallel_loop3A_193 = tpu.vector_load %arg10[%parallel_loop3A_191, %parallel_loop3A_192] {strides = array<i32>} : memref<128x128xf32, #tpu.memory_space<vmem>>, vector<1x16xf32>,
        %parallel_loop3A_194 = vector.shape_cast %parallel_loop3A_193 : vector<1x16xf32> to vector<16xf32>
        %parallel_loop3A_195 = arith.index_cast %parallel_loop3A_131 : i32 to index
        %parallel_loop3A_196 = arith.constant 96 : index
        %parallel_loop3A_197 = tpu.vector_load %arg11[%parallel_loop3A_195, %parallel_loop3A_196] {strides = array<i32>} : memref<128x128xf32, #tpu.memory_space<vmem>>, vector<1x16xf32>,
        %parallel_loop3A_198 = vector.shape_cast %parallel_loop3A_197 : vector<1x16xf32> to vector<16xf32>
        %parallel_loop3A_199 = arith.mulf %parallel_loop3A_194, %parallel_loop3A_198 : vector<16xf32>
        %parallel_loop3A_200 = arith.addf %parallel_loop3A_190, %parallel_loop3A_199 : vector<16xf32>
        %parallel_loop3A_201 = arith.index_cast %parallel_loop3A_131 : i32 to index
        %parallel_loop3A_202 = arith.constant 112 : index
        %parallel_loop3A_203 = tpu.vector_load %arg10[%parallel_loop3A_201, %parallel_loop3A_202] {strides = array<i32>} : memref<128x128xf32, #tpu.memory_space<vmem>>, vector<1x16xf32>,
        %parallel_loop3A_204 = vector.shape_cast %parallel_loop3A_203 : vector<1x16xf32> to vector<16xf32>
        %parallel_loop3A_205 = arith.index_cast %parallel_loop3A_131 : i32 to index
        %parallel_loop3A_206 = arith.constant 112 : index
        %parallel_loop3A_207 = tpu.vector_load %arg11[%parallel_loop3A_205, %parallel_loop3A_206] {strides = array<i32>} : memref<128x128xf32, #tpu.memory_space<vmem>>, vector<1x16xf32>,
        %parallel_loop3A_208 = vector.shape_cast %parallel_loop3A_207 : vector<1x16xf32> to vector<16xf32>
        %parallel_loop3A_209 = arith.mulf %parallel_loop3A_204, %parallel_loop3A_208 : vector<16xf32>
        %parallel_loop3A_210 = arith.addf %parallel_loop3A_200, %parallel_loop3A_209 : vector<16xf32>
        %parallel_loop3A_211 = arith.constant 8 : i32
        %parallel_loop3A_212 = arith.divsi %parallel_loop3A_131, %parallel_loop3A_211 : i32
        %parallel_loop3A_213 = arith.constant 0 : i32
        %parallel_loop3A_214 = arith.cmpi sgt, %parallel_loop3A_131, %parallel_loop3A_213 : i32
        %parallel_loop3A_215 = arith.extui %parallel_loop3A_214 : i1 to i32
        %parallel_loop3A_216 = arith.constant 0 : i32
        %parallel_loop3A_217 = arith.cmpi slt, %parallel_loop3A_131, %parallel_loop3A_216 : i32
        %parallel_loop3A_218 = arith.extui %parallel_loop3A_217 : i1 to i32
        %parallel_loop3A_219 = arith.subi %parallel_loop3A_215, %parallel_loop3A_218 : i32
        %parallel_loop3A_220 = arith.constant 0 : i32
        %parallel_loop3A_221 = arith.cmpi sgt, %parallel_loop3A_211, %parallel_loop3A_220 : i32
        %parallel_loop3A_222 = arith.extui %parallel_loop3A_221 : i1 to i32
        %parallel_loop3A_223 = arith.constant 0 : i32
        %parallel_loop3A_224 = arith.cmpi slt, %parallel_loop3A_211, %parallel_loop3A_223 : i32
        %parallel_loop3A_225 = arith.extui %parallel_loop3A_224 : i1 to i32
        %parallel_loop3A_226 = arith.subi %parallel_loop3A_222, %parallel_loop3A_225 : i32
        %parallel_loop3A_227 = arith.cmpi ne, %parallel_loop3A_219, %parallel_loop3A_226 : i32
        %parallel_loop3A_228 = arith.remsi %parallel_loop3A_131, %parallel_loop3A_211 : i32
        %parallel_loop3A_229 = arith.constant 0 : i32
        %parallel_loop3A_230 = arith.cmpi ne, %parallel_loop3A_228, %parallel_loop3A_229 : i32
        %parallel_loop3A_231 = arith.andi %parallel_loop3A_227, %parallel_loop3A_230 : i1
        %parallel_loop3A_232 = arith.constant 1 : i32
        %parallel_loop3A_233 = arith.subi %parallel_loop3A_212, %parallel_loop3A_232 : i32
        %parallel_loop3A_234 = arith.select %parallel_loop3A_231, %parallel_loop3A_233, %parallel_loop3A_212 : i32
        %parallel_loop3A_235 = arith.constant 8 : i32
        %parallel_loop3A_236 = arith.constant 0 : i32
        %parallel_loop3A_237 = arith.cmpi eq, %parallel_loop3A_235, %parallel_loop3A_236 : i32
        %parallel_loop3A_238 = arith.constant 1 : i32
        %parallel_loop3A_239 = arith.select %parallel_loop3A_237, %parallel_loop3A_238, %parallel_loop3A_235 : i32
        %parallel_loop3A_240 = arith.remsi %parallel_loop3A_131, %parallel_loop3A_239 : i32
        %parallel_loop3A_241 = arith.constant 0 : i32
        %parallel_loop3A_242 = arith.cmpi ne, %parallel_loop3A_240, %parallel_loop3A_241 : i32
        %parallel_loop3A_243 = arith.constant 0 : i32
        %parallel_loop3A_244 = arith.cmpi slt, %parallel_loop3A_240, %parallel_loop3A_243 : i32
        %parallel_loop3A_245 = arith.constant 0 : i32
        %parallel_loop3A_246 = arith.cmpi slt, %parallel_loop3A_239, %parallel_loop3A_245 : i32
        %parallel_loop3A_247 = arith.xori %parallel_loop3A_244, %parallel_loop3A_246 : i1
        %parallel_loop3A_248 = arith.andi %parallel_loop3A_247, %parallel_loop3A_242 : i1
        %parallel_loop3A_249 = arith.addi %parallel_loop3A_240, %parallel_loop3A_239 : i32
        %parallel_loop3A_250 = arith.select %parallel_loop3A_248, %parallel_loop3A_249, %parallel_loop3A_240 : i32
        %parallel_loop3A_251 = arith.constant 16 : i32
        %parallel_loop3A_252 = arith.muli %parallel_loop3A_250, %parallel_loop3A_251 : i32
        %parallel_loop3A_253 = arith.index_cast %parallel_loop3A_234 : i32 to index
        %parallel_loop3A_254 = arith.index_cast %parallel_loop3A_252 : i32 to index
        %parallel_loop3A_255 = tpu.vector_load %arg12[%parallel_loop3A_253, %parallel_loop3A_254] {strides = array<i32>} : memref<16x128xf32, #tpu.memory_space<vmem>>, vector<1x16xf32>,
        %parallel_loop3A_256 = vector.shape_cast %parallel_loop3A_255 : vector<1x16xf32> to vector<16xf32>
        %parallel_loop3A_257 = vector.shape_cast %parallel_loop3A_210 : vector<16xf32> to vector<1x16xf32>
        tpu.vector_store %arg12[%parallel_loop3A_253, %parallel_loop3A_254], %parallel_loop3A_257 {strides = array<i32>} : memref<16x128xf32, #tpu.memory_space<vmem>>, vector<1x16xf32>,
      } {sc.loop_unroll_factor = 4 : i64, sc.parallel_access}
      %mul3A_103 = arith.constant 128 : i32
      %mul3A_104 = arith.muli %add3A_99, %mul3A_103 : i32
      %add3A_105 = arith.addi %multiple_of3A, %mul3A_104 : i32
      %jit3A_106 = arith.constant 8 : i32
      %div3A_107 = arith.divsi %add3A_105, %jit3A_106 : i32
      %sign3A_108 = arith.constant 0 : i32
      %sign3A_109 = arith.cmpi sgt, %add3A_105, %sign3A_108 : i32
      %sign3A_110 = arith.extui %sign3A_109 : i1 to i32
      %sign3A_111 = arith.constant 0 : i32
      %sign3A_112 = arith.cmpi slt, %add3A_105, %sign3A_111 : i32
      %sign3A_113 = arith.extui %sign3A_112 : i1 to i32
      %sign3A_114 = arith.subi %sign3A_110, %sign3A_113 : i32
      %sign3A_115 = arith.constant 0 : i32
      %sign3A_116 = arith.cmpi sgt, %jit3A_106, %sign3A_115 : i32
      %sign3A_117 = arith.extui %sign3A_116 : i1 to i32
      %sign3A_118 = arith.constant 0 : i32
      %sign3A_119 = arith.cmpi slt, %jit3A_106, %sign3A_118 : i32
      %sign3A_120 = arith.extui %sign3A_119 : i1 to i32
      %sign3A_121 = arith.subi %sign3A_117, %sign3A_120 : i32
      %ne3A_122 = arith.cmpi ne, %sign3A_114, %sign3A_121 : i32
      %rem3A_123 = arith.remsi %add3A_105, %jit3A_106 : i32
      %ne3A_124 = arith.constant 0 : i32
      %ne3A_125 = arith.cmpi ne, %rem3A_123, %ne3A_124 : i32
      %and3A_126 = arith.andi %ne3A_122, %ne3A_125 : i1
      %sub3A_127 = arith.constant 1 : i32
      %sub3A_128 = arith.subi %div3A_107, %sub3A_127 : i32
      %select_n3A_129 = arith.select %and3A_126, %sub3A_128, %div3A_107 : i32
      %multiple_of3A_130 = tpu.assume_multiple %select_n3A_129, 8 : i32
      "tpu.region"() ({
        %run_scoped3A = tpu.sem_alloc : memref<!tpu.dma_semaphore, #tpu.memory_space<semaphore_mem>>
        %dma_start3A_131 = arith.constant 0 : i32
        %dma_start3A_132 = tpu.memref_slice %arg5[%multiple_of3A_130, %dma_start3A_131] : memref<25600x128xf32, #tpu.memory_space<hbm>> -> memref<16x128xf32, #tpu.memory_space<hbm>>
        %dma_start3A_133 = arith.constant 0 : i32
        %dma_start3A_134 = tpu.memref_slice %arg5[%multiple_of3A_130, %dma_start3A_133] : memref<25600x128xf32, #tpu.memory_space<hbm>> -> memref<16x128xf32, #tpu.memory_space<hbm>>
        tpu.enqueue_dma source(%arg12 : memref<16x128xf32, #tpu.memory_space<vmem>>) target(%dma_start3A_134 : memref<16x128xf32, #tpu.memory_space<hbm>>) target_semaphore(%run_scoped3A : memref<!tpu.dma_semaphore, #tpu.memory_space<semaphore_mem>>)
        %dma_wait3A_135 = arith.constant 0 : i32
        %dma_wait3A_136 = tpu.memref_slice %arg5[%multiple_of3A_130, %dma_wait3A_135] : memref<25600x128xf32, #tpu.memory_space<hbm>> -> memref<16x128xf32, #tpu.memory_space<hbm>>
        %dma_wait3A_137 = arith.constant 0 : i32
        %dma_wait3A_138 = tpu.memref_slice %arg5[%multiple_of3A_130, %dma_wait3A_137] : memref<25600x128xf32, #tpu.memory_space<hbm>> -> memref<16x128xf32, #tpu.memory_space<hbm>>
        tpu.wait_dma2 semaphore(%run_scoped3A : memref<!tpu.dma_semaphore, #tpu.memory_space<semaphore_mem>>) src(%arg12 : memref<16x128xf32, #tpu.memory_space<vmem>>) dst(%dma_wait3A_138 : memref<16x128xf32, #tpu.memory_space<hbm>>)
        tpu.yield
      }) : () -> ()
    }
    %scan3A_16 = arith.constant 25 : i32
    %dma_wait3A = arith.constant 0 : i32
    %dma_wait3A_17 = tpu.memref_slice %arg6[%dma_wait3A] : memref<6400xi32, #tpu.memory_space<vmem>> -> memref<128xi32, #tpu.memory_space<vmem>>
    %dma_wait3A_18 = arith.constant 0 : i32
    %dma_wait3A_19 = arith.constant 0 : i32
    %dma_wait3A_20 = tpu.memref_slice %arg2[%dma_wait3A_18, %dma_wait3A_19] : memref<10000x128xf32, #tpu.memory_space<hbm>> -> memref<10000x128xf32, #tpu.memory_space<hbm>>
    tpu.wait_indirect_dma semaphore(%arg13 : memref<!tpu.dma_semaphore, #tpu.memory_space<semaphore_mem>>) src(%dma_wait3A_20 : memref<10000x128xf32, #tpu.memory_space<hbm>>) dst(%arg8 : memref<128x128xf32, #tpu.memory_space<vmem>>)
    %dma_wait3A_21 = arith.constant 0 : i32
    %dma_wait3A_22 = tpu.memref_slice %arg7[%dma_wait3A_21] : memref<6400xi32, #tpu.memory_space<vmem>> -> memref<128xi32, #tpu.memory_space<vmem>>
    %dma_wait3A_23 = arith.constant 0 : i32
    %dma_wait3A_24 = arith.constant 0 : i32
    %dma_wait3A_25 = tpu.memref_slice %arg2[%dma_wait3A_23, %dma_wait3A_24] : memref<10000x128xf32, #tpu.memory_space<hbm>> -> memref<10000x128xf32, #tpu.memory_space<hbm>>
    tpu.wait_indirect_dma semaphore(%arg13 : memref<!tpu.dma_semaphore, #tpu.memory_space<semaphore_mem>>) src(%dma_wait3A_25 : memref<10000x128xf32, #tpu.memory_space<hbm>>) dst(%arg9 : memref<128x128xf32, #tpu.memory_space<vmem>>)
    return
  }
}

module attributes {stable_mosaic.version = 14 : i64} {
  func.func @_prep_body(%arg0: i32, %arg1: memref<1000x128xf32, #tpu.memory_space<vmem>>, %arg2: memref<2x1000x128xf32, #tpu.memory_space<vmem>>, %arg3: memref<1000x128xf32, #tpu.memory_space<vmem>>, %arg4: memref<1000x16xf32, #tpu.memory_space<vmem>>) attributes {dimension_semantics = [#tpu.dimension_semantics<arbitrary>], iteration_bounds = array<i64: 10>, scalar_prefetch = 0 : i64, scratch_operands = 0 : i64, tpu.core_type = #tpu.core_type<tc>, window_params = [{transform_indices = @transform_0, window_bounds = array<i64: 1000, 128>}, {transform_indices = @transform_1, window_bounds = array<i64: 2, 1000, 128>}, {transform_indices = @transform_2, window_bounds = array<i64: 1000, 128>}, {transform_indices = @transform_3, window_bounds = array<i64: 1000, 16>}]} {
    %get3A = arith.constant 0 : index
    %get3A_0 = arith.constant 0 : index
    %get3A_1 = arith.constant 0 : index
    %get3A_2 = vector.load %arg2[%get3A, %get3A_0, %get3A_1] : memref<2x1000x128xf32, #tpu.memory_space<vmem>>, vector<1x1000x128xf32>
    %get3A_3 = vector.shape_cast %get3A_2 : vector<1x1000x128xf32> to vector<1000x128xf32>
    %get3A_4 = arith.constant 1 : index
    %get3A_5 = arith.constant 0 : index
    %get3A_6 = arith.constant 0 : index
    %get3A_7 = vector.load %arg2[%get3A_4, %get3A_5, %get3A_6] : memref<2x1000x128xf32, #tpu.memory_space<vmem>>, vector<1x1000x128xf32>
    %get3A_8 = vector.shape_cast %get3A_7 : vector<1x1000x128xf32> to vector<1000x128xf32>
    %add3A = arith.addf %get3A_3, %get3A_8 : vector<1000x128xf32>
    %add3A_9 = arith.constant 1.000000e+00 : f32
    %add3A_10 = vector.broadcast %add3A_9 : f32 to vector<1000x128xf32>
    %add3A_11 = arith.addf %add3A, %add3A_10 : vector<1000x128xf32>
    %rsqrt3A = math.rsqrt %add3A_11 : vector<1000x128xf32>
    %slice3A = vector.extract_strided_slice %rsqrt3A {offsets = [0, 0], sizes = [1000, 16], strides = [1, 1]} : vector<1000x128xf32> to vector<1000x16xf32>
    %swap3A = arith.constant 0 : index
    %swap3A_12 = arith.constant 0 : index
    %swap3A_13 = vector.load %arg4[%swap3A, %swap3A_12] : memref<1000x16xf32, #tpu.memory_space<vmem>>, vector<1000x16xf32>
    tpu.vector_store %arg4[%swap3A, %swap3A_12], %slice3A {strides = array<i32>} : memref<1000x16xf32, #tpu.memory_space<vmem>>, vector<1000x16xf32>,
    %get3A_14 = arith.constant 0 : index
    %get3A_15 = arith.constant 0 : index
    %get3A_16 = vector.load %arg1[%get3A_14, %get3A_15] : memref<1000x128xf32, #tpu.memory_space<vmem>>, vector<1000x128xf32>
    %slice3A_17 = vector.extract_strided_slice %rsqrt3A {offsets = [0, 0], sizes = [1000, 1], strides = [1, 1]} : vector<1000x128xf32> to vector<1000x1xf32>
    %mul3A = vector.broadcast %slice3A_17 : vector<1000x1xf32> to vector<1000x128xf32>
    %mul3A_18 = arith.mulf %get3A_16, %mul3A : vector<1000x128xf32>
    %swap3A_19 = arith.constant 0 : index
    %swap3A_20 = arith.constant 0 : index
    %swap3A_21 = vector.load %arg3[%swap3A_19, %swap3A_20] : memref<1000x128xf32, #tpu.memory_space<vmem>>, vector<1000x128xf32>
    tpu.vector_store %arg3[%swap3A_19, %swap3A_20], %mul3A_18 {strides = array<i32>} : memref<1000x128xf32, #tpu.memory_space<vmem>>, vector<1000x128xf32>,
    return
  }
  func.func @transform_0(%arg0: i32) -> (i32, i32) {
    %c0_i32 = arith.constant 0 : i32
    %c0_i32_0 = arith.constant 0 : i32
    return %arg0, %c0_i32 : i32, i32
  }
  func.func @transform_1(%arg0: i32) -> (i32, i32, i32) {
    %c0_i32 = arith.constant 0 : i32
    %c0_i32_0 = arith.constant 0 : i32
    %c0_i32_1 = arith.constant 0 : i32
    return %c0_i32, %arg0, %c0_i32_0 : i32, i32, i32
  }
  func.func @transform_2(%arg0: i32) -> (i32, i32) {
    %c0_i32 = arith.constant 0 : i32
    %c0_i32_0 = arith.constant 0 : i32
    return %arg0, %c0_i32 : i32, i32
  }
  func.func @transform_3(%arg0: i32) -> (i32, i32) {
    %c0_i32 = arith.constant 0 : i32
    %c0_i32_0 = arith.constant 0 : i32
    return %arg0, %c0_i32 : i32, i32
  }
}

module attributes {stable_mosaic.version = 14 : i64} {
  func.func @_k2_body(%arg0: i32, %arg1: memref<2x1000x128xf32, #tpu.memory_space<vmem>>, %arg2: memref<1000x128xf32, #tpu.memory_space<vmem>>, %arg3: memref<1000x16xf32, #tpu.memory_space<vmem>>, %arg4: memref<128x256xf32, #tpu.memory_space<vmem>>, %arg5: memref<1x256xf32, #tpu.memory_space<vmem>>, %arg6: memref<1000x128xf32, #tpu.memory_space<vmem>>, %arg7: memref<1000x128xf32, #tpu.memory_space<vmem>>) attributes {dimension_semantics = [#tpu.dimension_semantics<arbitrary>], iteration_bounds = array<i64: 10>, scalar_prefetch = 0 : i64, scratch_operands = 0 : i64, tpu.core_type = #tpu.core_type<tc>, window_params = [{transform_indices = @transform_0, window_bounds = array<i64: 2, 1000, 128>}, {transform_indices = @transform_1, window_bounds = array<i64: 1000, 128>}, {transform_indices = @transform_2, window_bounds = array<i64: 1000, 16>}, {pipeline_mode = #tpu.pipeline_mode<synchronous>, transform_indices = @transform_3, window_bounds = array<i64: 128, 256>}, {pipeline_mode = #tpu.pipeline_mode<synchronous>, transform_indices = @transform_4, window_bounds = array<i64: 1, 256>}, {transform_indices = @transform_5, window_bounds = array<i64: 1000, 128>}, {transform_indices = @transform_6, window_bounds = array<i64: 1000, 128>}]} {
    %get3A = arith.constant 0 : index
    %get3A_0 = arith.constant 0 : index
    %get3A_1 = vector.load %arg3[%get3A, %get3A_0] : memref<1000x16xf32, #tpu.memory_space<vmem>>, vector<1000x1xf32>
    %get3A_2 = arith.constant 0 : index
    %get3A_3 = arith.constant 0 : index
    %get3A_4 = arith.constant 0 : index
    %get3A_5 = vector.load %arg1[%get3A_2, %get3A_3, %get3A_4] : memref<2x1000x128xf32, #tpu.memory_space<vmem>>, vector<1x1000x128xf32>
    %get3A_6 = vector.shape_cast %get3A_5 : vector<1x1000x128xf32> to vector<1000x128xf32>
    %get3A_7 = arith.constant 1 : index
    %get3A_8 = arith.constant 0 : index
    %get3A_9 = arith.constant 0 : index
    %get3A_10 = vector.load %arg1[%get3A_7, %get3A_8, %get3A_9] : memref<2x1000x128xf32, #tpu.memory_space<vmem>>, vector<1x1000x128xf32>
    %get3A_11 = vector.shape_cast %get3A_10 : vector<1x1000x128xf32> to vector<1000x128xf32>
    %add3A = arith.addf %get3A_6, %get3A_11 : vector<1000x128xf32>
    %get3A_12 = arith.constant 0 : index
    %get3A_13 = arith.constant 0 : index
    %get3A_14 = vector.load %arg2[%get3A_12, %get3A_13] : memref<1000x128xf32, #tpu.memory_space<vmem>>, vector<1000x128xf32>
    %add3A_15 = arith.addf %add3A, %get3A_14 : vector<1000x128xf32>
    %mul3A = vector.broadcast %get3A_1 : vector<1000x1xf32> to vector<1000x128xf32>
    %mul3A_16 = arith.mulf %add3A_15, %mul3A : vector<1000x128xf32>
    %get3A_17 = arith.constant 0 : index
    %get3A_18 = arith.constant 0 : index
    %get3A_19 = vector.load %arg4[%get3A_17, %get3A_18] : memref<128x256xf32, #tpu.memory_space<vmem>>, vector<128x256xf32>
    %dot_general3A = arith.constant dense<0.000000e+00> : vector<1000x256xf32>
    %dot_general3A_20 = tpu.matmul %mul3A_16, %get3A_19, %dot_general3A {dimension_numbers = #tpu.dot_dimension_numbers<[1], [0], [0], [1], [0, 0, 1, 1], [], []>, transpose_lhs_hint = false} : vector<1000x128xf32>, vector<128x256xf32>, vector<1000x256xf32> -> vector<1000x256xf32>
    %get3A_21 = arith.constant 0 : index
    %get3A_22 = arith.constant 0 : index
    %get3A_23 = vector.load %arg5[%get3A_21, %get3A_22] : memref<1x256xf32, #tpu.memory_space<vmem>>, vector<1x256xf32>
    %add3A_24 = vector.broadcast %get3A_23 : vector<1x256xf32> to vector<1000x256xf32>
    %add3A_25 = arith.addf %dot_general3A_20, %add3A_24 : vector<1000x256xf32>
    %max3A = arith.constant 0.000000e+00 : f32
    %max3A_26 = vector.broadcast %max3A : f32 to vector<1000x256xf32>
    %max3A_27 = arith.maximumf %add3A_25, %max3A_26 : vector<1000x256xf32>
    %mul3A_28 = vector.broadcast %get3A_1 : vector<1000x1xf32> to vector<1000x256xf32>
    %mul3A_29 = arith.mulf %max3A_27, %mul3A_28 : vector<1000x256xf32>
    %slice3A = vector.extract_strided_slice %mul3A_29 {offsets = [0, 0], sizes = [1000, 128], strides = [1, 1]} : vector<1000x256xf32> to vector<1000x128xf32>
    %swap3A = arith.constant 0 : index
    %swap3A_30 = arith.constant 0 : index
    %swap3A_31 = vector.load %arg6[%swap3A, %swap3A_30] : memref<1000x128xf32, #tpu.memory_space<vmem>>, vector<1000x128xf32>
    tpu.vector_store %arg6[%swap3A, %swap3A_30], %slice3A {strides = array<i32>} : memref<1000x128xf32, #tpu.memory_space<vmem>>, vector<1000x128xf32>,
    %slice3A_32 = vector.extract_strided_slice %mul3A_29 {offsets = [0, 128], sizes = [1000, 128], strides = [1, 1]} : vector<1000x256xf32> to vector<1000x128xf32>
    %swap3A_33 = arith.constant 0 : index
    %swap3A_34 = arith.constant 0 : index
    %swap3A_35 = vector.load %arg7[%swap3A_33, %swap3A_34] : memref<1000x128xf32, #tpu.memory_space<vmem>>, vector<1000x128xf32>
    tpu.vector_store %arg7[%swap3A_33, %swap3A_34], %slice3A_32 {strides = array<i32>} : memref<1000x128xf32, #tpu.memory_space<vmem>>, vector<1000x128xf32>,
    return
  }
  func.func @transform_0(%arg0: i32) -> (i32, i32, i32) {
    %c0_i32 = arith.constant 0 : i32
    %c0_i32_0 = arith.constant 0 : i32
    %c0_i32_1 = arith.constant 0 : i32
    return %c0_i32, %arg0, %c0_i32_0 : i32, i32, i32
  }
  func.func @transform_1(%arg0: i32) -> (i32, i32) {
    %c0_i32 = arith.constant 0 : i32
    %c0_i32_0 = arith.constant 0 : i32
    return %arg0, %c0_i32 : i32, i32
  }
  func.func @transform_2(%arg0: i32) -> (i32, i32) {
    %c0_i32 = arith.constant 0 : i32
    %c0_i32_0 = arith.constant 0 : i32
    return %arg0, %c0_i32 : i32, i32
  }
  func.func @transform_3(%arg0: i32) -> (i32, i32) {
    %c0_i32 = arith.constant 0 : i32
    %c0_i32_0 = arith.constant 0 : i32
    %c0_i32_1 = arith.constant 0 : i32
    return %c0_i32, %c0_i32_0 : i32, i32
  }
  func.func @transform_4(%arg0: i32) -> (i32, i32) {
    %c0_i32 = arith.constant 0 : i32
    %c0_i32_0 = arith.constant 0 : i32
    %c0_i32_1 = arith.constant 0 : i32
    return %c0_i32, %c0_i32_0 : i32, i32
  }
  func.func @transform_5(%arg0: i32) -> (i32, i32) {
    %c0_i32 = arith.constant 0 : i32
    %c0_i32_0 = arith.constant 0 : i32
    return %arg0, %c0_i32 : i32, i32
  }
  func.func @transform_6(%arg0: i32) -> (i32, i32) {
    %c0_i32 = arith.constant 0 : i32
    %c0_i32_0 = arith.constant 0 : i32
    return %arg0, %c0_i32 : i32, i32
  }
}

module attributes {stable_mosaic.version = 14 : i64} {
  func.func @_k3_body(%arg0: i32, %arg1: memref<2x1000x128xf32, #tpu.memory_space<vmem>>, %arg2: memref<1000x128xf32, #tpu.memory_space<vmem>>, %arg3: memref<1000x128xf32, #tpu.memory_space<vmem>>, %arg4: memref<1000x16xf32, #tpu.memory_space<vmem>>, %arg5: memref<256x256xf32, #tpu.memory_space<vmem>>, %arg6: memref<1x256xf32, #tpu.memory_space<vmem>>, %arg7: memref<256x128xf32, #tpu.memory_space<vmem>>, %arg8: memref<1000x128xf32, #tpu.memory_space<vmem>>) attributes {dimension_semantics = [#tpu.dimension_semantics<arbitrary>], iteration_bounds = array<i64: 10>, scalar_prefetch = 0 : i64, scratch_operands = 0 : i64, tpu.core_type = #tpu.core_type<tc>, window_params = [{transform_indices = @transform_0, window_bounds = array<i64: 2, 1000, 128>}, {transform_indices = @transform_1, window_bounds = array<i64: 1000, 128>}, {transform_indices = @transform_2, window_bounds = array<i64: 1000, 128>}, {transform_indices = @transform_3, window_bounds = array<i64: 1000, 16>}, {pipeline_mode = #tpu.pipeline_mode<synchronous>, transform_indices = @transform_4, window_bounds = array<i64: 256, 256>}, {pipeline_mode = #tpu.pipeline_mode<synchronous>, transform_indices = @transform_5, window_bounds = array<i64: 1, 256>}, {pipeline_mode = #tpu.pipeline_mode<synchronous>, transform_indices = @transform_6, window_bounds = array<i64: 256, 128>}, {transform_indices = @transform_7, window_bounds = array<i64: 1000, 128>}]} {
    %get3A = arith.constant 0 : index
    %get3A_0 = arith.constant 0 : index
    %get3A_1 = vector.load %arg4[%get3A, %get3A_0] : memref<1000x16xf32, #tpu.memory_space<vmem>>, vector<1000x1xf32>
    %get3A_2 = arith.constant 0 : index
    %get3A_3 = arith.constant 0 : index
    %get3A_4 = arith.constant 0 : index
    %get3A_5 = vector.load %arg1[%get3A_2, %get3A_3, %get3A_4] : memref<2x1000x128xf32, #tpu.memory_space<vmem>>, vector<1x1000x128xf32>
    %get3A_6 = vector.shape_cast %get3A_5 : vector<1x1000x128xf32> to vector<1000x128xf32>
    %get3A_7 = arith.constant 0 : index
    %get3A_8 = arith.constant 0 : index
    %get3A_9 = vector.load %arg2[%get3A_7, %get3A_8] : memref<1000x128xf32, #tpu.memory_space<vmem>>, vector<1000x128xf32>
    %add3A = arith.addf %get3A_6, %get3A_9 : vector<1000x128xf32>
    %mul3A = vector.broadcast %get3A_1 : vector<1000x1xf32> to vector<1000x128xf32>
    %mul3A_10 = arith.mulf %add3A, %mul3A : vector<1000x128xf32>
    %get3A_11 = arith.constant 1 : index
    %get3A_12 = arith.constant 0 : index
    %get3A_13 = arith.constant 0 : index
    %get3A_14 = vector.load %arg1[%get3A_11, %get3A_12, %get3A_13] : memref<2x1000x128xf32, #tpu.memory_space<vmem>>, vector<1x1000x128xf32>
    %get3A_15 = vector.shape_cast %get3A_14 : vector<1x1000x128xf32> to vector<1000x128xf32>
    %get3A_16 = arith.constant 0 : index
    %get3A_17 = arith.constant 0 : index
    %get3A_18 = vector.load %arg3[%get3A_16, %get3A_17] : memref<1000x128xf32, #tpu.memory_space<vmem>>, vector<1000x128xf32>
    %add3A_19 = arith.addf %get3A_15, %get3A_18 : vector<1000x128xf32>
    %mul3A_20 = vector.broadcast %get3A_1 : vector<1000x1xf32> to vector<1000x128xf32>
    %mul3A_21 = arith.mulf %add3A_19, %mul3A_20 : vector<1000x128xf32>
    %concatenate3A = tpu.concatenate %mul3A_10, %mul3A_21 in 1 : vector<1000x128xf32>, vector<1000x128xf32> -> vector<1000x256xf32>
    %get3A_22 = arith.constant 0 : index
    %get3A_23 = arith.constant 0 : index
    %get3A_24 = vector.load %arg5[%get3A_22, %get3A_23] : memref<256x256xf32, #tpu.memory_space<vmem>>, vector<256x256xf32>
    %dot_general3A = arith.constant dense<0.000000e+00> : vector<1000x256xf32>
    %dot_general3A_25 = tpu.matmul %concatenate3A, %get3A_24, %dot_general3A {dimension_numbers = #tpu.dot_dimension_numbers<[1], [0], [0], [1], [0, 0, 1, 1], [], []>, transpose_lhs_hint = false} : vector<1000x256xf32>, vector<256x256xf32>, vector<1000x256xf32> -> vector<1000x256xf32>
    %get3A_26 = arith.constant 0 : index
    %get3A_27 = arith.constant 0 : index
    %get3A_28 = vector.load %arg6[%get3A_26, %get3A_27] : memref<1x256xf32, #tpu.memory_space<vmem>>, vector<1x256xf32>
    %add3A_29 = vector.broadcast %get3A_28 : vector<1x256xf32> to vector<1000x256xf32>
    %add3A_30 = arith.addf %dot_general3A_25, %add3A_29 : vector<1000x256xf32>
    %max3A = arith.constant 0.000000e+00 : f32
    %max3A_31 = vector.broadcast %max3A : f32 to vector<1000x256xf32>
    %max3A_32 = arith.maximumf %add3A_30, %max3A_31 : vector<1000x256xf32>
    %get3A_33 = arith.constant 0 : index
    %get3A_34 = arith.constant 0 : index
    %get3A_35 = vector.load %arg7[%get3A_33, %get3A_34] : memref<256x128xf32, #tpu.memory_space<vmem>>, vector<256x128xf32>
    %dot_general3A_36 = arith.constant dense<0.000000e+00> : vector<1000x128xf32>
    %dot_general3A_37 = tpu.matmul %max3A_32, %get3A_35, %dot_general3A_36 {dimension_numbers = #tpu.dot_dimension_numbers<[1], [0], [0], [1], [0, 0, 1, 1], [], []>, transpose_lhs_hint = false} : vector<1000x256xf32>, vector<256x128xf32>, vector<1000x128xf32> -> vector<1000x128xf32>
    %mul3A_38 = vector.broadcast %get3A_1 : vector<1000x1xf32> to vector<1000x128xf32>
    %mul3A_39 = arith.mulf %dot_general3A_37, %mul3A_38 : vector<1000x128xf32>
    %swap3A = arith.constant 0 : index
    %swap3A_40 = arith.constant 0 : index
    %swap3A_41 = vector.load %arg8[%swap3A, %swap3A_40] : memref<1000x128xf32, #tpu.memory_space<vmem>>, vector<1000x128xf32>
    tpu.vector_store %arg8[%swap3A, %swap3A_40], %mul3A_39 {strides = array<i32>} : memref<1000x128xf32, #tpu.memory_space<vmem>>, vector<1000x128xf32>,
    return
  }
  func.func @transform_0(%arg0: i32) -> (i32, i32, i32) {
    %c0_i32 = arith.constant 0 : i32
    %c0_i32_0 = arith.constant 0 : i32
    %c0_i32_1 = arith.constant 0 : i32
    return %c0_i32, %arg0, %c0_i32_0 : i32, i32, i32
  }
  func.func @transform_1(%arg0: i32) -> (i32, i32) {
    %c0_i32 = arith.constant 0 : i32
    %c0_i32_0 = arith.constant 0 : i32
    return %arg0, %c0_i32 : i32, i32
  }
  func.func @transform_2(%arg0: i32) -> (i32, i32) {
    %c0_i32 = arith.constant 0 : i32
    %c0_i32_0 = arith.constant 0 : i32
    return %arg0, %c0_i32 : i32, i32
  }
  func.func @transform_3(%arg0: i32) -> (i32, i32) {
    %c0_i32 = arith.constant 0 : i32
    %c0_i32_0 = arith.constant 0 : i32
    return %arg0, %c0_i32 : i32, i32
  }
  func.func @transform_4(%arg0: i32) -> (i32, i32) {
    %c0_i32 = arith.constant 0 : i32
    %c0_i32_0 = arith.constant 0 : i32
    %c0_i32_1 = arith.constant 0 : i32
    return %c0_i32, %c0_i32_0 : i32, i32
  }
  func.func @transform_5(%arg0: i32) -> (i32, i32) {
    %c0_i32 = arith.constant 0 : i32
    %c0_i32_0 = arith.constant 0 : i32
    %c0_i32_1 = arith.constant 0 : i32
    return %c0_i32, %c0_i32_0 : i32, i32
  }
  func.func @transform_6(%arg0: i32) -> (i32, i32) {
    %c0_i32 = arith.constant 0 : i32
    %c0_i32_0 = arith.constant 0 : i32
    %c0_i32_1 = arith.constant 0 : i32
    return %c0_i32, %c0_i32_0 : i32, i32
  }
  func.func @transform_7(%arg0: i32) -> (i32, i32) {
    %c0_i32 = arith.constant 0 : i32
    %c0_i32_0 = arith.constant 0 : i32
    return %arg0, %c0_i32 : i32, i32
  }
}

module attributes {stable_mosaic.version = 14 : i64} {
  func.func @_k4_body(%arg0: i32, %arg1: memref<2x1000x128xf32, #tpu.memory_space<vmem>>, %arg2: memref<1000x128xf32, #tpu.memory_space<vmem>>, %arg3: memref<1000x16xf32, #tpu.memory_space<vmem>>, %arg4: memref<1x128xf32, #tpu.memory_space<vmem>>, %arg5: memref<1000x128xf32, #tpu.memory_space<vmem>>) attributes {dimension_semantics = [#tpu.dimension_semantics<arbitrary>], iteration_bounds = array<i64: 10>, scalar_prefetch = 0 : i64, scratch_operands = 0 : i64, tpu.core_type = #tpu.core_type<tc>, window_params = [{transform_indices = @transform_0, window_bounds = array<i64: 2, 1000, 128>}, {transform_indices = @transform_1, window_bounds = array<i64: 1000, 128>}, {transform_indices = @transform_2, window_bounds = array<i64: 1000, 16>}, {pipeline_mode = #tpu.pipeline_mode<synchronous>, transform_indices = @transform_3, window_bounds = array<i64: 1, 128>}, {transform_indices = @transform_4, window_bounds = array<i64: 1000, 128>}]} {
    %get3A = arith.constant 0 : index
    %get3A_0 = arith.constant 0 : index
    %get3A_1 = vector.load %arg3[%get3A, %get3A_0] : memref<1000x16xf32, #tpu.memory_space<vmem>>, vector<1000x1xf32>
    %get3A_2 = arith.constant 0 : index
    %get3A_3 = arith.constant 0 : index
    %get3A_4 = arith.constant 0 : index
    %get3A_5 = vector.load %arg1[%get3A_2, %get3A_3, %get3A_4] : memref<2x1000x128xf32, #tpu.memory_space<vmem>>, vector<1x1000x128xf32>
    %get3A_6 = vector.shape_cast %get3A_5 : vector<1x1000x128xf32> to vector<1000x128xf32>
    %get3A_7 = arith.constant 1 : index
    %get3A_8 = arith.constant 0 : index
    %get3A_9 = arith.constant 0 : index
    %get3A_10 = vector.load %arg1[%get3A_7, %get3A_8, %get3A_9] : memref<2x1000x128xf32, #tpu.memory_space<vmem>>, vector<1x1000x128xf32>
    %get3A_11 = vector.shape_cast %get3A_10 : vector<1x1000x128xf32> to vector<1000x128xf32>
    %add3A = arith.addf %get3A_6, %get3A_11 : vector<1000x128xf32>
    %get3A_12 = arith.constant 0 : index
    %get3A_13 = arith.constant 0 : index
    %get3A_14 = vector.load %arg2[%get3A_12, %get3A_13] : memref<1000x128xf32, #tpu.memory_space<vmem>>, vector<1000x128xf32>
    %add3A_15 = arith.addf %add3A, %get3A_14 : vector<1000x128xf32>
    %mul3A = vector.broadcast %get3A_1 : vector<1000x1xf32> to vector<1000x128xf32>
    %mul3A_16 = arith.mulf %add3A_15, %mul3A : vector<1000x128xf32>
    %get3A_17 = arith.constant 0 : index
    %get3A_18 = arith.constant 0 : index
    %get3A_19 = vector.load %arg4[%get3A_17, %get3A_18] : memref<1x128xf32, #tpu.memory_space<vmem>>, vector<1x128xf32>
    %add3A_20 = vector.broadcast %get3A_19 : vector<1x128xf32> to vector<1000x128xf32>
    %add3A_21 = arith.addf %mul3A_16, %add3A_20 : vector<1000x128xf32>
    %max3A = arith.constant 0.000000e+00 : f32
    %max3A_22 = vector.broadcast %max3A : f32 to vector<1000x128xf32>
    %max3A_23 = arith.maximumf %add3A_21, %max3A_22 : vector<1000x128xf32>
    %swap3A = arith.constant 0 : index
    %swap3A_24 = arith.constant 0 : index
    %swap3A_25 = vector.load %arg5[%swap3A, %swap3A_24] : memref<1000x128xf32, #tpu.memory_space<vmem>>, vector<1000x128xf32>
    tpu.vector_store %arg5[%swap3A, %swap3A_24], %max3A_23 {strides = array<i32>} : memref<1000x128xf32, #tpu.memory_space<vmem>>, vector<1000x128xf32>,
    return
  }
  func.func @transform_0(%arg0: i32) -> (i32, i32, i32) {
    %c0_i32 = arith.constant 0 : i32
    %c0_i32_0 = arith.constant 0 : i32
    %c0_i32_1 = arith.constant 0 : i32
    return %c0_i32, %arg0, %c0_i32_0 : i32, i32, i32
  }
  func.func @transform_1(%arg0: i32) -> (i32, i32) {
    %c0_i32 = arith.constant 0 : i32
    %c0_i32_0 = arith.constant 0 : i32
    return %arg0, %c0_i32 : i32, i32
  }
  func.func @transform_2(%arg0: i32) -> (i32, i32) {
    %c0_i32 = arith.constant 0 : i32
    %c0_i32_0 = arith.constant 0 : i32
    return %arg0, %c0_i32 : i32, i32
  }
  func.func @transform_3(%arg0: i32) -> (i32, i32) {
    %c0_i32 = arith.constant 0 : i32
    %c0_i32_0 = arith.constant 0 : i32
    %c0_i32_1 = arith.constant 0 : i32
    return %c0_i32, %c0_i32_0 : i32, i32
  }
  func.func @transform_4(%arg0: i32) -> (i32, i32) {
    %c0_i32 = arith.constant 0 : i32
    %c0_i32_0 = arith.constant 0 : i32
    return %arg0, %c0_i32 : i32, i32
  }
}

module attributes {stable_mosaic.version = 14 : i64} {
  func.func @_k4b_body(%arg0: i32, %arg1: memref<1000x128xf32, #tpu.memory_space<vmem>>, %arg2: memref<128x128xf32, #tpu.memory_space<vmem>>, %arg3: memref<1x128xf32, #tpu.memory_space<vmem>>, %arg4: memref<1000x4xf32, #tpu.memory_space<vmem>>) attributes {dimension_semantics = [#tpu.dimension_semantics<arbitrary>], iteration_bounds = array<i64: 10>, scalar_prefetch = 0 : i64, scratch_operands = 0 : i64, tpu.core_type = #tpu.core_type<tc>, window_params = [{transform_indices = @transform_0, window_bounds = array<i64: 1000, 128>}, {pipeline_mode = #tpu.pipeline_mode<synchronous>, transform_indices = @transform_1, window_bounds = array<i64: 128, 128>}, {pipeline_mode = #tpu.pipeline_mode<synchronous>, transform_indices = @transform_2, window_bounds = array<i64: 1, 128>}, {transform_indices = @transform_3, window_bounds = array<i64: 1000, 4>}]} {
    %get3A = arith.constant 0 : index
    %get3A_0 = arith.constant 0 : index
    %get3A_1 = vector.load %arg1[%get3A, %get3A_0] : memref<1000x128xf32, #tpu.memory_space<vmem>>, vector<1000x128xf32>
    %get3A_2 = arith.constant 0 : index
    %get3A_3 = arith.constant 0 : index
    %get3A_4 = vector.load %arg2[%get3A_2, %get3A_3] : memref<128x128xf32, #tpu.memory_space<vmem>>, vector<128x128xf32>
    %dot_general3A = arith.constant dense<0.000000e+00> : vector<1000x128xf32>
    %dot_general3A_5 = tpu.matmul %get3A_1, %get3A_4, %dot_general3A {dimension_numbers = #tpu.dot_dimension_numbers<[1], [0], [0], [1], [0, 0, 1, 1], [], []>, transpose_lhs_hint = false} : vector<1000x128xf32>, vector<128x128xf32>, vector<1000x128xf32> -> vector<1000x128xf32>
    %get3A_6 = arith.constant 0 : index
    %get3A_7 = arith.constant 0 : index
    %get3A_8 = vector.load %arg3[%get3A_6, %get3A_7] : memref<1x128xf32, #tpu.memory_space<vmem>>, vector<1x128xf32>
    %add3A = vector.broadcast %get3A_8 : vector<1x128xf32> to vector<1000x128xf32>
    %add3A_9 = arith.addf %dot_general3A_5, %add3A : vector<1000x128xf32>
    %slice3A = vector.extract_strided_slice %add3A_9 {offsets = [0, 0], sizes = [1000, 4], strides = [1, 1]} : vector<1000x128xf32> to vector<1000x4xf32>
    %swap3A = arith.constant 0 : index
    %swap3A_10 = arith.constant 0 : index
    %swap3A_11 = vector.load %arg4[%swap3A, %swap3A_10] : memref<1000x4xf32, #tpu.memory_space<vmem>>, vector<1000x4xf32>
    tpu.vector_store %arg4[%swap3A, %swap3A_10], %slice3A {strides = array<i32>} : memref<1000x4xf32, #tpu.memory_space<vmem>>, vector<1000x4xf32>,
    return
  }
  func.func @transform_0(%arg0: i32) -> (i32, i32) {
    %c0_i32 = arith.constant 0 : i32
    %c0_i32_0 = arith.constant 0 : i32
    return %arg0, %c0_i32 : i32, i32
  }
  func.func @transform_1(%arg0: i32) -> (i32, i32) {
    %c0_i32 = arith.constant 0 : i32
    %c0_i32_0 = arith.constant 0 : i32
    %c0_i32_1 = arith.constant 0 : i32
    return %c0_i32, %c0_i32_0 : i32, i32
  }
  func.func @transform_2(%arg0: i32) -> (i32, i32) {
    %c0_i32 = arith.constant 0 : i32
    %c0_i32_0 = arith.constant 0 : i32
    %c0_i32_1 = arith.constant 0 : i32
    return %c0_i32, %c0_i32_0 : i32, i32
  }
  func.func @transform_3(%arg0: i32) -> (i32, i32) {
    %c0_i32 = arith.constant 0 : i32
    %c0_i32_0 = arith.constant 0 : i32
    return %arg0, %c0_i32 : i32, i32
  }
}

module attributes {stable_mosaic.version = 14 : i64} {
  func.func @_k5_body(%arg0: i32, %arg1: memref<1600x128xf32, #tpu.memory_space<vmem>>, %arg2: memref<128x8xf32, #tpu.memory_space<vmem>>, %arg3: memref<1600x8xf32, #tpu.memory_space<vmem>>) attributes {dimension_semantics = [#tpu.dimension_semantics<arbitrary>], iteration_bounds = array<i64: 16>, scalar_prefetch = 0 : i64, scratch_operands = 0 : i64, tpu.core_type = #tpu.core_type<tc>, window_params = [{transform_indices = @transform_0, window_bounds = array<i64: 1600, 128>}, {pipeline_mode = #tpu.pipeline_mode<synchronous>, transform_indices = @transform_1, window_bounds = array<i64: 128, 8>}, {transform_indices = @transform_2, window_bounds = array<i64: 1600, 8>}]} {
    %get3A = arith.constant 0 : index
    %get3A_0 = arith.constant 0 : index
    %get3A_1 = vector.load %arg1[%get3A, %get3A_0] : memref<1600x128xf32, #tpu.memory_space<vmem>>, vector<1600x128xf32>
    %get3A_2 = arith.constant 0 : index
    %get3A_3 = arith.constant 0 : index
    %get3A_4 = vector.load %arg2[%get3A_2, %get3A_3] : memref<128x8xf32, #tpu.memory_space<vmem>>, vector<128x8xf32>
    %dot_general3A = arith.constant dense<0.000000e+00> : vector<1600x8xf32>
    %dot_general3A_5 = tpu.matmul %get3A_1, %get3A_4, %dot_general3A {dimension_numbers = #tpu.dot_dimension_numbers<[1], [0], [0], [1], [0, 0, 1, 1], [], []>, transpose_lhs_hint = false} : vector<1600x128xf32>, vector<128x8xf32>, vector<1600x8xf32> -> vector<1600x8xf32>
    %neg3A = arith.constant 0.000000e+00 : f32
    %neg3A_6 = vector.broadcast %neg3A : f32 to vector<1600x8xf32>
    %neg3A_7 = arith.subf %neg3A_6, %dot_general3A_5 : vector<1600x8xf32>
    %exp3A = math.exp %neg3A_7 : vector<1600x8xf32>
    %add3A = arith.constant 1.000000e+00 : f32
    %add3A_8 = vector.broadcast %add3A : f32 to vector<1600x8xf32>
    %add3A_9 = arith.addf %add3A_8, %exp3A : vector<1600x8xf32>
    %div3A = arith.constant 1.000000e+00 : f32
    %div3A_10 = vector.broadcast %div3A : f32 to vector<1600x8xf32>
    %div3A_11 = arith.divf %div3A_10, %add3A_9 : vector<1600x8xf32>
    %swap3A = arith.constant 0 : index
    %swap3A_12 = arith.constant 0 : index
    %swap3A_13 = vector.load %arg3[%swap3A, %swap3A_12] : memref<1600x8xf32, #tpu.memory_space<vmem>>, vector<1600x8xf32>
    tpu.vector_store %arg3[%swap3A, %swap3A_12], %div3A_11 {strides = array<i32>} : memref<1600x8xf32, #tpu.memory_space<vmem>>, vector<1600x8xf32>,
    return
  }
  func.func @transform_0(%arg0: i32) -> (i32, i32) {
    %c0_i32 = arith.constant 0 : i32
    %c0_i32_0 = arith.constant 0 : i32
    return %arg0, %c0_i32 : i32, i32
  }
  func.func @transform_1(%arg0: i32) -> (i32, i32) {
    %c0_i32 = arith.constant 0 : i32
    %c0_i32_0 = arith.constant 0 : i32
    %c0_i32_1 = arith.constant 0 : i32
    return %c0_i32, %c0_i32_0 : i32, i32
  }
  func.func @transform_2(%arg0: i32) -> (i32, i32) {
    %c0_i32 = arith.constant 0 : i32
    %c0_i32_0 = arith.constant 0 : i32
    return %arg0, %c0_i32 : i32, i32
  }
}

</mosaic_0001>

<sc_bundles>
// kernel: kernel.13.cloned.1.call-start
scs
__scs_entry_jumppad:
0x0: {  	(pc) =	sbr.rel $0x88, $3  }
0x1: {  	(tag) =	ssettag $0x0;
	lr =	simm.s32 $0x1  }
0x2: {  	[smem:$0x3F95] =	sst lr;
	_ =	strace $0xD0000000  }
0x3: {  	_ = 	snop  }
0x4: {  	_ = 	snop  }
0x5: {  	_ = 	snop  }
0x6: {  	_ = 	snop  }
0x7: {  	_ = 	snop  }
__scs_overlays_trampoline_lowered:
0x8: {  	[smem:$0x3FA4] =	sst s0  }
0x9: {  	[smem:$0x3FA5] =	sst s1  }
0xa: {  	[smem:$0x3FA6] =	sst s2  }
0xb: {  	[smem:$0x3FA7] =	sst s3  }
0xc: {  	[smem:$0x3FA8] =	sst s4  }
0xd: {  	[smem:$0x3FA9] =	sst s5  }
0xe: {  	[smem:$0x3FAA] =	sst s6  }
0xf: {  	[smem:$0x3FAB] =	sst s7  }
0x10: {  	[smem:$0x3FAC] =	sst s8  }
0x11: {  	[smem:$0x3FAD] =	sst s9;
	s0 =	simm.s32 @!p0 $0x0  }
0x12: {  	s1 =	sld [smem:$0x3F93];
	s0 =	simm.s32 @p0 $0x1  }
0x13: {  	[smem:$0x3FAE] =	sst s0;
	s0 =	simm.s32 @!p1 $0x0  }
0x14: {  	s2 =	sld [smem:$0x3F92];
	s0 =	simm.s32 @p1 $0x1  }
0x15: {  	[smem:$0x3FAF] =	sst s0;
	s0 =	simm.s32 @!p2 $0x0  }
0x16: {  	s3 =	sld [smem:$0x3FDB];
	s0 =	simm.s32 @p2 $0x1  }
0x17: {  	s4 =	simm.s32 $0x1BF5;
	[smem:$0x3FB1] =	sst s0  }
0x18: {  	s0 =	sld [smem:$0x3F94];
	_ =	swait.ge [sflag:s4], $0x0  }
0x19: {  	s7 =	sld [smem:$0x3F95]  }
0x1a: {  	s8 =	sadd.s32 $0xFFFFE003, lr  }
0x1b: {  	s9 =	sadd.s32 $0xFFFFFEF7, lr;
	s5 =	simm.s32 $0xFFFFFFFF;
	p2 =	slt.u32 s8, $0xFFFFF086  }
0x1c: {  	p1 =	slt.u32 s9, $0xF7A;
	s5 =	simm.s32 @!p2 $0x0  }
0x1d: {  	s5 =	simm.s32 @p1 $0x1;
	p0 =	seq.s32 s7, s2  }
0x1e: {  	s7 =	smul.u32 @!p0 $0xF7A, s2;
	p2 =	seq.s32 @!p0 s5, $0x0  }
0x1f: {  	s9 =	smul.u32 $0xF7A, s1;
	s8 =	simm.s32 @!p0 $0x1BF5;
	p2 =	por !p2, p0  }
0x20: {  	[sflag:s8] =	ssyncset.s32 @!p0 $0xFFFFF086;
	s6 =	sadd.s32 @!p0 s3, s7;
	s7 =	simm.s32 @!p0 $0x108  }
0x21: {  	s3 =	sadd.s32 s3, s9;
	s6 =	sadd.s32 @!p0 $0x88, s6;
	s7 =	simm.s32 @p2 $0x1082  }
0x22: {  	[simem:s7], [sflag:s8] =	dma.local @!p0 [hbm:s6], $0xF7A  }
0x23: {  	s9 =	sor.u32 $0xD0000000, s2;
	s6 =	simm.s32 $0x108;
	_ =	swait.ge @!p0 [sflag:s8], $0x0  }
0x24: {  	s3 =	sadd.s32 $0x88, s3;
	s6 =	simm.s32 @!p1 $0x1082;
	[sflag:s4] =	ssyncset.s32 $0xFFFFF086  }
0x25: {  	[simem:s6], [sflag:s4] =	dma.local [hbm:s3], $0xF7A  }
0x26: {  	[smem:$0x3F95] =	sst s1;
	(tag) =	ssettag s2;
	_ =	strace s9  }
0x27: {  	s1 =	sld [smem:$0x3FA5]  }
0x28: {  	s2 =	sld [smem:$0x3FA6]  }
0x29: {  	s4 =	sld [smem:$0x3FA8]  }
0x2a: {  	p0 =	seq.s32 s5, $0x0;
	s5 =	sld [smem:$0x3FA9]  }
0x2b: {  	s6 =	sld [smem:$0x3FAA]  }
0x2c: {  	s7 =	sld [smem:$0x3FAB]  }
0x2d: {  	s3 =	simm.s32 $0x108;
	s8 =	sld [smem:$0x3FAC]  }
0x2e: {  	s3 =	simm.s32 @!p0 $0x1082;
	s9 =	sld [smem:$0x3FAD]  }
0x2f: {  	lr =	sadd.s32 s0, s3;
	s0 =	sld [smem:$0x3FA4]  }
0x30: {  	s3 =	sld [smem:$0x3FA7]  }
0x31: {  	[smem:$0x3FB0] =	sst s10  }
0x32: {  	s10 =	sld [smem:$0x3FAE];
	_ =	sdelay $0x3  }
0x33: {  	p0 =	seq.s32 s10, $0x1;
	s10 =	sld [smem:$0x3FB0];
	_ =	sdelay $0x3  }
0x34: {  	[smem:$0x3FB0] =	sst s10  }
0x35: {  	s10 =	sld [smem:$0x3FAF];
	_ =	sdelay $0x3  }
0x36: {  	p1 =	seq.s32 s10, $0x1;
	s10 =	sld [smem:$0x3FB0];
	_ =	sdelay $0x3  }
0x37: {  	[smem:$0x3FB0] =	sst s10  }
0x38: {  	s10 =	sld [smem:$0x3FB1]  }
0x39: {  	_ = 	snop;
	(pc) =	sbr.ind lr, $3  }
0x3a: {  	_ = 	snop  }
0x3b: {  	_ = 	snop  }
0x3c: {  	p2 =	seq.s32 s10, $0x1;
	s10 =	sld [smem:$0x3FB0]  }
0x3d: {  	_ =	shalt  }
0x3e: {  	_ =	shalt  }
0x3f: {  	_ =	shalt  }
0x40: {  	_ =	shalt  }
0x41: {  	_ =	shalt  }
0x42: {  	_ =	shalt  }
0x43: {  	_ =	shalt  }
0x44: {  	_ =	shalt  }
0x45: {  	_ =	shalt  }
0x46: {  	_ =	shalt  }
0x47: {  	_ =	shalt  }
0x48: {  	_ =	shalt  }
0x49: {  	_ =	shalt  }
0x4a: {  	_ =	shalt  }
0x4b: {  	_ =	shalt  }
0x4c: {  	_ =	shalt  }
0x4d: {  	_ =	shalt  }
0x4e: {  	_ =	shalt  }
0x4f: {  	_ =	shalt  }
0x50: {  	_ =	shalt  }
0x51: {  	_ =	shalt  }
0x52: {  	_ =	shalt  }
0x53: {  	_ =	shalt  }
0x54: {  	_ =	shalt  }
0x55: {  	_ =	shalt  }
0x56: {  	_ =	shalt  }
0x57: {  	_ =	shalt  }
0x58: {  	_ =	shalt  }
0x59: {  	_ =	shalt  }
0x5a: {  	_ =	shalt  }
0x5b: {  	_ =	shalt  }
0x5c: {  	_ =	shalt  }
0x5d: {  	_ =	shalt  }
0x5e: {  	_ =	shalt  }
0x5f: {  	_ =	shalt  }
0x60: {  	_ =	shalt  }
0x61: {  	_ =	shalt  }
0x62: {  	_ =	shalt  }
0x63: {  	_ =	shalt  }
0x64: {  	_ =	shalt  }
0x65: {  	_ =	shalt  }
0x66: {  	_ =	shalt  }
0x67: {  	_ =	shalt  }
0x68: {  	_ =	shalt  }
0x69: {  	_ =	shalt  }
0x6a: {  	_ =	shalt  }
0x6b: {  	_ =	shalt  }
0x6c: {  	_ =	shalt  }
0x6d: {  	_ =	shalt  }
0x6e: {  	_ =	shalt  }
0x6f: {  	_ =	shalt  }
0x70: {  	_ =	shalt  }
0x71: {  	_ =	shalt  }
0x72: {  	_ =	shalt  }
0x73: {  	_ =	shalt  }
0x74: {  	_ =	shalt  }
0x75: {  	_ =	shalt  }
0x76: {  	_ =	shalt  }
0x77: {  	_ =	shalt  }
0x78: {  	_ =	shalt  }
0x79: {  	_ =	shalt  }
0x7a: {  	_ =	shalt  }
0x7b: {  	_ =	shalt  }
0x7c: {  	_ =	shalt  }
0x7d: {  	_ =	shalt  }
0x7e: {  	_ =	shalt  }
0x7f: {  	_ =	shalt  }
0x80: {  	_ =	shalt  }
0x81: {  	_ =	shalt  }
0x82: {  	_ =	shalt  }
0x83: {  	_ =	shalt  }
0x84: {  	_ =	shalt  }
0x85: {  	_ =	shalt  }
0x86: {  	_ =	shalt  }
0x87: {  	_ =	shalt  }
.Lfunc_end0:
.L_simem_size_0:
called_computation_lowered:
.L_overlay_start_0:
0x88: {  	s2 =	sld [smem:$0x3FD9]  }
0x89: {  	s3 =	sld [smem:$0x3FFE];
	_ =	sdelay $0x1  }
0x8a: {  	s1 =	srdreg.scid  }
0x8b: {  	s0 =	sand.u32 $0x1, s1  }
0x8c: {  	s14 =	sshll.u32 s0, $0xA;
	s2 =	sadd.s32 s3, s2  }
0x8d: {  	s2 =	sadd.s32 s2, s14  }
0x8e: {  	[smem:$0x3FBC] =	sst s2  }
0x8f: {  	_ = 	snop  }
0x90: {  	s2 =	sld [smem:$0x3FD0];
	_ =	sdelay $0x2  }
0x91: {  	s15 =	simm.s32 $0xA;
	s4 =	simm.s32 $0x10  }
0x92: {  	[smem:s4], [sflag:s15] =	dma.local [hbm:s2], $0x1  }
0x93: {  	_ =	swait.eq [sflag:s15], $0x1  }
0x94: {  	[sflag:s15] =	ssyncset.done $0x0  }
0x95: {  	s16 =	sld [smem:$0x11];
	[sflag:s15] =	ssyncadd.s32 $0xFFFFFFFF  }
0x96: {  	s17 =	sld [smem:$0x12];
	(tm) =	ssettm $0x1  }
0x97: {  	s18 =	sld [smem:$0x3FFB];
	_ =	sdelay $0x3  }
0x98: {  	_ =	strace s18  }
0x99: {  	s4 =	sld [smem:$0x3FFC];
	_ =	sdelay $0x3  }
0x9a: {  	_ =	strace s4  }
0x9b: {  	s4 =	sld [smem:$0x3FFD];
	_ =	sdelay $0x3  }
0x9c: {  	_ =	strace s4  }
0x9d: {  	_ =	strace $0x8FFFFFFF  }
0x9e: {  	s19 =	sld [smem:$0x3FDB];
	_ =	sdelay $0x1  }
0x9f: {  	s5 =	simm.s32 $_scs_section_size  }
0xa0: {  	s6 =	simm.s32 $_size__tile_overlayer_lowered;
	s7 =	simm.s32 $_tile_overlayer_lowered  }
0xa1: {  	s22 =	simm.s32 $0x1BFF;
	s21 =	sshll.u32 s7, $0x1;
	s4 =	sadd.s32 s5, s19  }
0xa2: {  	s8 =	simm.s32 $0x0;
	s20 =	sshll.u32 s6, $0x1;
	s6 =	sadd.s32 s21, s4  }
0xa3: {  	[timem:s8], [sflag:s22] =	dma.local [hbm:s6], s20  }
0xa4: {  	_ =	swait.ge [sflag:s22], s20  }
0xa5: {  	s5 =	ssub.s32 $0x0, s20;
	[sflag:s22] =	ssyncset.done $0x0  }
0xa6: {  	[sflag:s22] =	ssyncadd.s32 s5;
	_ =	sdelay $0x1  }
0xa7: {  	s23 =	simm.s32 $0x1B8B  }
0xa8: {  	_ =	swait.ge [sflag:s23], $0x1  }
0xa9: {  	[sflag:s23] =	ssyncset.done $0x0  }
0xaa: {  	s25 =	simm.s32 $0x1B8E;
	s24 =	sld [smem:$0x3FFE];
	[sflag:s23] =	ssyncadd.s32 $0xFFFFFFFF  }
0xab: {  	s26 =	simm.s32 $execute0_lowered;
	[smem:$0x3FD2] =	sst s25  }
0xac: {  	s6 =	sshll.u32 s26, $0x1;
	_ =	strace $0x80000046;
	[dreg:$0x1] =	wrdreg $0xFFFFFFFF  }
0xad: {  	s28 =	simm.s32 $_size_execute0_lowered;
	s4 =	sadd.s32 s4, s6;
	[dreg:$0x0] =	wrdreg $0x0  }
0xae: {  	s6 =	sshll.u32 s28, $0x1;
	[dreg:$0x2] =	wrdreg s4  }
0xaf: {  	[dreg:$0x3] =	wrdreg s6  }
0xb0: {  	[dreg:$0x4] =	wrdreg $0xC0  }
0xb1: {  	_ =	task [dreg:s8], $0x5FFFF  }
0xb2: {  	[dreg:$0x1] =	wrdreg $0xFFFFFFFF  }
0xb3: {  	[dreg:$0x0] =	wrdreg $0x60  }
0xb4: {  	[dreg:$0x2] =	wrdreg s24  }
0xb5: {  	[dreg:$0x3] =	wrdreg s17  }
0xb6: {  	[dreg:$0x4] =	wrdreg s16  }
0xb7: {  	[dreg:$0x5] =	wrdreg $0x68000  }
0xb8: {  	[dreg:$0x6] =	wrdreg $0x9  }
0xb9: {  	_ =	task.clear_ibuf [dreg:s8], $0x7FFFF;
	_ =	strace $0x90000046  }
0xba: {  	s29 =	simm.s32 $0x9;
	_ =	strace $0x80000048  }
0xbb: {  	_ =	swait.ge [sflag:s29], $0x1  }
0xbc: {  	[sflag:s29] =	ssyncadd.s32 $0xFFFFFFFF  }
0xbd: {  	_ =	strace $0x90000048  }
0xbe: {  	_ =	sfence  }
0xbf: {  	s30 =	sld [smem:$0x0];
	_ =	sdelay $0x2  }
0xc0: {  	s31 =	sshll.u32 s1, $0xD;
	s1 =	sshrl.u32 s1, $0x2  }
0xc1: {  	s3 =	sand.u32 $0x4000, s31;
	s1 =	sadd.s32 s1, s30  }
0xc2: {  	s0 =	sor.u32 s3, s0;
	s1 =	sshll.u32 s1, $0x11  }
0xc3: {  	s0 =	sor.u32 s1, s0  }
0xc4: {  	s0 =	sadd.s32 $0x8F2B, s0  }
0xc5: {  	[sflag:s0] =	ssyncadd.remote.s32 $0x1  }
0xc6: {  	_ =	sfence.sel $0xFFFF  }
0xc7: {  	[dreg:$0x0] =	wrdreg $0xFFFFFFFF;
	(pc) =	sbr.abs _section_cstart, $3  }
0xc8: {  	[dreg:$0x1] =	wrdreg $0xFFFFFFFF  }
0xc9: {  	_ =	task.clear_ibuf [dreg:s8], $0x2FFFF;
	_ =	strace $0x9FFFFFFF  }
0xca: {  	(tm) =	ssettm $0x7FFFFFFF  }
0xcb: {  	_ =	shalt  }
tec
execute0_lowered:
.L_overlay_start_1:
0x0: {  	(tag) =	ssettag $0x1  }
0x1: {  	s6 =	rddreg [dreg:$0x0]  }
0x2: {  	s1 =	rddreg [dreg:$0x1]  }
0x3: {  	s2 =	rddreg [dreg:$0x2]  }
0x4: {  	s4 =	rddreg [dreg:$0x3]  }
0x5: {  	s0 =	srdreg.scid;
	s3 =	rddreg [dreg:$0x4];
	s5 =	simm.s32 $0x0  }
0x6: {  	s13 =	simm.s32 $0x80;
	s14 =	simm.s32 $0x1;
	s7 =	sand.u32 $0x1, s0  }
0x7: {  	s15 =	simm.s32 $0x0;
	s0 =	stileid.u32;
	s8 =	smul.u32 $0x140000, s7  }
0x8: {  	[smem:$0x7FF] =	sst s5;
	s9 =	sshll.u32 s0, $0x1;
	s10 =	smul.u32 $0x14000, s0  }
0x9: {  	_ =	strace $0x80000047;
	s30 =	smul.u32 $0x50000, s0;
	s31 =	ssub.s32 $0x2, s7  }
0xa: {  	s11 =	sshll.u32 s0, $0x6;
	s9 =	sor.u32 s7, s9;
	s7 =	sshrl.u32 s31, $0x1  }
0xb: {  	s9 =	smul.u32 $0x500, s9;
	s8 =	sadd.s32 s10, s8;
	s10 =	sshrl.u32 s30, $0x2  }
0xc: {  	s12 =	ssub.s32 s31, s7;
	s8 =	sshrl.u32 s8, $0x3;
	s10 =	sadd.s32 s10, s4  }
0xd: {  	s9 =	sadd.s32 s9, s6;
	s8 =	sadd.s32 s8, s6;
	s6 =	sor.u32 $0x1C02, s11  }
0xe: {  	s10 =	sshrl.u32 s10, $0x3;
	s11 =	simm.s32 $0x2;
	s7 =	sadd.s32 $0x4400, s9  }
0xf: {  	s8 =	sadd.s32 $0x18400, s8;
	s9 =	smax.u32 s12, $0x1;
	s12 =	simm.s32 $0x2800  }
.LBB2_1:
0x10: {  	[spmem:s10], [sflag:s6] =	dma.local [hbm:s1], $0x2800  }
0x11: {  	_ =	swait.ge [sflag:s11], $0x2800  }
0x12: {  	[sflag:s11] =	ssyncset.done $0x0  }
0x13: {  	[sflag:s11] =	ssyncadd.s32 $0xFFFFD800  }
0x14: {  	[tilespmem:s12], [sflag:$0x2] =	stream.linear.gather [hbm4b:s2+s5], $0x4000, $0x38;
	[tilespmem:$0x1A800] =	vst v63  }
0x15: {  	_ =	swait.ge [sflag:s11], $0x4000  }
0x16: {  	[sflag:s11] =	ssyncset.done $0x0  }
0x17: {  	[sflag:s11] =	ssyncadd.s32 $0xFFFFC000  }
0x18: {  	[tilespmem:s5], [sflag:$0x2] =	stream.linear.gather [hbm4b:s7+s5], $0x2800, $0x38;
	[tilespmem:$0x1A800] =	vst v63  }
0x19: {  	_ =	swait.ge [sflag:s11], $0x2800  }
0x1a: {  	[sflag:s11] =	ssyncset.done $0x0  }
0x1b: {  	[sflag:s11] =	ssyncadd.s32 $0xFFFFD800  }
0x1c: {  	[bflag:$0x0] =	sbarrier.arrive $0xFFFF  }
0x1d: {  	[spmem:s4] =	stream.indirect.scatter.add.f32 [tilespmem:s12], [sflag:$0x1], $0x80, s5, s13, $0xb8;
	[tilespmem:$0x1A800] =	vst v63  }
0x1e: {  	s16 =	simm.s32 $0x80  }
0x1f: {  	[spmem:s4] =	stream.indirect.scatter.add.f32 [tilespmem:s12], [sflag:$0x1], $0x80, s16, s13, $0xb8;
	[tilespmem:$0x1A800] =	vst v63  }
0x20: {  	_ =	swait.ge [sflag:s14], $0x4000  }
0x21: {  	s16 =	simm.s32 $0x400;
	[sflag:s14] =	ssyncset.done $0x0  }
.LBB2_2:
0x22: {  	s17 =	sshra.s32 s16, $0x2;
	[sflag:s14] =	ssyncadd.s32 $0xFFFFC000;
	p0 =	sne.s32 s16, $0x9E00  }
0x23: {  	[spmem:s4] =	stream.indirect.scatter.add.f32 [tilespmem:s12], [sflag:$0x1], $0x80, s17, s13, $0xb8;
	[tilespmem:$0x1A800] =	vst v63  }
.Ltmp0:
0x24: {  	_ = 	snop;
	(pc) =	sbr.rel @p0 .LBB2_2-.Ltmp0, $4  }
0x25: {  	_ = 	snop  }
0x26: {  	s16 =	sadd.s32 $0x200, s16  }
0x27: {  	_ =	swait.ge [sflag:s14], $0x4000  }
0x28: {  	[sflag:s14] =	ssyncset.done $0x0  }
0x29: {  	[sflag:s14] =	ssyncadd.s32 $0xFFFFC000  }
0x2a: {  	_ =	swait.ge [sflag:s14], $0x4000  }
0x2b: {  	s15 =	sadd.s32 $0x1, s15;
	[sflag:s14] =	ssyncset.done $0x0  }
0x2c: {  	p0 =	sne.s32 s15, s9;
	[sflag:s14] =	ssyncadd.s32 $0xFFFFC000  }
.Ltmp1:
0x2d: {  	[bflag:$0x0] =	sbarrier.arrive $0xFFFF;
	(pc) =	sbr.rel @p0 .LBB2_1-.Ltmp1, $4  }
0x2e: {  	[hbm:s8], [sflag:s6] =	dma.local [spmem:s10], $0x2800  }
0x2f: {  	_ =	swait.ge [sflag:s11], $0x2800  }
0x30: {  	[sflag:s11] =	ssyncset.done $0x0  }
0x31: {  	[sflag:s11] =	ssyncadd.s32 $0xFFFFD800  }
0x32: {  	_ =	sfence.sel $0x180000  }
0x33: {  	[bflag:$0x0] =	sbarrier.arrive $0xFFFF  }
0x34: {  	p0 =	sne.s32 s0, $0x0;
	_ =	strace $0x90000047  }
0x35: {  	s0 =	sadd.s32 @!p0 $0x100000, s3;
	[bflag:$0x2] =	sbarrier.arrive $0xFFFF  }
0x36: {  	[sflag:s0] =	ssyncadd.tile.s32 @!p0 $0x1;
	_ =	shalt  }
.Lfunc_end2:
_tile_overlayer_lowered:
.L_overlay_start_2:
0x37: {  	(tag) =	ssettag $0x2  }
0x38: {  	s0 =	rddreg [dreg:$0x0];
	s2 =	stileid.u32  }
0x39: {  	s1 =	rddreg [dreg:$0x1];
	p0 =	sne.s32 s2, $0x0  }
0x3a: {  	s3 =	rddreg [dreg:$0x2];
	[bflag:$0x3] =	sbarrier.arrive $0xFFFF;
	s2 =	simm.s32 @!p0 $0x1C02  }
0x3b: {  	[timem:s3], [sflag:s2] =	dma.local @!p0 [hbm:s0], s1  }
0x3c: {  	s0 =	simm.s32 @!p0 $0x2  }
0x3d: {  	_ =	swait.ge @!p0 [sflag:s0], s1  }
0x3e: {  	s1 =	ssub.s32 @!p0 $0x0, s1;
	[sflag:s0] =	ssyncset.done @!p0 $0x0  }
0x3f: {  	[sflag:s0] =	ssyncadd.s32 @!p0 s1  }
0x40: {  	[bflag:$0x3] =	sbarrier.arrive $0xFFFF  }
0x41: {  	_ =	shalt  }

// kernel: kernel.16.cloned.1.call-start
scs
__scs_entry_jumppad:
0x0: {  	(pc) =	sbr.rel $0x88, $3  }
0x1: {  	(tag) =	ssettag $0x0;
	lr =	simm.s32 $0x1  }
0x2: {  	[smem:$0x3F95] =	sst lr;
	_ =	strace $0xD0000000  }
0x3: {  	_ = 	snop  }
0x4: {  	_ = 	snop  }
0x5: {  	_ = 	snop  }
0x6: {  	_ = 	snop  }
0x7: {  	_ = 	snop  }
__scs_overlays_trampoline_lowered:
0x8: {  	[smem:$0x3FA4] =	sst s0  }
0x9: {  	[smem:$0x3FA5] =	sst s1  }
0xa: {  	[smem:$0x3FA6] =	sst s2  }
0xb: {  	[smem:$0x3FA7] =	sst s3  }
0xc: {  	[smem:$0x3FA8] =	sst s4  }
0xd: {  	[smem:$0x3FA9] =	sst s5  }
0xe: {  	[smem:$0x3FAA] =	sst s6  }
0xf: {  	[smem:$0x3FAB] =	sst s7  }
0x10: {  	[smem:$0x3FAC] =	sst s8  }
0x11: {  	[smem:$0x3FAD] =	sst s9;
	s0 =	simm.s32 @!p0 $0x0  }
0x12: {  	s1 =	sld [smem:$0x3F93];
	s0 =	simm.s32 @p0 $0x1  }
0x13: {  	[smem:$0x3FAE] =	sst s0;
	s0 =	simm.s32 @!p1 $0x0  }
0x14: {  	s2 =	sld [smem:$0x3F92];
	s0 =	simm.s32 @p1 $0x1  }
0x15: {  	[smem:$0x3FAF] =	sst s0;
	s0 =	simm.s32 @!p2 $0x0  }
0x16: {  	s3 =	sld [smem:$0x3FDB];
	s0 =	simm.s32 @p2 $0x1  }
0x17: {  	s4 =	simm.s32 $0x1BF5;
	[smem:$0x3FB1] =	sst s0  }
0x18: {  	s0 =	sld [smem:$0x3F94];
	_ =	swait.ge [sflag:s4], $0x0  }
0x19: {  	s7 =	sld [smem:$0x3F95]  }
0x1a: {  	s8 =	sadd.s32 $0xFFFFE003, lr  }
0x1b: {  	s9 =	sadd.s32 $0xFFFFFEF7, lr;
	s5 =	simm.s32 $0xFFFFFFFF;
	p2 =	slt.u32 s8, $0xFFFFF086  }
0x1c: {  	p1 =	slt.u32 s9, $0xF7A;
	s5 =	simm.s32 @!p2 $0x0  }
0x1d: {  	s5 =	simm.s32 @p1 $0x1;
	p0 =	seq.s32 s7, s2  }
0x1e: {  	s7 =	smul.u32 @!p0 $0xF7A, s2;
	p2 =	seq.s32 @!p0 s5, $0x0  }
0x1f: {  	s9 =	smul.u32 $0xF7A, s1;
	s8 =	simm.s32 @!p0 $0x1BF5;
	p2 =	por !p2, p0  }
0x20: {  	[sflag:s8] =	ssyncset.s32 @!p0 $0xFFFFF086;
	s6 =	sadd.s32 @!p0 s3, s7;
	s7 =	simm.s32 @!p0 $0x108  }
0x21: {  	s3 =	sadd.s32 s3, s9;
	s6 =	sadd.s32 @!p0 $0x88, s6;
	s7 =	simm.s32 @p2 $0x1082  }
0x22: {  	[simem:s7], [sflag:s8] =	dma.local @!p0 [hbm:s6], $0xF7A  }
0x23: {  	s9 =	sor.u32 $0xD0000000, s2;
	s6 =	simm.s32 $0x108;
	_ =	swait.ge @!p0 [sflag:s8], $0x0  }
0x24: {  	s3 =	sadd.s32 $0x88, s3;
	s6 =	simm.s32 @!p1 $0x1082;
	[sflag:s4] =	ssyncset.s32 $0xFFFFF086  }
0x25: {  	[simem:s6], [sflag:s4] =	dma.local [hbm:s3], $0xF7A  }
0x26: {  	[smem:$0x3F95] =	sst s1;
	(tag) =	ssettag s2;
	_ =	strace s9  }
0x27: {  	s1 =	sld [smem:$0x3FA5]  }
0x28: {  	s2 =	sld [smem:$0x3FA6]  }
0x29: {  	s4 =	sld [smem:$0x3FA8]  }
0x2a: {  	p0 =	seq.s32 s5, $0x0;
	s5 =	sld [smem:$0x3FA9]  }
0x2b: {  	s6 =	sld [smem:$0x3FAA]  }
0x2c: {  	s7 =	sld [smem:$0x3FAB]  }
0x2d: {  	s3 =	simm.s32 $0x108;
	s8 =	sld [smem:$0x3FAC]  }
0x2e: {  	s3 =	simm.s32 @!p0 $0x1082;
	s9 =	sld [smem:$0x3FAD]  }
0x2f: {  	lr =	sadd.s32 s0, s3;
	s0 =	sld [smem:$0x3FA4]  }
0x30: {  	s3 =	sld [smem:$0x3FA7]  }
0x31: {  	[smem:$0x3FB0] =	sst s10  }
0x32: {  	s10 =	sld [smem:$0x3FAE];
	_ =	sdelay $0x3  }
0x33: {  	p0 =	seq.s32 s10, $0x1;
	s10 =	sld [smem:$0x3FB0];
	_ =	sdelay $0x3  }
0x34: {  	[smem:$0x3FB0] =	sst s10  }
0x35: {  	s10 =	sld [smem:$0x3FAF];
	_ =	sdelay $0x3  }
0x36: {  	p1 =	seq.s32 s10, $0x1;
	s10 =	sld [smem:$0x3FB0];
	_ =	sdelay $0x3  }
0x37: {  	[smem:$0x3FB0] =	sst s10  }
0x38: {  	s10 =	sld [smem:$0x3FB1]  }
0x39: {  	_ = 	snop;
	(pc) =	sbr.ind lr, $3  }
0x3a: {  	_ = 	snop  }
0x3b: {  	_ = 	snop  }
0x3c: {  	p2 =	seq.s32 s10, $0x1;
	s10 =	sld [smem:$0x3FB0]  }
0x3d: {  	_ =	shalt  }
0x3e: {  	_ =	shalt  }
0x3f: {  	_ =	shalt  }
0x40: {  	_ =	shalt  }
0x41: {  	_ =	shalt  }
0x42: {  	_ =	shalt  }
0x43: {  	_ =	shalt  }
0x44: {  	_ =	shalt  }
0x45: {  	_ =	shalt  }
0x46: {  	_ =	shalt  }
0x47: {  	_ =	shalt  }
0x48: {  	_ =	shalt  }
0x49: {  	_ =	shalt  }
0x4a: {  	_ =	shalt  }
0x4b: {  	_ =	shalt  }
0x4c: {  	_ =	shalt  }
0x4d: {  	_ =	shalt  }
0x4e: {  	_ =	shalt  }
0x4f: {  	_ =	shalt  }
0x50: {  	_ =	shalt  }
0x51: {  	_ =	shalt  }
0x52: {  	_ =	shalt  }
0x53: {  	_ =	shalt  }
0x54: {  	_ =	shalt  }
0x55: {  	_ =	shalt  }
0x56: {  	_ =	shalt  }
0x57: {  	_ =	shalt  }
0x58: {  	_ =	shalt  }
0x59: {  	_ =	shalt  }
0x5a: {  	_ =	shalt  }
0x5b: {  	_ =	shalt  }
0x5c: {  	_ =	shalt  }
0x5d: {  	_ =	shalt  }
0x5e: {  	_ =	shalt  }
0x5f: {  	_ =	shalt  }
0x60: {  	_ =	shalt  }
0x61: {  	_ =	shalt  }
0x62: {  	_ =	shalt  }
0x63: {  	_ =	shalt  }
0x64: {  	_ =	shalt  }
0x65: {  	_ =	shalt  }
0x66: {  	_ =	shalt  }
0x67: {  	_ =	shalt  }
0x68: {  	_ =	shalt  }
0x69: {  	_ =	shalt  }
0x6a: {  	_ =	shalt  }
0x6b: {  	_ =	shalt  }
0x6c: {  	_ =	shalt  }
0x6d: {  	_ =	shalt  }
0x6e: {  	_ =	shalt  }
0x6f: {  	_ =	shalt  }
0x70: {  	_ =	shalt  }
0x71: {  	_ =	shalt  }
0x72: {  	_ =	shalt  }
0x73: {  	_ =	shalt  }
0x74: {  	_ =	shalt  }
0x75: {  	_ =	shalt  }
0x76: {  	_ =	shalt  }
0x77: {  	_ =	shalt  }
0x78: {  	_ =	shalt  }
0x79: {  	_ =	shalt  }
0x7a: {  	_ =	shalt  }
0x7b: {  	_ =	shalt  }
0x7c: {  	_ =	shalt  }
0x7d: {  	_ =	shalt  }
0x7e: {  	_ =	shalt  }
0x7f: {  	_ =	shalt  }
0x80: {  	_ =	shalt  }
0x81: {  	_ =	shalt  }
0x82: {  	_ =	shalt  }
0x83: {  	_ =	shalt  }
0x84: {  	_ =	shalt  }
0x85: {  	_ =	shalt  }
0x86: {  	_ =	shalt  }
0x87: {  	_ =	shalt  }
.Lfunc_end0:
.L_simem_size_0:
called_computation.1_lowered:
.L_overlay_start_0:
0x88: {  	s2 =	sld [smem:$0x3FD9]  }
0x89: {  	s3 =	sld [smem:$0x3FFE];
	_ =	sdelay $0x1  }
0x8a: {  	s1 =	srdreg.scid  }
0x8b: {  	s0 =	sand.u32 $0x1, s1  }
0x8c: {  	s14 =	sshll.u32 s0, $0xA;
	s2 =	sadd.s32 s3, s2  }
0x8d: {  	s2 =	sadd.s32 s2, s14  }
0x8e: {  	[smem:$0x3FBC] =	sst s2  }
0x8f: {  	_ = 	snop  }
0x90: {  	s2 =	sld [smem:$0x3FD0];
	_ =	sdelay $0x2  }
0x91: {  	s15 =	simm.s32 $0xA;
	s4 =	simm.s32 $0x10  }
0x92: {  	[smem:s4], [sflag:s15] =	dma.local [hbm:s2], $0x1  }
0x93: {  	_ =	swait.eq [sflag:s15], $0x1  }
0x94: {  	[sflag:s15] =	ssyncset.done $0x0  }
0x95: {  	s16 =	sld [smem:$0x10];
	[sflag:s15] =	ssyncadd.s32 $0xFFFFFFFF  }
0x96: {  	s17 =	sld [smem:$0x12];
	(tm) =	ssettm $0x1  }
0x97: {  	s18 =	sld [smem:$0x3FFB];
	_ =	sdelay $0x3  }
0x98: {  	_ =	strace s18  }
0x99: {  	s4 =	sld [smem:$0x3FFC];
	_ =	sdelay $0x3  }
0x9a: {  	_ =	strace s4  }
0x9b: {  	s4 =	sld [smem:$0x3FFD];
	_ =	sdelay $0x3  }
0x9c: {  	_ =	strace s4  }
0x9d: {  	_ =	strace $0x8FFFFFFF  }
0x9e: {  	s19 =	sld [smem:$0x3FDB];
	_ =	sdelay $0x1  }
0x9f: {  	s5 =	simm.s32 $_scs_section_size  }
0xa0: {  	s6 =	simm.s32 $_size__tile_overlayer_lowered;
	s7 =	simm.s32 $_tile_overlayer_lowered  }
0xa1: {  	s22 =	simm.s32 $0x1BFF;
	s21 =	sshll.u32 s7, $0x1;
	s4 =	sadd.s32 s5, s19  }
0xa2: {  	s8 =	simm.s32 $0x0;
	s20 =	sshll.u32 s6, $0x1;
	s6 =	sadd.s32 s21, s4  }
0xa3: {  	[timem:s8], [sflag:s22] =	dma.local [hbm:s6], s20  }
0xa4: {  	_ =	swait.ge [sflag:s22], s20  }
0xa5: {  	s5 =	ssub.s32 $0x0, s20;
	[sflag:s22] =	ssyncset.done $0x0  }
0xa6: {  	[sflag:s22] =	ssyncadd.s32 s5;
	_ =	sdelay $0x1  }
0xa7: {  	s23 =	simm.s32 $0x1B8B  }
0xa8: {  	_ =	swait.ge [sflag:s23], $0x1  }
0xa9: {  	[sflag:s23] =	ssyncset.done $0x0  }
0xaa: {  	s25 =	simm.s32 $0x1B8E;
	s24 =	sld [smem:$0x3FFE];
	[sflag:s23] =	ssyncadd.s32 $0xFFFFFFFF  }
0xab: {  	s26 =	simm.s32 $execute0_lowered;
	[smem:$0x3FD2] =	sst s25  }
0xac: {  	s6 =	sshll.u32 s26, $0x1;
	_ =	strace $0x80000049;
	[dreg:$0x1] =	wrdreg $0xFFFFFFFF  }
0xad: {  	s28 =	simm.s32 $_size_execute0_lowered;
	s4 =	sadd.s32 s4, s6;
	[dreg:$0x0] =	wrdreg $0x0  }
0xae: {  	s6 =	sshll.u32 s28, $0x1;
	[dreg:$0x2] =	wrdreg s4  }
0xaf: {  	[dreg:$0x3] =	wrdreg s6  }
0xb0: {  	[dreg:$0x4] =	wrdreg $0xC0  }
0xb1: {  	_ =	task [dreg:s8], $0x5FFFF  }
0xb2: {  	[dreg:$0x1] =	wrdreg $0xFFFFFFFF  }
0xb3: {  	[dreg:$0x0] =	wrdreg $0x60  }
0xb4: {  	[dreg:$0x2] =	wrdreg s16  }
0xb5: {  	[dreg:$0x3] =	wrdreg s24  }
0xb6: {  	[dreg:$0x4] =	wrdreg s17  }
0xb7: {  	[dreg:$0x5] =	wrdreg $0x90000  }
0xb8: {  	[dreg:$0x6] =	wrdreg $0x9  }
0xb9: {  	_ =	task.clear_ibuf [dreg:s8], $0x7FFFF;
	_ =	strace $0x90000049  }
0xba: {  	s29 =	simm.s32 $0x9;
	_ =	strace $0x8000004B  }
0xbb: {  	_ =	swait.ge [sflag:s29], $0x1  }
0xbc: {  	[sflag:s29] =	ssyncadd.s32 $0xFFFFFFFF  }
0xbd: {  	_ =	strace $0x9000004B  }
0xbe: {  	_ =	sfence  }
0xbf: {  	s30 =	sld [smem:$0x0];
	_ =	sdelay $0x2  }
0xc0: {  	s31 =	sshll.u32 s1, $0xD;
	s1 =	sshrl.u32 s1, $0x2  }
0xc1: {  	s3 =	sand.u32 $0x4000, s31;
	s1 =	sadd.s32 s1, s30  }
0xc2: {  	s0 =	sor.u32 s3, s0;
	s1 =	sshll.u32 s1, $0x11  }
0xc3: {  	s0 =	sor.u32 s1, s0  }
0xc4: {  	s0 =	sadd.s32 $0x8F2B, s0  }
0xc5: {  	[sflag:s0] =	ssyncadd.remote.s32 $0x1  }
0xc6: {  	_ =	sfence.sel $0xFFFF  }
0xc7: {  	[dreg:$0x0] =	wrdreg $0xFFFFFFFF;
	(pc) =	sbr.abs _section_cstart, $3  }
0xc8: {  	[dreg:$0x1] =	wrdreg $0xFFFFFFFF  }
0xc9: {  	_ =	task.clear_ibuf [dreg:s8], $0x2FFFF;
	_ =	strace $0x9FFFFFFF  }
0xca: {  	(tm) =	ssettm $0x7FFFFFFF  }
0xcb: {  	_ =	shalt  }
tec
execute0_lowered:
.L_overlay_start_1:
0x0: {  	(tag) =	ssettag $0x1  }
0x1: {  	s1 =	rddreg [dreg:$0x0]  }
0x2: {  	s0 =	srdreg.scid;
	s3 =	rddreg [dreg:$0x1]  }
0x3: {  	s9 =	stileid.u32;
	s4 =	rddreg [dreg:$0x3];
	s5 =	simm.s32 $0x0  }
0x4: {  	s14 =	simm.s32 $0x100;
	s15 =	simm.s32 $0x880;
	s17 =	simm.s32 $0x180  }
0x5: {  	s18 =	simm.s32 $0x900;
	s19 =	simm.s32 $0x200;
	[smem:$0x7FF] =	sst s5  }
0x6: {  	s20 =	simm.s32 $0x980;
	_ =	strace $0x8000004A;
	[dreg:$0x7] =	wrdreg s14  }
0x7: {  	s21 =	simm.s32 $0x280;
	s22 =	simm.s32 $0xA00;
	[dreg:$0x8] =	wrdreg s15  }
0x8: {  	s23 =	simm.s32 $0x300;
	s24 =	simm.s32 $0xA80;
	[dreg:$0x9] =	wrdreg s17  }
0x9: {  	s25 =	simm.s32 $0x380;
	s26 =	simm.s32 $0xB00;
	[dreg:$0xa] =	wrdreg s18  }
0xa: {  	s28 =	simm.s32 $0x680;
	s29 =	simm.s32 $0xE00;
	[dreg:$0xb] =	wrdreg s19  }
0xb: {  	s30 =	simm.s32 $0x700;
	s2 =	smul.u32 $0x5000, s9;
	[dreg:$0xc] =	wrdreg s20  }
0xc: {  	s31 =	simm.s32 $0xE80;
	s8 =	smul.u32 $0x14000, s9;
	[dreg:$0xd] =	wrdreg s21  }
0xd: {  	s0 =	sand.u32 $0x1, s0;
	s11 =	smul.u32 $0x50000, s9;
	[dreg:$0xe] =	wrdreg s22  }
0xe: {  	s16 =	sshll.u32 s9, $0x6;
	s6 =	smul.u32 $0x2800, s0;
	[dreg:$0xf] =	wrdreg s23  }
0xf: {  	s9 =	simm.s32 $0x0;
	s7 =	smul.u32 $0x140000, s0;
	[dreg:$0x10] =	wrdreg s24  }
0x10: {  	s0 =	ssub.s32 $0x2, s0;
	s14 =	simm.s32 $0x1;
	[dreg:$0x11] =	wrdreg s25  }
0x11: {  	s15 =	simm.s32 $0x5000;
	[dreg:$0x12] =	wrdreg s26;
	s17 =	simm.s32 $0x400  }
0x12: {  	s18 =	simm.s32 $0xB80;
	s19 =	simm.s32 $0x480;
	s20 =	simm.s32 $0xC00  }
0x13: {  	s21 =	simm.s32 $0x500;
	s22 =	simm.s32 $0xC80;
	s23 =	simm.s32 $0x580  }
0x14: {  	s24 =	simm.s32 $0xD00;
	s25 =	simm.s32 $0x600;
	s26 =	simm.s32 $0xD80  }
0x15: {  	s10 =	sshrl.u32 s0, $0x1;
	s13 =	sshrl.u32 s11, $0x2;
	s11 =	simm.s32 $0x800  }
0x16: {  	s2 =	sadd.s32 s6, s2;
	s8 =	sadd.s32 s8, s7;
	s0 =	ssub.s32 s0, s10  }
0x17: {  	s7 =	sor.u32 $0x1C03, s16;
	s10 =	simm.s32 $0x3;
	s16 =	simm.s32 $0x2  }
0x18: {  	s2 =	sshrl.u32 s2, $0x3;
	s6 =	sshrl.u32 s8, $0x3;
	s0 =	smax.u32 s0, $0x1  }
0x19: {  	[dreg:$0x13] =	wrdreg s7;
	s2 =	sadd.s32 s2, s3;
	s3 =	sadd.s32 s6, s3  }
0x1a: {  	s6 =	sadd.s32 s13, s4;
	[dreg:$0x15] =	wrdreg s0;
	s12 =	sadd.s32 $0x4400, s2  }
0x1b: {  	s13 =	simm.s32 $0x1000;
	s2 =	sadd.s32 $0xE400, s2;
	[dreg:$0x5] =	wrdreg s12  }
0x1c: {  	s0 =	simm.s32 $0xF00;
	s3 =	sadd.s32 $0x18400, s3;
	[dreg:$0x6] =	wrdreg s2  }
0x1d: {  	s8 =	sshrl.u32 s6, $0x3;
	[dreg:$0x14] =	wrdreg s3;
	s12 =	simm.s32 $0x80  }
0x1e: {  	s2 =	simm.s32 $0x780;
	s3 =	simm.s32 $0xF80;
	[dreg:$0x16] =	wrdreg s8  }
.LBB2_1:
0x1f: {  	[dreg:$0x17] =	wrdreg s9  }
0x20: {  	s6 =	rddreg [dreg:$0x2]  }
0x21: {  	[spmem:s8], [sflag:s7] =	dma.local [hbm:s6], $0x2800  }
0x22: {  	_ =	swait.ge [sflag:s10], $0x2800  }
0x23: {  	[sflag:s10] =	ssyncset.done $0x0  }
0x24: {  	[sflag:s10] =	ssyncadd.s32 $0xFFFFD800  }
0x25: {  	[bflag:$0x0] =	sbarrier.arrive $0xFFFF  }
0x26: {  	s7 =	rddreg [dreg:$0x6]  }
0x27: {  	s6 =	sadd.s32 $0x0, s7  }
0x28: {  	[tilespmem:s5], [sflag:$0x3] =	stream.linear.gather [hbm4b:s6+s5], $0x800, $0x38;
	[tilespmem:$0x1D000] =	vst v63  }
0x29: {  	_ =	swait.ge [sflag:s10], $0x800  }
0x2a: {  	s8 =	rddreg [dreg:$0x5];
	[sflag:s10] =	ssyncset.done $0x0  }
0x2b: {  	[sflag:s10] =	ssyncadd.s32 $0xFFFFF800;
	s6 =	sadd.s32 $0x0, s8  }
0x2c: {  	[tilespmem:s11], [sflag:$0x3] =	stream.linear.gather [hbm4b:s6+s5], $0x800, $0x38;
	[tilespmem:$0x1D000] =	vst v63  }
0x2d: {  	_ =	swait.ge [sflag:s10], $0x800  }
0x2e: {  	[sflag:s10] =	ssyncset.done $0x0  }
0x2f: {  	[sflag:s10] =	ssyncadd.s32 $0xFFFFF800  }
0x30: {  	[tilespmem:s13], [sflag:$0x1] =	stream.indirect.gather [hbm4b:s1+s12], $0x80, s5, s12, $0xb8;
	[tilespmem:$0x1D000] =	vst v63  }
0x31: {  	_ =	swait.ge [sflag:s14], $0x4000  }
0x32: {  	[sflag:s14] =	ssyncset.done $0x0  }
0x33: {  	[sflag:s14] =	ssyncadd.s32 $0xFFFFC000  }
0x34: {  	[tilespmem:s15], [sflag:$0x1] =	stream.indirect.gather [hbm4b:s1+s12], $0x80, s12, s12, $0xb8;
	[tilespmem:$0x1D000] =	vst v63  }
0x35: {  	_ = 	snop  }
0x36: {  	[spmem:s4] =	stream.indirect.scatter.add.f32 [tilespmem:s13], [sflag:$0x2], $0x80, s11, s12, $0xb8;
	[tilespmem:$0x1D000] =	vst v63  }
0x37: {  	_ =	swait.ge [sflag:s14], $0x4000  }
0x38: {  	[sflag:s14] =	ssyncset.done $0x0  }
0x39: {  	[sflag:s14] =	ssyncadd.s32 $0xFFFFC000  }
0x3a: {  	_ =	swait.ge [sflag:s16], $0x4000  }
0x3b: {  	[sflag:s16] =	ssyncset.done $0x0  }
0x3c: {  	s9 =	rddreg [dreg:$0x7];
	[sflag:s16] =	ssyncadd.s32 $0xFFFFC000  }
0x3d: {  	[tilespmem:s13], [sflag:$0x1] =	stream.indirect.gather [hbm4b:s1+s12], $0x80, s9, s12, $0xb8;
	[tilespmem:$0x1D000] =	vst v63  }
0x3e: {  	s7 =	rddreg [dreg:$0x8]  }
0x3f: {  	[spmem:s4] =	stream.indirect.scatter.add.f32 [tilespmem:s15], [sflag:$0x2], $0x80, s7, s12, $0xb8;
	[tilespmem:$0x1D000] =	vst v63  }
0x40: {  	_ =	swait.ge [sflag:s14], $0x4000  }
0x41: {  	[sflag:s14] =	ssyncset.done $0x0  }
0x42: {  	[sflag:s14] =	ssyncadd.s32 $0xFFFFC000  }
0x43: {  	_ =	swait.ge [sflag:s16], $0x4000  }
0x44: {  	[sflag:s16] =	ssyncset.done $0x0  }
0x45: {  	s9 =	rddreg [dreg:$0x9];
	[sflag:s16] =	ssyncadd.s32 $0xFFFFC000  }
0x46: {  	[tilespmem:s15], [sflag:$0x1] =	stream.indirect.gather [hbm4b:s1+s12], $0x80, s9, s12, $0xb8;
	[tilespmem:$0x1D000] =	vst v63  }
0x47: {  	s7 =	rddreg [dreg:$0xa]  }
0x48: {  	[spmem:s4] =	stream.indirect.scatter.add.f32 [tilespmem:s13], [sflag:$0x2], $0x80, s7, s12, $0xb8;
	[tilespmem:$0x1D000] =	vst v63  }
0x49: {  	_ =	swait.ge [sflag:s14], $0x4000  }
0x4a: {  	[sflag:s14] =	ssyncset.done $0x0  }
0x4b: {  	[sflag:s14] =	ssyncadd.s32 $0xFFFFC000  }
0x4c: {  	_ =	swait.ge [sflag:s16], $0x4000  }
0x4d: {  	[sflag:s16] =	ssyncset.done $0x0  }
0x4e: {  	s9 =	rddreg [dreg:$0xb];
	[sflag:s16] =	ssyncadd.s32 $0xFFFFC000  }
0x4f: {  	[tilespmem:s13], [sflag:$0x1] =	stream.indirect.gather [hbm4b:s1+s12], $0x80, s9, s12, $0xb8;
	[tilespmem:$0x1D000] =	vst v63  }
0x50: {  	s7 =	rddreg [dreg:$0xc]  }
0x51: {  	[spmem:s4] =	stream.indirect.scatter.add.f32 [tilespmem:s15], [sflag:$0x2], $0x80, s7, s12, $0xb8;
	[tilespmem:$0x1D000] =	vst v63  }
0x52: {  	_ =	swait.ge [sflag:s14], $0x4000  }
0x53: {  	[sflag:s14] =	ssyncset.done $0x0  }
0x54: {  	[sflag:s14] =	ssyncadd.s32 $0xFFFFC000  }
0x55: {  	_ =	swait.ge [sflag:s16], $0x4000  }
0x56: {  	[sflag:s16] =	ssyncset.done $0x0  }
0x57: {  	s9 =	rddreg [dreg:$0xd];
	[sflag:s16] =	ssyncadd.s32 $0xFFFFC000  }
0x58: {  	[tilespmem:s15], [sflag:$0x1] =	stream.indirect.gather [hbm4b:s1+s12], $0x80, s9, s12, $0xb8;
	[tilespmem:$0x1D000] =	vst v63  }
0x59: {  	s7 =	rddreg [dreg:$0xe]  }
0x5a: {  	[spmem:s4] =	stream.indirect.scatter.add.f32 [tilespmem:s13], [sflag:$0x2], $0x80, s7, s12, $0xb8;
	[tilespmem:$0x1D000] =	vst v63  }
0x5b: {  	_ =	swait.ge [sflag:s14], $0x4000  }
0x5c: {  	[sflag:s14] =	ssyncset.done $0x0  }
0x5d: {  	[sflag:s14] =	ssyncadd.s32 $0xFFFFC000  }
0x5e: {  	_ =	swait.ge [sflag:s16], $0x4000  }
0x5f: {  	[sflag:s16] =	ssyncset.done $0x0  }
0x60: {  	s9 =	rddreg [dreg:$0xf];
	[sflag:s16] =	ssyncadd.s32 $0xFFFFC000  }
0x61: {  	[tilespmem:s13], [sflag:$0x1] =	stream.indirect.gather [hbm4b:s1+s12], $0x80, s9, s12, $0xb8;
	[tilespmem:$0x1D000] =	vst v63  }
0x62: {  	s7 =	rddreg [dreg:$0x10]  }
0x63: {  	[spmem:s4] =	stream.indirect.scatter.add.f32 [tilespmem:s15], [sflag:$0x2], $0x80, s7, s12, $0xb8;
	[tilespmem:$0x1D000] =	vst v63  }
0x64: {  	_ =	swait.ge [sflag:s14], $0x4000  }
0x65: {  	[sflag:s14] =	ssyncset.done $0x0  }
0x66: {  	[sflag:s14] =	ssyncadd.s32 $0xFFFFC000  }
0x67: {  	_ =	swait.ge [sflag:s16], $0x4000  }
0x68: {  	[sflag:s16] =	ssyncset.done $0x0  }
0x69: {  	s8 =	rddreg [dreg:$0x11];
	[sflag:s16] =	ssyncadd.s32 $0xFFFFC000  }
0x6a: {  	[tilespmem:s15], [sflag:$0x1] =	stream.indirect.gather [hbm4b:s1+s12], $0x80, s8, s12, $0xb8;
	[tilespmem:$0x1D000] =	vst v63  }
0x6b: {  	s9 =	rddreg [dreg:$0x12]  }
0x6c: {  	[spmem:s4] =	stream.indirect.scatter.add.f32 [tilespmem:s13], [sflag:$0x2], $0x80, s9, s12, $0xb8;
	[tilespmem:$0x1D000] =	vst v63  }
0x6d: {  	_ =	swait.ge [sflag:s14], $0x4000  }
0x6e: {  	[sflag:s14] =	ssyncset.done $0x0  }
0x6f: {  	[sflag:s14] =	ssyncadd.s32 $0xFFFFC000  }
0x70: {  	_ =	swait.ge [sflag:s16], $0x4000  }
0x71: {  	[sflag:s16] =	ssyncset.done $0x0  }
0x72: {  	[sflag:s16] =	ssyncadd.s32 $0xFFFFC000  }
0x73: {  	[tilespmem:s13], [sflag:$0x1] =	stream.indirect.gather [hbm4b:s1+s12], $0x80, s17, s12, $0xb8;
	[tilespmem:$0x1D000] =	vst v63  }
0x74: {  	_ = 	snop  }
0x75: {  	[spmem:s4] =	stream.indirect.scatter.add.f32 [tilespmem:s15], [sflag:$0x2], $0x80, s18, s12, $0xb8;
	[tilespmem:$0x1D000] =	vst v63  }
0x76: {  	_ =	swait.ge [sflag:s14], $0x4000  }
0x77: {  	[sflag:s14] =	ssyncset.done $0x0  }
0x78: {  	[sflag:s14] =	ssyncadd.s32 $0xFFFFC000  }
0x79: {  	_ =	swait.ge [sflag:s16], $0x4000  }
0x7a: {  	[sflag:s16] =	ssyncset.done $0x0  }
0x7b: {  	[sflag:s16] =	ssyncadd.s32 $0xFFFFC000  }
0x7c: {  	[tilespmem:s15], [sflag:$0x1] =	stream.indirect.gather [hbm4b:s1+s12], $0x80, s19, s12, $0xb8;
	[tilespmem:$0x1D000] =	vst v63  }
0x7d: {  	_ = 	snop  }
0x7e: {  	[spmem:s4] =	stream.indirect.scatter.add.f32 [tilespmem:s13], [sflag:$0x2], $0x80, s20, s12, $0xb8;
	[tilespmem:$0x1D000] =	vst v63  }
0x7f: {  	_ =	swait.ge [sflag:s14], $0x4000  }
0x80: {  	[sflag:s14] =	ssyncset.done $0x0  }
0x81: {  	[sflag:s14] =	ssyncadd.s32 $0xFFFFC000  }
0x82: {  	_ =	swait.ge [sflag:s16], $0x4000  }
0x83: {  	[sflag:s16] =	ssyncset.done $0x0  }
0x84: {  	[sflag:s16] =	ssyncadd.s32 $0xFFFFC000  }
0x85: {  	[tilespmem:s13], [sflag:$0x1] =	stream.indirect.gather [hbm4b:s1+s12], $0x80, s21, s12, $0xb8;
	[tilespmem:$0x1D000] =	vst v63  }
0x86: {  	_ = 	snop  }
0x87: {  	[spmem:s4] =	stream.indirect.scatter.add.f32 [tilespmem:s15], [sflag:$0x2], $0x80, s22, s12, $0xb8;
	[tilespmem:$0x1D000] =	vst v63  }
0x88: {  	_ =	swait.ge [sflag:s14], $0x4000  }
0x89: {  	[sflag:s14] =	ssyncset.done $0x0  }
0x8a: {  	[sflag:s14] =	ssyncadd.s32 $0xFFFFC000  }
0x8b: {  	_ =	swait.ge [sflag:s16], $0x4000  }
0x8c: {  	[sflag:s16] =	ssyncset.done $0x0  }
0x8d: {  	[sflag:s16] =	ssyncadd.s32 $0xFFFFC000  }
0x8e: {  	[tilespmem:s15], [sflag:$0x1] =	stream.indirect.gather [hbm4b:s1+s12], $0x80, s23, s12, $0xb8;
	[tilespmem:$0x1D000] =	vst v63  }
0x8f: {  	_ = 	snop  }
0x90: {  	[spmem:s4] =	stream.indirect.scatter.add.f32 [tilespmem:s13], [sflag:$0x2], $0x80, s24, s12, $0xb8;
	[tilespmem:$0x1D000] =	vst v63  }
0x91: {  	_ =	swait.ge [sflag:s14], $0x4000  }
0x92: {  	[sflag:s14] =	ssyncset.done $0x0  }
0x93: {  	[sflag:s14] =	ssyncadd.s32 $0xFFFFC000  }
0x94: {  	_ =	swait.ge [sflag:s16], $0x4000  }
0x95: {  	[sflag:s16] =	ssyncset.done $0x0  }
0x96: {  	[sflag:s16] =	ssyncadd.s32 $0xFFFFC000  }
0x97: {  	[tilespmem:s13], [sflag:$0x1] =	stream.indirect.gather [hbm4b:s1+s12], $0x80, s25, s12, $0xb8;
	[tilespmem:$0x1D000] =	vst v63  }
0x98: {  	_ = 	snop  }
0x99: {  	[spmem:s4] =	stream.indirect.scatter.add.f32 [tilespmem:s15], [sflag:$0x2], $0x80, s26, s12, $0xb8;
	[tilespmem:$0x1D000] =	vst v63  }
0x9a: {  	_ =	swait.ge [sflag:s14], $0x4000  }
0x9b: {  	[sflag:s14] =	ssyncset.done $0x0  }
0x9c: {  	[sflag:s14] =	ssyncadd.s32 $0xFFFFC000  }
0x9d: {  	_ =	swait.ge [sflag:s16], $0x4000  }
0x9e: {  	[sflag:s16] =	ssyncset.done $0x0  }
0x9f: {  	[sflag:s16] =	ssyncadd.s32 $0xFFFFC000  }
0xa0: {  	[tilespmem:s15], [sflag:$0x1] =	stream.indirect.gather [hbm4b:s1+s12], $0x80, s28, s12, $0xb8;
	[tilespmem:$0x1D000] =	vst v63  }
0xa1: {  	_ = 	snop  }
0xa2: {  	[spmem:s4] =	stream.indirect.scatter.add.f32 [tilespmem:s13], [sflag:$0x2], $0x80, s29, s12, $0xb8;
	[tilespmem:$0x1D000] =	vst v63  }
0xa3: {  	_ =	swait.ge [sflag:s14], $0x4000  }
0xa4: {  	[sflag:s14] =	ssyncset.done $0x0  }
0xa5: {  	[sflag:s14] =	ssyncadd.s32 $0xFFFFC000  }
0xa6: {  	_ =	swait.ge [sflag:s16], $0x4000  }
0xa7: {  	[sflag:s16] =	ssyncset.done $0x0  }
0xa8: {  	[sflag:s16] =	ssyncadd.s32 $0xFFFFC000  }
0xa9: {  	[tilespmem:s13], [sflag:$0x1] =	stream.indirect.gather [hbm4b:s1+s12], $0x80, s30, s12, $0xb8;
	[tilespmem:$0x1D000] =	vst v63  }
0xaa: {  	_ = 	snop  }
0xab: {  	[spmem:s4] =	stream.indirect.scatter.add.f32 [tilespmem:s15], [sflag:$0x2], $0x80, s31, s12, $0xb8;
	[tilespmem:$0x1D000] =	vst v63  }
0xac: {  	_ =	swait.ge [sflag:s14], $0x4000  }
0xad: {  	[sflag:s14] =	ssyncset.done $0x0  }
0xae: {  	[sflag:s14] =	ssyncadd.s32 $0xFFFFC000  }
0xaf: {  	_ =	swait.ge [sflag:s16], $0x4000  }
0xb0: {  	[sflag:s16] =	ssyncset.done $0x0  }
0xb1: {  	[sflag:s16] =	ssyncadd.s32 $0xFFFFC000  }
0xb2: {  	[tilespmem:s15], [sflag:$0x1] =	stream.indirect.gather [hbm4b:s1+s12], $0x80, s2, s12, $0xb8;
	[tilespmem:$0x1D000] =	vst v63  }
0xb3: {  	_ = 	snop  }
0xb4: {  	[spmem:s4] =	stream.indirect.scatter.add.f32 [tilespmem:s13], [sflag:$0x2], $0x80, s0, s12, $0xb8;
	[tilespmem:$0x1D000] =	vst v63  }
0xb5: {  	_ =	swait.ge [sflag:s14], $0x4000  }
0xb6: {  	[sflag:s14] =	ssyncset.done $0x0  }
0xb7: {  	[sflag:s14] =	ssyncadd.s32 $0xFFFFC000  }
0xb8: {  	_ =	swait.ge [sflag:s16], $0x4000  }
0xb9: {  	[sflag:s16] =	ssyncset.done $0x0  }
0xba: {  	[sflag:s16] =	ssyncadd.s32 $0xFFFFC000  }
0xbb: {  	[spmem:s4] =	stream.indirect.scatter.add.f32 [tilespmem:s15], [sflag:$0x2], $0x80, s3, s12, $0xb8;
	[tilespmem:$0x1D000] =	vst v63  }
0xbc: {  	s6 =	simm.s32 $0x200;
	_ =	swait.ge [sflag:s16], $0x4000  }
0xbd: {  	s8 =	simm.s32 $0x100;
	s9 =	rddreg [dreg:$0x6];
	[sflag:s16] =	ssyncset.done $0x0  }
.LBB2_2:
0xbe: {  	[sflag:s16] =	ssyncadd.s32 $0xFFFFC000;
	s9 =	sadd.s32 s8, s9  }
0xbf: {  	[tilespmem:s5], [sflag:$0x3] =	stream.linear.gather [hbm4b:s9+s5], $0x800, $0x38;
	[tilespmem:$0x1D000] =	vst v63  }
0xc0: {  	_ =	swait.ge [sflag:s10], $0x800  }
0xc1: {  	s9 =	rddreg [dreg:$0x5];
	[sflag:s10] =	ssyncset.done $0x0  }
0xc2: {  	[sflag:s10] =	ssyncadd.s32 $0xFFFFF800;
	s9 =	sadd.s32 s8, s9  }
0xc3: {  	[tilespmem:s11], [sflag:$0x3] =	stream.linear.gather [hbm4b:s9+s5], $0x800, $0x38;
	[tilespmem:$0x1D000] =	vst v63  }
0xc4: {  	_ =	swait.ge [sflag:s10], $0x800  }
0xc5: {  	[sflag:s10] =	ssyncset.done $0x0  }
0xc6: {  	[sflag:s10] =	ssyncadd.s32 $0xFFFFF800  }
0xc7: {  	[tilespmem:s13], [sflag:$0x1] =	stream.indirect.gather [hbm4b:s1+s12], $0x80, s5, s12, $0xb8;
	[tilespmem:$0x1D000] =	vst v63  }
0xc8: {  	_ =	swait.ge [sflag:s14], $0x4000  }
0xc9: {  	[sflag:s14] =	ssyncset.done $0x0  }
0xca: {  	[sflag:s14] =	ssyncadd.s32 $0xFFFFC000  }
0xcb: {  	[tilespmem:s15], [sflag:$0x1] =	stream.indirect.gather [hbm4b:s1+s12], $0x80, s12, s12, $0xb8;
	[tilespmem:$0x1D000] =	vst v63  }
0xcc: {  	_ = 	snop  }
0xcd: {  	[spmem:s4] =	stream.indirect.scatter.add.f32 [tilespmem:s13], [sflag:$0x2], $0x80, s11, s12, $0xb8;
	[tilespmem:$0x1D000] =	vst v63  }
0xce: {  	_ =	swait.ge [sflag:s14], $0x4000  }
0xcf: {  	[sflag:s14] =	ssyncset.done $0x0  }
0xd0: {  	[sflag:s14] =	ssyncadd.s32 $0xFFFFC000  }
0xd1: {  	_ =	swait.ge [sflag:s16], $0x4000  }
0xd2: {  	s7 =	smov.u32 s6;
	[sflag:s16] =	ssyncset.done $0x0  }
0xd3: {  	s8 =	smov.u32 s7;
	s7 =	rddreg [dreg:$0x7];
	[sflag:s16] =	ssyncadd.s32 $0xFFFFC000  }
0xd4: {  	[tilespmem:s13], [sflag:$0x1] =	stream.indirect.gather [hbm4b:s1+s12], $0x80, s7, s12, $0xb8;
	[tilespmem:$0x1D000] =	vst v63  }
0xd5: {  	s9 =	rddreg [dreg:$0x8]  }
0xd6: {  	[spmem:s4] =	stream.indirect.scatter.add.f32 [tilespmem:s15], [sflag:$0x2], $0x80, s9, s12, $0xb8;
	[tilespmem:$0x1D000] =	vst v63  }
0xd7: {  	_ =	swait.ge [sflag:s14], $0x4000  }
0xd8: {  	[sflag:s14] =	ssyncset.done $0x0  }
0xd9: {  	[sflag:s14] =	ssyncadd.s32 $0xFFFFC000  }
0xda: {  	_ =	swait.ge [sflag:s16], $0x4000  }
0xdb: {  	[sflag:s16] =	ssyncset.done $0x0  }
0xdc: {  	s7 =	rddreg [dreg:$0x9];
	[sflag:s16] =	ssyncadd.s32 $0xFFFFC000  }
0xdd: {  	[tilespmem:s15], [sflag:$0x1] =	stream.indirect.gather [hbm4b:s1+s12], $0x80, s7, s12, $0xb8;
	[tilespmem:$0x1D000] =	vst v63  }
0xde: {  	s9 =	rddreg [dreg:$0xa]  }
0xdf: {  	[spmem:s4] =	stream.indirect.scatter.add.f32 [tilespmem:s13], [sflag:$0x2], $0x80, s9, s12, $0xb8;
	[tilespmem:$0x1D000] =	vst v63  }
0xe0: {  	_ =	swait.ge [sflag:s14], $0x4000  }
0xe1: {  	[sflag:s14] =	ssyncset.done $0x0  }
0xe2: {  	[sflag:s14] =	ssyncadd.s32 $0xFFFFC000  }
0xe3: {  	_ =	swait.ge [sflag:s16], $0x4000  }
0xe4: {  	[sflag:s16] =	ssyncset.done $0x0  }
0xe5: {  	s7 =	rddreg [dreg:$0xb];
	[sflag:s16] =	ssyncadd.s32 $0xFFFFC000  }
0xe6: {  	[tilespmem:s13], [sflag:$0x1] =	stream.indirect.gather [hbm4b:s1+s12], $0x80, s7, s12, $0xb8;
	[tilespmem:$0x1D000] =	vst v63  }
0xe7: {  	s9 =	rddreg [dreg:$0xc]  }
0xe8: {  	[spmem:s4] =	stream.indirect.scatter.add.f32 [tilespmem:s15], [sflag:$0x2], $0x80, s9, s12, $0xb8;
	[tilespmem:$0x1D000] =	vst v63  }
0xe9: {  	_ =	swait.ge [sflag:s14], $0x4000  }
0xea: {  	[sflag:s14] =	ssyncset.done $0x0  }
0xeb: {  	[sflag:s14] =	ssyncadd.s32 $0xFFFFC000  }
0xec: {  	_ =	swait.ge [sflag:s16], $0x4000  }
0xed: {  	[sflag:s16] =	ssyncset.done $0x0  }
0xee: {  	s7 =	rddreg [dreg:$0xd];
	[sflag:s16] =	ssyncadd.s32 $0xFFFFC000  }
0xef: {  	[tilespmem:s15], [sflag:$0x1] =	stream.indirect.gather [hbm4b:s1+s12], $0x80, s7, s12, $0xb8;
	[tilespmem:$0x1D000] =	vst v63  }
0xf0: {  	s9 =	rddreg [dreg:$0xe]  }
0xf1: {  	[spmem:s4] =	stream.indirect.scatter.add.f32 [tilespmem:s13], [sflag:$0x2], $0x80, s9, s12, $0xb8;
	[tilespmem:$0x1D000] =	vst v63  }
0xf2: {  	_ =	swait.ge [sflag:s14], $0x4000  }
0xf3: {  	[sflag:s14] =	ssyncset.done $0x0  }
0xf4: {  	[sflag:s14] =	ssyncadd.s32 $0xFFFFC000  }
0xf5: {  	_ =	swait.ge [sflag:s16], $0x4000  }
0xf6: {  	[sflag:s16] =	ssyncset.done $0x0  }
0xf7: {  	s7 =	rddreg [dreg:$0xf];
	[sflag:s16] =	ssyncadd.s32 $0xFFFFC000  }
0xf8: {  	[tilespmem:s13], [sflag:$0x1] =	stream.indirect.gather [hbm4b:s1+s12], $0x80, s7, s12, $0xb8;
	[tilespmem:$0x1D000] =	vst v63  }
0xf9: {  	s9 =	rddreg [dreg:$0x10]  }
0xfa: {  	[spmem:s4] =	stream.indirect.scatter.add.f32 [tilespmem:s15], [sflag:$0x2], $0x80, s9, s12, $0xb8;
	[tilespmem:$0x1D000] =	vst v63  }
0xfb: {  	_ =	swait.ge [sflag:s14], $0x4000  }
0xfc: {  	[sflag:s14] =	ssyncset.done $0x0  }
0xfd: {  	[sflag:s14] =	ssyncadd.s32 $0xFFFFC000  }
0xfe: {  	_ =	swait.ge [sflag:s16], $0x4000  }
0xff: {  	[sflag:s16] =	ssyncset.done $0x0  }
0x100: {  	s7 =	rddreg [dreg:$0x11];
	[sflag:s16] =	ssyncadd.s32 $0xFFFFC000  }
0x101: {  	[tilespmem:s15], [sflag:$0x1] =	stream.indirect.gather [hbm4b:s1+s12], $0x80, s7, s12, $0xb8;
	[tilespmem:$0x1D000] =	vst v63  }
0x102: {  	s9 =	rddreg [dreg:$0x12]  }
0x103: {  	[spmem:s4] =	stream.indirect.scatter.add.f32 [tilespmem:s13], [sflag:$0x2], $0x80, s9, s12, $0xb8;
	[tilespmem:$0x1D000] =	vst v63  }
0x104: {  	_ =	swait.ge [sflag:s14], $0x4000  }
0x105: {  	[sflag:s14] =	ssyncset.done $0x0  }
0x106: {  	[sflag:s14] =	ssyncadd.s32 $0xFFFFC000  }
0x107: {  	_ =	swait.ge [sflag:s16], $0x4000  }
0x108: {  	[sflag:s16] =	ssyncset.done $0x0  }
0x109: {  	[sflag:s16] =	ssyncadd.s32 $0xFFFFC000  }
0x10a: {  	[tilespmem:s13], [sflag:$0x1] =	stream.indirect.gather [hbm4b:s1+s12], $0x80, s17, s12, $0xb8;
	[tilespmem:$0x1D000] =	vst v63  }
0x10b: {  	_ = 	snop  }
0x10c: {  	[spmem:s4] =	stream.indirect.scatter.add.f32 [tilespmem:s15], [sflag:$0x2], $0x80, s18, s12, $0xb8;
	[tilespmem:$0x1D000] =	vst v63  }
0x10d: {  	_ =	swait.ge [sflag:s14], $0x4000  }
0x10e: {  	[sflag:s14] =	ssyncset.done $0x0  }
0x10f: {  	[sflag:s14] =	ssyncadd.s32 $0xFFFFC000  }
0x110: {  	_ =	swait.ge [sflag:s16], $0x4000  }
0x111: {  	[sflag:s16] =	ssyncset.done $0x0  }
0x112: {  	[sflag:s16] =	ssyncadd.s32 $0xFFFFC000  }
0x113: {  	[tilespmem:s15], [sflag:$0x1] =	stream.indirect.gather [hbm4b:s1+s12], $0x80, s19, s12, $0xb8;
	[tilespmem:$0x1D000] =	vst v63  }
0x114: {  	_ = 	snop  }
0x115: {  	[spmem:s4] =	stream.indirect.scatter.add.f32 [tilespmem:s13], [sflag:$0x2], $0x80, s20, s12, $0xb8;
	[tilespmem:$0x1D000] =	vst v63  }
0x116: {  	_ =	swait.ge [sflag:s14], $0x4000  }
0x117: {  	[sflag:s14] =	ssyncset.done $0x0  }
0x118: {  	[sflag:s14] =	ssyncadd.s32 $0xFFFFC000  }
0x119: {  	_ =	swait.ge [sflag:s16], $0x4000  }
0x11a: {  	[sflag:s16] =	ssyncset.done $0x0  }
0x11b: {  	[sflag:s16] =	ssyncadd.s32 $0xFFFFC000  }
0x11c: {  	[tilespmem:s13], [sflag:$0x1] =	stream.indirect.gather [hbm4b:s1+s12], $0x80, s21, s12, $0xb8;
	[tilespmem:$0x1D000] =	vst v63  }
0x11d: {  	_ = 	snop  }
0x11e: {  	[spmem:s4] =	stream.indirect.scatter.add.f32 [tilespmem:s15], [sflag:$0x2], $0x80, s22, s12, $0xb8;
	[tilespmem:$0x1D000] =	vst v63  }
0x11f: {  	_ =	swait.ge [sflag:s14], $0x4000  }
0x120: {  	[sflag:s14] =	ssyncset.done $0x0  }
0x121: {  	[sflag:s14] =	ssyncadd.s32 $0xFFFFC000  }
0x122: {  	_ =	swait.ge [sflag:s16], $0x4000  }
0x123: {  	[sflag:s16] =	ssyncset.done $0x0  }
0x124: {  	[sflag:s16] =	ssyncadd.s32 $0xFFFFC000  }
0x125: {  	[tilespmem:s15], [sflag:$0x1] =	stream.indirect.gather [hbm4b:s1+s12], $0x80, s23, s12, $0xb8;
	[tilespmem:$0x1D000] =	vst v63  }
0x126: {  	_ = 	snop  }
0x127: {  	[spmem:s4] =	stream.indirect.scatter.add.f32 [tilespmem:s13], [sflag:$0x2], $0x80, s24, s12, $0xb8;
	[tilespmem:$0x1D000] =	vst v63  }
0x128: {  	_ =	swait.ge [sflag:s14], $0x4000  }
0x129: {  	[sflag:s14] =	ssyncset.done $0x0  }
0x12a: {  	[sflag:s14] =	ssyncadd.s32 $0xFFFFC000  }
0x12b: {  	_ =	swait.ge [sflag:s16], $0x4000  }
0x12c: {  	[sflag:s16] =	ssyncset.done $0x0  }
0x12d: {  	[sflag:s16] =	ssyncadd.s32 $0xFFFFC000  }
0x12e: {  	[tilespmem:s13], [sflag:$0x1] =	stream.indirect.gather [hbm4b:s1+s12], $0x80, s25, s12, $0xb8;
	[tilespmem:$0x1D000] =	vst v63  }
0x12f: {  	_ = 	snop  }
0x130: {  	[spmem:s4] =	stream.indirect.scatter.add.f32 [tilespmem:s15], [sflag:$0x2], $0x80, s26, s12, $0xb8;
	[tilespmem:$0x1D000] =	vst v63  }
0x131: {  	_ =	swait.ge [sflag:s14], $0x4000  }
0x132: {  	[sflag:s14] =	ssyncset.done $0x0  }
0x133: {  	[sflag:s14] =	ssyncadd.s32 $0xFFFFC000  }
0x134: {  	_ =	swait.ge [sflag:s16], $0x4000  }
0x135: {  	[sflag:s16] =	ssyncset.done $0x0  }
0x136: {  	[sflag:s16] =	ssyncadd.s32 $0xFFFFC000  }
0x137: {  	[tilespmem:s15], [sflag:$0x1] =	stream.indirect.gather [hbm4b:s1+s12], $0x80, s28, s12, $0xb8;
	[tilespmem:$0x1D000] =	vst v63  }
0x138: {  	_ = 	snop  }
0x139: {  	[spmem:s4] =	stream.indirect.scatter.add.f32 [tilespmem:s13], [sflag:$0x2], $0x80, s29, s12, $0xb8;
	[tilespmem:$0x1D000] =	vst v63  }
0x13a: {  	_ =	swait.ge [sflag:s14], $0x4000  }
0x13b: {  	[sflag:s14] =	ssyncset.done $0x0  }
0x13c: {  	[sflag:s14] =	ssyncadd.s32 $0xFFFFC000  }
0x13d: {  	_ =	swait.ge [sflag:s16], $0x4000  }
0x13e: {  	[sflag:s16] =	ssyncset.done $0x0  }
0x13f: {  	[sflag:s16] =	ssyncadd.s32 $0xFFFFC000  }
0x140: {  	[tilespmem:s13], [sflag:$0x1] =	stream.indirect.gather [hbm4b:s1+s12], $0x80, s30, s12, $0xb8;
	[tilespmem:$0x1D000] =	vst v63  }
0x141: {  	_ = 	snop  }
0x142: {  	[spmem:s4] =	stream.indirect.scatter.add.f32 [tilespmem:s15], [sflag:$0x2], $0x80, s31, s12, $0xb8;
	[tilespmem:$0x1D000] =	vst v63  }
0x143: {  	_ =	swait.ge [sflag:s14], $0x4000  }
0x144: {  	[sflag:s14] =	ssyncset.done $0x0  }
0x145: {  	[sflag:s14] =	ssyncadd.s32 $0xFFFFC000  }
0x146: {  	_ =	swait.ge [sflag:s16], $0x4000  }
0x147: {  	[sflag:s16] =	ssyncset.done $0x0  }
0x148: {  	[sflag:s16] =	ssyncadd.s32 $0xFFFFC000  }
0x149: {  	[tilespmem:s15], [sflag:$0x1] =	stream.indirect.gather [hbm4b:s1+s12], $0x80, s2, s12, $0xb8;
	[tilespmem:$0x1D000] =	vst v63  }
0x14a: {  	_ = 	snop  }
0x14b: {  	[spmem:s4] =	stream.indirect.scatter.add.f32 [tilespmem:s13], [sflag:$0x2], $0x80, s0, s12, $0xb8;
	[tilespmem:$0x1D000] =	vst v63  }
0x14c: {  	_ =	swait.ge [sflag:s14], $0x4000  }
0x14d: {  	[sflag:s14] =	ssyncset.done $0x0  }
0x14e: {  	[sflag:s14] =	ssyncadd.s32 $0xFFFFC000  }
0x14f: {  	p0 =	sne.s32 s6, $0x400;
	_ =	swait.ge [sflag:s16], $0x4000  }
.Ltmp0:
0x150: {  	[sflag:s16] =	ssyncset.done $0x0;
	(pc) =	sbr.rel @p0 .LBB2_2-.Ltmp0, $4  }
0x151: {  	[sflag:s16] =	ssyncadd.s32 $0xFFFFC000  }
0x152: {  	[spmem:s4] =	stream.indirect.scatter.add.f32 [tilespmem:s15], [sflag:$0x2], $0x80, s3, s12, $0xb8;
	[tilespmem:$0x1D000] =	vst v63  }
0x153: {  	_ =	swait.ge [sflag:s16], $0x4000  }
0x154: {  	s6 =	sadd.s32 $0x100, s6;
	s9 =	rddreg [dreg:$0x6];
	[sflag:s16] =	ssyncset.done $0x0  }
0x155: {  	[sflag:s16] =	ssyncadd.s32 $0xFFFFC000;
	s6 =	sadd.s32 s8, s9  }
0x156: {  	[tilespmem:s5], [sflag:$0x3] =	stream.linear.gather [hbm4b:s6+s5], $0x800, $0x38;
	[tilespmem:$0x1D000] =	vst v63  }
0x157: {  	_ =	swait.ge [sflag:s10], $0x800  }
0x158: {  	s7 =	rddreg [dreg:$0x5];
	[sflag:s10] =	ssyncset.done $0x0  }
0x159: {  	[sflag:s10] =	ssyncadd.s32 $0xFFFFF800;
	s6 =	sadd.s32 s8, s7  }
0x15a: {  	[tilespmem:s11], [sflag:$0x3] =	stream.linear.gather [hbm4b:s6+s5], $0x800, $0x38;
	[tilespmem:$0x1D000] =	vst v63  }
0x15b: {  	_ =	swait.ge [sflag:s10], $0x800  }
0x15c: {  	[sflag:s10] =	ssyncset.done $0x0  }
0x15d: {  	[sflag:s10] =	ssyncadd.s32 $0xFFFFF800  }
0x15e: {  	[tilespmem:s13], [sflag:$0x1] =	stream.indirect.gather [hbm4b:s1+s12], $0x80, s5, s12, $0xb8;
	[tilespmem:$0x1D000] =	vst v63  }
0x15f: {  	_ =	swait.ge [sflag:s14], $0x4000  }
0x160: {  	[sflag:s14] =	ssyncset.done $0x0  }
0x161: {  	[sflag:s14] =	ssyncadd.s32 $0xFFFFC000  }
0x162: {  	[tilespmem:s15], [sflag:$0x1] =	stream.indirect.gather [hbm4b:s1+s12], $0x80, s12, s12, $0xb8;
	[tilespmem:$0x1D000] =	vst v63  }
0x163: {  	_ = 	snop  }
0x164: {  	[spmem:s4] =	stream.indirect.scatter.add.f32 [tilespmem:s13], [sflag:$0x2], $0x80, s11, s12, $0xb8;
	[tilespmem:$0x1D000] =	vst v63  }
0x165: {  	_ =	swait.ge [sflag:s14], $0x4000  }
0x166: {  	[sflag:s14] =	ssyncset.done $0x0  }
0x167: {  	[sflag:s14] =	ssyncadd.s32 $0xFFFFC000  }
0x168: {  	_ =	swait.ge [sflag:s16], $0x4000  }
0x169: {  	[sflag:s16] =	ssyncset.done $0x0  }
0x16a: {  	s9 =	rddreg [dreg:$0x7];
	[sflag:s16] =	ssyncadd.s32 $0xFFFFC000  }
0x16b: {  	[tilespmem:s13], [sflag:$0x1] =	stream.indirect.gather [hbm4b:s1+s12], $0x80, s9, s12, $0xb8;
	[tilespmem:$0x1D000] =	vst v63  }
0x16c: {  	s7 =	rddreg [dreg:$0x8]  }
0x16d: {  	[spmem:s4] =	stream.indirect.scatter.add.f32 [tilespmem:s15], [sflag:$0x2], $0x80, s7, s12, $0xb8;
	[tilespmem:$0x1D000] =	vst v63  }
0x16e: {  	_ =	swait.ge [sflag:s14], $0x4000  }
0x16f: {  	[sflag:s14] =	ssyncset.done $0x0  }
0x170: {  	[sflag:s14] =	ssyncadd.s32 $0xFFFFC000  }
0x171: {  	_ =	swait.ge [sflag:s16], $0x4000  }
0x172: {  	[sflag:s16] =	ssyncset.done $0x0  }
0x173: {  	s8 =	rddreg [dreg:$0x9];
	[sflag:s16] =	ssyncadd.s32 $0xFFFFC000  }
0x174: {  	[tilespmem:s15], [sflag:$0x1] =	stream.indirect.gather [hbm4b:s1+s12], $0x80, s8, s12, $0xb8;
	[tilespmem:$0x1D000] =	vst v63  }
0x175: {  	s9 =	rddreg [dreg:$0xa]  }
0x176: {  	[spmem:s4] =	stream.indirect.scatter.add.f32 [tilespmem:s13], [sflag:$0x2], $0x80, s9, s12, $0xb8;
	[tilespmem:$0x1D000] =	vst v63  }
0x177: {  	_ =	swait.ge [sflag:s14], $0x4000  }
0x178: {  	[sflag:s14] =	ssyncset.done $0x0  }
0x179: {  	[sflag:s14] =	ssyncadd.s32 $0xFFFFC000  }
0x17a: {  	_ =	swait.ge [sflag:s16], $0x4000  }
0x17b: {  	[sflag:s16] =	ssyncset.done $0x0  }
0x17c: {  	s8 =	rddreg [dreg:$0xb];
	[sflag:s16] =	ssyncadd.s32 $0xFFFFC000  }
0x17d: {  	[tilespmem:s13], [sflag:$0x1] =	stream.indirect.gather [hbm4b:s1+s12], $0x80, s8, s12, $0xb8;
	[tilespmem:$0x1D000] =	vst v63  }
0x17e: {  	s9 =	rddreg [dreg:$0xc]  }
0x17f: {  	[spmem:s4] =	stream.indirect.scatter.add.f32 [tilespmem:s15], [sflag:$0x2], $0x80, s9, s12, $0xb8;
	[tilespmem:$0x1D000] =	vst v63  }
0x180: {  	_ =	swait.ge [sflag:s14], $0x4000  }
0x181: {  	[sflag:s14] =	ssyncset.done $0x0  }
0x182: {  	[sflag:s14] =	ssyncadd.s32 $0xFFFFC000  }
0x183: {  	_ =	swait.ge [sflag:s16], $0x4000  }
0x184: {  	[sflag:s16] =	ssyncset.done $0x0  }
0x185: {  	s8 =	rddreg [dreg:$0xd];
	[sflag:s16] =	ssyncadd.s32 $0xFFFFC000  }
0x186: {  	[tilespmem:s15], [sflag:$0x1] =	stream.indirect.gather [hbm4b:s1+s12], $0x80, s8, s12, $0xb8;
	[tilespmem:$0x1D000] =	vst v63  }
0x187: {  	s9 =	rddreg [dreg:$0xe]  }
0x188: {  	[spmem:s4] =	stream.indirect.scatter.add.f32 [tilespmem:s13], [sflag:$0x2], $0x80, s9, s12, $0xb8;
	[tilespmem:$0x1D000] =	vst v63  }
0x189: {  	_ =	swait.ge [sflag:s14], $0x4000  }
0x18a: {  	[sflag:s14] =	ssyncset.done $0x0  }
0x18b: {  	[sflag:s14] =	ssyncadd.s32 $0xFFFFC000  }
0x18c: {  	_ =	swait.ge [sflag:s16], $0x4000  }
0x18d: {  	[sflag:s16] =	ssyncset.done $0x0  }
0x18e: {  	s8 =	rddreg [dreg:$0xf];
	[sflag:s16] =	ssyncadd.s32 $0xFFFFC000  }
0x18f: {  	[tilespmem:s13], [sflag:$0x1] =	stream.indirect.gather [hbm4b:s1+s12], $0x80, s8, s12, $0xb8;
	[tilespmem:$0x1D000] =	vst v63  }
0x190: {  	s9 =	rddreg [dreg:$0x10]  }
0x191: {  	[spmem:s4] =	stream.indirect.scatter.add.f32 [tilespmem:s15], [sflag:$0x2], $0x80, s9, s12, $0xb8;
	[tilespmem:$0x1D000] =	vst v63  }
0x192: {  	_ =	swait.ge [sflag:s14], $0x4000  }
0x193: {  	[sflag:s14] =	ssyncset.done $0x0  }
0x194: {  	[sflag:s14] =	ssyncadd.s32 $0xFFFFC000  }
0x195: {  	_ =	swait.ge [sflag:s16], $0x4000  }
0x196: {  	[sflag:s16] =	ssyncset.done $0x0  }
0x197: {  	s7 =	rddreg [dreg:$0x11];
	[sflag:s16] =	ssyncadd.s32 $0xFFFFC000  }
0x198: {  	[tilespmem:s15], [sflag:$0x1] =	stream.indirect.gather [hbm4b:s1+s12], $0x80, s7, s12, $0xb8;
	[tilespmem:$0x1D000] =	vst v63  }
0x199: {  	s8 =	rddreg [dreg:$0x12]  }
0x19a: {  	[spmem:s4] =	stream.indirect.scatter.add.f32 [tilespmem:s13], [sflag:$0x2], $0x80, s8, s12, $0xb8;
	[tilespmem:$0x1D000] =	vst v63  }
0x19b: {  	_ =	swait.ge [sflag:s14], $0x4000  }
0x19c: {  	[sflag:s14] =	ssyncset.done $0x0  }
0x19d: {  	[sflag:s14] =	ssyncadd.s32 $0xFFFFC000  }
0x19e: {  	_ =	swait.ge [sflag:s16], $0x4000  }
0x19f: {  	[sflag:s16] =	ssyncset.done $0x0  }
0x1a0: {  	[sflag:s16] =	ssyncadd.s32 $0xFFFFC000  }
0x1a1: {  	[tilespmem:s13], [sflag:$0x1] =	stream.indirect.gather [hbm4b:s1+s12], $0x80, s17, s12, $0xb8;
	[tilespmem:$0x1D000] =	vst v63  }
0x1a2: {  	_ = 	snop  }
0x1a3: {  	[spmem:s4] =	stream.indirect.scatter.add.f32 [tilespmem:s15], [sflag:$0x2], $0x80, s18, s12, $0xb8;
	[tilespmem:$0x1D000] =	vst v63  }
0x1a4: {  	_ =	swait.ge [sflag:s14], $0x4000  }
0x1a5: {  	[sflag:s14] =	ssyncset.done $0x0  }
0x1a6: {  	[sflag:s14] =	ssyncadd.s32 $0xFFFFC000  }
0x1a7: {  	_ =	swait.ge [sflag:s16], $0x4000  }
0x1a8: {  	[sflag:s16] =	ssyncset.done $0x0  }
0x1a9: {  	[sflag:s16] =	ssyncadd.s32 $0xFFFFC000  }
0x1aa: {  	[tilespmem:s15], [sflag:$0x1] =	stream.indirect.gather [hbm4b:s1+s12], $0x80, s19, s12, $0xb8;
	[tilespmem:$0x1D000] =	vst v63  }
0x1ab: {  	_ = 	snop  }
0x1ac: {  	[spmem:s4] =	stream.indirect.scatter.add.f32 [tilespmem:s13], [sflag:$0x2], $0x80, s20, s12, $0xb8;
	[tilespmem:$0x1D000] =	vst v63  }
0x1ad: {  	_ =	swait.ge [sflag:s14], $0x4000  }
0x1ae: {  	[sflag:s14] =	ssyncset.done $0x0  }
0x1af: {  	[sflag:s14] =	ssyncadd.s32 $0xFFFFC000  }
0x1b0: {  	_ =	swait.ge [sflag:s16], $0x4000  }
0x1b1: {  	[sflag:s16] =	ssyncset.done $0x0  }
0x1b2: {  	[sflag:s16] =	ssyncadd.s32 $0xFFFFC000  }
0x1b3: {  	[tilespmem:s13], [sflag:$0x1] =	stream.indirect.gather [hbm4b:s1+s12], $0x80, s21, s12, $0xb8;
	[tilespmem:$0x1D000] =	vst v63  }
0x1b4: {  	_ = 	snop  }
0x1b5: {  	[spmem:s4] =	stream.indirect.scatter.add.f32 [tilespmem:s15], [sflag:$0x2], $0x80, s22, s12, $0xb8;
	[tilespmem:$0x1D000] =	vst v63  }
0x1b6: {  	_ =	swait.ge [sflag:s14], $0x4000  }
0x1b7: {  	[sflag:s14] =	ssyncset.done $0x0  }
0x1b8: {  	[sflag:s14] =	ssyncadd.s32 $0xFFFFC000  }
0x1b9: {  	_ =	swait.ge [sflag:s16], $0x4000  }
0x1ba: {  	[sflag:s16] =	ssyncset.done $0x0  }
0x1bb: {  	[sflag:s16] =	ssyncadd.s32 $0xFFFFC000  }
0x1bc: {  	[tilespmem:s15], [sflag:$0x1] =	stream.indirect.gather [hbm4b:s1+s12], $0x80, s23, s12, $0xb8;
	[tilespmem:$0x1D000] =	vst v63  }
0x1bd: {  	_ = 	snop  }
0x1be: {  	[spmem:s4] =	stream.indirect.scatter.add.f32 [tilespmem:s13], [sflag:$0x2], $0x80, s24, s12, $0xb8;
	[tilespmem:$0x1D000] =	vst v63  }
0x1bf: {  	_ =	swait.ge [sflag:s14], $0x4000  }
0x1c0: {  	[sflag:s14] =	ssyncset.done $0x0  }
0x1c1: {  	[sflag:s14] =	ssyncadd.s32 $0xFFFFC000  }
0x1c2: {  	_ =	swait.ge [sflag:s16], $0x4000  }
0x1c3: {  	[sflag:s16] =	ssyncset.done $0x0  }
0x1c4: {  	[sflag:s16] =	ssyncadd.s32 $0xFFFFC000  }
0x1c5: {  	[tilespmem:s13], [sflag:$0x1] =	stream.indirect.gather [hbm4b:s1+s12], $0x80, s25, s12, $0xb8;
	[tilespmem:$0x1D000] =	vst v63  }
0x1c6: {  	_ = 	snop  }
0x1c7: {  	[spmem:s4] =	stream.indirect.scatter.add.f32 [tilespmem:s15], [sflag:$0x2], $0x80, s26, s12, $0xb8;
	[tilespmem:$0x1D000] =	vst v63  }
0x1c8: {  	_ =	swait.ge [sflag:s14], $0x4000  }
0x1c9: {  	[sflag:s14] =	ssyncset.done $0x0  }
0x1ca: {  	[sflag:s14] =	ssyncadd.s32 $0xFFFFC000  }
0x1cb: {  	_ =	swait.ge [sflag:s16], $0x4000  }
0x1cc: {  	[sflag:s16] =	ssyncset.done $0x0  }
0x1cd: {  	[sflag:s16] =	ssyncadd.s32 $0xFFFFC000  }
0x1ce: {  	[tilespmem:s15], [sflag:$0x1] =	stream.indirect.gather [hbm4b:s1+s12], $0x80, s28, s12, $0xb8;
	[tilespmem:$0x1D000] =	vst v63  }
0x1cf: {  	_ = 	snop  }
0x1d0: {  	[spmem:s4] =	stream.indirect.scatter.add.f32 [tilespmem:s13], [sflag:$0x2], $0x80, s29, s12, $0xb8;
	[tilespmem:$0x1D000] =	vst v63  }
0x1d1: {  	_ =	swait.ge [sflag:s14], $0x4000  }
0x1d2: {  	[sflag:s14] =	ssyncset.done $0x0  }
0x1d3: {  	[sflag:s14] =	ssyncadd.s32 $0xFFFFC000  }
0x1d4: {  	_ =	swait.ge [sflag:s16], $0x4000  }
0x1d5: {  	[sflag:s16] =	ssyncset.done $0x0  }
0x1d6: {  	[sflag:s16] =	ssyncadd.s32 $0xFFFFC000  }
0x1d7: {  	[tilespmem:s13], [sflag:$0x1] =	stream.indirect.gather [hbm4b:s1+s12], $0x80, s30, s12, $0xb8;
	[tilespmem:$0x1D000] =	vst v63  }
0x1d8: {  	_ = 	snop  }
0x1d9: {  	[spmem:s4] =	stream.indirect.scatter.add.f32 [tilespmem:s15], [sflag:$0x2], $0x80, s31, s12, $0xb8;
	[tilespmem:$0x1D000] =	vst v63  }
0x1da: {  	_ =	swait.ge [sflag:s14], $0x4000  }
0x1db: {  	[sflag:s14] =	ssyncset.done $0x0  }
0x1dc: {  	[sflag:s14] =	ssyncadd.s32 $0xFFFFC000  }
0x1dd: {  	_ =	swait.ge [sflag:s16], $0x4000  }
0x1de: {  	[sflag:s16] =	ssyncset.done $0x0  }
0x1df: {  	[sflag:s16] =	ssyncadd.s32 $0xFFFFC000  }
0x1e0: {  	[tilespmem:s15], [sflag:$0x1] =	stream.indirect.gather [hbm4b:s1+s12], $0x80, s2, s12, $0xb8;
	[tilespmem:$0x1D000] =	vst v63  }
0x1e1: {  	_ = 	snop  }
0x1e2: {  	[spmem:s4] =	stream.indirect.scatter.add.f32 [tilespmem:s13], [sflag:$0x2], $0x80, s0, s12, $0xb8;
	[tilespmem:$0x1D000] =	vst v63  }
0x1e3: {  	_ =	swait.ge [sflag:s14], $0x4000  }
0x1e4: {  	[sflag:s14] =	ssyncset.done $0x0  }
0x1e5: {  	[sflag:s14] =	ssyncadd.s32 $0xFFFFC000  }
0x1e6: {  	_ =	swait.ge [sflag:s16], $0x4000  }
0x1e7: {  	[sflag:s16] =	ssyncset.done $0x0  }
0x1e8: {  	[sflag:s16] =	ssyncadd.s32 $0xFFFFC000  }
0x1e9: {  	[spmem:s4] =	stream.indirect.scatter.add.f32 [tilespmem:s15], [sflag:$0x2], $0x80, s3, s12, $0xb8;
	[tilespmem:$0x1D000] =	vst v63  }
0x1ea: {  	_ =	swait.ge [sflag:s16], $0x4000  }
0x1eb: {  	[sflag:s16] =	ssyncset.done $0x0  }
0x1ec: {  	[sflag:s16] =	ssyncadd.s32 $0xFFFFC000  }
0x1ed: {  	[bflag:$0x0] =	sbarrier.arrive $0xFFFF  }
0x1ee: {  	s7 =	rddreg [dreg:$0x13]  }
0x1ef: {  	s9 =	rddreg [dreg:$0x14]  }
0x1f0: {  	s8 =	rddreg [dreg:$0x16]  }
0x1f1: {  	[hbm:s9], [sflag:s7] =	dma.local [spmem:s8], $0x2800  }
0x1f2: {  	_ =	swait.ge [sflag:s10], $0x2800  }
0x1f3: {  	s6 =	rddreg [dreg:$0x17]  }
0x1f4: {  	s9 =	sadd.s32 $0x1, s6;
	s6 =	rddreg [dreg:$0x15]  }
0x1f5: {  	p0 =	sne.s32 s9, s6  }
.Ltmp1:
0x1f6: {  	_ = 	snop;
	(pc) =	sbr.rel @p0 .LBB2_1-.Ltmp1, $3  }
0x1f7: {  	_ =	sdelay $0x1  }
0x1f8: {  	[sflag:s10] =	ssyncset.done $0x0  }
0x1f9: {  	[sflag:s10] =	ssyncadd.s32 $0xFFFFD800  }
0x1fa: {  	_ =	sfence.sel $0x180000  }
0x1fb: {  	[bflag:$0x0] =	sbarrier.arrive $0xFFFF  }
0x1fc: {  	_ =	strace $0x9000004A  }
0x1fd: {  	s0 =	stileid.u32;
	[bflag:$0x2] =	sbarrier.arrive $0xFFFF  }
0x1fe: {  	p0 =	sne.s32 s0, $0x0;
	s0 =	rddreg [dreg:$0x4]  }
0x1ff: {  	s0 =	sadd.s32 @!p0 $0x100000, s0  }
0x200: {  	[sflag:s0] =	ssyncadd.tile.s32 @!p0 $0x1;
	_ =	shalt  }
.Lfunc_end2:
_tile_overlayer_lowered:
.L_overlay_start_2:
0x201: {  	(tag) =	ssettag $0x2  }
0x202: {  	s0 =	rddreg [dreg:$0x0];
	s2 =	stileid.u32  }
0x203: {  	s1 =	rddreg [dreg:$0x1];
	p0 =	sne.s32 s2, $0x0  }
0x204: {  	s3 =	rddreg [dreg:$0x2];
	[bflag:$0x3] =	sbarrier.arrive $0xFFFF;
	s2 =	simm.s32 @!p0 $0x1C03  }
0x205: {  	[timem:s3], [sflag:s2] =	dma.local @!p0 [hbm:s0], s1  }
0x206: {  	s0 =	simm.s32 @!p0 $0x3  }
0x207: {  	_ =	swait.ge @!p0 [sflag:s0], s1  }
0x208: {  	s1 =	ssub.s32 @!p0 $0x0, s1;
	[sflag:s0] =	ssyncset.done @!p0 $0x0  }
0x209: {  	[sflag:s0] =	ssyncadd.s32 @!p0 s1  }
0x20a: {  	[bflag:$0x3] =	sbarrier.arrive $0xFFFF  }
0x20b: {  	_ =	shalt  }

// kernel: kernel.19.cloned.1.call-start
scs
__scs_entry_jumppad:
0x0: {  	(pc) =	sbr.rel $0x88, $3  }
0x1: {  	(tag) =	ssettag $0x0;
	lr =	simm.s32 $0x1  }
0x2: {  	[smem:$0x3F95] =	sst lr;
	_ =	strace $0xD0000000  }
0x3: {  	_ = 	snop  }
0x4: {  	_ = 	snop  }
0x5: {  	_ = 	snop  }
0x6: {  	_ = 	snop  }
0x7: {  	_ = 	snop  }
__scs_overlays_trampoline_lowered:
0x8: {  	[smem:$0x3FA4] =	sst s0  }
0x9: {  	[smem:$0x3FA5] =	sst s1  }
0xa: {  	[smem:$0x3FA6] =	sst s2  }
0xb: {  	[smem:$0x3FA7] =	sst s3  }
0xc: {  	[smem:$0x3FA8] =	sst s4  }
0xd: {  	[smem:$0x3FA9] =	sst s5  }
0xe: {  	[smem:$0x3FAA] =	sst s6  }
0xf: {  	[smem:$0x3FAB] =	sst s7  }
0x10: {  	[smem:$0x3FAC] =	sst s8  }
0x11: {  	[smem:$0x3FAD] =	sst s9;
	s0 =	simm.s32 @!p0 $0x0  }
0x12: {  	s1 =	sld [smem:$0x3F93];
	s0 =	simm.s32 @p0 $0x1  }
0x13: {  	[smem:$0x3FAE] =	sst s0;
	s0 =	simm.s32 @!p1 $0x0  }
0x14: {  	s2 =	sld [smem:$0x3F92];
	s0 =	simm.s32 @p1 $0x1  }
0x15: {  	[smem:$0x3FAF] =	sst s0;
	s0 =	simm.s32 @!p2 $0x0  }
0x16: {  	s3 =	sld [smem:$0x3FDB];
	s0 =	simm.s32 @p2 $0x1  }
0x17: {  	s4 =	simm.s32 $0x1BF5;
	[smem:$0x3FB1] =	sst s0  }
0x18: {  	s0 =	sld [smem:$0x3F94];
	_ =	swait.ge [sflag:s4], $0x0  }
0x19: {  	s7 =	sld [smem:$0x3F95]  }
0x1a: {  	s8 =	sadd.s32 $0xFFFFE003, lr  }
0x1b: {  	s9 =	sadd.s32 $0xFFFFFEF7, lr;
	s5 =	simm.s32 $0xFFFFFFFF;
	p2 =	slt.u32 s8, $0xFFFFF086  }
0x1c: {  	p1 =	slt.u32 s9, $0xF7A;
	s5 =	simm.s32 @!p2 $0x0  }
0x1d: {  	s5 =	simm.s32 @p1 $0x1;
	p0 =	seq.s32 s7, s2  }
0x1e: {  	s7 =	smul.u32 @!p0 $0xF7A, s2;
	p2 =	seq.s32 @!p0 s5, $0x0  }
0x1f: {  	s9 =	smul.u32 $0xF7A, s1;
	s8 =	simm.s32 @!p0 $0x1BF5;
	p2 =	por !p2, p0  }
0x20: {  	[sflag:s8] =	ssyncset.s32 @!p0 $0xFFFFF086;
	s6 =	sadd.s32 @!p0 s3, s7;
	s7 =	simm.s32 @!p0 $0x108  }
0x21: {  	s3 =	sadd.s32 s3, s9;
	s6 =	sadd.s32 @!p0 $0x88, s6;
	s7 =	simm.s32 @p2 $0x1082  }
0x22: {  	[simem:s7], [sflag:s8] =	dma.local @!p0 [hbm:s6], $0xF7A  }
0x23: {  	s9 =	sor.u32 $0xD0000000, s2;
	s6 =	simm.s32 $0x108;
	_ =	swait.ge @!p0 [sflag:s8], $0x0  }
0x24: {  	s3 =	sadd.s32 $0x88, s3;
	s6 =	simm.s32 @!p1 $0x1082;
	[sflag:s4] =	ssyncset.s32 $0xFFFFF086  }
0x25: {  	[simem:s6], [sflag:s4] =	dma.local [hbm:s3], $0xF7A  }
0x26: {  	[smem:$0x3F95] =	sst s1;
	(tag) =	ssettag s2;
	_ =	strace s9  }
0x27: {  	s1 =	sld [smem:$0x3FA5]  }
0x28: {  	s2 =	sld [smem:$0x3FA6]  }
0x29: {  	s4 =	sld [smem:$0x3FA8]  }
0x2a: {  	p0 =	seq.s32 s5, $0x0;
	s5 =	sld [smem:$0x3FA9]  }
0x2b: {  	s6 =	sld [smem:$0x3FAA]  }
0x2c: {  	s7 =	sld [smem:$0x3FAB]  }
0x2d: {  	s3 =	simm.s32 $0x108;
	s8 =	sld [smem:$0x3FAC]  }
0x2e: {  	s3 =	simm.s32 @!p0 $0x1082;
	s9 =	sld [smem:$0x3FAD]  }
0x2f: {  	lr =	sadd.s32 s0, s3;
	s0 =	sld [smem:$0x3FA4]  }
0x30: {  	s3 =	sld [smem:$0x3FA7]  }
0x31: {  	[smem:$0x3FB0] =	sst s10  }
0x32: {  	s10 =	sld [smem:$0x3FAE];
	_ =	sdelay $0x3  }
0x33: {  	p0 =	seq.s32 s10, $0x1;
	s10 =	sld [smem:$0x3FB0];
	_ =	sdelay $0x3  }
0x34: {  	[smem:$0x3FB0] =	sst s10  }
0x35: {  	s10 =	sld [smem:$0x3FAF];
	_ =	sdelay $0x3  }
0x36: {  	p1 =	seq.s32 s10, $0x1;
	s10 =	sld [smem:$0x3FB0];
	_ =	sdelay $0x3  }
0x37: {  	[smem:$0x3FB0] =	sst s10  }
0x38: {  	s10 =	sld [smem:$0x3FB1]  }
0x39: {  	_ = 	snop;
	(pc) =	sbr.ind lr, $3  }
0x3a: {  	_ = 	snop  }
0x3b: {  	_ = 	snop  }
0x3c: {  	p2 =	seq.s32 s10, $0x1;
	s10 =	sld [smem:$0x3FB0]  }
0x3d: {  	_ =	shalt  }
0x3e: {  	_ =	shalt  }
0x3f: {  	_ =	shalt  }
0x40: {  	_ =	shalt  }
0x41: {  	_ =	shalt  }
0x42: {  	_ =	shalt  }
0x43: {  	_ =	shalt  }
0x44: {  	_ =	shalt  }
0x45: {  	_ =	shalt  }
0x46: {  	_ =	shalt  }
0x47: {  	_ =	shalt  }
0x48: {  	_ =	shalt  }
0x49: {  	_ =	shalt  }
0x4a: {  	_ =	shalt  }
0x4b: {  	_ =	shalt  }
0x4c: {  	_ =	shalt  }
0x4d: {  	_ =	shalt  }
0x4e: {  	_ =	shalt  }
0x4f: {  	_ =	shalt  }
0x50: {  	_ =	shalt  }
0x51: {  	_ =	shalt  }
0x52: {  	_ =	shalt  }
0x53: {  	_ =	shalt  }
0x54: {  	_ =	shalt  }
0x55: {  	_ =	shalt  }
0x56: {  	_ =	shalt  }
0x57: {  	_ =	shalt  }
0x58: {  	_ =	shalt  }
0x59: {  	_ =	shalt  }
0x5a: {  	_ =	shalt  }
0x5b: {  	_ =	shalt  }
0x5c: {  	_ =	shalt  }
0x5d: {  	_ =	shalt  }
0x5e: {  	_ =	shalt  }
0x5f: {  	_ =	shalt  }
0x60: {  	_ =	shalt  }
0x61: {  	_ =	shalt  }
0x62: {  	_ =	shalt  }
0x63: {  	_ =	shalt  }
0x64: {  	_ =	shalt  }
0x65: {  	_ =	shalt  }
0x66: {  	_ =	shalt  }
0x67: {  	_ =	shalt  }
0x68: {  	_ =	shalt  }
0x69: {  	_ =	shalt  }
0x6a: {  	_ =	shalt  }
0x6b: {  	_ =	shalt  }
0x6c: {  	_ =	shalt  }
0x6d: {  	_ =	shalt  }
0x6e: {  	_ =	shalt  }
0x6f: {  	_ =	shalt  }
0x70: {  	_ =	shalt  }
0x71: {  	_ =	shalt  }
0x72: {  	_ =	shalt  }
0x73: {  	_ =	shalt  }
0x74: {  	_ =	shalt  }
0x75: {  	_ =	shalt  }
0x76: {  	_ =	shalt  }
0x77: {  	_ =	shalt  }
0x78: {  	_ =	shalt  }
0x79: {  	_ =	shalt  }
0x7a: {  	_ =	shalt  }
0x7b: {  	_ =	shalt  }
0x7c: {  	_ =	shalt  }
0x7d: {  	_ =	shalt  }
0x7e: {  	_ =	shalt  }
0x7f: {  	_ =	shalt  }
0x80: {  	_ =	shalt  }
0x81: {  	_ =	shalt  }
0x82: {  	_ =	shalt  }
0x83: {  	_ =	shalt  }
0x84: {  	_ =	shalt  }
0x85: {  	_ =	shalt  }
0x86: {  	_ =	shalt  }
0x87: {  	_ =	shalt  }
.Lfunc_end0:
.L_simem_size_0:
called_computation.2_lowered:
.L_overlay_start_0:
0x88: {  	s2 =	sld [smem:$0x3FD9]  }
0x89: {  	s3 =	sld [smem:$0x3FFE];
	_ =	sdelay $0x1  }
0x8a: {  	s1 =	srdreg.scid  }
0x8b: {  	s0 =	sand.u32 $0x1, s1  }
0x8c: {  	s14 =	sshll.u32 s0, $0xA;
	s2 =	sadd.s32 s3, s2  }
0x8d: {  	s2 =	sadd.s32 s2, s14  }
0x8e: {  	[smem:$0x3FBC] =	sst s2  }
0x8f: {  	_ = 	snop  }
0x90: {  	s2 =	sld [smem:$0x3FD0];
	_ =	sdelay $0x2  }
0x91: {  	s15 =	simm.s32 $0xA;
	s4 =	simm.s32 $0x10  }
0x92: {  	[smem:s4], [sflag:s15] =	dma.local [hbm:s2], $0x1  }
0x93: {  	_ =	swait.eq [sflag:s15], $0x1  }
0x94: {  	[sflag:s15] =	ssyncset.done $0x0  }
0x95: {  	s16 =	sld [smem:$0x10];
	[sflag:s15] =	ssyncadd.s32 $0xFFFFFFFF  }
0x96: {  	s17 =	sld [smem:$0x12];
	(tm) =	ssettm $0x1  }
0x97: {  	s18 =	sld [smem:$0x3FFB];
	_ =	sdelay $0x3  }
0x98: {  	_ =	strace s18  }
0x99: {  	s4 =	sld [smem:$0x3FFC];
	_ =	sdelay $0x3  }
0x9a: {  	_ =	strace s4  }
0x9b: {  	s4 =	sld [smem:$0x3FFD];
	_ =	sdelay $0x3  }
0x9c: {  	_ =	strace s4  }
0x9d: {  	_ =	strace $0x8FFFFFFF  }
0x9e: {  	s19 =	sld [smem:$0x3FDB];
	_ =	sdelay $0x1  }
0x9f: {  	s5 =	simm.s32 $_scs_section_size  }
0xa0: {  	s6 =	simm.s32 $_size__tile_overlayer_lowered;
	s7 =	simm.s32 $_tile_overlayer_lowered  }
0xa1: {  	s22 =	simm.s32 $0x1BFF;
	s21 =	sshll.u32 s7, $0x1;
	s4 =	sadd.s32 s5, s19  }
0xa2: {  	s8 =	simm.s32 $0x0;
	s20 =	sshll.u32 s6, $0x1;
	s6 =	sadd.s32 s21, s4  }
0xa3: {  	[timem:s8], [sflag:s22] =	dma.local [hbm:s6], s20  }
0xa4: {  	_ =	swait.ge [sflag:s22], s20  }
0xa5: {  	s5 =	ssub.s32 $0x0, s20;
	[sflag:s22] =	ssyncset.done $0x0  }
0xa6: {  	[sflag:s22] =	ssyncadd.s32 s5;
	_ =	sdelay $0x1  }
0xa7: {  	s23 =	simm.s32 $0x1B8B  }
0xa8: {  	_ =	swait.ge [sflag:s23], $0x1  }
0xa9: {  	[sflag:s23] =	ssyncset.done $0x0  }
0xaa: {  	s25 =	simm.s32 $0x1B8E;
	s24 =	sld [smem:$0x3FFE];
	[sflag:s23] =	ssyncadd.s32 $0xFFFFFFFF  }
0xab: {  	s26 =	simm.s32 $execute0_lowered;
	[smem:$0x3FD2] =	sst s25  }
0xac: {  	s6 =	sshll.u32 s26, $0x1;
	_ =	strace $0x8000004C;
	[dreg:$0x1] =	wrdreg $0xFFFFFFFF  }
0xad: {  	s28 =	simm.s32 $_size_execute0_lowered;
	s4 =	sadd.s32 s4, s6;
	[dreg:$0x0] =	wrdreg $0x0  }
0xae: {  	s6 =	sshll.u32 s28, $0x1;
	[dreg:$0x2] =	wrdreg s4  }
0xaf: {  	[dreg:$0x3] =	wrdreg s6  }
0xb0: {  	[dreg:$0x4] =	wrdreg $0xC0  }
0xb1: {  	_ =	task [dreg:s8], $0x5FFFF  }
0xb2: {  	[dreg:$0x1] =	wrdreg $0xFFFFFFFF  }
0xb3: {  	[dreg:$0x0] =	wrdreg $0x60  }
0xb4: {  	[dreg:$0x2] =	wrdreg s16  }
0xb5: {  	[dreg:$0x3] =	wrdreg s24  }
0xb6: {  	[dreg:$0x4] =	wrdreg s17  }
0xb7: {  	[dreg:$0x5] =	wrdreg $0x90000  }
0xb8: {  	[dreg:$0x6] =	wrdreg $0x9  }
0xb9: {  	_ =	task.clear_ibuf [dreg:s8], $0x7FFFF;
	_ =	strace $0x9000004C  }
0xba: {  	s29 =	simm.s32 $0x9;
	_ =	strace $0x8000004E  }
0xbb: {  	_ =	swait.ge [sflag:s29], $0x1  }
0xbc: {  	[sflag:s29] =	ssyncadd.s32 $0xFFFFFFFF  }
0xbd: {  	_ =	strace $0x9000004E  }
0xbe: {  	_ =	sfence  }
0xbf: {  	s30 =	sld [smem:$0x0];
	_ =	sdelay $0x2  }
0xc0: {  	s31 =	sshll.u32 s1, $0xD;
	s1 =	sshrl.u32 s1, $0x2  }
0xc1: {  	s3 =	sand.u32 $0x4000, s31;
	s1 =	sadd.s32 s1, s30  }
0xc2: {  	s0 =	sor.u32 s3, s0;
	s1 =	sshll.u32 s1, $0x11  }
0xc3: {  	s0 =	sor.u32 s1, s0  }
0xc4: {  	s0 =	sadd.s32 $0x8F2B, s0  }
0xc5: {  	[sflag:s0] =	ssyncadd.remote.s32 $0x1  }
0xc6: {  	_ =	sfence.sel $0xFFFF  }
0xc7: {  	[dreg:$0x0] =	wrdreg $0xFFFFFFFF;
	(pc) =	sbr.abs _section_cstart, $3  }
0xc8: {  	[dreg:$0x1] =	wrdreg $0xFFFFFFFF  }
0xc9: {  	_ =	task.clear_ibuf [dreg:s8], $0x2FFFF;
	_ =	strace $0x9FFFFFFF  }
0xca: {  	(tm) =	ssettm $0x7FFFFFFF  }
0xcb: {  	_ =	shalt  }
tec
execute0_lowered:
.L_overlay_start_1:
0x0: {  	(tag) =	ssettag $0x1  }
0x1: {  	s1 =	rddreg [dreg:$0x0]  }
0x2: {  	s0 =	rddreg [dreg:$0x1]  }
0x3: {  	s3 =	rddreg [dreg:$0x3];
	s2 =	srdreg.scid  }
0x4: {  	s5 =	simm.s32 $0x0;
	s10 =	stileid.u32;
	s13 =	simm.s32 $0x3  }
0x5: {  	s14 =	simm.s32 $0x800;
	s15 =	simm.s32 $0x80;
	s16 =	simm.s32 $0x1000  }
0x6: {  	s17 =	simm.s32 $0x1;
	s18 =	simm.s32 $0x5000;
	s19 =	simm.s32 $0x2  }
0x7: {  	s12 =	simm.s32 $0x900;
	s20 =	simm.s32 $0x200;
	s21 =	simm.s32 $0x980  }
0x8: {  	s28 =	simm.s32 $0xB00;
	s29 =	simm.s32 $0x400;
	s7 =	smul.u32 $0x14000, s10  }
0x9: {  	s30 =	simm.s32 $0xB80;
	s31 =	simm.s32 $0x0;
	s8 =	smul.u32 $0xA00, s10  }
0xa: {  	s2 =	sand.u32 $0x1, s2;
	[smem:$0x7FF] =	sst s5;
	s9 =	smul.u32 $0x50000, s10  }
0xb: {  	s6 =	sadd.s32 $0x18400, s0;
	s25 =	sshll.u32 s10, $0x6;
	s4 =	smul.u32 $0x140000, s2  }
0xc: {  	_ =	strace $0x8000004D;
	s22 =	ssub.s32 $0x2, s2;
	p0 =	seq.s32 s2, $0x1  }
0xd: {  	s8 =	sadd.s32 s8, s0;
	s23 =	sshrl.u32 s22, $0x1;
	s24 =	sshrl.u32 s9, $0x2  }
0xe: {  	s9 =	sor.u32 $0x1C03, s25;
	s25 =	simm.s32 $0xA80;
	s4 =	sadd.s32 s7, s4  }
0xf: {  	s7 =	sadd.s32 s24, s3;
	s10 =	sadd.s32 $0x4400, s8;
	s11 =	sadd.s32 $0xE400, s8  }
0x10: {  	s8 =	simm.s32 $0x100;
	s24 =	simm.s32 $0x300;
	[dreg:$0x5] =	wrdreg s9  }
.Ltmp0:
0x11: {  	s4 =	sshrl.u32 s4, $0x3;
	s2 =	sshrl.u32 s7, $0x3;
	(pc) =	sbr.rel .LBB2_1-.Ltmp0, $4  }
0x12: {  	s7 =	simm.s32 $0x180;
	s0 =	sadd.s32 s4, s0;
	s4 =	ssub.s32 s22, s23  }
0x13: {  	s22 =	simm.s32 $0x280;
	[dreg:$0x8] =	wrdreg s2;
	s0 =	sadd.s32 $0x3F600, s0  }
0x14: {  	s23 =	simm.s32 $0xA00;
	s26 =	smax.u32 s4, $0x1;
	[dreg:$0x6] =	wrdreg s0  }
0x15: {  	s4 =	simm.s32 $0x880;
	[dreg:$0x7] =	wrdreg s26;
	s26 =	simm.s32 $0x380  }
.LBB2_7:
0x16: {  	s2 =	sadd.s32 s0, s11;
	[sflag:s19] =	ssyncadd.s32 $0xFFFFC000  }
0x17: {  	[tilespmem:s5], [sflag:$0x3] =	stream.linear.gather [hbm4b:s2+s5], $0x800, $0x38;
	[tilespmem:$0x1D000] =	vst v63  }
0x18: {  	_ =	swait.ge [sflag:s13], $0x800  }
0x19: {  	[sflag:s13] =	ssyncset.done $0x0  }
0x1a: {  	s4 =	sadd.s32 s0, s10;
	[sflag:s13] =	ssyncadd.s32 $0xFFFFF800  }
0x1b: {  	[tilespmem:s14], [sflag:$0x3] =	stream.linear.gather [hbm4b:s4+s5], $0x800, $0x38;
	[tilespmem:$0x1D000] =	vst v63  }
0x1c: {  	_ =	swait.ge [sflag:s13], $0x800  }
0x1d: {  	[sflag:s13] =	ssyncset.done $0x0  }
0x1e: {  	[sflag:s13] =	ssyncadd.s32 $0xFFFFF800  }
0x1f: {  	[tilespmem:s16], [sflag:$0x1] =	stream.indirect.gather [hbm4b:s6+s15], $0x80, s5, s15, $0xb8;
	[tilespmem:$0x1D000] =	vst v63  }
0x20: {  	_ =	swait.ge [sflag:s17], $0x4000  }
0x21: {  	[sflag:s17] =	ssyncset.done $0x0  }
0x22: {  	[sflag:s17] =	ssyncadd.s32 $0xFFFFC000  }
0x23: {  	[tilespmem:s18], [sflag:$0x1] =	stream.indirect.gather [hbm4b:s6+s15], $0x80, s15, s15, $0xb8;
	[tilespmem:$0x1D000] =	vst v63  }
0x24: {  	_ = 	snop  }
0x25: {  	[spmem:s3] =	stream.indirect.scatter.add.f32 [tilespmem:s16], [sflag:$0x2], $0x80, s14, s15, $0xb8;
	[tilespmem:$0x1D000] =	vst v63  }
0x26: {  	_ =	swait.ge [sflag:s17], $0x4000  }
0x27: {  	[sflag:s17] =	ssyncset.done $0x0  }
0x28: {  	[sflag:s17] =	ssyncadd.s32 $0xFFFFC000  }
0x29: {  	_ =	swait.ge [sflag:s19], $0x4000  }
0x2a: {  	[sflag:s19] =	ssyncset.done $0x0  }
0x2b: {  	[sflag:s19] =	ssyncadd.s32 $0xFFFFC000  }
0x2c: {  	[tilespmem:s16], [sflag:$0x1] =	stream.indirect.gather [hbm4b:s6+s15], $0x80, s8, s15, $0xb8;
	[tilespmem:$0x1D000] =	vst v63  }
0x2d: {  	_ = 	snop  }
0x2e: {  	[spmem:s3] =	stream.indirect.scatter.add.f32 [tilespmem:s18], [sflag:$0x2], $0x80, s7, s15, $0xb8;
	[tilespmem:$0x1D000] =	vst v63  }
0x2f: {  	_ =	swait.ge [sflag:s17], $0x4000  }
0x30: {  	[sflag:s17] =	ssyncset.done $0x0  }
0x31: {  	[sflag:s17] =	ssyncadd.s32 $0xFFFFC000  }
0x32: {  	_ =	swait.ge [sflag:s19], $0x4000  }
0x33: {  	[sflag:s19] =	ssyncset.done $0x0  }
0x34: {  	[sflag:s19] =	ssyncadd.s32 $0xFFFFC000  }
0x35: {  	[tilespmem:s18], [sflag:$0x1] =	stream.indirect.gather [hbm4b:s6+s15], $0x80, s12, s15, $0xb8;
	[tilespmem:$0x1D000] =	vst v63  }
0x36: {  	_ = 	snop  }
0x37: {  	[spmem:s3] =	stream.indirect.scatter.add.f32 [tilespmem:s16], [sflag:$0x2], $0x80, s20, s15, $0xb8;
	[tilespmem:$0x1D000] =	vst v63  }
0x38: {  	_ =	swait.ge [sflag:s17], $0x4000  }
0x39: {  	[sflag:s17] =	ssyncset.done $0x0  }
0x3a: {  	[sflag:s17] =	ssyncadd.s32 $0xFFFFC000  }
0x3b: {  	_ =	swait.ge [sflag:s19], $0x4000  }
0x3c: {  	[sflag:s19] =	ssyncset.done $0x0  }
0x3d: {  	[sflag:s19] =	ssyncadd.s32 $0xFFFFC000  }
0x3e: {  	[tilespmem:s16], [sflag:$0x1] =	stream.indirect.gather [hbm4b:s6+s15], $0x80, s21, s15, $0xb8;
	[tilespmem:$0x1D000] =	vst v63  }
0x3f: {  	_ = 	snop  }
0x40: {  	[spmem:s3] =	stream.indirect.scatter.add.f32 [tilespmem:s18], [sflag:$0x2], $0x80, s22, s15, $0xb8;
	[tilespmem:$0x1D000] =	vst v63  }
0x41: {  	_ =	swait.ge [sflag:s17], $0x4000  }
0x42: {  	[sflag:s17] =	ssyncset.done $0x0  }
0x43: {  	[sflag:s17] =	ssyncadd.s32 $0xFFFFC000  }
0x44: {  	_ =	swait.ge [sflag:s19], $0x4000  }
0x45: {  	[sflag:s19] =	ssyncset.done $0x0  }
0x46: {  	[sflag:s19] =	ssyncadd.s32 $0xFFFFC000  }
0x47: {  	[tilespmem:s18], [sflag:$0x1] =	stream.indirect.gather [hbm4b:s6+s15], $0x80, s23, s15, $0xb8;
	[tilespmem:$0x1D000] =	vst v63  }
0x48: {  	_ = 	snop  }
0x49: {  	[spmem:s3] =	stream.indirect.scatter.add.f32 [tilespmem:s16], [sflag:$0x2], $0x80, s24, s15, $0xb8;
	[tilespmem:$0x1D000] =	vst v63  }
0x4a: {  	_ =	swait.ge [sflag:s17], $0x4000  }
0x4b: {  	[sflag:s17] =	ssyncset.done $0x0  }
0x4c: {  	[sflag:s17] =	ssyncadd.s32 $0xFFFFC000  }
0x4d: {  	_ =	swait.ge [sflag:s19], $0x4000  }
0x4e: {  	[sflag:s19] =	ssyncset.done $0x0  }
0x4f: {  	[sflag:s19] =	ssyncadd.s32 $0xFFFFC000  }
0x50: {  	[tilespmem:s16], [sflag:$0x1] =	stream.indirect.gather [hbm4b:s6+s15], $0x80, s25, s15, $0xb8;
	[tilespmem:$0x1D000] =	vst v63  }
0x51: {  	_ = 	snop  }
0x52: {  	[spmem:s3] =	stream.indirect.scatter.add.f32 [tilespmem:s18], [sflag:$0x2], $0x80, s26, s15, $0xb8;
	[tilespmem:$0x1D000] =	vst v63  }
0x53: {  	_ =	swait.ge [sflag:s17], $0x4000  }
0x54: {  	[sflag:s17] =	ssyncset.done $0x0  }
0x55: {  	[sflag:s17] =	ssyncadd.s32 $0xFFFFC000  }
0x56: {  	_ =	swait.ge [sflag:s19], $0x4000  }
0x57: {  	[sflag:s19] =	ssyncset.done $0x0  }
0x58: {  	[sflag:s19] =	ssyncadd.s32 $0xFFFFC000  }
0x59: {  	[tilespmem:s18], [sflag:$0x1] =	stream.indirect.gather [hbm4b:s6+s15], $0x80, s28, s15, $0xb8;
	[tilespmem:$0x1D000] =	vst v63  }
0x5a: {  	_ = 	snop  }
0x5b: {  	[spmem:s3] =	stream.indirect.scatter.add.f32 [tilespmem:s16], [sflag:$0x2], $0x80, s29, s15, $0xb8;
	[tilespmem:$0x1D000] =	vst v63  }
0x5c: {  	_ =	swait.ge [sflag:s17], $0x4000  }
0x5d: {  	[sflag:s17] =	ssyncset.done $0x0  }
0x5e: {  	[sflag:s17] =	ssyncadd.s32 $0xFFFFC000  }
0x5f: {  	_ =	swait.ge [sflag:s19], $0x4000  }
0x60: {  	[sflag:s19] =	ssyncset.done $0x0  }
0x61: {  	[sflag:s19] =	ssyncadd.s32 $0xFFFFC000  }
0x62: {  	[tilespmem:s16], [sflag:$0x1] =	stream.indirect.gather [hbm4b:s6+s15], $0x80, s30, s15, $0xb8;
	[tilespmem:$0x1D000] =	vst v63  }
0x63: {  	_ = 	snop  }
0x64: {  	[spmem:s3] =	stream.indirect.scatter.add.f32 [tilespmem:s18], [sflag:$0x2], $0x80, s31, s15, $0xb8;
	[tilespmem:$0x1D000] =	vst v63  }
0x65: {  	_ =	swait.ge [sflag:s17], $0x4000  }
0x66: {  	[sflag:s17] =	ssyncset.done $0x0  }
0x67: {  	[sflag:s17] =	ssyncadd.s32 $0xFFFFC000  }
0x68: {  	_ =	swait.ge [sflag:s19], $0x4000  }
0x69: {  	[sflag:s19] =	ssyncset.done $0x0  }
0x6a: {  	s25 =	simm.s32 $0x480;
	[sflag:s19] =	ssyncadd.s32 $0xFFFFC000  }
0x6b: {  	[tilespmem:s18], [sflag:$0x1] =	stream.indirect.gather [hbm4b:s6+s15], $0x80, s25, s15, $0xb8;
	[tilespmem:$0x1D000] =	vst v63  }
0x6c: {  	_ = 	snop  }
0x6d: {  	[spmem:s3] =	stream.indirect.scatter.add.f32 [tilespmem:s16], [sflag:$0x2], $0x80, s9, s15, $0xb8;
	[tilespmem:$0x1D000] =	vst v63  }
0x6e: {  	_ =	swait.ge [sflag:s17], $0x4000  }
0x6f: {  	[sflag:s17] =	ssyncset.done $0x0  }
0x70: {  	[sflag:s17] =	ssyncadd.s32 $0xFFFFC000  }
0x71: {  	_ =	swait.ge [sflag:s19], $0x4000  }
0x72: {  	[sflag:s19] =	ssyncset.done $0x0  }
0x73: {  	s26 =	simm.s32 $0x500;
	[sflag:s19] =	ssyncadd.s32 $0xFFFFC000  }
0x74: {  	[tilespmem:s16], [sflag:$0x1] =	stream.indirect.gather [hbm4b:s6+s15], $0x80, s26, s15, $0xb8;
	[tilespmem:$0x1D000] =	vst v63  }
0x75: {  	s2 =	simm.s32 $0xC80  }
0x76: {  	[spmem:s3] =	stream.indirect.scatter.add.f32 [tilespmem:s18], [sflag:$0x2], $0x80, s2, s15, $0xb8;
	[tilespmem:$0x1D000] =	vst v63  }
0x77: {  	_ =	swait.ge [sflag:s17], $0x4000  }
0x78: {  	[sflag:s17] =	ssyncset.done $0x0  }
0x79: {  	[sflag:s17] =	ssyncadd.s32 $0xFFFFC000  }
0x7a: {  	_ =	swait.ge [sflag:s19], $0x4000  }
0x7b: {  	[sflag:s19] =	ssyncset.done $0x0  }
0x7c: {  	s4 =	simm.s32 $0x580;
	[sflag:s19] =	ssyncadd.s32 $0xFFFFC000  }
0x7d: {  	[tilespmem:s18], [sflag:$0x1] =	stream.indirect.gather [hbm4b:s6+s15], $0x80, s4, s15, $0xb8;
	[tilespmem:$0x1D000] =	vst v63  }
0x7e: {  	s7 =	simm.s32 $0xD00  }
0x7f: {  	[spmem:s3] =	stream.indirect.scatter.add.f32 [tilespmem:s16], [sflag:$0x2], $0x80, s7, s15, $0xb8;
	[tilespmem:$0x1D000] =	vst v63  }
0x80: {  	_ =	swait.ge [sflag:s17], $0x4000  }
0x81: {  	[sflag:s17] =	ssyncset.done $0x0  }
0x82: {  	[sflag:s17] =	ssyncadd.s32 $0xFFFFC000  }
0x83: {  	_ =	swait.ge [sflag:s19], $0x4000  }
0x84: {  	[sflag:s19] =	ssyncset.done $0x0  }
0x85: {  	s9 =	simm.s32 $0x600;
	[sflag:s19] =	ssyncadd.s32 $0xFFFFC000  }
0x86: {  	[tilespmem:s16], [sflag:$0x1] =	stream.indirect.gather [hbm4b:s6+s15], $0x80, s9, s15, $0xb8;
	[tilespmem:$0x1D000] =	vst v63  }
0x87: {  	s12 =	simm.s32 $0xD80  }
0x88: {  	[spmem:s3] =	stream.indirect.scatter.add.f32 [tilespmem:s18], [sflag:$0x2], $0x80, s12, s15, $0xb8;
	[tilespmem:$0x1D000] =	vst v63  }
0x89: {  	_ =	swait.ge [sflag:s17], $0x4000  }
0x8a: {  	[sflag:s17] =	ssyncset.done $0x0  }
0x8b: {  	[sflag:s17] =	ssyncadd.s32 $0xFFFFC000  }
0x8c: {  	_ =	swait.ge [sflag:s19], $0x4000  }
0x8d: {  	[sflag:s19] =	ssyncset.done $0x0  }
0x8e: {  	s20 =	simm.s32 $0x680;
	[sflag:s19] =	ssyncadd.s32 $0xFFFFC000  }
0x8f: {  	[tilespmem:s18], [sflag:$0x1] =	stream.indirect.gather [hbm4b:s6+s15], $0x80, s20, s15, $0xb8;
	[tilespmem:$0x1D000] =	vst v63  }
0x90: {  	s21 =	simm.s32 $0xE00  }
0x91: {  	[spmem:s3] =	stream.indirect.scatter.add.f32 [tilespmem:s16], [sflag:$0x2], $0x80, s21, s15, $0xb8;
	[tilespmem:$0x1D000] =	vst v63  }
0x92: {  	_ =	swait.ge [sflag:s17], $0x4000  }
0x93: {  	[sflag:s17] =	ssyncset.done $0x0  }
0x94: {  	[sflag:s17] =	ssyncadd.s32 $0xFFFFC000  }
0x95: {  	_ =	swait.ge [sflag:s19], $0x4000  }
0x96: {  	[sflag:s19] =	ssyncset.done $0x0  }
0x97: {  	s22 =	simm.s32 $0x700;
	[sflag:s19] =	ssyncadd.s32 $0xFFFFC000  }
0x98: {  	[tilespmem:s16], [sflag:$0x1] =	stream.indirect.gather [hbm4b:s6+s15], $0x80, s22, s15, $0xb8;
	[tilespmem:$0x1D000] =	vst v63  }
0x99: {  	s23 =	simm.s32 $0xE80  }
0x9a: {  	[spmem:s3] =	stream.indirect.scatter.add.f32 [tilespmem:s18], [sflag:$0x2], $0x80, s23, s15, $0xb8;
	[tilespmem:$0x1D000] =	vst v63  }
0x9b: {  	_ =	swait.ge [sflag:s17], $0x4000  }
0x9c: {  	[sflag:s17] =	ssyncset.done $0x0  }
0x9d: {  	[sflag:s17] =	ssyncadd.s32 $0xFFFFC000  }
0x9e: {  	_ =	swait.ge [sflag:s19], $0x4000  }
0x9f: {  	[sflag:s19] =	ssyncset.done $0x0  }
0xa0: {  	s24 =	simm.s32 $0x780;
	[sflag:s19] =	ssyncadd.s32 $0xFFFFC000  }
0xa1: {  	[tilespmem:s18], [sflag:$0x1] =	stream.indirect.gather [hbm4b:s6+s15], $0x80, s24, s15, $0xb8;
	[tilespmem:$0x1D000] =	vst v63  }
0xa2: {  	s25 =	simm.s32 $0xF00  }
0xa3: {  	[spmem:s3] =	stream.indirect.scatter.add.f32 [tilespmem:s16], [sflag:$0x2], $0x80, s25, s15, $0xb8;
	[tilespmem:$0x1D000] =	vst v63  }
0xa4: {  	_ =	swait.ge [sflag:s17], $0x4000  }
0xa5: {  	s28 =	simm.s32 $0xB00;
	[sflag:s17] =	ssyncset.done $0x0  }
0xa6: {  	s29 =	simm.s32 $0x400;
	s30 =	simm.s32 $0xB80;
	[sflag:s17] =	ssyncadd.s32 $0xFFFFC000  }
0xa7: {  	s26 =	simm.s32 $0xF80;
	s4 =	simm.s32 $0x880;
	_ =	swait.ge [sflag:s19], $0x4000  }
0xa8: {  	s7 =	simm.s32 $0x180;
	s12 =	simm.s32 $0x900;
	[sflag:s19] =	ssyncset.done $0x0  }
0xa9: {  	s20 =	simm.s32 $0x200;
	s21 =	simm.s32 $0x980;
	[sflag:s19] =	ssyncadd.s32 $0xFFFFC000  }
0xaa: {  	[spmem:s3] =	stream.indirect.scatter.add.f32 [tilespmem:s18], [sflag:$0x2], $0x80, s26, s15, $0xb8;
	[tilespmem:$0x1D000] =	vst v63  }
0xab: {  	s22 =	simm.s32 $0x280;
	s23 =	simm.s32 $0xA00;
	_ =	swait.ge [sflag:s19], $0x4000  }
0xac: {  	s24 =	simm.s32 $0x300;
	s25 =	simm.s32 $0xA80;
	[sflag:s19] =	ssyncset.done $0x0  }
0xad: {  	s26 =	simm.s32 $0x380;
	s31 =	rddreg [dreg:$0x9];
	[sflag:s19] =	ssyncadd.s32 $0xFFFFC000  }
.LBB2_8:
0xae: {  	[bflag:$0x0] =	sbarrier.arrive $0xFFFF  }
0xaf: {  	s9 =	rddreg [dreg:$0x5]  }
0xb0: {  	s0 =	rddreg [dreg:$0x6]  }
0xb1: {  	s2 =	rddreg [dreg:$0x8]  }
0xb2: {  	[hbm:s0], [sflag:s9] =	dma.local [spmem:s2], $0x2800  }
0xb3: {  	_ =	swait.ge [sflag:s13], $0x2800  }
0xb4: {  	s31 =	sadd.s32 $0x1, s31;
	s0 =	rddreg [dreg:$0x7]  }
0xb5: {  	p1 =	sne.s32 s31, s0  }
.Ltmp1:
0xb6: {  	_ = 	snop;
	(pc) =	sbr.rel @!p1 .LBB2_9-.Ltmp1, $3  }
0xb7: {  	_ =	sdelay $0x1  }
0xb8: {  	[sflag:s13] =	ssyncset.done $0x0  }
0xb9: {  	[sflag:s13] =	ssyncadd.s32 $0xFFFFD800  }
.LBB2_1:
0xba: {  	[dreg:$0x9] =	wrdreg s31  }
0xbb: {  	s0 =	rddreg [dreg:$0x2]  }
0xbc: {  	[spmem:s2], [sflag:s9] =	dma.local [hbm:s0], $0x2800  }
.Ltmp2:
0xbd: {  	_ =	swait.ge [sflag:s13], $0x2800;
	(pc) =	sbr.rel @!p0 .LBB2_2-.Ltmp2, $4  }
0xbe: {  	[sflag:s13] =	ssyncset.done $0x0  }
0xbf: {  	[sflag:s13] =	ssyncadd.s32 $0xFFFFD800  }
0xc0: {  	[bflag:$0x0] =	sbarrier.arrive $0xFFFF  }
0xc1: {  	s0 =	sadd.s32 $0x0, s11  }
0xc2: {  	[tilespmem:s5], [sflag:$0x3] =	stream.linear.gather [hbm4b:s0+s5], $0x800, $0x38;
	[tilespmem:$0x1D000] =	vst v63  }
0xc3: {  	_ =	swait.ge [sflag:s13], $0x800  }
0xc4: {  	[sflag:s13] =	ssyncset.done $0x0  }
0xc5: {  	s9 =	sadd.s32 $0x0, s10;
	[sflag:s13] =	ssyncadd.s32 $0xFFFFF800  }
0xc6: {  	[tilespmem:s14], [sflag:$0x3] =	stream.linear.gather [hbm4b:s9+s5], $0x800, $0x38;
	[tilespmem:$0x1D000] =	vst v63  }
0xc7: {  	_ =	swait.ge [sflag:s13], $0x800  }
0xc8: {  	[sflag:s13] =	ssyncset.done $0x0  }
0xc9: {  	[sflag:s13] =	ssyncadd.s32 $0xFFFFF800  }
0xca: {  	[tilespmem:s16], [sflag:$0x1] =	stream.indirect.gather [hbm4b:s6+s15], $0x80, s5, s15, $0xb8;
	[tilespmem:$0x1D000] =	vst v63  }
0xcb: {  	_ =	swait.ge [sflag:s17], $0x4000  }
0xcc: {  	[sflag:s17] =	ssyncset.done $0x0  }
0xcd: {  	[sflag:s17] =	ssyncadd.s32 $0xFFFFC000  }
0xce: {  	[tilespmem:s18], [sflag:$0x1] =	stream.indirect.gather [hbm4b:s6+s15], $0x80, s15, s15, $0xb8;
	[tilespmem:$0x1D000] =	vst v63  }
0xcf: {  	_ = 	snop  }
0xd0: {  	[spmem:s3] =	stream.indirect.scatter.add.f32 [tilespmem:s16], [sflag:$0x2], $0x80, s14, s15, $0xb8;
	[tilespmem:$0x1D000] =	vst v63  }
0xd1: {  	_ =	swait.ge [sflag:s17], $0x4000  }
0xd2: {  	[sflag:s17] =	ssyncset.done $0x0  }
0xd3: {  	[sflag:s17] =	ssyncadd.s32 $0xFFFFC000  }
0xd4: {  	_ =	swait.ge [sflag:s19], $0x4000  }
0xd5: {  	[sflag:s19] =	ssyncset.done $0x0  }
0xd6: {  	[sflag:s19] =	ssyncadd.s32 $0xFFFFC000  }
0xd7: {  	[tilespmem:s16], [sflag:$0x1] =	stream.indirect.gather [hbm4b:s6+s15], $0x80, s8, s15, $0xb8;
	[tilespmem:$0x1D000] =	vst v63  }
0xd8: {  	_ = 	snop  }
0xd9: {  	[spmem:s3] =	stream.indirect.scatter.add.f32 [tilespmem:s18], [sflag:$0x2], $0x80, s4, s15, $0xb8;
	[tilespmem:$0x1D000] =	vst v63  }
0xda: {  	_ =	swait.ge [sflag:s17], $0x4000  }
0xdb: {  	[sflag:s17] =	ssyncset.done $0x0  }
0xdc: {  	[sflag:s17] =	ssyncadd.s32 $0xFFFFC000  }
0xdd: {  	_ =	swait.ge [sflag:s19], $0x4000  }
0xde: {  	[sflag:s19] =	ssyncset.done $0x0  }
0xdf: {  	[sflag:s19] =	ssyncadd.s32 $0xFFFFC000  }
0xe0: {  	[tilespmem:s18], [sflag:$0x1] =	stream.indirect.gather [hbm4b:s6+s15], $0x80, s7, s15, $0xb8;
	[tilespmem:$0x1D000] =	vst v63  }
0xe1: {  	_ = 	snop  }
0xe2: {  	[spmem:s3] =	stream.indirect.scatter.add.f32 [tilespmem:s16], [sflag:$0x2], $0x80, s12, s15, $0xb8;
	[tilespmem:$0x1D000] =	vst v63  }
0xe3: {  	_ =	swait.ge [sflag:s17], $0x4000  }
0xe4: {  	[sflag:s17] =	ssyncset.done $0x0  }
0xe5: {  	[sflag:s17] =	ssyncadd.s32 $0xFFFFC000  }
0xe6: {  	_ =	swait.ge [sflag:s19], $0x4000  }
0xe7: {  	[sflag:s19] =	ssyncset.done $0x0  }
0xe8: {  	[sflag:s19] =	ssyncadd.s32 $0xFFFFC000  }
0xe9: {  	[tilespmem:s16], [sflag:$0x1] =	stream.indirect.gather [hbm4b:s6+s15], $0x80, s20, s15, $0xb8;
	[tilespmem:$0x1D000] =	vst v63  }
0xea: {  	_ = 	snop  }
0xeb: {  	[spmem:s3] =	stream.indirect.scatter.add.f32 [tilespmem:s18], [sflag:$0x2], $0x80, s21, s15, $0xb8;
	[tilespmem:$0x1D000] =	vst v63  }
0xec: {  	_ =	swait.ge [sflag:s17], $0x4000  }
0xed: {  	[sflag:s17] =	ssyncset.done $0x0  }
0xee: {  	[sflag:s17] =	ssyncadd.s32 $0xFFFFC000  }
0xef: {  	_ =	swait.ge [sflag:s19], $0x4000  }
0xf0: {  	[sflag:s19] =	ssyncset.done $0x0  }
0xf1: {  	[sflag:s19] =	ssyncadd.s32 $0xFFFFC000  }
0xf2: {  	[tilespmem:s18], [sflag:$0x1] =	stream.indirect.gather [hbm4b:s6+s15], $0x80, s22, s15, $0xb8;
	[tilespmem:$0x1D000] =	vst v63  }
0xf3: {  	_ = 	snop  }
0xf4: {  	[spmem:s3] =	stream.indirect.scatter.add.f32 [tilespmem:s16], [sflag:$0x2], $0x80, s23, s15, $0xb8;
	[tilespmem:$0x1D000] =	vst v63  }
0xf5: {  	_ =	swait.ge [sflag:s17], $0x4000  }
0xf6: {  	[sflag:s17] =	ssyncset.done $0x0  }
0xf7: {  	[sflag:s17] =	ssyncadd.s32 $0xFFFFC000  }
0xf8: {  	_ =	swait.ge [sflag:s19], $0x4000  }
0xf9: {  	[sflag:s19] =	ssyncset.done $0x0  }
0xfa: {  	[sflag:s19] =	ssyncadd.s32 $0xFFFFC000  }
0xfb: {  	[tilespmem:s16], [sflag:$0x1] =	stream.indirect.gather [hbm4b:s6+s15], $0x80, s24, s15, $0xb8;
	[tilespmem:$0x1D000] =	vst v63  }
0xfc: {  	_ = 	snop  }
0xfd: {  	[spmem:s3] =	stream.indirect.scatter.add.f32 [tilespmem:s18], [sflag:$0x2], $0x80, s25, s15, $0xb8;
	[tilespmem:$0x1D000] =	vst v63  }
0xfe: {  	_ =	swait.ge [sflag:s17], $0x4000  }
0xff: {  	[sflag:s17] =	ssyncset.done $0x0  }
0x100: {  	[sflag:s17] =	ssyncadd.s32 $0xFFFFC000  }
0x101: {  	_ =	swait.ge [sflag:s19], $0x4000  }
0x102: {  	[sflag:s19] =	ssyncset.done $0x0  }
0x103: {  	[sflag:s19] =	ssyncadd.s32 $0xFFFFC000  }
0x104: {  	[tilespmem:s18], [sflag:$0x1] =	stream.indirect.gather [hbm4b:s6+s15], $0x80, s26, s15, $0xb8;
	[tilespmem:$0x1D000] =	vst v63  }
0x105: {  	_ = 	snop  }
0x106: {  	[spmem:s3] =	stream.indirect.scatter.add.f32 [tilespmem:s16], [sflag:$0x2], $0x80, s28, s15, $0xb8;
	[tilespmem:$0x1D000] =	vst v63  }
0x107: {  	_ =	swait.ge [sflag:s17], $0x4000  }
0x108: {  	[sflag:s17] =	ssyncset.done $0x0  }
0x109: {  	[sflag:s17] =	ssyncadd.s32 $0xFFFFC000  }
0x10a: {  	_ =	swait.ge [sflag:s19], $0x4000  }
0x10b: {  	[sflag:s19] =	ssyncset.done $0x0  }
0x10c: {  	[sflag:s19] =	ssyncadd.s32 $0xFFFFC000  }
0x10d: {  	[tilespmem:s16], [sflag:$0x1] =	stream.indirect.gather [hbm4b:s6+s15], $0x80, s29, s15, $0xb8;
	[tilespmem:$0x1D000] =	vst v63  }
0x10e: {  	_ = 	snop  }
0x10f: {  	[spmem:s3] =	stream.indirect.scatter.add.f32 [tilespmem:s18], [sflag:$0x2], $0x80, s30, s15, $0xb8;
	[tilespmem:$0x1D000] =	vst v63  }
0x110: {  	_ =	swait.ge [sflag:s17], $0x4000  }
0x111: {  	[sflag:s17] =	ssyncset.done $0x0  }
0x112: {  	[sflag:s17] =	ssyncadd.s32 $0xFFFFC000  }
0x113: {  	_ =	swait.ge [sflag:s19], $0x4000  }
0x114: {  	[sflag:s19] =	ssyncset.done $0x0  }
0x115: {  	s25 =	simm.s32 $0x480;
	[sflag:s19] =	ssyncadd.s32 $0xFFFFC000  }
0x116: {  	[tilespmem:s18], [sflag:$0x1] =	stream.indirect.gather [hbm4b:s6+s15], $0x80, s25, s15, $0xb8;
	[tilespmem:$0x1D000] =	vst v63  }
0x117: {  	s26 =	simm.s32 $0xC00  }
0x118: {  	[spmem:s3] =	stream.indirect.scatter.add.f32 [tilespmem:s16], [sflag:$0x2], $0x80, s26, s15, $0xb8;
	[tilespmem:$0x1D000] =	vst v63  }
0x119: {  	_ =	swait.ge [sflag:s17], $0x4000  }
0x11a: {  	[sflag:s17] =	ssyncset.done $0x0  }
0x11b: {  	[sflag:s17] =	ssyncadd.s32 $0xFFFFC000  }
0x11c: {  	_ =	swait.ge [sflag:s19], $0x4000  }
0x11d: {  	[sflag:s19] =	ssyncset.done $0x0  }
0x11e: {  	s2 =	simm.s32 $0x500;
	[sflag:s19] =	ssyncadd.s32 $0xFFFFC000  }
0x11f: {  	[tilespmem:s16], [sflag:$0x1] =	stream.indirect.gather [hbm4b:s6+s15], $0x80, s2, s15, $0xb8;
	[tilespmem:$0x1D000] =	vst v63  }
0x120: {  	s4 =	simm.s32 $0xC80  }
0x121: {  	[spmem:s3] =	stream.indirect.scatter.add.f32 [tilespmem:s18], [sflag:$0x2], $0x80, s4, s15, $0xb8;
	[tilespmem:$0x1D000] =	vst v63  }
0x122: {  	_ =	swait.ge [sflag:s17], $0x4000  }
0x123: {  	[sflag:s17] =	ssyncset.done $0x0  }
0x124: {  	[sflag:s17] =	ssyncadd.s32 $0xFFFFC000  }
0x125: {  	_ =	swait.ge [sflag:s19], $0x4000  }
0x126: {  	[sflag:s19] =	ssyncset.done $0x0  }
0x127: {  	s7 =	simm.s32 $0x580;
	[sflag:s19] =	ssyncadd.s32 $0xFFFFC000  }
0x128: {  	[tilespmem:s18], [sflag:$0x1] =	stream.indirect.gather [hbm4b:s6+s15], $0x80, s7, s15, $0xb8;
	[tilespmem:$0x1D000] =	vst v63  }
0x129: {  	s8 =	simm.s32 $0xD00  }
0x12a: {  	[spmem:s3] =	stream.indirect.scatter.add.f32 [tilespmem:s16], [sflag:$0x2], $0x80, s8, s15, $0xb8;
	[tilespmem:$0x1D000] =	vst v63  }
0x12b: {  	_ =	swait.ge [sflag:s17], $0x4000  }
0x12c: {  	[sflag:s17] =	ssyncset.done $0x0  }
0x12d: {  	[sflag:s17] =	ssyncadd.s32 $0xFFFFC000  }
0x12e: {  	_ =	swait.ge [sflag:s19], $0x4000  }
0x12f: {  	[sflag:s19] =	ssyncset.done $0x0  }
0x130: {  	s9 =	simm.s32 $0x600;
	[sflag:s19] =	ssyncadd.s32 $0xFFFFC000  }
0x131: {  	[tilespmem:s16], [sflag:$0x1] =	stream.indirect.gather [hbm4b:s6+s15], $0x80, s9, s15, $0xb8;
	[tilespmem:$0x1D000] =	vst v63  }
0x132: {  	s12 =	simm.s32 $0xD80  }
0x133: {  	[spmem:s3] =	stream.indirect.scatter.add.f32 [tilespmem:s18], [sflag:$0x2], $0x80, s12, s15, $0xb8;
	[tilespmem:$0x1D000] =	vst v63  }
0x134: {  	_ =	swait.ge [sflag:s17], $0x4000  }
0x135: {  	[sflag:s17] =	ssyncset.done $0x0  }
0x136: {  	[sflag:s17] =	ssyncadd.s32 $0xFFFFC000  }
0x137: {  	_ =	swait.ge [sflag:s19], $0x4000  }
0x138: {  	[sflag:s19] =	ssyncset.done $0x0  }
0x139: {  	s20 =	simm.s32 $0x680;
	[sflag:s19] =	ssyncadd.s32 $0xFFFFC000  }
0x13a: {  	[tilespmem:s18], [sflag:$0x1] =	stream.indirect.gather [hbm4b:s6+s15], $0x80, s20, s15, $0xb8;
	[tilespmem:$0x1D000] =	vst v63  }
0x13b: {  	s21 =	simm.s32 $0xE00  }
0x13c: {  	[spmem:s3] =	stream.indirect.scatter.add.f32 [tilespmem:s16], [sflag:$0x2], $0x80, s21, s15, $0xb8;
	[tilespmem:$0x1D000] =	vst v63  }
0x13d: {  	_ =	swait.ge [sflag:s17], $0x4000  }
0x13e: {  	[sflag:s17] =	ssyncset.done $0x0  }
0x13f: {  	[sflag:s17] =	ssyncadd.s32 $0xFFFFC000  }
0x140: {  	_ =	swait.ge [sflag:s19], $0x4000  }
0x141: {  	[sflag:s19] =	ssyncset.done $0x0  }
0x142: {  	s22 =	simm.s32 $0x700;
	[sflag:s19] =	ssyncadd.s32 $0xFFFFC000  }
0x143: {  	[tilespmem:s16], [sflag:$0x1] =	stream.indirect.gather [hbm4b:s6+s15], $0x80, s22, s15, $0xb8;
	[tilespmem:$0x1D000] =	vst v63  }
0x144: {  	s23 =	simm.s32 $0xE80  }
0x145: {  	[spmem:s3] =	stream.indirect.scatter.add.f32 [tilespmem:s18], [sflag:$0x2], $0x80, s23, s15, $0xb8;
	[tilespmem:$0x1D000] =	vst v63  }
0x146: {  	_ =	swait.ge [sflag:s17], $0x4000  }
0x147: {  	[sflag:s17] =	ssyncset.done $0x0  }
0x148: {  	[sflag:s17] =	ssyncadd.s32 $0xFFFFC000  }
0x149: {  	_ =	swait.ge [sflag:s19], $0x4000  }
0x14a: {  	[sflag:s19] =	ssyncset.done $0x0  }
0x14b: {  	s24 =	simm.s32 $0x780;
	[sflag:s19] =	ssyncadd.s32 $0xFFFFC000  }
0x14c: {  	[tilespmem:s18], [sflag:$0x1] =	stream.indirect.gather [hbm4b:s6+s15], $0x80, s24, s15, $0xb8;
	[tilespmem:$0x1D000] =	vst v63  }
0x14d: {  	s25 =	simm.s32 $0xF00  }
0x14e: {  	[spmem:s3] =	stream.indirect.scatter.add.f32 [tilespmem:s16], [sflag:$0x2], $0x80, s25, s15, $0xb8;
	[tilespmem:$0x1D000] =	vst v63  }
0x14f: {  	s0 =	simm.s32 $0x100;
	s31 =	simm.s32 $0xB80;
	_ =	swait.ge [sflag:s17], $0x4000  }
0x150: {  	s28 =	simm.s32 $0x380;
	s29 =	simm.s32 $0xB00;
	[sflag:s17] =	ssyncset.done $0x0  }
0x151: {  	s30 =	simm.s32 $0x400;
	s26 =	simm.s32 $0xF80;
	[sflag:s17] =	ssyncadd.s32 $0xFFFFC000  }
0x152: {  	s2 =	simm.s32 $0x200;
	s7 =	simm.s32 $0x880;
	_ =	swait.ge [sflag:s19], $0x4000  }
0x153: {  	s12 =	simm.s32 $0x180;
	s20 =	simm.s32 $0x900;
	[sflag:s19] =	ssyncset.done $0x0  }
0x154: {  	s21 =	simm.s32 $0x200;
	s22 =	simm.s32 $0x980;
	[sflag:s19] =	ssyncadd.s32 $0xFFFFC000  }
0x155: {  	[spmem:s3] =	stream.indirect.scatter.add.f32 [tilespmem:s18], [sflag:$0x2], $0x80, s26, s15, $0xb8;
	[tilespmem:$0x1D000] =	vst v63  }
0x156: {  	s23 =	simm.s32 $0x280;
	s24 =	simm.s32 $0xA00;
	_ =	swait.ge [sflag:s19], $0x4000  }
0x157: {  	s25 =	simm.s32 $0x300;
	s26 =	simm.s32 $0xA80;
	[sflag:s19] =	ssyncset.done $0x0  }
.LBB2_6:
0x158: {  	s8 =	sadd.s32 s0, s11  }
0x159: {  	[sflag:s19] =	ssyncadd.s32 $0xFFFFC000;
	s9 =	smov.u32 s2;
	s4 =	sadd.s32 $0x100, s2  }
0x15a: {  	[tilespmem:s5], [sflag:$0x3] =	stream.linear.gather [hbm4b:s8+s5], $0x800, $0x38;
	[tilespmem:$0x1D000] =	vst v63  }
0x15b: {  	s8 =	simm.s32 $0x100  }
0x15c: {  	p1 =	sne.s32 s2, $0x900;
	_ =	swait.ge [sflag:s13], $0x800  }
0x15d: {  	s2 =	sadd.s32 s0, s10;
	[sflag:s13] =	ssyncset.done $0x0  }
0x15e: {  	s0 =	smov.u32 s9;
	s9 =	simm.s32 $0xC00;
	[sflag:s13] =	ssyncadd.s32 $0xFFFFF800  }
0x15f: {  	[tilespmem:s14], [sflag:$0x3] =	stream.linear.gather [hbm4b:s2+s5], $0x800, $0x38;
	[tilespmem:$0x1D000] =	vst v63  }
0x160: {  	_ =	swait.ge [sflag:s13], $0x800  }
0x161: {  	[sflag:s13] =	ssyncset.done $0x0  }
0x162: {  	[sflag:s13] =	ssyncadd.s32 $0xFFFFF800  }
0x163: {  	[tilespmem:s16], [sflag:$0x1] =	stream.indirect.gather [hbm4b:s6+s15], $0x80, s5, s15, $0xb8;
	[tilespmem:$0x1D000] =	vst v63  }
0x164: {  	_ =	swait.ge [sflag:s17], $0x4000  }
0x165: {  	[sflag:s17] =	ssyncset.done $0x0  }
0x166: {  	[sflag:s17] =	ssyncadd.s32 $0xFFFFC000  }
0x167: {  	[tilespmem:s18], [sflag:$0x1] =	stream.indirect.gather [hbm4b:s6+s15], $0x80, s15, s15, $0xb8;
	[tilespmem:$0x1D000] =	vst v63  }
0x168: {  	_ = 	snop  }
0x169: {  	[spmem:s3] =	stream.indirect.scatter.add.f32 [tilespmem:s16], [sflag:$0x2], $0x80, s14, s15, $0xb8;
	[tilespmem:$0x1D000] =	vst v63  }
0x16a: {  	_ =	swait.ge [sflag:s17], $0x4000  }
0x16b: {  	[sflag:s17] =	ssyncset.done $0x0  }
0x16c: {  	[sflag:s17] =	ssyncadd.s32 $0xFFFFC000  }
0x16d: {  	_ =	swait.ge [sflag:s19], $0x4000  }
0x16e: {  	[sflag:s19] =	ssyncset.done $0x0  }
0x16f: {  	[sflag:s19] =	ssyncadd.s32 $0xFFFFC000  }
0x170: {  	[tilespmem:s16], [sflag:$0x1] =	stream.indirect.gather [hbm4b:s6+s15], $0x80, s8, s15, $0xb8;
	[tilespmem:$0x1D000] =	vst v63  }
0x171: {  	_ = 	snop  }
0x172: {  	[spmem:s3] =	stream.indirect.scatter.add.f32 [tilespmem:s18], [sflag:$0x2], $0x80, s7, s15, $0xb8;
	[tilespmem:$0x1D000] =	vst v63  }
0x173: {  	_ =	swait.ge [sflag:s17], $0x4000  }
0x174: {  	[sflag:s17] =	ssyncset.done $0x0  }
0x175: {  	[sflag:s17] =	ssyncadd.s32 $0xFFFFC000  }
0x176: {  	_ =	swait.ge [sflag:s19], $0x4000  }
0x177: {  	[sflag:s19] =	ssyncset.done $0x0  }
0x178: {  	[sflag:s19] =	ssyncadd.s32 $0xFFFFC000  }
0x179: {  	[tilespmem:s18], [sflag:$0x1] =	stream.indirect.gather [hbm4b:s6+s15], $0x80, s12, s15, $0xb8;
	[tilespmem:$0x1D000] =	vst v63  }
0x17a: {  	_ = 	snop  }
0x17b: {  	[spmem:s3] =	stream.indirect.scatter.add.f32 [tilespmem:s16], [sflag:$0x2], $0x80, s20, s15, $0xb8;
	[tilespmem:$0x1D000] =	vst v63  }
0x17c: {  	_ =	swait.ge [sflag:s17], $0x4000  }
0x17d: {  	[sflag:s17] =	ssyncset.done $0x0  }
0x17e: {  	[sflag:s17] =	ssyncadd.s32 $0xFFFFC000  }
0x17f: {  	_ =	swait.ge [sflag:s19], $0x4000  }
0x180: {  	[sflag:s19] =	ssyncset.done $0x0  }
0x181: {  	[sflag:s19] =	ssyncadd.s32 $0xFFFFC000  }
0x182: {  	[tilespmem:s16], [sflag:$0x1] =	stream.indirect.gather [hbm4b:s6+s15], $0x80, s21, s15, $0xb8;
	[tilespmem:$0x1D000] =	vst v63  }
0x183: {  	_ = 	snop  }
0x184: {  	[spmem:s3] =	stream.indirect.scatter.add.f32 [tilespmem:s18], [sflag:$0x2], $0x80, s22, s15, $0xb8;
	[tilespmem:$0x1D000] =	vst v63  }
0x185: {  	_ =	swait.ge [sflag:s17], $0x4000  }
0x186: {  	[sflag:s17] =	ssyncset.done $0x0  }
0x187: {  	[sflag:s17] =	ssyncadd.s32 $0xFFFFC000  }
0x188: {  	_ =	swait.ge [sflag:s19], $0x4000  }
0x189: {  	[sflag:s19] =	ssyncset.done $0x0  }
0x18a: {  	[sflag:s19] =	ssyncadd.s32 $0xFFFFC000  }
0x18b: {  	[tilespmem:s18], [sflag:$0x1] =	stream.indirect.gather [hbm4b:s6+s15], $0x80, s23, s15, $0xb8;
	[tilespmem:$0x1D000] =	vst v63  }
0x18c: {  	_ = 	snop  }
0x18d: {  	[spmem:s3] =	stream.indirect.scatter.add.f32 [tilespmem:s16], [sflag:$0x2], $0x80, s24, s15, $0xb8;
	[tilespmem:$0x1D000] =	vst v63  }
0x18e: {  	_ =	swait.ge [sflag:s17], $0x4000  }
0x18f: {  	[sflag:s17] =	ssyncset.done $0x0  }
0x190: {  	[sflag:s17] =	ssyncadd.s32 $0xFFFFC000  }
0x191: {  	_ =	swait.ge [sflag:s19], $0x4000  }
0x192: {  	[sflag:s19] =	ssyncset.done $0x0  }
0x193: {  	[sflag:s19] =	ssyncadd.s32 $0xFFFFC000  }
0x194: {  	[tilespmem:s16], [sflag:$0x1] =	stream.indirect.gather [hbm4b:s6+s15], $0x80, s25, s15, $0xb8;
	[tilespmem:$0x1D000] =	vst v63  }
0x195: {  	_ = 	snop  }
0x196: {  	[spmem:s3] =	stream.indirect.scatter.add.f32 [tilespmem:s18], [sflag:$0x2], $0x80, s26, s15, $0xb8;
	[tilespmem:$0x1D000] =	vst v63  }
0x197: {  	_ =	swait.ge [sflag:s17], $0x4000  }
0x198: {  	[sflag:s17] =	ssyncset.done $0x0  }
0x199: {  	[sflag:s17] =	ssyncadd.s32 $0xFFFFC000  }
0x19a: {  	_ =	swait.ge [sflag:s19], $0x4000  }
0x19b: {  	[sflag:s19] =	ssyncset.done $0x0  }
0x19c: {  	[sflag:s19] =	ssyncadd.s32 $0xFFFFC000  }
0x19d: {  	[tilespmem:s18], [sflag:$0x1] =	stream.indirect.gather [hbm4b:s6+s15], $0x80, s28, s15, $0xb8;
	[tilespmem:$0x1D000] =	vst v63  }
0x19e: {  	_ = 	snop  }
0x19f: {  	[spmem:s3] =	stream.indirect.scatter.add.f32 [tilespmem:s16], [sflag:$0x2], $0x80, s29, s15, $0xb8;
	[tilespmem:$0x1D000] =	vst v63  }
0x1a0: {  	_ =	swait.ge [sflag:s17], $0x4000  }
0x1a1: {  	[sflag:s17] =	ssyncset.done $0x0  }
0x1a2: {  	[sflag:s17] =	ssyncadd.s32 $0xFFFFC000  }
0x1a3: {  	_ =	swait.ge [sflag:s19], $0x4000  }
0x1a4: {  	[sflag:s19] =	ssyncset.done $0x0  }
0x1a5: {  	[sflag:s19] =	ssyncadd.s32 $0xFFFFC000  }
0x1a6: {  	[tilespmem:s16], [sflag:$0x1] =	stream.indirect.gather [hbm4b:s6+s15], $0x80, s30, s15, $0xb8;
	[tilespmem:$0x1D000] =	vst v63  }
0x1a7: {  	_ = 	snop  }
0x1a8: {  	[spmem:s3] =	stream.indirect.scatter.add.f32 [tilespmem:s18], [sflag:$0x2], $0x80, s31, s15, $0xb8;
	[tilespmem:$0x1D000] =	vst v63  }
0x1a9: {  	_ =	swait.ge [sflag:s17], $0x4000  }
0x1aa: {  	[sflag:s17] =	ssyncset.done $0x0  }
0x1ab: {  	[sflag:s17] =	ssyncadd.s32 $0xFFFFC000  }
0x1ac: {  	_ =	swait.ge [sflag:s19], $0x4000  }
0x1ad: {  	[sflag:s19] =	ssyncset.done $0x0  }
0x1ae: {  	s2 =	simm.s32 $0x480;
	[sflag:s19] =	ssyncadd.s32 $0xFFFFC000  }
0x1af: {  	[tilespmem:s18], [sflag:$0x1] =	stream.indirect.gather [hbm4b:s6+s15], $0x80, s2, s15, $0xb8;
	[tilespmem:$0x1D000] =	vst v63  }
0x1b0: {  	_ = 	snop  }
0x1b1: {  	[spmem:s3] =	stream.indirect.scatter.add.f32 [tilespmem:s16], [sflag:$0x2], $0x80, s9, s15, $0xb8;
	[tilespmem:$0x1D000] =	vst v63  }
0x1b2: {  	_ =	swait.ge [sflag:s17], $0x4000  }
0x1b3: {  	[sflag:s17] =	ssyncset.done $0x0  }
0x1b4: {  	[sflag:s17] =	ssyncadd.s32 $0xFFFFC000  }
0x1b5: {  	_ =	swait.ge [sflag:s19], $0x4000  }
0x1b6: {  	[sflag:s19] =	ssyncset.done $0x0  }
0x1b7: {  	s2 =	simm.s32 $0x500;
	[sflag:s19] =	ssyncadd.s32 $0xFFFFC000  }
0x1b8: {  	[tilespmem:s16], [sflag:$0x1] =	stream.indirect.gather [hbm4b:s6+s15], $0x80, s2, s15, $0xb8;
	[tilespmem:$0x1D000] =	vst v63  }
0x1b9: {  	s2 =	simm.s32 $0xC80  }
0x1ba: {  	[spmem:s3] =	stream.indirect.scatter.add.f32 [tilespmem:s18], [sflag:$0x2], $0x80, s2, s15, $0xb8;
	[tilespmem:$0x1D000] =	vst v63  }
0x1bb: {  	_ =	swait.ge [sflag:s17], $0x4000  }
0x1bc: {  	[sflag:s17] =	ssyncset.done $0x0  }
0x1bd: {  	[sflag:s17] =	ssyncadd.s32 $0xFFFFC000  }
0x1be: {  	_ =	swait.ge [sflag:s19], $0x4000  }
0x1bf: {  	[sflag:s19] =	ssyncset.done $0x0  }
0x1c0: {  	s2 =	simm.s32 $0x580;
	[sflag:s19] =	ssyncadd.s32 $0xFFFFC000  }
0x1c1: {  	[tilespmem:s18], [sflag:$0x1] =	stream.indirect.gather [hbm4b:s6+s15], $0x80, s2, s15, $0xb8;
	[tilespmem:$0x1D000] =	vst v63  }
0x1c2: {  	s2 =	simm.s32 $0xD00  }
0x1c3: {  	[spmem:s3] =	stream.indirect.scatter.add.f32 [tilespmem:s16], [sflag:$0x2], $0x80, s2, s15, $0xb8;
	[tilespmem:$0x1D000] =	vst v63  }
0x1c4: {  	_ =	swait.ge [sflag:s17], $0x4000  }
0x1c5: {  	[sflag:s17] =	ssyncset.done $0x0  }
0x1c6: {  	[sflag:s17] =	ssyncadd.s32 $0xFFFFC000  }
0x1c7: {  	_ =	swait.ge [sflag:s19], $0x4000  }
0x1c8: {  	[sflag:s19] =	ssyncset.done $0x0  }
0x1c9: {  	s2 =	simm.s32 $0x600;
	[sflag:s19] =	ssyncadd.s32 $0xFFFFC000  }
0x1ca: {  	[tilespmem:s16], [sflag:$0x1] =	stream.indirect.gather [hbm4b:s6+s15], $0x80, s2, s15, $0xb8;
	[tilespmem:$0x1D000] =	vst v63  }
0x1cb: {  	s2 =	simm.s32 $0xD80  }
0x1cc: {  	[spmem:s3] =	stream.indirect.scatter.add.f32 [tilespmem:s18], [sflag:$0x2], $0x80, s2, s15, $0xb8;
	[tilespmem:$0x1D000] =	vst v63  }
0x1cd: {  	_ =	swait.ge [sflag:s17], $0x4000  }
0x1ce: {  	[sflag:s17] =	ssyncset.done $0x0  }
0x1cf: {  	[sflag:s17] =	ssyncadd.s32 $0xFFFFC000  }
0x1d0: {  	_ =	swait.ge [sflag:s19], $0x4000  }
0x1d1: {  	[sflag:s19] =	ssyncset.done $0x0  }
0x1d2: {  	s2 =	simm.s32 $0x680;
	[sflag:s19] =	ssyncadd.s32 $0xFFFFC000  }
0x1d3: {  	[tilespmem:s18], [sflag:$0x1] =	stream.indirect.gather [hbm4b:s6+s15], $0x80, s2, s15, $0xb8;
	[tilespmem:$0x1D000] =	vst v63  }
0x1d4: {  	s2 =	simm.s32 $0xE00  }
0x1d5: {  	[spmem:s3] =	stream.indirect.scatter.add.f32 [tilespmem:s16], [sflag:$0x2], $0x80, s2, s15, $0xb8;
	[tilespmem:$0x1D000] =	vst v63  }
0x1d6: {  	_ =	swait.ge [sflag:s17], $0x4000  }
0x1d7: {  	[sflag:s17] =	ssyncset.done $0x0  }
0x1d8: {  	[sflag:s17] =	ssyncadd.s32 $0xFFFFC000  }
0x1d9: {  	_ =	swait.ge [sflag:s19], $0x4000  }
0x1da: {  	[sflag:s19] =	ssyncset.done $0x0  }
0x1db: {  	s2 =	simm.s32 $0x700;
	[sflag:s19] =	ssyncadd.s32 $0xFFFFC000  }
0x1dc: {  	[tilespmem:s16], [sflag:$0x1] =	stream.indirect.gather [hbm4b:s6+s15], $0x80, s2, s15, $0xb8;
	[tilespmem:$0x1D000] =	vst v63  }
0x1dd: {  	s2 =	simm.s32 $0xE80  }
0x1de: {  	[spmem:s3] =	stream.indirect.scatter.add.f32 [tilespmem:s18], [sflag:$0x2], $0x80, s2, s15, $0xb8;
	[tilespmem:$0x1D000] =	vst v63  }
0x1df: {  	_ =	swait.ge [sflag:s17], $0x4000  }
0x1e0: {  	[sflag:s17] =	ssyncset.done $0x0  }
0x1e1: {  	[sflag:s17] =	ssyncadd.s32 $0xFFFFC000  }
0x1e2: {  	_ =	swait.ge [sflag:s19], $0x4000  }
0x1e3: {  	[sflag:s19] =	ssyncset.done $0x0  }
0x1e4: {  	s2 =	simm.s32 $0x780;
	[sflag:s19] =	ssyncadd.s32 $0xFFFFC000  }
0x1e5: {  	[tilespmem:s18], [sflag:$0x1] =	stream.indirect.gather [hbm4b:s6+s15], $0x80, s2, s15, $0xb8;
	[tilespmem:$0x1D000] =	vst v63  }
0x1e6: {  	s2 =	simm.s32 $0xF00  }
0x1e7: {  	[spmem:s3] =	stream.indirect.scatter.add.f32 [tilespmem:s16], [sflag:$0x2], $0x80, s2, s15, $0xb8;
	[tilespmem:$0x1D000] =	vst v63  }
0x1e8: {  	_ =	swait.ge [sflag:s17], $0x4000  }
0x1e9: {  	[sflag:s17] =	ssyncset.done $0x0  }
0x1ea: {  	[sflag:s17] =	ssyncadd.s32 $0xFFFFC000  }
0x1eb: {  	_ =	swait.ge [sflag:s19], $0x4000  }
.Ltmp3:
0x1ec: {  	[sflag:s19] =	ssyncset.done $0x0;
	(pc) =	sbr.rel @p1 .LBB2_6-.Ltmp3, $4  }
0x1ed: {  	s2 =	simm.s32 $0xF80;
	[sflag:s19] =	ssyncadd.s32 $0xFFFFC000  }
0x1ee: {  	[spmem:s3] =	stream.indirect.scatter.add.f32 [tilespmem:s18], [sflag:$0x2], $0x80, s2, s15, $0xb8;
	[tilespmem:$0x1D000] =	vst v63  }
0x1ef: {  	_ =	swait.ge [sflag:s19], $0x4000  }
0x1f0: {  	s2 =	smov.u32 s4;
	[sflag:s19] =	ssyncset.done $0x0  }
.Ltmp4:
0x1f1: {  	_ = 	snop;
	(pc) =	sbr.rel .LBB2_7-.Ltmp4, $1  }
0x1f2: {  	_ =	sdelay $0x3  }
.LBB2_2:
0x1f3: {  	[tilespmem:s5], [sflag:$0x3] =	stream.linear.gather [hbm4b:s0+s5], $0x800, $0x38;
	[tilespmem:$0x1D000] =	vst v63  }
0x1f4: {  	_ =	swait.ge [sflag:s13], $0x800  }
0x1f5: {  	[sflag:s13] =	ssyncset.done $0x0  }
0x1f6: {  	s9 =	sadd.s32 $0x0, s10;
	[sflag:s13] =	ssyncadd.s32 $0xFFFFF800  }
0x1f7: {  	[tilespmem:s14], [sflag:$0x3] =	stream.linear.gather [hbm4b:s9+s5], $0x800, $0x38;
	[tilespmem:$0x1D000] =	vst v63  }
0x1f8: {  	_ =	swait.ge [sflag:s13], $0x800  }
0x1f9: {  	[sflag:s13] =	ssyncset.done $0x0  }
0x1fa: {  	[sflag:s13] =	ssyncadd.s32 $0xFFFFF800  }
0x1fb: {  	[tilespmem:s16], [sflag:$0x1] =	stream.indirect.gather [hbm4b:s1+s15], $0x80, s5, s15, $0xb8;
	[tilespmem:$0x1D000] =	vst v63  }
0x1fc: {  	_ =	swait.ge [sflag:s17], $0x4000  }
0x1fd: {  	[sflag:s17] =	ssyncset.done $0x0  }
0x1fe: {  	[sflag:s17] =	ssyncadd.s32 $0xFFFFC000  }
0x1ff: {  	[tilespmem:s18], [sflag:$0x1] =	stream.indirect.gather [hbm4b:s1+s15], $0x80, s15, s15, $0xb8;
	[tilespmem:$0x1D000] =	vst v63  }
0x200: {  	_ = 	snop  }
0x201: {  	[spmem:s3] =	stream.indirect.scatter.add.f32 [tilespmem:s16], [sflag:$0x2], $0x80, s14, s15, $0xb8;
	[tilespmem:$0x1D000] =	vst v63  }
0x202: {  	_ =	swait.ge [sflag:s17], $0x4000  }
0x203: {  	[sflag:s17] =	ssyncset.done $0x0  }
0x204: {  	[sflag:s17] =	ssyncadd.s32 $0xFFFFC000  }
0x205: {  	_ =	swait.ge [sflag:s19], $0x4000  }
0x206: {  	[sflag:s19] =	ssyncset.done $0x0  }
0x207: {  	[sflag:s19] =	ssyncadd.s32 $0xFFFFC000  }
0x208: {  	[tilespmem:s16], [sflag:$0x1] =	stream.indirect.gather [hbm4b:s1+s15], $0x80, s8, s15, $0xb8;
	[tilespmem:$0x1D000] =	vst v63  }
0x209: {  	_ = 	snop  }
0x20a: {  	[spmem:s3] =	stream.indirect.scatter.add.f32 [tilespmem:s18], [sflag:$0x2], $0x80, s4, s15, $0xb8;
	[tilespmem:$0x1D000] =	vst v63  }
0x20b: {  	_ =	swait.ge [sflag:s17], $0x4000  }
0x20c: {  	[sflag:s17] =	ssyncset.done $0x0  }
0x20d: {  	[sflag:s17] =	ssyncadd.s32 $0xFFFFC000  }
0x20e: {  	_ =	swait.ge [sflag:s19], $0x4000  }
0x20f: {  	[sflag:s19] =	ssyncset.done $0x0  }
0x210: {  	[sflag:s19] =	ssyncadd.s32 $0xFFFFC000  }
0x211: {  	[tilespmem:s18], [sflag:$0x1] =	stream.indirect.gather [hbm4b:s1+s15], $0x80, s7, s15, $0xb8;
	[tilespmem:$0x1D000] =	vst v63  }
0x212: {  	_ = 	snop  }
0x213: {  	[spmem:s3] =	stream.indirect.scatter.add.f32 [tilespmem:s16], [sflag:$0x2], $0x80, s12, s15, $0xb8;
	[tilespmem:$0x1D000] =	vst v63  }
0x214: {  	_ =	swait.ge [sflag:s17], $0x4000  }
0x215: {  	[sflag:s17] =	ssyncset.done $0x0  }
0x216: {  	[sflag:s17] =	ssyncadd.s32 $0xFFFFC000  }
0x217: {  	_ =	swait.ge [sflag:s19], $0x4000  }
0x218: {  	[sflag:s19] =	ssyncset.done $0x0  }
0x219: {  	[sflag:s19] =	ssyncadd.s32 $0xFFFFC000  }
0x21a: {  	[tilespmem:s16], [sflag:$0x1] =	stream.indirect.gather [hbm4b:s1+s15], $0x80, s20, s15, $0xb8;
	[tilespmem:$0x1D000] =	vst v63  }
0x21b: {  	_ = 	snop  }
0x21c: {  	[spmem:s3] =	stream.indirect.scatter.add.f32 [tilespmem:s18], [sflag:$0x2], $0x80, s21, s15, $0xb8;
	[tilespmem:$0x1D000] =	vst v63  }
0x21d: {  	_ =	swait.ge [sflag:s17], $0x4000  }
0x21e: {  	[sflag:s17] =	ssyncset.done $0x0  }
0x21f: {  	[sflag:s17] =	ssyncadd.s32 $0xFFFFC000  }
0x220: {  	_ =	swait.ge [sflag:s19], $0x4000  }
0x221: {  	[sflag:s19] =	ssyncset.done $0x0  }
0x222: {  	[sflag:s19] =	ssyncadd.s32 $0xFFFFC000  }
0x223: {  	[tilespmem:s18], [sflag:$0x1] =	stream.indirect.gather [hbm4b:s1+s15], $0x80, s22, s15, $0xb8;
	[tilespmem:$0x1D000] =	vst v63  }
0x224: {  	_ = 	snop  }
0x225: {  	[spmem:s3] =	stream.indirect.scatter.add.f32 [tilespmem:s16], [sflag:$0x2], $0x80, s23, s15, $0xb8;
	[tilespmem:$0x1D000] =	vst v63  }
0x226: {  	_ =	swait.ge [sflag:s17], $0x4000  }
0x227: {  	[sflag:s17] =	ssyncset.done $0x0  }
0x228: {  	[sflag:s17] =	ssyncadd.s32 $0xFFFFC000  }
0x229: {  	_ =	swait.ge [sflag:s19], $0x4000  }
0x22a: {  	[sflag:s19] =	ssyncset.done $0x0  }
0x22b: {  	[sflag:s19] =	ssyncadd.s32 $0xFFFFC000  }
0x22c: {  	[tilespmem:s16], [sflag:$0x1] =	stream.indirect.gather [hbm4b:s1+s15], $0x80, s24, s15, $0xb8;
	[tilespmem:$0x1D000] =	vst v63  }
0x22d: {  	_ = 	snop  }
0x22e: {  	[spmem:s3] =	stream.indirect.scatter.add.f32 [tilespmem:s18], [sflag:$0x2], $0x80, s25, s15, $0xb8;
	[tilespmem:$0x1D000] =	vst v63  }
0x22f: {  	_ =	swait.ge [sflag:s17], $0x4000  }
0x230: {  	[sflag:s17] =	ssyncset.done $0x0  }
0x231: {  	[sflag:s17] =	ssyncadd.s32 $0xFFFFC000  }
0x232: {  	_ =	swait.ge [sflag:s19], $0x4000  }
0x233: {  	[sflag:s19] =	ssyncset.done $0x0  }
0x234: {  	[sflag:s19] =	ssyncadd.s32 $0xFFFFC000  }
0x235: {  	[tilespmem:s18], [sflag:$0x1] =	stream.indirect.gather [hbm4b:s1+s15], $0x80, s26, s15, $0xb8;
	[tilespmem:$0x1D000] =	vst v63  }
0x236: {  	_ = 	snop  }
0x237: {  	[spmem:s3] =	stream.indirect.scatter.add.f32 [tilespmem:s16], [sflag:$0x2], $0x80, s28, s15, $0xb8;
	[tilespmem:$0x1D000] =	vst v63  }
0x238: {  	_ =	swait.ge [sflag:s17], $0x4000  }
0x239: {  	[sflag:s17] =	ssyncset.done $0x0  }
0x23a: {  	[sflag:s17] =	ssyncadd.s32 $0xFFFFC000  }
0x23b: {  	_ =	swait.ge [sflag:s19], $0x4000  }
0x23c: {  	[sflag:s19] =	ssyncset.done $0x0  }
0x23d: {  	[sflag:s19] =	ssyncadd.s32 $0xFFFFC000  }
0x23e: {  	[tilespmem:s16], [sflag:$0x1] =	stream.indirect.gather [hbm4b:s1+s15], $0x80, s29, s15, $0xb8;
	[tilespmem:$0x1D000] =	vst v63  }
0x23f: {  	_ = 	snop  }
0x240: {  	[spmem:s3] =	stream.indirect.scatter.add.f32 [tilespmem:s18], [sflag:$0x2], $0x80, s30, s15, $0xb8;
	[tilespmem:$0x1D000] =	vst v63  }
0x241: {  	_ =	swait.ge [sflag:s17], $0x4000  }
0x242: {  	[sflag:s17] =	ssyncset.done $0x0  }
0x243: {  	[sflag:s17] =	ssyncadd.s32 $0xFFFFC000  }
0x244: {  	_ =	swait.ge [sflag:s19], $0x4000  }
0x245: {  	[sflag:s19] =	ssyncset.done $0x0  }
0x246: {  	s25 =	simm.s32 $0x480;
	[sflag:s19] =	ssyncadd.s32 $0xFFFFC000  }
0x247: {  	[tilespmem:s18], [sflag:$0x1] =	stream.indirect.gather [hbm4b:s1+s15], $0x80, s25, s15, $0xb8;
	[tilespmem:$0x1D000] =	vst v63  }
0x248: {  	s26 =	simm.s32 $0xC00  }
0x249: {  	[spmem:s3] =	stream.indirect.scatter.add.f32 [tilespmem:s16], [sflag:$0x2], $0x80, s26, s15, $0xb8;
	[tilespmem:$0x1D000] =	vst v63  }
0x24a: {  	_ =	swait.ge [sflag:s17], $0x4000  }
0x24b: {  	[sflag:s17] =	ssyncset.done $0x0  }
0x24c: {  	[sflag:s17] =	ssyncadd.s32 $0xFFFFC000  }
0x24d: {  	_ =	swait.ge [sflag:s19], $0x4000  }
0x24e: {  	[sflag:s19] =	ssyncset.done $0x0  }
0x24f: {  	s2 =	simm.s32 $0x500;
	[sflag:s19] =	ssyncadd.s32 $0xFFFFC000  }
0x250: {  	[tilespmem:s16], [sflag:$0x1] =	stream.indirect.gather [hbm4b:s1+s15], $0x80, s2, s15, $0xb8;
	[tilespmem:$0x1D000] =	vst v63  }
0x251: {  	s4 =	simm.s32 $0xC80  }
0x252: {  	[spmem:s3] =	stream.indirect.scatter.add.f32 [tilespmem:s18], [sflag:$0x2], $0x80, s4, s15, $0xb8;
	[tilespmem:$0x1D000] =	vst v63  }
0x253: {  	_ =	swait.ge [sflag:s17], $0x4000  }
0x254: {  	[sflag:s17] =	ssyncset.done $0x0  }
0x255: {  	[sflag:s17] =	ssyncadd.s32 $0xFFFFC000  }
0x256: {  	_ =	swait.ge [sflag:s19], $0x4000  }
0x257: {  	[sflag:s19] =	ssyncset.done $0x0  }
0x258: {  	s7 =	simm.s32 $0x580;
	[sflag:s19] =	ssyncadd.s32 $0xFFFFC000  }
0x259: {  	[tilespmem:s18], [sflag:$0x1] =	stream.indirect.gather [hbm4b:s1+s15], $0x80, s7, s15, $0xb8;
	[tilespmem:$0x1D000] =	vst v63  }
0x25a: {  	s8 =	simm.s32 $0xD00  }
0x25b: {  	[spmem:s3] =	stream.indirect.scatter.add.f32 [tilespmem:s16], [sflag:$0x2], $0x80, s8, s15, $0xb8;
	[tilespmem:$0x1D000] =	vst v63  }
0x25c: {  	_ =	swait.ge [sflag:s17], $0x4000  }
0x25d: {  	[sflag:s17] =	ssyncset.done $0x0  }
0x25e: {  	[sflag:s17] =	ssyncadd.s32 $0xFFFFC000  }
0x25f: {  	_ =	swait.ge [sflag:s19], $0x4000  }
0x260: {  	[sflag:s19] =	ssyncset.done $0x0  }
0x261: {  	s9 =	simm.s32 $0x600;
	[sflag:s19] =	ssyncadd.s32 $0xFFFFC000  }
0x262: {  	[tilespmem:s16], [sflag:$0x1] =	stream.indirect.gather [hbm4b:s1+s15], $0x80, s9, s15, $0xb8;
	[tilespmem:$0x1D000] =	vst v63  }
0x263: {  	s12 =	simm.s32 $0xD80  }
0x264: {  	[spmem:s3] =	stream.indirect.scatter.add.f32 [tilespmem:s18], [sflag:$0x2], $0x80, s12, s15, $0xb8;
	[tilespmem:$0x1D000] =	vst v63  }
0x265: {  	_ =	swait.ge [sflag:s17], $0x4000  }
0x266: {  	[sflag:s17] =	ssyncset.done $0x0  }
0x267: {  	[sflag:s17] =	ssyncadd.s32 $0xFFFFC000  }
0x268: {  	_ =	swait.ge [sflag:s19], $0x4000  }
0x269: {  	[sflag:s19] =	ssyncset.done $0x0  }
0x26a: {  	s20 =	simm.s32 $0x680;
	[sflag:s19] =	ssyncadd.s32 $0xFFFFC000  }
0x26b: {  	[tilespmem:s18], [sflag:$0x1] =	stream.indirect.gather [hbm4b:s1+s15], $0x80, s20, s15, $0xb8;
	[tilespmem:$0x1D000] =	vst v63  }
0x26c: {  	s21 =	simm.s32 $0xE00  }
0x26d: {  	[spmem:s3] =	stream.indirect.scatter.add.f32 [tilespmem:s16], [sflag:$0x2], $0x80, s21, s15, $0xb8;
	[tilespmem:$0x1D000] =	vst v63  }
0x26e: {  	_ =	swait.ge [sflag:s17], $0x4000  }
0x26f: {  	[sflag:s17] =	ssyncset.done $0x0  }
0x270: {  	[sflag:s17] =	ssyncadd.s32 $0xFFFFC000  }
0x271: {  	_ =	swait.ge [sflag:s19], $0x4000  }
0x272: {  	[sflag:s19] =	ssyncset.done $0x0  }
0x273: {  	s22 =	simm.s32 $0x700;
	[sflag:s19] =	ssyncadd.s32 $0xFFFFC000  }
0x274: {  	[tilespmem:s16], [sflag:$0x1] =	stream.indirect.gather [hbm4b:s1+s15], $0x80, s22, s15, $0xb8;
	[tilespmem:$0x1D000] =	vst v63  }
0x275: {  	s23 =	simm.s32 $0xE80  }
0x276: {  	[spmem:s3] =	stream.indirect.scatter.add.f32 [tilespmem:s18], [sflag:$0x2], $0x80, s23, s15, $0xb8;
	[tilespmem:$0x1D000] =	vst v63  }
0x277: {  	_ =	swait.ge [sflag:s17], $0x4000  }
0x278: {  	[sflag:s17] =	ssyncset.done $0x0  }
0x279: {  	[sflag:s17] =	ssyncadd.s32 $0xFFFFC000  }
0x27a: {  	_ =	swait.ge [sflag:s19], $0x4000  }
0x27b: {  	[sflag:s19] =	ssyncset.done $0x0  }
0x27c: {  	s24 =	simm.s32 $0x780;
	[sflag:s19] =	ssyncadd.s32 $0xFFFFC000  }
0x27d: {  	[tilespmem:s18], [sflag:$0x1] =	stream.indirect.gather [hbm4b:s1+s15], $0x80, s24, s15, $0xb8;
	[tilespmem:$0x1D000] =	vst v63  }
0x27e: {  	s25 =	simm.s32 $0xF00  }
0x27f: {  	[spmem:s3] =	stream.indirect.scatter.add.f32 [tilespmem:s16], [sflag:$0x2], $0x80, s25, s15, $0xb8;
	[tilespmem:$0x1D000] =	vst v63  }
0x280: {  	s0 =	simm.s32 $0x100;
	s31 =	simm.s32 $0xB80;
	_ =	swait.ge [sflag:s17], $0x4000  }
0x281: {  	s28 =	simm.s32 $0x380;
	s29 =	simm.s32 $0xB00;
	[sflag:s17] =	ssyncset.done $0x0  }
0x282: {  	s30 =	simm.s32 $0x400;
	s26 =	simm.s32 $0xF80;
	[sflag:s17] =	ssyncadd.s32 $0xFFFFC000  }
0x283: {  	s4 =	simm.s32 $0x200;
	s7 =	simm.s32 $0x880;
	_ =	swait.ge [sflag:s19], $0x4000  }
0x284: {  	s12 =	simm.s32 $0x180;
	s20 =	simm.s32 $0x900;
	[sflag:s19] =	ssyncset.done $0x0  }
0x285: {  	s21 =	simm.s32 $0x200;
	s22 =	simm.s32 $0x980;
	[sflag:s19] =	ssyncadd.s32 $0xFFFFC000  }
0x286: {  	[spmem:s3] =	stream.indirect.scatter.add.f32 [tilespmem:s18], [sflag:$0x2], $0x80, s26, s15, $0xb8;
	[tilespmem:$0x1D000] =	vst v63  }
0x287: {  	s23 =	simm.s32 $0x280;
	s24 =	simm.s32 $0xA00;
	_ =	swait.ge [sflag:s19], $0x4000  }
0x288: {  	s25 =	simm.s32 $0x300;
	s26 =	simm.s32 $0xA80;
	[sflag:s19] =	ssyncset.done $0x0  }
.LBB2_3:
0x289: {  	s8 =	sadd.s32 s0, s11  }
0x28a: {  	[sflag:s19] =	ssyncadd.s32 $0xFFFFC000;
	s9 =	smov.u32 s4;
	s2 =	sadd.s32 $0x100, s4  }
0x28b: {  	[tilespmem:s5], [sflag:$0x3] =	stream.linear.gather [hbm4b:s8+s5], $0x800, $0x38;
	[tilespmem:$0x1D000] =	vst v63  }
0x28c: {  	s8 =	simm.s32 $0x100  }
0x28d: {  	p1 =	seq.s32 s4, $0x900;
	_ =	swait.ge [sflag:s13], $0x800  }
0x28e: {  	s4 =	sadd.s32 s0, s10;
	[sflag:s13] =	ssyncset.done $0x0  }
0x28f: {  	s0 =	smov.u32 s9;
	s9 =	simm.s32 $0xC00;
	[sflag:s13] =	ssyncadd.s32 $0xFFFFF800  }
0x290: {  	[tilespmem:s14], [sflag:$0x3] =	stream.linear.gather [hbm4b:s4+s5], $0x800, $0x38;
	[tilespmem:$0x1D000] =	vst v63  }
0x291: {  	_ =	swait.ge [sflag:s13], $0x800  }
0x292: {  	[sflag:s13] =	ssyncset.done $0x0  }
0x293: {  	[sflag:s13] =	ssyncadd.s32 $0xFFFFF800  }
0x294: {  	[tilespmem:s16], [sflag:$0x1] =	stream.indirect.gather [hbm4b:s1+s15], $0x80, s5, s15, $0xb8;
	[tilespmem:$0x1D000] =	vst v63  }
0x295: {  	_ =	swait.ge [sflag:s17], $0x4000  }
0x296: {  	[sflag:s17] =	ssyncset.done $0x0  }
0x297: {  	[sflag:s17] =	ssyncadd.s32 $0xFFFFC000  }
0x298: {  	[tilespmem:s18], [sflag:$0x1] =	stream.indirect.gather [hbm4b:s1+s15], $0x80, s15, s15, $0xb8;
	[tilespmem:$0x1D000] =	vst v63  }
0x299: {  	_ = 	snop  }
0x29a: {  	[spmem:s3] =	stream.indirect.scatter.add.f32 [tilespmem:s16], [sflag:$0x2], $0x80, s14, s15, $0xb8;
	[tilespmem:$0x1D000] =	vst v63  }
0x29b: {  	_ =	swait.ge [sflag:s17], $0x4000  }
0x29c: {  	[sflag:s17] =	ssyncset.done $0x0  }
0x29d: {  	[sflag:s17] =	ssyncadd.s32 $0xFFFFC000  }
0x29e: {  	_ =	swait.ge [sflag:s19], $0x4000  }
0x29f: {  	[sflag:s19] =	ssyncset.done $0x0  }
0x2a0: {  	[sflag:s19] =	ssyncadd.s32 $0xFFFFC000  }
0x2a1: {  	[tilespmem:s16], [sflag:$0x1] =	stream.indirect.gather [hbm4b:s1+s15], $0x80, s8, s15, $0xb8;
	[tilespmem:$0x1D000] =	vst v63  }
0x2a2: {  	_ = 	snop  }
0x2a3: {  	[spmem:s3] =	stream.indirect.scatter.add.f32 [tilespmem:s18], [sflag:$0x2], $0x80, s7, s15, $0xb8;
	[tilespmem:$0x1D000] =	vst v63  }
0x2a4: {  	_ =	swait.ge [sflag:s17], $0x4000  }
0x2a5: {  	[sflag:s17] =	ssyncset.done $0x0  }
0x2a6: {  	[sflag:s17] =	ssyncadd.s32 $0xFFFFC000  }
0x2a7: {  	_ =	swait.ge [sflag:s19], $0x4000  }
0x2a8: {  	[sflag:s19] =	ssyncset.done $0x0  }
0x2a9: {  	[sflag:s19] =	ssyncadd.s32 $0xFFFFC000  }
0x2aa: {  	[tilespmem:s18], [sflag:$0x1] =	stream.indirect.gather [hbm4b:s1+s15], $0x80, s12, s15, $0xb8;
	[tilespmem:$0x1D000] =	vst v63  }
0x2ab: {  	_ = 	snop  }
0x2ac: {  	[spmem:s3] =	stream.indirect.scatter.add.f32 [tilespmem:s16], [sflag:$0x2], $0x80, s20, s15, $0xb8;
	[tilespmem:$0x1D000] =	vst v63  }
0x2ad: {  	_ =	swait.ge [sflag:s17], $0x4000  }
0x2ae: {  	[sflag:s17] =	ssyncset.done $0x0  }
0x2af: {  	[sflag:s17] =	ssyncadd.s32 $0xFFFFC000  }
0x2b0: {  	_ =	swait.ge [sflag:s19], $0x4000  }
0x2b1: {  	[sflag:s19] =	ssyncset.done $0x0  }
0x2b2: {  	[sflag:s19] =	ssyncadd.s32 $0xFFFFC000  }
0x2b3: {  	[tilespmem:s16], [sflag:$0x1] =	stream.indirect.gather [hbm4b:s1+s15], $0x80, s21, s15, $0xb8;
	[tilespmem:$0x1D000] =	vst v63  }
0x2b4: {  	_ = 	snop  }
0x2b5: {  	[spmem:s3] =	stream.indirect.scatter.add.f32 [tilespmem:s18], [sflag:$0x2], $0x80, s22, s15, $0xb8;
	[tilespmem:$0x1D000] =	vst v63  }
0x2b6: {  	_ =	swait.ge [sflag:s17], $0x4000  }
0x2b7: {  	[sflag:s17] =	ssyncset.done $0x0  }
0x2b8: {  	[sflag:s17] =	ssyncadd.s32 $0xFFFFC000  }
0x2b9: {  	_ =	swait.ge [sflag:s19], $0x4000  }
0x2ba: {  	[sflag:s19] =	ssyncset.done $0x0  }
0x2bb: {  	[sflag:s19] =	ssyncadd.s32 $0xFFFFC000  }
0x2bc: {  	[tilespmem:s18], [sflag:$0x1] =	stream.indirect.gather [hbm4b:s1+s15], $0x80, s23, s15, $0xb8;
	[tilespmem:$0x1D000] =	vst v63  }
0x2bd: {  	_ = 	snop  }
0x2be: {  	[spmem:s3] =	stream.indirect.scatter.add.f32 [tilespmem:s16], [sflag:$0x2], $0x80, s24, s15, $0xb8;
	[tilespmem:$0x1D000] =	vst v63  }
0x2bf: {  	_ =	swait.ge [sflag:s17], $0x4000  }
0x2c0: {  	[sflag:s17] =	ssyncset.done $0x0  }
0x2c1: {  	[sflag:s17] =	ssyncadd.s32 $0xFFFFC000  }
0x2c2: {  	_ =	swait.ge [sflag:s19], $0x4000  }
0x2c3: {  	[sflag:s19] =	ssyncset.done $0x0  }
0x2c4: {  	[sflag:s19] =	ssyncadd.s32 $0xFFFFC000  }
0x2c5: {  	[tilespmem:s16], [sflag:$0x1] =	stream.indirect.gather [hbm4b:s1+s15], $0x80, s25, s15, $0xb8;
	[tilespmem:$0x1D000] =	vst v63  }
0x2c6: {  	_ = 	snop  }
0x2c7: {  	[spmem:s3] =	stream.indirect.scatter.add.f32 [tilespmem:s18], [sflag:$0x2], $0x80, s26, s15, $0xb8;
	[tilespmem:$0x1D000] =	vst v63  }
0x2c8: {  	_ =	swait.ge [sflag:s17], $0x4000  }
0x2c9: {  	[sflag:s17] =	ssyncset.done $0x0  }
0x2ca: {  	[sflag:s17] =	ssyncadd.s32 $0xFFFFC000  }
0x2cb: {  	_ =	swait.ge [sflag:s19], $0x4000  }
0x2cc: {  	[sflag:s19] =	ssyncset.done $0x0  }
0x2cd: {  	[sflag:s19] =	ssyncadd.s32 $0xFFFFC000  }
0x2ce: {  	[tilespmem:s18], [sflag:$0x1] =	stream.indirect.gather [hbm4b:s1+s15], $0x80, s28, s15, $0xb8;
	[tilespmem:$0x1D000] =	vst v63  }
0x2cf: {  	_ = 	snop  }
0x2d0: {  	[spmem:s3] =	stream.indirect.scatter.add.f32 [tilespmem:s16], [sflag:$0x2], $0x80, s29, s15, $0xb8;
	[tilespmem:$0x1D000] =	vst v63  }
0x2d1: {  	_ =	swait.ge [sflag:s17], $0x4000  }
0x2d2: {  	[sflag:s17] =	ssyncset.done $0x0  }
0x2d3: {  	[sflag:s17] =	ssyncadd.s32 $0xFFFFC000  }
0x2d4: {  	_ =	swait.ge [sflag:s19], $0x4000  }
0x2d5: {  	[sflag:s19] =	ssyncset.done $0x0  }
0x2d6: {  	[sflag:s19] =	ssyncadd.s32 $0xFFFFC000  }
0x2d7: {  	[tilespmem:s16], [sflag:$0x1] =	stream.indirect.gather [hbm4b:s1+s15], $0x80, s30, s15, $0xb8;
	[tilespmem:$0x1D000] =	vst v63  }
0x2d8: {  	_ = 	snop  }
0x2d9: {  	[spmem:s3] =	stream.indirect.scatter.add.f32 [tilespmem:s18], [sflag:$0x2], $0x80, s31, s15, $0xb8;
	[tilespmem:$0x1D000] =	vst v63  }
0x2da: {  	_ =	swait.ge [sflag:s17], $0x4000  }
0x2db: {  	[sflag:s17] =	ssyncset.done $0x0  }
0x2dc: {  	[sflag:s17] =	ssyncadd.s32 $0xFFFFC000  }
0x2dd: {  	_ =	swait.ge [sflag:s19], $0x4000  }
0x2de: {  	[sflag:s19] =	ssyncset.done $0x0  }
0x2df: {  	s4 =	simm.s32 $0x480;
	[sflag:s19] =	ssyncadd.s32 $0xFFFFC000  }
0x2e0: {  	[tilespmem:s18], [sflag:$0x1] =	stream.indirect.gather [hbm4b:s1+s15], $0x80, s4, s15, $0xb8;
	[tilespmem:$0x1D000] =	vst v63  }
0x2e1: {  	_ = 	snop  }
0x2e2: {  	[spmem:s3] =	stream.indirect.scatter.add.f32 [tilespmem:s16], [sflag:$0x2], $0x80, s9, s15, $0xb8;
	[tilespmem:$0x1D000] =	vst v63  }
0x2e3: {  	_ =	swait.ge [sflag:s17], $0x4000  }
0x2e4: {  	[sflag:s17] =	ssyncset.done $0x0  }
0x2e5: {  	[sflag:s17] =	ssyncadd.s32 $0xFFFFC000  }
0x2e6: {  	_ =	swait.ge [sflag:s19], $0x4000  }
0x2e7: {  	[sflag:s19] =	ssyncset.done $0x0  }
0x2e8: {  	s4 =	simm.s32 $0x500;
	[sflag:s19] =	ssyncadd.s32 $0xFFFFC000  }
0x2e9: {  	[tilespmem:s16], [sflag:$0x1] =	stream.indirect.gather [hbm4b:s1+s15], $0x80, s4, s15, $0xb8;
	[tilespmem:$0x1D000] =	vst v63  }
0x2ea: {  	s4 =	simm.s32 $0xC80  }
0x2eb: {  	[spmem:s3] =	stream.indirect.scatter.add.f32 [tilespmem:s18], [sflag:$0x2], $0x80, s4, s15, $0xb8;
	[tilespmem:$0x1D000] =	vst v63  }
0x2ec: {  	_ =	swait.ge [sflag:s17], $0x4000  }
0x2ed: {  	[sflag:s17] =	ssyncset.done $0x0  }
0x2ee: {  	[sflag:s17] =	ssyncadd.s32 $0xFFFFC000  }
0x2ef: {  	_ =	swait.ge [sflag:s19], $0x4000  }
0x2f0: {  	[sflag:s19] =	ssyncset.done $0x0  }
0x2f1: {  	s4 =	simm.s32 $0x580;
	[sflag:s19] =	ssyncadd.s32 $0xFFFFC000  }
0x2f2: {  	[tilespmem:s18], [sflag:$0x1] =	stream.indirect.gather [hbm4b:s1+s15], $0x80, s4, s15, $0xb8;
	[tilespmem:$0x1D000] =	vst v63  }
0x2f3: {  	s4 =	simm.s32 $0xD00  }
0x2f4: {  	[spmem:s3] =	stream.indirect.scatter.add.f32 [tilespmem:s16], [sflag:$0x2], $0x80, s4, s15, $0xb8;
	[tilespmem:$0x1D000] =	vst v63  }
0x2f5: {  	_ =	swait.ge [sflag:s17], $0x4000  }
0x2f6: {  	[sflag:s17] =	ssyncset.done $0x0  }
0x2f7: {  	[sflag:s17] =	ssyncadd.s32 $0xFFFFC000  }
0x2f8: {  	_ =	swait.ge [sflag:s19], $0x4000  }
0x2f9: {  	[sflag:s19] =	ssyncset.done $0x0  }
0x2fa: {  	s4 =	simm.s32 $0x600;
	[sflag:s19] =	ssyncadd.s32 $0xFFFFC000  }
0x2fb: {  	[tilespmem:s16], [sflag:$0x1] =	stream.indirect.gather [hbm4b:s1+s15], $0x80, s4, s15, $0xb8;
	[tilespmem:$0x1D000] =	vst v63  }
0x2fc: {  	s4 =	simm.s32 $0xD80  }
0x2fd: {  	[spmem:s3] =	stream.indirect.scatter.add.f32 [tilespmem:s18], [sflag:$0x2], $0x80, s4, s15, $0xb8;
	[tilespmem:$0x1D000] =	vst v63  }
0x2fe: {  	_ =	swait.ge [sflag:s17], $0x4000  }
0x2ff: {  	[sflag:s17] =	ssyncset.done $0x0  }
0x300: {  	[sflag:s17] =	ssyncadd.s32 $0xFFFFC000  }
0x301: {  	_ =	swait.ge [sflag:s19], $0x4000  }
0x302: {  	[sflag:s19] =	ssyncset.done $0x0  }
0x303: {  	s4 =	simm.s32 $0x680;
	[sflag:s19] =	ssyncadd.s32 $0xFFFFC000  }
0x304: {  	[tilespmem:s18], [sflag:$0x1] =	stream.indirect.gather [hbm4b:s1+s15], $0x80, s4, s15, $0xb8;
	[tilespmem:$0x1D000] =	vst v63  }
0x305: {  	s4 =	simm.s32 $0xE00  }
0x306: {  	[spmem:s3] =	stream.indirect.scatter.add.f32 [tilespmem:s16], [sflag:$0x2], $0x80, s4, s15, $0xb8;
	[tilespmem:$0x1D000] =	vst v63  }
0x307: {  	_ =	swait.ge [sflag:s17], $0x4000  }
0x308: {  	[sflag:s17] =	ssyncset.done $0x0  }
0x309: {  	[sflag:s17] =	ssyncadd.s32 $0xFFFFC000  }
0x30a: {  	_ =	swait.ge [sflag:s19], $0x4000  }
0x30b: {  	[sflag:s19] =	ssyncset.done $0x0  }
0x30c: {  	s4 =	simm.s32 $0x700;
	[sflag:s19] =	ssyncadd.s32 $0xFFFFC000  }
0x30d: {  	[tilespmem:s16], [sflag:$0x1] =	stream.indirect.gather [hbm4b:s1+s15], $0x80, s4, s15, $0xb8;
	[tilespmem:$0x1D000] =	vst v63  }
0x30e: {  	s4 =	simm.s32 $0xE80  }
0x30f: {  	[spmem:s3] =	stream.indirect.scatter.add.f32 [tilespmem:s18], [sflag:$0x2], $0x80, s4, s15, $0xb8;
	[tilespmem:$0x1D000] =	vst v63  }
0x310: {  	_ =	swait.ge [sflag:s17], $0x4000  }
0x311: {  	[sflag:s17] =	ssyncset.done $0x0  }
0x312: {  	[sflag:s17] =	ssyncadd.s32 $0xFFFFC000  }
0x313: {  	_ =	swait.ge [sflag:s19], $0x4000  }
0x314: {  	[sflag:s19] =	ssyncset.done $0x0  }
0x315: {  	s4 =	simm.s32 $0x780;
	[sflag:s19] =	ssyncadd.s32 $0xFFFFC000  }
0x316: {  	[tilespmem:s18], [sflag:$0x1] =	stream.indirect.gather [hbm4b:s1+s15], $0x80, s4, s15, $0xb8;
	[tilespmem:$0x1D000] =	vst v63  }
0x317: {  	s4 =	simm.s32 $0xF00  }
0x318: {  	[spmem:s3] =	stream.indirect.scatter.add.f32 [tilespmem:s16], [sflag:$0x2], $0x80, s4, s15, $0xb8;
	[tilespmem:$0x1D000] =	vst v63  }
0x319: {  	_ =	swait.ge [sflag:s17], $0x4000  }
0x31a: {  	[sflag:s17] =	ssyncset.done $0x0  }
0x31b: {  	[sflag:s17] =	ssyncadd.s32 $0xFFFFC000  }
0x31c: {  	_ =	swait.ge [sflag:s19], $0x4000  }
.Ltmp5:
0x31d: {  	[sflag:s19] =	ssyncset.done $0x0;
	(pc) =	sbr.rel @!p1 .LBB2_3-.Ltmp5, $4  }
0x31e: {  	s4 =	simm.s32 $0xF80;
	[sflag:s19] =	ssyncadd.s32 $0xFFFFC000  }
0x31f: {  	[spmem:s3] =	stream.indirect.scatter.add.f32 [tilespmem:s18], [sflag:$0x2], $0x80, s4, s15, $0xb8;
	[tilespmem:$0x1D000] =	vst v63  }
0x320: {  	_ =	swait.ge [sflag:s19], $0x4000  }
0x321: {  	s4 =	smov.u32 s2;
	[sflag:s19] =	ssyncset.done $0x0  }
0x322: {  	s2 =	sadd.s32 s0, s11;
	[sflag:s19] =	ssyncadd.s32 $0xFFFFC000  }
0x323: {  	[tilespmem:s5], [sflag:$0x3] =	stream.linear.gather [hbm4b:s2+s5], $0x800, $0x38;
	[tilespmem:$0x1D000] =	vst v63  }
0x324: {  	_ =	swait.ge [sflag:s13], $0x800  }
0x325: {  	[sflag:s13] =	ssyncset.done $0x0  }
0x326: {  	s4 =	sadd.s32 s0, s10;
	[sflag:s13] =	ssyncadd.s32 $0xFFFFF800  }
0x327: {  	[tilespmem:s14], [sflag:$0x3] =	stream.linear.gather [hbm4b:s4+s5], $0x800, $0x38;
	[tilespmem:$0x1D000] =	vst v63  }
0x328: {  	_ =	swait.ge [sflag:s13], $0x800  }
0x329: {  	[sflag:s13] =	ssyncset.done $0x0  }
0x32a: {  	[sflag:s13] =	ssyncadd.s32 $0xFFFFF800  }
0x32b: {  	[tilespmem:s16], [sflag:$0x1] =	stream.indirect.gather [hbm4b:s1+s15], $0x80, s5, s15, $0xb8;
	[tilespmem:$0x1D000] =	vst v63  }
0x32c: {  	_ =	swait.ge [sflag:s17], $0x4000  }
0x32d: {  	[sflag:s17] =	ssyncset.done $0x0  }
0x32e: {  	[sflag:s17] =	ssyncadd.s32 $0xFFFFC000  }
0x32f: {  	[tilespmem:s18], [sflag:$0x1] =	stream.indirect.gather [hbm4b:s1+s15], $0x80, s15, s15, $0xb8;
	[tilespmem:$0x1D000] =	vst v63  }
0x330: {  	_ = 	snop  }
0x331: {  	[spmem:s3] =	stream.indirect.scatter.add.f32 [tilespmem:s16], [sflag:$0x2], $0x80, s14, s15, $0xb8;
	[tilespmem:$0x1D000] =	vst v63  }
0x332: {  	_ =	swait.ge [sflag:s17], $0x4000  }
0x333: {  	[sflag:s17] =	ssyncset.done $0x0  }
0x334: {  	[sflag:s17] =	ssyncadd.s32 $0xFFFFC000  }
0x335: {  	_ =	swait.ge [sflag:s19], $0x4000  }
0x336: {  	[sflag:s19] =	ssyncset.done $0x0  }
0x337: {  	[sflag:s19] =	ssyncadd.s32 $0xFFFFC000  }
0x338: {  	[tilespmem:s16], [sflag:$0x1] =	stream.indirect.gather [hbm4b:s1+s15], $0x80, s8, s15, $0xb8;
	[tilespmem:$0x1D000] =	vst v63  }
0x339: {  	_ = 	snop  }
0x33a: {  	[spmem:s3] =	stream.indirect.scatter.add.f32 [tilespmem:s18], [sflag:$0x2], $0x80, s7, s15, $0xb8;
	[tilespmem:$0x1D000] =	vst v63  }
0x33b: {  	_ =	swait.ge [sflag:s17], $0x4000  }
0x33c: {  	[sflag:s17] =	ssyncset.done $0x0  }
0x33d: {  	[sflag:s17] =	ssyncadd.s32 $0xFFFFC000  }
0x33e: {  	_ =	swait.ge [sflag:s19], $0x4000  }
0x33f: {  	[sflag:s19] =	ssyncset.done $0x0  }
0x340: {  	[sflag:s19] =	ssyncadd.s32 $0xFFFFC000  }
0x341: {  	[tilespmem:s18], [sflag:$0x1] =	stream.indirect.gather [hbm4b:s1+s15], $0x80, s12, s15, $0xb8;
	[tilespmem:$0x1D000] =	vst v63  }
0x342: {  	_ = 	snop  }
0x343: {  	[spmem:s3] =	stream.indirect.scatter.add.f32 [tilespmem:s16], [sflag:$0x2], $0x80, s20, s15, $0xb8;
	[tilespmem:$0x1D000] =	vst v63  }
0x344: {  	_ =	swait.ge [sflag:s17], $0x4000  }
0x345: {  	[sflag:s17] =	ssyncset.done $0x0  }
0x346: {  	[sflag:s17] =	ssyncadd.s32 $0xFFFFC000  }
0x347: {  	_ =	swait.ge [sflag:s19], $0x4000  }
0x348: {  	[sflag:s19] =	ssyncset.done $0x0  }
0x349: {  	[sflag:s19] =	ssyncadd.s32 $0xFFFFC000  }
0x34a: {  	[tilespmem:s16], [sflag:$0x1] =	stream.indirect.gather [hbm4b:s1+s15], $0x80, s21, s15, $0xb8;
	[tilespmem:$0x1D000] =	vst v63  }
0x34b: {  	_ = 	snop  }
0x34c: {  	[spmem:s3] =	stream.indirect.scatter.add.f32 [tilespmem:s18], [sflag:$0x2], $0x80, s22, s15, $0xb8;
	[tilespmem:$0x1D000] =	vst v63  }
0x34d: {  	_ =	swait.ge [sflag:s17], $0x4000  }
0x34e: {  	[sflag:s17] =	ssyncset.done $0x0  }
0x34f: {  	[sflag:s17] =	ssyncadd.s32 $0xFFFFC000  }
0x350: {  	_ =	swait.ge [sflag:s19], $0x4000  }
0x351: {  	[sflag:s19] =	ssyncset.done $0x0  }
0x352: {  	[sflag:s19] =	ssyncadd.s32 $0xFFFFC000  }
0x353: {  	[tilespmem:s18], [sflag:$0x1] =	stream.indirect.gather [hbm4b:s1+s15], $0x80, s23, s15, $0xb8;
	[tilespmem:$0x1D000] =	vst v63  }
0x354: {  	_ = 	snop  }
0x355: {  	[spmem:s3] =	stream.indirect.scatter.add.f32 [tilespmem:s16], [sflag:$0x2], $0x80, s24, s15, $0xb8;
	[tilespmem:$0x1D000] =	vst v63  }
0x356: {  	_ =	swait.ge [sflag:s17], $0x4000  }
0x357: {  	[sflag:s17] =	ssyncset.done $0x0  }
0x358: {  	[sflag:s17] =	ssyncadd.s32 $0xFFFFC000  }
0x359: {  	_ =	swait.ge [sflag:s19], $0x4000  }
0x35a: {  	[sflag:s19] =	ssyncset.done $0x0  }
0x35b: {  	[sflag:s19] =	ssyncadd.s32 $0xFFFFC000  }
0x35c: {  	[tilespmem:s16], [sflag:$0x1] =	stream.indirect.gather [hbm4b:s1+s15], $0x80, s25, s15, $0xb8;
	[tilespmem:$0x1D000] =	vst v63  }
0x35d: {  	_ = 	snop  }
0x35e: {  	[spmem:s3] =	stream.indirect.scatter.add.f32 [tilespmem:s18], [sflag:$0x2], $0x80, s26, s15, $0xb8;
	[tilespmem:$0x1D000] =	vst v63  }
0x35f: {  	_ =	swait.ge [sflag:s17], $0x4000  }
0x360: {  	[sflag:s17] =	ssyncset.done $0x0  }
0x361: {  	[sflag:s17] =	ssyncadd.s32 $0xFFFFC000  }
0x362: {  	_ =	swait.ge [sflag:s19], $0x4000  }
0x363: {  	[sflag:s19] =	ssyncset.done $0x0  }
0x364: {  	[sflag:s19] =	ssyncadd.s32 $0xFFFFC000  }
0x365: {  	[tilespmem:s18], [sflag:$0x1] =	stream.indirect.gather [hbm4b:s1+s15], $0x80, s28, s15, $0xb8;
	[tilespmem:$0x1D000] =	vst v63  }
0x366: {  	_ = 	snop  }
0x367: {  	[spmem:s3] =	stream.indirect.scatter.add.f32 [tilespmem:s16], [sflag:$0x2], $0x80, s29, s15, $0xb8;
	[tilespmem:$0x1D000] =	vst v63  }
0x368: {  	_ =	swait.ge [sflag:s17], $0x4000  }
0x369: {  	[sflag:s17] =	ssyncset.done $0x0  }
0x36a: {  	[sflag:s17] =	ssyncadd.s32 $0xFFFFC000  }
0x36b: {  	_ =	swait.ge [sflag:s19], $0x4000  }
0x36c: {  	[sflag:s19] =	ssyncset.done $0x0  }
0x36d: {  	[sflag:s19] =	ssyncadd.s32 $0xFFFFC000  }
0x36e: {  	[tilespmem:s16], [sflag:$0x1] =	stream.indirect.gather [hbm4b:s1+s15], $0x80, s30, s15, $0xb8;
	[tilespmem:$0x1D000] =	vst v63  }
0x36f: {  	_ = 	snop  }
0x370: {  	[spmem:s3] =	stream.indirect.scatter.add.f32 [tilespmem:s18], [sflag:$0x2], $0x80, s31, s15, $0xb8;
	[tilespmem:$0x1D000] =	vst v63  }
0x371: {  	_ =	swait.ge [sflag:s17], $0x4000  }
0x372: {  	[sflag:s17] =	ssyncset.done $0x0  }
0x373: {  	[sflag:s17] =	ssyncadd.s32 $0xFFFFC000  }
0x374: {  	_ =	swait.ge [sflag:s19], $0x4000  }
0x375: {  	[sflag:s19] =	ssyncset.done $0x0  }
0x376: {  	s25 =	simm.s32 $0x480;
	[sflag:s19] =	ssyncadd.s32 $0xFFFFC000  }
0x377: {  	[tilespmem:s18], [sflag:$0x1] =	stream.indirect.gather [hbm4b:s1+s15], $0x80, s25, s15, $0xb8;
	[tilespmem:$0x1D000] =	vst v63  }
0x378: {  	_ = 	snop  }
0x379: {  	[spmem:s3] =	stream.indirect.scatter.add.f32 [tilespmem:s16], [sflag:$0x2], $0x80, s9, s15, $0xb8;
	[tilespmem:$0x1D000] =	vst v63  }
0x37a: {  	_ =	swait.ge [sflag:s17], $0x4000  }
0x37b: {  	[sflag:s17] =	ssyncset.done $0x0  }
0x37c: {  	[sflag:s17] =	ssyncadd.s32 $0xFFFFC000  }
0x37d: {  	_ =	swait.ge [sflag:s19], $0x4000  }
0x37e: {  	[sflag:s19] =	ssyncset.done $0x0  }
0x37f: {  	s26 =	simm.s32 $0x500;
	[sflag:s19] =	ssyncadd.s32 $0xFFFFC000  }
0x380: {  	[tilespmem:s16], [sflag:$0x1] =	stream.indirect.gather [hbm4b:s1+s15], $0x80, s26, s15, $0xb8;
	[tilespmem:$0x1D000] =	vst v63  }
0x381: {  	s2 =	simm.s32 $0xC80  }
0x382: {  	[spmem:s3] =	stream.indirect.scatter.add.f32 [tilespmem:s18], [sflag:$0x2], $0x80, s2, s15, $0xb8;
	[tilespmem:$0x1D000] =	vst v63  }
0x383: {  	_ =	swait.ge [sflag:s17], $0x4000  }
0x384: {  	[sflag:s17] =	ssyncset.done $0x0  }
0x385: {  	[sflag:s17] =	ssyncadd.s32 $0xFFFFC000  }
0x386: {  	_ =	swait.ge [sflag:s19], $0x4000  }
0x387: {  	[sflag:s19] =	ssyncset.done $0x0  }
0x388: {  	s4 =	simm.s32 $0x580;
	[sflag:s19] =	ssyncadd.s32 $0xFFFFC000  }
0x389: {  	[tilespmem:s18], [sflag:$0x1] =	stream.indirect.gather [hbm4b:s1+s15], $0x80, s4, s15, $0xb8;
	[tilespmem:$0x1D000] =	vst v63  }
0x38a: {  	s7 =	simm.s32 $0xD00  }
0x38b: {  	[spmem:s3] =	stream.indirect.scatter.add.f32 [tilespmem:s16], [sflag:$0x2], $0x80, s7, s15, $0xb8;
	[tilespmem:$0x1D000] =	vst v63  }
0x38c: {  	_ =	swait.ge [sflag:s17], $0x4000  }
0x38d: {  	[sflag:s17] =	ssyncset.done $0x0  }
0x38e: {  	[sflag:s17] =	ssyncadd.s32 $0xFFFFC000  }
0x38f: {  	_ =	swait.ge [sflag:s19], $0x4000  }
0x390: {  	[sflag:s19] =	ssyncset.done $0x0  }
0x391: {  	s9 =	simm.s32 $0x600;
	[sflag:s19] =	ssyncadd.s32 $0xFFFFC000  }
0x392: {  	[tilespmem:s16], [sflag:$0x1] =	stream.indirect.gather [hbm4b:s1+s15], $0x80, s9, s15, $0xb8;
	[tilespmem:$0x1D000] =	vst v63  }
0x393: {  	s12 =	simm.s32 $0xD80  }
0x394: {  	[spmem:s3] =	stream.indirect.scatter.add.f32 [tilespmem:s18], [sflag:$0x2], $0x80, s12, s15, $0xb8;
	[tilespmem:$0x1D000] =	vst v63  }
0x395: {  	_ =	swait.ge [sflag:s17], $0x4000  }
0x396: {  	[sflag:s17] =	ssyncset.done $0x0  }
0x397: {  	[sflag:s17] =	ssyncadd.s32 $0xFFFFC000  }
0x398: {  	_ =	swait.ge [sflag:s19], $0x4000  }
0x399: {  	[sflag:s19] =	ssyncset.done $0x0  }
0x39a: {  	s20 =	simm.s32 $0x680;
	[sflag:s19] =	ssyncadd.s32 $0xFFFFC000  }
0x39b: {  	[tilespmem:s18], [sflag:$0x1] =	stream.indirect.gather [hbm4b:s1+s15], $0x80, s20, s15, $0xb8;
	[tilespmem:$0x1D000] =	vst v63  }
0x39c: {  	s21 =	simm.s32 $0xE00  }
0x39d: {  	[spmem:s3] =	stream.indirect.scatter.add.f32 [tilespmem:s16], [sflag:$0x2], $0x80, s21, s15, $0xb8;
	[tilespmem:$0x1D000] =	vst v63  }
0x39e: {  	_ =	swait.ge [sflag:s17], $0x4000  }
0x39f: {  	[sflag:s17] =	ssyncset.done $0x0  }
0x3a0: {  	[sflag:s17] =	ssyncadd.s32 $0xFFFFC000  }
0x3a1: {  	_ =	swait.ge [sflag:s19], $0x4000  }
0x3a2: {  	[sflag:s19] =	ssyncset.done $0x0  }
0x3a3: {  	s22 =	simm.s32 $0x700;
	[sflag:s19] =	ssyncadd.s32 $0xFFFFC000  }
0x3a4: {  	[tilespmem:s16], [sflag:$0x1] =	stream.indirect.gather [hbm4b:s1+s15], $0x80, s22, s15, $0xb8;
	[tilespmem:$0x1D000] =	vst v63  }
0x3a5: {  	s23 =	simm.s32 $0xE80  }
0x3a6: {  	[spmem:s3] =	stream.indirect.scatter.add.f32 [tilespmem:s18], [sflag:$0x2], $0x80, s23, s15, $0xb8;
	[tilespmem:$0x1D000] =	vst v63  }
0x3a7: {  	_ =	swait.ge [sflag:s17], $0x4000  }
0x3a8: {  	[sflag:s17] =	ssyncset.done $0x0  }
0x3a9: {  	[sflag:s17] =	ssyncadd.s32 $0xFFFFC000  }
0x3aa: {  	_ =	swait.ge [sflag:s19], $0x4000  }
0x3ab: {  	[sflag:s19] =	ssyncset.done $0x0  }
0x3ac: {  	s24 =	simm.s32 $0x780;
	[sflag:s19] =	ssyncadd.s32 $0xFFFFC000  }
0x3ad: {  	[tilespmem:s18], [sflag:$0x1] =	stream.indirect.gather [hbm4b:s1+s15], $0x80, s24, s15, $0xb8;
	[tilespmem:$0x1D000] =	vst v63  }
0x3ae: {  	s25 =	simm.s32 $0xF00  }
0x3af: {  	[spmem:s3] =	stream.indirect.scatter.add.f32 [tilespmem:s16], [sflag:$0x2], $0x80, s25, s15, $0xb8;
	[tilespmem:$0x1D000] =	vst v63  }
0x3b0: {  	_ =	swait.ge [sflag:s17], $0x4000  }
0x3b1: {  	s28 =	simm.s32 $0xB00;
	s29 =	simm.s32 $0x400;
	[sflag:s17] =	ssyncset.done $0x0  }
0x3b2: {  	s30 =	simm.s32 $0xB80;
	s26 =	simm.s32 $0xF80;
	[sflag:s17] =	ssyncadd.s32 $0xFFFFC000  }
0x3b3: {  	s4 =	simm.s32 $0x880;
	s7 =	simm.s32 $0x180;
	_ =	swait.ge [sflag:s19], $0x4000  }
0x3b4: {  	s12 =	simm.s32 $0x900;
	s20 =	simm.s32 $0x200;
	[sflag:s19] =	ssyncset.done $0x0  }
.Ltmp6:
0x3b5: {  	s21 =	simm.s32 $0x980;
	[sflag:s19] =	ssyncadd.s32 $0xFFFFC000;
	(pc) =	sbr.rel .LBB2_8-.Ltmp6, $4  }
0x3b6: {  	[spmem:s3] =	stream.indirect.scatter.add.f32 [tilespmem:s18], [sflag:$0x2], $0x80, s26, s15, $0xb8;
	[tilespmem:$0x1D000] =	vst v63  }
0x3b7: {  	s22 =	simm.s32 $0x280;
	s23 =	simm.s32 $0xA00;
	_ =	swait.ge [sflag:s19], $0x4000  }
0x3b8: {  	s24 =	simm.s32 $0x300;
	s25 =	simm.s32 $0xA80;
	[sflag:s19] =	ssyncset.done $0x0  }
0x3b9: {  	s26 =	simm.s32 $0x380;
	s31 =	rddreg [dreg:$0x9];
	[sflag:s19] =	ssyncadd.s32 $0xFFFFC000  }
.LBB2_9:
0x3ba: {  	_ =	sfence.sel $0x180000  }
0x3bb: {  	[bflag:$0x0] =	sbarrier.arrive $0xFFFF  }
0x3bc: {  	_ =	strace $0x9000004D  }
0x3bd: {  	s0 =	stileid.u32;
	[bflag:$0x2] =	sbarrier.arrive $0xFFFF  }
0x3be: {  	p0 =	sne.s32 s0, $0x0;
	s0 =	rddreg [dreg:$0x4]  }
0x3bf: {  	s0 =	sadd.s32 @!p0 $0x100000, s0  }
0x3c0: {  	[sflag:s0] =	ssyncadd.tile.s32 @!p0 $0x1;
	_ =	shalt  }
.Lfunc_end2:
_tile_overlayer_lowered:
.L_overlay_start_2:
0x3c1: {  	(tag) =	ssettag $0x2  }
0x3c2: {  	s0 =	rddreg [dreg:$0x0];
	s2 =	stileid.u32  }
0x3c3: {  	s1 =	rddreg [dreg:$0x1];
	p0 =	sne.s32 s2, $0x0  }
0x3c4: {  	s3 =	rddreg [dreg:$0x2];
	[bflag:$0x3] =	sbarrier.arrive $0xFFFF;
	s2 =	simm.s32 @!p0 $0x1C03  }
0x3c5: {  	[timem:s3], [sflag:s2] =	dma.local @!p0 [hbm:s0], s1  }
0x3c6: {  	s0 =	simm.s32 @!p0 $0x3  }
0x3c7: {  	_ =	swait.ge @!p0 [sflag:s0], s1  }
0x3c8: {  	s1 =	ssub.s32 @!p0 $0x0, s1;
	[sflag:s0] =	ssyncset.done @!p0 $0x0  }
0x3c9: {  	[sflag:s0] =	ssyncadd.s32 @!p0 s1  }
0x3ca: {  	[bflag:$0x3] =	sbarrier.arrive $0xFFFF  }
0x3cb: {  	_ =	shalt  }

// kernel: kernel.22.cloned.1.call-start
scs
__scs_entry_jumppad:
0x0: {  	(pc) =	sbr.rel $0x88, $3  }
0x1: {  	(tag) =	ssettag $0x0;
	lr =	simm.s32 $0x1  }
0x2: {  	[smem:$0x3F95] =	sst lr;
	_ =	strace $0xD0000000  }
0x3: {  	_ = 	snop  }
0x4: {  	_ = 	snop  }
0x5: {  	_ = 	snop  }
0x6: {  	_ = 	snop  }
0x7: {  	_ = 	snop  }
__scs_overlays_trampoline_lowered:
0x8: {  	[smem:$0x3FA4] =	sst s0  }
0x9: {  	[smem:$0x3FA5] =	sst s1  }
0xa: {  	[smem:$0x3FA6] =	sst s2  }
0xb: {  	[smem:$0x3FA7] =	sst s3  }
0xc: {  	[smem:$0x3FA8] =	sst s4  }
0xd: {  	[smem:$0x3FA9] =	sst s5  }
0xe: {  	[smem:$0x3FAA] =	sst s6  }
0xf: {  	[smem:$0x3FAB] =	sst s7  }
0x10: {  	[smem:$0x3FAC] =	sst s8  }
0x11: {  	[smem:$0x3FAD] =	sst s9;
	s0 =	simm.s32 @!p0 $0x0  }
0x12: {  	s1 =	sld [smem:$0x3F93];
	s0 =	simm.s32 @p0 $0x1  }
0x13: {  	[smem:$0x3FAE] =	sst s0;
	s0 =	simm.s32 @!p1 $0x0  }
0x14: {  	s2 =	sld [smem:$0x3F92];
	s0 =	simm.s32 @p1 $0x1  }
0x15: {  	[smem:$0x3FAF] =	sst s0;
	s0 =	simm.s32 @!p2 $0x0  }
0x16: {  	s3 =	sld [smem:$0x3FDB];
	s0 =	simm.s32 @p2 $0x1  }
0x17: {  	s4 =	simm.s32 $0x1BF5;
	[smem:$0x3FB1] =	sst s0  }
0x18: {  	s0 =	sld [smem:$0x3F94];
	_ =	swait.ge [sflag:s4], $0x0  }
0x19: {  	s7 =	sld [smem:$0x3F95]  }
0x1a: {  	s8 =	sadd.s32 $0xFFFFE003, lr  }
0x1b: {  	s9 =	sadd.s32 $0xFFFFFEF7, lr;
	s5 =	simm.s32 $0xFFFFFFFF;
	p2 =	slt.u32 s8, $0xFFFFF086  }
0x1c: {  	p1 =	slt.u32 s9, $0xF7A;
	s5 =	simm.s32 @!p2 $0x0  }
0x1d: {  	s5 =	simm.s32 @p1 $0x1;
	p0 =	seq.s32 s7, s2  }
0x1e: {  	s7 =	smul.u32 @!p0 $0xF7A, s2;
	p2 =	seq.s32 @!p0 s5, $0x0  }
0x1f: {  	s9 =	smul.u32 $0xF7A, s1;
	s8 =	simm.s32 @!p0 $0x1BF5;
	p2 =	por !p2, p0  }
0x20: {  	[sflag:s8] =	ssyncset.s32 @!p0 $0xFFFFF086;
	s6 =	sadd.s32 @!p0 s3, s7;
	s7 =	simm.s32 @!p0 $0x108  }
0x21: {  	s3 =	sadd.s32 s3, s9;
	s6 =	sadd.s32 @!p0 $0x88, s6;
	s7 =	simm.s32 @p2 $0x1082  }
0x22: {  	[simem:s7], [sflag:s8] =	dma.local @!p0 [hbm:s6], $0xF7A  }
0x23: {  	s9 =	sor.u32 $0xD0000000, s2;
	s6 =	simm.s32 $0x108;
	_ =	swait.ge @!p0 [sflag:s8], $0x0  }
0x24: {  	s3 =	sadd.s32 $0x88, s3;
	s6 =	simm.s32 @!p1 $0x1082;
	[sflag:s4] =	ssyncset.s32 $0xFFFFF086  }
0x25: {  	[simem:s6], [sflag:s4] =	dma.local [hbm:s3], $0xF7A  }
0x26: {  	[smem:$0x3F95] =	sst s1;
	(tag) =	ssettag s2;
	_ =	strace s9  }
0x27: {  	s1 =	sld [smem:$0x3FA5]  }
0x28: {  	s2 =	sld [smem:$0x3FA6]  }
0x29: {  	s4 =	sld [smem:$0x3FA8]  }
0x2a: {  	p0 =	seq.s32 s5, $0x0;
	s5 =	sld [smem:$0x3FA9]  }
0x2b: {  	s6 =	sld [smem:$0x3FAA]  }
0x2c: {  	s7 =	sld [smem:$0x3FAB]  }
0x2d: {  	s3 =	simm.s32 $0x108;
	s8 =	sld [smem:$0x3FAC]  }
0x2e: {  	s3 =	simm.s32 @!p0 $0x1082;
	s9 =	sld [smem:$0x3FAD]  }
0x2f: {  	lr =	sadd.s32 s0, s3;
	s0 =	sld [smem:$0x3FA4]  }
0x30: {  	s3 =	sld [smem:$0x3FA7]  }
0x31: {  	[smem:$0x3FB0] =	sst s10  }
0x32: {  	s10 =	sld [smem:$0x3FAE];
	_ =	sdelay $0x3  }
0x33: {  	p0 =	seq.s32 s10, $0x1;
	s10 =	sld [smem:$0x3FB0];
	_ =	sdelay $0x3  }
0x34: {  	[smem:$0x3FB0] =	sst s10  }
0x35: {  	s10 =	sld [smem:$0x3FAF];
	_ =	sdelay $0x3  }
0x36: {  	p1 =	seq.s32 s10, $0x1;
	s10 =	sld [smem:$0x3FB0];
	_ =	sdelay $0x3  }
0x37: {  	[smem:$0x3FB0] =	sst s10  }
0x38: {  	s10 =	sld [smem:$0x3FB1]  }
0x39: {  	_ = 	snop;
	(pc) =	sbr.ind lr, $3  }
0x3a: {  	_ = 	snop  }
0x3b: {  	_ = 	snop  }
0x3c: {  	p2 =	seq.s32 s10, $0x1;
	s10 =	sld [smem:$0x3FB0]  }
0x3d: {  	_ =	shalt  }
0x3e: {  	_ =	shalt  }
0x3f: {  	_ =	shalt  }
0x40: {  	_ =	shalt  }
0x41: {  	_ =	shalt  }
0x42: {  	_ =	shalt  }
0x43: {  	_ =	shalt  }
0x44: {  	_ =	shalt  }
0x45: {  	_ =	shalt  }
0x46: {  	_ =	shalt  }
0x47: {  	_ =	shalt  }
0x48: {  	_ =	shalt  }
0x49: {  	_ =	shalt  }
0x4a: {  	_ =	shalt  }
0x4b: {  	_ =	shalt  }
0x4c: {  	_ =	shalt  }
0x4d: {  	_ =	shalt  }
0x4e: {  	_ =	shalt  }
0x4f: {  	_ =	shalt  }
0x50: {  	_ =	shalt  }
0x51: {  	_ =	shalt  }
0x52: {  	_ =	shalt  }
0x53: {  	_ =	shalt  }
0x54: {  	_ =	shalt  }
0x55: {  	_ =	shalt  }
0x56: {  	_ =	shalt  }
0x57: {  	_ =	shalt  }
0x58: {  	_ =	shalt  }
0x59: {  	_ =	shalt  }
0x5a: {  	_ =	shalt  }
0x5b: {  	_ =	shalt  }
0x5c: {  	_ =	shalt  }
0x5d: {  	_ =	shalt  }
0x5e: {  	_ =	shalt  }
0x5f: {  	_ =	shalt  }
0x60: {  	_ =	shalt  }
0x61: {  	_ =	shalt  }
0x62: {  	_ =	shalt  }
0x63: {  	_ =	shalt  }
0x64: {  	_ =	shalt  }
0x65: {  	_ =	shalt  }
0x66: {  	_ =	shalt  }
0x67: {  	_ =	shalt  }
0x68: {  	_ =	shalt  }
0x69: {  	_ =	shalt  }
0x6a: {  	_ =	shalt  }
0x6b: {  	_ =	shalt  }
0x6c: {  	_ =	shalt  }
0x6d: {  	_ =	shalt  }
0x6e: {  	_ =	shalt  }
0x6f: {  	_ =	shalt  }
0x70: {  	_ =	shalt  }
0x71: {  	_ =	shalt  }
0x72: {  	_ =	shalt  }
0x73: {  	_ =	shalt  }
0x74: {  	_ =	shalt  }
0x75: {  	_ =	shalt  }
0x76: {  	_ =	shalt  }
0x77: {  	_ =	shalt  }
0x78: {  	_ =	shalt  }
0x79: {  	_ =	shalt  }
0x7a: {  	_ =	shalt  }
0x7b: {  	_ =	shalt  }
0x7c: {  	_ =	shalt  }
0x7d: {  	_ =	shalt  }
0x7e: {  	_ =	shalt  }
0x7f: {  	_ =	shalt  }
0x80: {  	_ =	shalt  }
0x81: {  	_ =	shalt  }
0x82: {  	_ =	shalt  }
0x83: {  	_ =	shalt  }
0x84: {  	_ =	shalt  }
0x85: {  	_ =	shalt  }
0x86: {  	_ =	shalt  }
0x87: {  	_ =	shalt  }
.Lfunc_end0:
.L_simem_size_0:
called_computation.3_lowered:
.L_overlay_start_0:
0x88: {  	s2 =	sld [smem:$0x3FD9]  }
0x89: {  	s3 =	sld [smem:$0x3FFE];
	_ =	sdelay $0x1  }
0x8a: {  	s1 =	srdreg.scid  }
0x8b: {  	s0 =	sand.u32 $0x1, s1  }
0x8c: {  	s14 =	sshll.u32 s0, $0xA;
	s2 =	sadd.s32 s3, s2  }
0x8d: {  	s2 =	sadd.s32 s2, s14  }
0x8e: {  	[smem:$0x3FBC] =	sst s2  }
0x8f: {  	_ = 	snop  }
0x90: {  	s2 =	sld [smem:$0x3FD0];
	_ =	sdelay $0x2  }
0x91: {  	s15 =	simm.s32 $0xA;
	s4 =	simm.s32 $0x10  }
0x92: {  	[smem:s4], [sflag:s15] =	dma.local [hbm:s2], $0x1  }
0x93: {  	_ =	swait.eq [sflag:s15], $0x1  }
0x94: {  	[sflag:s15] =	ssyncset.done $0x0  }
0x95: {  	s16 =	sld [smem:$0x10];
	[sflag:s15] =	ssyncadd.s32 $0xFFFFFFFF  }
0x96: {  	s17 =	sld [smem:$0x12];
	(tm) =	ssettm $0x1  }
0x97: {  	s18 =	sld [smem:$0x3FFB];
	_ =	sdelay $0x3  }
0x98: {  	_ =	strace s18  }
0x99: {  	s4 =	sld [smem:$0x3FFC];
	_ =	sdelay $0x3  }
0x9a: {  	_ =	strace s4  }
0x9b: {  	s4 =	sld [smem:$0x3FFD];
	_ =	sdelay $0x3  }
0x9c: {  	_ =	strace s4  }
0x9d: {  	_ =	strace $0x8FFFFFFF  }
0x9e: {  	s19 =	sld [smem:$0x3FDB];
	_ =	sdelay $0x1  }
0x9f: {  	s5 =	simm.s32 $_scs_section_size  }
0xa0: {  	s6 =	simm.s32 $_size__tile_overlayer_lowered;
	s7 =	simm.s32 $_tile_overlayer_lowered  }
0xa1: {  	s22 =	simm.s32 $0x1BFF;
	s21 =	sshll.u32 s7, $0x1;
	s4 =	sadd.s32 s5, s19  }
0xa2: {  	s8 =	simm.s32 $0x0;
	s20 =	sshll.u32 s6, $0x1;
	s6 =	sadd.s32 s21, s4  }
0xa3: {  	[timem:s8], [sflag:s22] =	dma.local [hbm:s6], s20  }
0xa4: {  	_ =	swait.ge [sflag:s22], s20  }
0xa5: {  	s5 =	ssub.s32 $0x0, s20;
	[sflag:s22] =	ssyncset.done $0x0  }
0xa6: {  	[sflag:s22] =	ssyncadd.s32 s5;
	_ =	sdelay $0x1  }
0xa7: {  	s23 =	simm.s32 $0x1B8B  }
0xa8: {  	_ =	swait.ge [sflag:s23], $0x1  }
0xa9: {  	[sflag:s23] =	ssyncset.done $0x0  }
0xaa: {  	s25 =	simm.s32 $0x1B8E;
	s24 =	sld [smem:$0x3FFE];
	[sflag:s23] =	ssyncadd.s32 $0xFFFFFFFF  }
0xab: {  	s26 =	simm.s32 $execute0_lowered;
	[smem:$0x3FD2] =	sst s25  }
0xac: {  	s6 =	sshll.u32 s26, $0x1;
	_ =	strace $0x8000004F;
	[dreg:$0x1] =	wrdreg $0xFFFFFFFF  }
0xad: {  	s28 =	simm.s32 $_size_execute0_lowered;
	s4 =	sadd.s32 s4, s6;
	[dreg:$0x0] =	wrdreg $0x0  }
0xae: {  	s6 =	sshll.u32 s28, $0x1;
	[dreg:$0x2] =	wrdreg s4  }
0xaf: {  	[dreg:$0x3] =	wrdreg s6  }
0xb0: {  	[dreg:$0x4] =	wrdreg $0xC0  }
0xb1: {  	_ =	task [dreg:s8], $0x5FFFF  }
0xb2: {  	[dreg:$0x1] =	wrdreg $0xFFFFFFFF  }
0xb3: {  	[dreg:$0x0] =	wrdreg $0x60  }
0xb4: {  	[dreg:$0x2] =	wrdreg s16  }
0xb5: {  	[dreg:$0x3] =	wrdreg s24  }
0xb6: {  	[dreg:$0x4] =	wrdreg s17  }
0xb7: {  	[dreg:$0x5] =	wrdreg $0x90000  }
0xb8: {  	[dreg:$0x6] =	wrdreg $0x9  }
0xb9: {  	_ =	task.clear_ibuf [dreg:s8], $0x7FFFF;
	_ =	strace $0x9000004F  }
0xba: {  	s29 =	simm.s32 $0x9;
	_ =	strace $0x80000051  }
0xbb: {  	_ =	swait.ge [sflag:s29], $0x1  }
0xbc: {  	[sflag:s29] =	ssyncadd.s32 $0xFFFFFFFF  }
0xbd: {  	_ =	strace $0x90000051  }
0xbe: {  	_ =	sfence  }
0xbf: {  	s30 =	sld [smem:$0x0];
	_ =	sdelay $0x2  }
0xc0: {  	s31 =	sshll.u32 s1, $0xD;
	s1 =	sshrl.u32 s1, $0x2  }
0xc1: {  	s3 =	sand.u32 $0x4000, s31;
	s1 =	sadd.s32 s1, s30  }
0xc2: {  	s0 =	sor.u32 s3, s0;
	s1 =	sshll.u32 s1, $0x11  }
0xc3: {  	s0 =	sor.u32 s1, s0  }
0xc4: {  	s0 =	sadd.s32 $0x8F2B, s0  }
0xc5: {  	[sflag:s0] =	ssyncadd.remote.s32 $0x1  }
0xc6: {  	_ =	sfence.sel $0xFFFF  }
0xc7: {  	[dreg:$0x0] =	wrdreg $0xFFFFFFFF;
	(pc) =	sbr.abs _section_cstart, $3  }
0xc8: {  	[dreg:$0x1] =	wrdreg $0xFFFFFFFF  }
0xc9: {  	_ =	task.clear_ibuf [dreg:s8], $0x2FFFF;
	_ =	strace $0x9FFFFFFF  }
0xca: {  	(tm) =	ssettm $0x7FFFFFFF  }
0xcb: {  	_ =	shalt  }
tec
execute0_lowered:
.L_overlay_start_1:
0x0: {  	(tag) =	ssettag $0x1  }
0x1: {  	s1 =	rddreg [dreg:$0x0]  }
0x2: {  	s0 =	srdreg.scid;
	s3 =	rddreg [dreg:$0x1]  }
0x3: {  	s9 =	stileid.u32;
	s4 =	rddreg [dreg:$0x3];
	s5 =	simm.s32 $0x0  }
0x4: {  	s14 =	simm.s32 $0x100;
	s15 =	simm.s32 $0x880;
	s17 =	simm.s32 $0x180  }
0x5: {  	s18 =	simm.s32 $0x900;
	s19 =	simm.s32 $0x200;
	[smem:$0x7FF] =	sst s5  }
0x6: {  	s20 =	simm.s32 $0x980;
	_ =	strace $0x80000050;
	[dreg:$0x7] =	wrdreg s14  }
0x7: {  	s21 =	simm.s32 $0x280;
	s22 =	simm.s32 $0xA00;
	[dreg:$0x8] =	wrdreg s15  }
0x8: {  	s23 =	simm.s32 $0x300;
	s24 =	simm.s32 $0xA80;
	[dreg:$0x9] =	wrdreg s17  }
0x9: {  	s25 =	simm.s32 $0x380;
	s26 =	simm.s32 $0xB00;
	[dreg:$0xa] =	wrdreg s18  }
0xa: {  	s28 =	simm.s32 $0x680;
	s29 =	simm.s32 $0xE00;
	[dreg:$0xb] =	wrdreg s19  }
0xb: {  	s30 =	simm.s32 $0x700;
	s2 =	smul.u32 $0x5000, s9;
	[dreg:$0xc] =	wrdreg s20  }
0xc: {  	s31 =	simm.s32 $0xE80;
	s8 =	smul.u32 $0x14000, s9;
	[dreg:$0xd] =	wrdreg s21  }
0xd: {  	s0 =	sand.u32 $0x1, s0;
	s11 =	smul.u32 $0x50000, s9;
	[dreg:$0xe] =	wrdreg s22  }
0xe: {  	s16 =	sshll.u32 s9, $0x6;
	s6 =	smul.u32 $0x2800, s0;
	[dreg:$0xf] =	wrdreg s23  }
0xf: {  	s9 =	simm.s32 $0x0;
	s7 =	smul.u32 $0x140000, s0;
	[dreg:$0x10] =	wrdreg s24  }
0x10: {  	s0 =	ssub.s32 $0x2, s0;
	s14 =	simm.s32 $0x1;
	[dreg:$0x11] =	wrdreg s25  }
0x11: {  	s15 =	simm.s32 $0x5000;
	[dreg:$0x12] =	wrdreg s26;
	s17 =	simm.s32 $0x400  }
0x12: {  	s18 =	simm.s32 $0xB80;
	s19 =	simm.s32 $0x480;
	s20 =	simm.s32 $0xC00  }
0x13: {  	s21 =	simm.s32 $0x500;
	s22 =	simm.s32 $0xC80;
	s23 =	simm.s32 $0x580  }
0x14: {  	s24 =	simm.s32 $0xD00;
	s25 =	simm.s32 $0x600;
	s26 =	simm.s32 $0xD80  }
0x15: {  	s10 =	sshrl.u32 s0, $0x1;
	s13 =	sshrl.u32 s11, $0x2;
	s11 =	simm.s32 $0x800  }
0x16: {  	s2 =	sadd.s32 s6, s2;
	s8 =	sadd.s32 s8, s7;
	s0 =	ssub.s32 s0, s10  }
0x17: {  	s7 =	sor.u32 $0x1C03, s16;
	s10 =	simm.s32 $0x3;
	s16 =	simm.s32 $0x2  }
0x18: {  	s2 =	sshrl.u32 s2, $0x3;
	s6 =	sshrl.u32 s8, $0x3;
	s0 =	smax.u32 s0, $0x1  }
0x19: {  	[dreg:$0x13] =	wrdreg s7;
	s2 =	sadd.s32 s2, s3;
	s3 =	sadd.s32 s6, s3  }
0x1a: {  	s6 =	sadd.s32 s13, s4;
	[dreg:$0x15] =	wrdreg s0;
	s12 =	sadd.s32 $0x4400, s2  }
0x1b: {  	s13 =	simm.s32 $0x1000;
	s2 =	sadd.s32 $0xE400, s2;
	[dreg:$0x5] =	wrdreg s12  }
0x1c: {  	s0 =	simm.s32 $0xF00;
	s3 =	sadd.s32 $0x18400, s3;
	[dreg:$0x6] =	wrdreg s2  }
0x1d: {  	s8 =	sshrl.u32 s6, $0x3;
	[dreg:$0x14] =	wrdreg s3;
	s12 =	simm.s32 $0x80  }
0x1e: {  	s2 =	simm.s32 $0x780;
	s3 =	simm.s32 $0xF80;
	[dreg:$0x16] =	wrdreg s8  }
.LBB2_1:
0x1f: {  	[dreg:$0x17] =	wrdreg s9  }
0x20: {  	s6 =	rddreg [dreg:$0x2]  }
0x21: {  	[spmem:s8], [sflag:s7] =	dma.local [hbm:s6], $0x2800  }
0x22: {  	_ =	swait.ge [sflag:s10], $0x2800  }
0x23: {  	[sflag:s10] =	ssyncset.done $0x0  }
0x24: {  	[sflag:s10] =	ssyncadd.s32 $0xFFFFD800  }
0x25: {  	[bflag:$0x0] =	sbarrier.arrive $0xFFFF  }
0x26: {  	s7 =	rddreg [dreg:$0x6]  }
0x27: {  	s6 =	sadd.s32 $0x0, s7  }
0x28: {  	[tilespmem:s5], [sflag:$0x3] =	stream.linear.gather [hbm4b:s6+s5], $0x800, $0x38;
	[tilespmem:$0x1D000] =	vst v63  }
0x29: {  	_ =	swait.ge [sflag:s10], $0x800  }
0x2a: {  	s8 =	rddreg [dreg:$0x5];
	[sflag:s10] =	ssyncset.done $0x0  }
0x2b: {  	[sflag:s10] =	ssyncadd.s32 $0xFFFFF800;
	s6 =	sadd.s32 $0x0, s8  }
0x2c: {  	[tilespmem:s11], [sflag:$0x3] =	stream.linear.gather [hbm4b:s6+s5], $0x800, $0x38;
	[tilespmem:$0x1D000] =	vst v63  }
0x2d: {  	_ =	swait.ge [sflag:s10], $0x800  }
0x2e: {  	[sflag:s10] =	ssyncset.done $0x0  }
0x2f: {  	[sflag:s10] =	ssyncadd.s32 $0xFFFFF800  }
0x30: {  	[tilespmem:s13], [sflag:$0x1] =	stream.indirect.gather [hbm4b:s1+s12], $0x80, s5, s12, $0xb8;
	[tilespmem:$0x1D000] =	vst v63  }
0x31: {  	_ =	swait.ge [sflag:s14], $0x4000  }
0x32: {  	[sflag:s14] =	ssyncset.done $0x0  }
0x33: {  	[sflag:s14] =	ssyncadd.s32 $0xFFFFC000  }
0x34: {  	[tilespmem:s15], [sflag:$0x1] =	stream.indirect.gather [hbm4b:s1+s12], $0x80, s12, s12, $0xb8;
	[tilespmem:$0x1D000] =	vst v63  }
0x35: {  	_ = 	snop  }
0x36: {  	[spmem:s4] =	stream.indirect.scatter.add.f32 [tilespmem:s13], [sflag:$0x2], $0x80, s11, s12, $0xb8;
	[tilespmem:$0x1D000] =	vst v63  }
0x37: {  	_ =	swait.ge [sflag:s14], $0x4000  }
0x38: {  	[sflag:s14] =	ssyncset.done $0x0  }
0x39: {  	[sflag:s14] =	ssyncadd.s32 $0xFFFFC000  }
0x3a: {  	_ =	swait.ge [sflag:s16], $0x4000  }
0x3b: {  	[sflag:s16] =	ssyncset.done $0x0  }
0x3c: {  	s9 =	rddreg [dreg:$0x7];
	[sflag:s16] =	ssyncadd.s32 $0xFFFFC000  }
0x3d: {  	[tilespmem:s13], [sflag:$0x1] =	stream.indirect.gather [hbm4b:s1+s12], $0x80, s9, s12, $0xb8;
	[tilespmem:$0x1D000] =	vst v63  }
0x3e: {  	s7 =	rddreg [dreg:$0x8]  }
0x3f: {  	[spmem:s4] =	stream.indirect.scatter.add.f32 [tilespmem:s15], [sflag:$0x2], $0x80, s7, s12, $0xb8;
	[tilespmem:$0x1D000] =	vst v63  }
0x40: {  	_ =	swait.ge [sflag:s14], $0x4000  }
0x41: {  	[sflag:s14] =	ssyncset.done $0x0  }
0x42: {  	[sflag:s14] =	ssyncadd.s32 $0xFFFFC000  }
0x43: {  	_ =	swait.ge [sflag:s16], $0x4000  }
0x44: {  	[sflag:s16] =	ssyncset.done $0x0  }
0x45: {  	s9 =	rddreg [dreg:$0x9];
	[sflag:s16] =	ssyncadd.s32 $0xFFFFC000  }
0x46: {  	[tilespmem:s15], [sflag:$0x1] =	stream.indirect.gather [hbm4b:s1+s12], $0x80, s9, s12, $0xb8;
	[tilespmem:$0x1D000] =	vst v63  }
0x47: {  	s7 =	rddreg [dreg:$0xa]  }
0x48: {  	[spmem:s4] =	stream.indirect.scatter.add.f32 [tilespmem:s13], [sflag:$0x2], $0x80, s7, s12, $0xb8;
	[tilespmem:$0x1D000] =	vst v63  }
0x49: {  	_ =	swait.ge [sflag:s14], $0x4000  }
0x4a: {  	[sflag:s14] =	ssyncset.done $0x0  }
0x4b: {  	[sflag:s14] =	ssyncadd.s32 $0xFFFFC000  }
0x4c: {  	_ =	swait.ge [sflag:s16], $0x4000  }
0x4d: {  	[sflag:s16] =	ssyncset.done $0x0  }
0x4e: {  	s9 =	rddreg [dreg:$0xb];
	[sflag:s16] =	ssyncadd.s32 $0xFFFFC000  }
0x4f: {  	[tilespmem:s13], [sflag:$0x1] =	stream.indirect.gather [hbm4b:s1+s12], $0x80, s9, s12, $0xb8;
	[tilespmem:$0x1D000] =	vst v63  }
0x50: {  	s7 =	rddreg [dreg:$0xc]  }
0x51: {  	[spmem:s4] =	stream.indirect.scatter.add.f32 [tilespmem:s15], [sflag:$0x2], $0x80, s7, s12, $0xb8;
	[tilespmem:$0x1D000] =	vst v63  }
0x52: {  	_ =	swait.ge [sflag:s14], $0x4000  }
0x53: {  	[sflag:s14] =	ssyncset.done $0x0  }
0x54: {  	[sflag:s14] =	ssyncadd.s32 $0xFFFFC000  }
0x55: {  	_ =	swait.ge [sflag:s16], $0x4000  }
0x56: {  	[sflag:s16] =	ssyncset.done $0x0  }
0x57: {  	s9 =	rddreg [dreg:$0xd];
	[sflag:s16] =	ssyncadd.s32 $0xFFFFC000  }
0x58: {  	[tilespmem:s15], [sflag:$0x1] =	stream.indirect.gather [hbm4b:s1+s12], $0x80, s9, s12, $0xb8;
	[tilespmem:$0x1D000] =	vst v63  }
0x59: {  	s7 =	rddreg [dreg:$0xe]  }
0x5a: {  	[spmem:s4] =	stream.indirect.scatter.add.f32 [tilespmem:s13], [sflag:$0x2], $0x80, s7, s12, $0xb8;
	[tilespmem:$0x1D000] =	vst v63  }
0x5b: {  	_ =	swait.ge [sflag:s14], $0x4000  }
0x5c: {  	[sflag:s14] =	ssyncset.done $0x0  }
0x5d: {  	[sflag:s14] =	ssyncadd.s32 $0xFFFFC000  }
0x5e: {  	_ =	swait.ge [sflag:s16], $0x4000  }
0x5f: {  	[sflag:s16] =	ssyncset.done $0x0  }
0x60: {  	s9 =	rddreg [dreg:$0xf];
	[sflag:s16] =	ssyncadd.s32 $0xFFFFC000  }
0x61: {  	[tilespmem:s13], [sflag:$0x1] =	stream.indirect.gather [hbm4b:s1+s12], $0x80, s9, s12, $0xb8;
	[tilespmem:$0x1D000] =	vst v63  }
0x62: {  	s7 =	rddreg [dreg:$0x10]  }
0x63: {  	[spmem:s4] =	stream.indirect.scatter.add.f32 [tilespmem:s15], [sflag:$0x2], $0x80, s7, s12, $0xb8;
	[tilespmem:$0x1D000] =	vst v63  }
0x64: {  	_ =	swait.ge [sflag:s14], $0x4000  }
0x65: {  	[sflag:s14] =	ssyncset.done $0x0  }
0x66: {  	[sflag:s14] =	ssyncadd.s32 $0xFFFFC000  }
0x67: {  	_ =	swait.ge [sflag:s16], $0x4000  }
0x68: {  	[sflag:s16] =	ssyncset.done $0x0  }
0x69: {  	s8 =	rddreg [dreg:$0x11];
	[sflag:s16] =	ssyncadd.s32 $0xFFFFC000  }
0x6a: {  	[tilespmem:s15], [sflag:$0x1] =	stream.indirect.gather [hbm4b:s1+s12], $0x80, s8, s12, $0xb8;
	[tilespmem:$0x1D000] =	vst v63  }
0x6b: {  	s9 =	rddreg [dreg:$0x12]  }
0x6c: {  	[spmem:s4] =	stream.indirect.scatter.add.f32 [tilespmem:s13], [sflag:$0x2], $0x80, s9, s12, $0xb8;
	[tilespmem:$0x1D000] =	vst v63  }
0x6d: {  	_ =	swait.ge [sflag:s14], $0x4000  }
0x6e: {  	[sflag:s14] =	ssyncset.done $0x0  }
0x6f: {  	[sflag:s14] =	ssyncadd.s32 $0xFFFFC000  }
0x70: {  	_ =	swait.ge [sflag:s16], $0x4000  }
0x71: {  	[sflag:s16] =	ssyncset.done $0x0  }
0x72: {  	[sflag:s16] =	ssyncadd.s32 $0xFFFFC000  }
0x73: {  	[tilespmem:s13], [sflag:$0x1] =	stream.indirect.gather [hbm4b:s1+s12], $0x80, s17, s12, $0xb8;
	[tilespmem:$0x1D000] =	vst v63  }
0x74: {  	_ = 	snop  }
0x75: {  	[spmem:s4] =	stream.indirect.scatter.add.f32 [tilespmem:s15], [sflag:$0x2], $0x80, s18, s12, $0xb8;
	[tilespmem:$0x1D000] =	vst v63  }
0x76: {  	_ =	swait.ge [sflag:s14], $0x4000  }
0x77: {  	[sflag:s14] =	ssyncset.done $0x0  }
0x78: {  	[sflag:s14] =	ssyncadd.s32 $0xFFFFC000  }
0x79: {  	_ =	swait.ge [sflag:s16], $0x4000  }
0x7a: {  	[sflag:s16] =	ssyncset.done $0x0  }
0x7b: {  	[sflag:s16] =	ssyncadd.s32 $0xFFFFC000  }
0x7c: {  	[tilespmem:s15], [sflag:$0x1] =	stream.indirect.gather [hbm4b:s1+s12], $0x80, s19, s12, $0xb8;
	[tilespmem:$0x1D000] =	vst v63  }
0x7d: {  	_ = 	snop  }
0x7e: {  	[spmem:s4] =	stream.indirect.scatter.add.f32 [tilespmem:s13], [sflag:$0x2], $0x80, s20, s12, $0xb8;
	[tilespmem:$0x1D000] =	vst v63  }
0x7f: {  	_ =	swait.ge [sflag:s14], $0x4000  }
0x80: {  	[sflag:s14] =	ssyncset.done $0x0  }
0x81: {  	[sflag:s14] =	ssyncadd.s32 $0xFFFFC000  }
0x82: {  	_ =	swait.ge [sflag:s16], $0x4000  }
0x83: {  	[sflag:s16] =	ssyncset.done $0x0  }
0x84: {  	[sflag:s16] =	ssyncadd.s32 $0xFFFFC000  }
0x85: {  	[tilespmem:s13], [sflag:$0x1] =	stream.indirect.gather [hbm4b:s1+s12], $0x80, s21, s12, $0xb8;
	[tilespmem:$0x1D000] =	vst v63  }
0x86: {  	_ = 	snop  }
0x87: {  	[spmem:s4] =	stream.indirect.scatter.add.f32 [tilespmem:s15], [sflag:$0x2], $0x80, s22, s12, $0xb8;
	[tilespmem:$0x1D000] =	vst v63  }
0x88: {  	_ =	swait.ge [sflag:s14], $0x4000  }
0x89: {  	[sflag:s14] =	ssyncset.done $0x0  }
0x8a: {  	[sflag:s14] =	ssyncadd.s32 $0xFFFFC000  }
0x8b: {  	_ =	swait.ge [sflag:s16], $0x4000  }
0x8c: {  	[sflag:s16] =	ssyncset.done $0x0  }
0x8d: {  	[sflag:s16] =	ssyncadd.s32 $0xFFFFC000  }
0x8e: {  	[tilespmem:s15], [sflag:$0x1] =	stream.indirect.gather [hbm4b:s1+s12], $0x80, s23, s12, $0xb8;
	[tilespmem:$0x1D000] =	vst v63  }
0x8f: {  	_ = 	snop  }
0x90: {  	[spmem:s4] =	stream.indirect.scatter.add.f32 [tilespmem:s13], [sflag:$0x2], $0x80, s24, s12, $0xb8;
	[tilespmem:$0x1D000] =	vst v63  }
0x91: {  	_ =	swait.ge [sflag:s14], $0x4000  }
0x92: {  	[sflag:s14] =	ssyncset.done $0x0  }
0x93: {  	[sflag:s14] =	ssyncadd.s32 $0xFFFFC000  }
0x94: {  	_ =	swait.ge [sflag:s16], $0x4000  }
0x95: {  	[sflag:s16] =	ssyncset.done $0x0  }
0x96: {  	[sflag:s16] =	ssyncadd.s32 $0xFFFFC000  }
0x97: {  	[tilespmem:s13], [sflag:$0x1] =	stream.indirect.gather [hbm4b:s1+s12], $0x80, s25, s12, $0xb8;
	[tilespmem:$0x1D000] =	vst v63  }
0x98: {  	_ = 	snop  }
0x99: {  	[spmem:s4] =	stream.indirect.scatter.add.f32 [tilespmem:s15], [sflag:$0x2], $0x80, s26, s12, $0xb8;
	[tilespmem:$0x1D000] =	vst v63  }
0x9a: {  	_ =	swait.ge [sflag:s14], $0x4000  }
0x9b: {  	[sflag:s14] =	ssyncset.done $0x0  }
0x9c: {  	[sflag:s14] =	ssyncadd.s32 $0xFFFFC000  }
0x9d: {  	_ =	swait.ge [sflag:s16], $0x4000  }
0x9e: {  	[sflag:s16] =	ssyncset.done $0x0  }
0x9f: {  	[sflag:s16] =	ssyncadd.s32 $0xFFFFC000  }
0xa0: {  	[tilespmem:s15], [sflag:$0x1] =	stream.indirect.gather [hbm4b:s1+s12], $0x80, s28, s12, $0xb8;
	[tilespmem:$0x1D000] =	vst v63  }
0xa1: {  	_ = 	snop  }
0xa2: {  	[spmem:s4] =	stream.indirect.scatter.add.f32 [tilespmem:s13], [sflag:$0x2], $0x80, s29, s12, $0xb8;
	[tilespmem:$0x1D000] =	vst v63  }
0xa3: {  	_ =	swait.ge [sflag:s14], $0x4000  }
0xa4: {  	[sflag:s14] =	ssyncset.done $0x0  }
0xa5: {  	[sflag:s14] =	ssyncadd.s32 $0xFFFFC000  }
0xa6: {  	_ =	swait.ge [sflag:s16], $0x4000  }
0xa7: {  	[sflag:s16] =	ssyncset.done $0x0  }
0xa8: {  	[sflag:s16] =	ssyncadd.s32 $0xFFFFC000  }
0xa9: {  	[tilespmem:s13], [sflag:$0x1] =	stream.indirect.gather [hbm4b:s1+s12], $0x80, s30, s12, $0xb8;
	[tilespmem:$0x1D000] =	vst v63  }
0xaa: {  	_ = 	snop  }
0xab: {  	[spmem:s4] =	stream.indirect.scatter.add.f32 [tilespmem:s15], [sflag:$0x2], $0x80, s31, s12, $0xb8;
	[tilespmem:$0x1D000] =	vst v63  }
0xac: {  	_ =	swait.ge [sflag:s14], $0x4000  }
0xad: {  	[sflag:s14] =	ssyncset.done $0x0  }
0xae: {  	[sflag:s14] =	ssyncadd.s32 $0xFFFFC000  }
0xaf: {  	_ =	swait.ge [sflag:s16], $0x4000  }
0xb0: {  	[sflag:s16] =	ssyncset.done $0x0  }
0xb1: {  	[sflag:s16] =	ssyncadd.s32 $0xFFFFC000  }
0xb2: {  	[tilespmem:s15], [sflag:$0x1] =	stream.indirect.gather [hbm4b:s1+s12], $0x80, s2, s12, $0xb8;
	[tilespmem:$0x1D000] =	vst v63  }
0xb3: {  	_ = 	snop  }
0xb4: {  	[spmem:s4] =	stream.indirect.scatter.add.f32 [tilespmem:s13], [sflag:$0x2], $0x80, s0, s12, $0xb8;
	[tilespmem:$0x1D000] =	vst v63  }
0xb5: {  	_ =	swait.ge [sflag:s14], $0x4000  }
0xb6: {  	[sflag:s14] =	ssyncset.done $0x0  }
0xb7: {  	[sflag:s14] =	ssyncadd.s32 $0xFFFFC000  }
0xb8: {  	_ =	swait.ge [sflag:s16], $0x4000  }
0xb9: {  	[sflag:s16] =	ssyncset.done $0x0  }
0xba: {  	[sflag:s16] =	ssyncadd.s32 $0xFFFFC000  }
0xbb: {  	[spmem:s4] =	stream.indirect.scatter.add.f32 [tilespmem:s15], [sflag:$0x2], $0x80, s3, s12, $0xb8;
	[tilespmem:$0x1D000] =	vst v63  }
0xbc: {  	s6 =	simm.s32 $0x200;
	_ =	swait.ge [sflag:s16], $0x4000  }
0xbd: {  	s8 =	simm.s32 $0x100;
	s9 =	rddreg [dreg:$0x6];
	[sflag:s16] =	ssyncset.done $0x0  }
.LBB2_2:
0xbe: {  	[sflag:s16] =	ssyncadd.s32 $0xFFFFC000;
	s9 =	sadd.s32 s8, s9  }
0xbf: {  	[tilespmem:s5], [sflag:$0x3] =	stream.linear.gather [hbm4b:s9+s5], $0x800, $0x38;
	[tilespmem:$0x1D000] =	vst v63  }
0xc0: {  	_ =	swait.ge [sflag:s10], $0x800  }
0xc1: {  	s9 =	rddreg [dreg:$0x5];
	[sflag:s10] =	ssyncset.done $0x0  }
0xc2: {  	[sflag:s10] =	ssyncadd.s32 $0xFFFFF800;
	s9 =	sadd.s32 s8, s9  }
0xc3: {  	[tilespmem:s11], [sflag:$0x3] =	stream.linear.gather [hbm4b:s9+s5], $0x800, $0x38;
	[tilespmem:$0x1D000] =	vst v63  }
0xc4: {  	_ =	swait.ge [sflag:s10], $0x800  }
0xc5: {  	[sflag:s10] =	ssyncset.done $0x0  }
0xc6: {  	[sflag:s10] =	ssyncadd.s32 $0xFFFFF800  }
0xc7: {  	[tilespmem:s13], [sflag:$0x1] =	stream.indirect.gather [hbm4b:s1+s12], $0x80, s5, s12, $0xb8;
	[tilespmem:$0x1D000] =	vst v63  }
0xc8: {  	_ =	swait.ge [sflag:s14], $0x4000  }
0xc9: {  	[sflag:s14] =	ssyncset.done $0x0  }
0xca: {  	[sflag:s14] =	ssyncadd.s32 $0xFFFFC000  }
0xcb: {  	[tilespmem:s15], [sflag:$0x1] =	stream.indirect.gather [hbm4b:s1+s12], $0x80, s12, s12, $0xb8;
	[tilespmem:$0x1D000] =	vst v63  }
0xcc: {  	_ = 	snop  }
0xcd: {  	[spmem:s4] =	stream.indirect.scatter.add.f32 [tilespmem:s13], [sflag:$0x2], $0x80, s11, s12, $0xb8;
	[tilespmem:$0x1D000] =	vst v63  }
0xce: {  	_ =	swait.ge [sflag:s14], $0x4000  }
0xcf: {  	[sflag:s14] =	ssyncset.done $0x0  }
0xd0: {  	[sflag:s14] =	ssyncadd.s32 $0xFFFFC000  }
0xd1: {  	_ =	swait.ge [sflag:s16], $0x4000  }
0xd2: {  	s7 =	smov.u32 s6;
	[sflag:s16] =	ssyncset.done $0x0  }
0xd3: {  	s8 =	smov.u32 s7;
	s7 =	rddreg [dreg:$0x7];
	[sflag:s16] =	ssyncadd.s32 $0xFFFFC000  }
0xd4: {  	[tilespmem:s13], [sflag:$0x1] =	stream.indirect.gather [hbm4b:s1+s12], $0x80, s7, s12, $0xb8;
	[tilespmem:$0x1D000] =	vst v63  }
0xd5: {  	s9 =	rddreg [dreg:$0x8]  }
0xd6: {  	[spmem:s4] =	stream.indirect.scatter.add.f32 [tilespmem:s15], [sflag:$0x2], $0x80, s9, s12, $0xb8;
	[tilespmem:$0x1D000] =	vst v63  }
0xd7: {  	_ =	swait.ge [sflag:s14], $0x4000  }
0xd8: {  	[sflag:s14] =	ssyncset.done $0x0  }
0xd9: {  	[sflag:s14] =	ssyncadd.s32 $0xFFFFC000  }
0xda: {  	_ =	swait.ge [sflag:s16], $0x4000  }
0xdb: {  	[sflag:s16] =	ssyncset.done $0x0  }
0xdc: {  	s7 =	rddreg [dreg:$0x9];
	[sflag:s16] =	ssyncadd.s32 $0xFFFFC000  }
0xdd: {  	[tilespmem:s15], [sflag:$0x1] =	stream.indirect.gather [hbm4b:s1+s12], $0x80, s7, s12, $0xb8;
	[tilespmem:$0x1D000] =	vst v63  }
0xde: {  	s9 =	rddreg [dreg:$0xa]  }
0xdf: {  	[spmem:s4] =	stream.indirect.scatter.add.f32 [tilespmem:s13], [sflag:$0x2], $0x80, s9, s12, $0xb8;
	[tilespmem:$0x1D000] =	vst v63  }
0xe0: {  	_ =	swait.ge [sflag:s14], $0x4000  }
0xe1: {  	[sflag:s14] =	ssyncset.done $0x0  }
0xe2: {  	[sflag:s14] =	ssyncadd.s32 $0xFFFFC000  }
0xe3: {  	_ =	swait.ge [sflag:s16], $0x4000  }
0xe4: {  	[sflag:s16] =	ssyncset.done $0x0  }
0xe5: {  	s7 =	rddreg [dreg:$0xb];
	[sflag:s16] =	ssyncadd.s32 $0xFFFFC000  }
0xe6: {  	[tilespmem:s13], [sflag:$0x1] =	stream.indirect.gather [hbm4b:s1+s12], $0x80, s7, s12, $0xb8;
	[tilespmem:$0x1D000] =	vst v63  }
0xe7: {  	s9 =	rddreg [dreg:$0xc]  }
0xe8: {  	[spmem:s4] =	stream.indirect.scatter.add.f32 [tilespmem:s15], [sflag:$0x2], $0x80, s9, s12, $0xb8;
	[tilespmem:$0x1D000] =	vst v63  }
0xe9: {  	_ =	swait.ge [sflag:s14], $0x4000  }
0xea: {  	[sflag:s14] =	ssyncset.done $0x0  }
0xeb: {  	[sflag:s14] =	ssyncadd.s32 $0xFFFFC000  }
0xec: {  	_ =	swait.ge [sflag:s16], $0x4000  }
0xed: {  	[sflag:s16] =	ssyncset.done $0x0  }
0xee: {  	s7 =	rddreg [dreg:$0xd];
	[sflag:s16] =	ssyncadd.s32 $0xFFFFC000  }
0xef: {  	[tilespmem:s15], [sflag:$0x1] =	stream.indirect.gather [hbm4b:s1+s12], $0x80, s7, s12, $0xb8;
	[tilespmem:$0x1D000] =	vst v63  }
0xf0: {  	s9 =	rddreg [dreg:$0xe]  }
0xf1: {  	[spmem:s4] =	stream.indirect.scatter.add.f32 [tilespmem:s13], [sflag:$0x2], $0x80, s9, s12, $0xb8;
	[tilespmem:$0x1D000] =	vst v63  }
0xf2: {  	_ =	swait.ge [sflag:s14], $0x4000  }
0xf3: {  	[sflag:s14] =	ssyncset.done $0x0  }
0xf4: {  	[sflag:s14] =	ssyncadd.s32 $0xFFFFC000  }
0xf5: {  	_ =	swait.ge [sflag:s16], $0x4000  }
0xf6: {  	[sflag:s16] =	ssyncset.done $0x0  }
0xf7: {  	s7 =	rddreg [dreg:$0xf];
	[sflag:s16] =	ssyncadd.s32 $0xFFFFC000  }
0xf8: {  	[tilespmem:s13], [sflag:$0x1] =	stream.indirect.gather [hbm4b:s1+s12], $0x80, s7, s12, $0xb8;
	[tilespmem:$0x1D000] =	vst v63  }
0xf9: {  	s9 =	rddreg [dreg:$0x10]  }
0xfa: {  	[spmem:s4] =	stream.indirect.scatter.add.f32 [tilespmem:s15], [sflag:$0x2], $0x80, s9, s12, $0xb8;
	[tilespmem:$0x1D000] =	vst v63  }
0xfb: {  	_ =	swait.ge [sflag:s14], $0x4000  }
0xfc: {  	[sflag:s14] =	ssyncset.done $0x0  }
0xfd: {  	[sflag:s14] =	ssyncadd.s32 $0xFFFFC000  }
0xfe: {  	_ =	swait.ge [sflag:s16], $0x4000  }
0xff: {  	[sflag:s16] =	ssyncset.done $0x0  }
0x100: {  	s7 =	rddreg [dreg:$0x11];
	[sflag:s16] =	ssyncadd.s32 $0xFFFFC000  }
0x101: {  	[tilespmem:s15], [sflag:$0x1] =	stream.indirect.gather [hbm4b:s1+s12], $0x80, s7, s12, $0xb8;
	[tilespmem:$0x1D000] =	vst v63  }
0x102: {  	s9 =	rddreg [dreg:$0x12]  }
0x103: {  	[spmem:s4] =	stream.indirect.scatter.add.f32 [tilespmem:s13], [sflag:$0x2], $0x80, s9, s12, $0xb8;
	[tilespmem:$0x1D000] =	vst v63  }
0x104: {  	_ =	swait.ge [sflag:s14], $0x4000  }
0x105: {  	[sflag:s14] =	ssyncset.done $0x0  }
0x106: {  	[sflag:s14] =	ssyncadd.s32 $0xFFFFC000  }
0x107: {  	_ =	swait.ge [sflag:s16], $0x4000  }
0x108: {  	[sflag:s16] =	ssyncset.done $0x0  }
0x109: {  	[sflag:s16] =	ssyncadd.s32 $0xFFFFC000  }
0x10a: {  	[tilespmem:s13], [sflag:$0x1] =	stream.indirect.gather [hbm4b:s1+s12], $0x80, s17, s12, $0xb8;
	[tilespmem:$0x1D000] =	vst v63  }
0x10b: {  	_ = 	snop  }
0x10c: {  	[spmem:s4] =	stream.indirect.scatter.add.f32 [tilespmem:s15], [sflag:$0x2], $0x80, s18, s12, $0xb8;
	[tilespmem:$0x1D000] =	vst v63  }
0x10d: {  	_ =	swait.ge [sflag:s14], $0x4000  }
0x10e: {  	[sflag:s14] =	ssyncset.done $0x0  }
0x10f: {  	[sflag:s14] =	ssyncadd.s32 $0xFFFFC000  }
0x110: {  	_ =	swait.ge [sflag:s16], $0x4000  }
0x111: {  	[sflag:s16] =	ssyncset.done $0x0  }
0x112: {  	[sflag:s16] =	ssyncadd.s32 $0xFFFFC000  }
0x113: {  	[tilespmem:s15], [sflag:$0x1] =	stream.indirect.gather [hbm4b:s1+s12], $0x80, s19, s12, $0xb8;
	[tilespmem:$0x1D000] =	vst v63  }
0x114: {  	_ = 	snop  }
0x115: {  	[spmem:s4] =	stream.indirect.scatter.add.f32 [tilespmem:s13], [sflag:$0x2], $0x80, s20, s12, $0xb8;
	[tilespmem:$0x1D000] =	vst v63  }
0x116: {  	_ =	swait.ge [sflag:s14], $0x4000  }
0x117: {  	[sflag:s14] =	ssyncset.done $0x0  }
0x118: {  	[sflag:s14] =	ssyncadd.s32 $0xFFFFC000  }
0x119: {  	_ =	swait.ge [sflag:s16], $0x4000  }
0x11a: {  	[sflag:s16] =	ssyncset.done $0x0  }
0x11b: {  	[sflag:s16] =	ssyncadd.s32 $0xFFFFC000  }
0x11c: {  	[tilespmem:s13], [sflag:$0x1] =	stream.indirect.gather [hbm4b:s1+s12], $0x80, s21, s12, $0xb8;
	[tilespmem:$0x1D000] =	vst v63  }
0x11d: {  	_ = 	snop  }
0x11e: {  	[spmem:s4] =	stream.indirect.scatter.add.f32 [tilespmem:s15], [sflag:$0x2], $0x80, s22, s12, $0xb8;
	[tilespmem:$0x1D000] =	vst v63  }
0x11f: {  	_ =	swait.ge [sflag:s14], $0x4000  }
0x120: {  	[sflag:s14] =	ssyncset.done $0x0  }
0x121: {  	[sflag:s14] =	ssyncadd.s32 $0xFFFFC000  }
0x122: {  	_ =	swait.ge [sflag:s16], $0x4000  }
0x123: {  	[sflag:s16] =	ssyncset.done $0x0  }
0x124: {  	[sflag:s16] =	ssyncadd.s32 $0xFFFFC000  }
0x125: {  	[tilespmem:s15], [sflag:$0x1] =	stream.indirect.gather [hbm4b:s1+s12], $0x80, s23, s12, $0xb8;
	[tilespmem:$0x1D000] =	vst v63  }
0x126: {  	_ = 	snop  }
0x127: {  	[spmem:s4] =	stream.indirect.scatter.add.f32 [tilespmem:s13], [sflag:$0x2], $0x80, s24, s12, $0xb8;
	[tilespmem:$0x1D000] =	vst v63  }
0x128: {  	_ =	swait.ge [sflag:s14], $0x4000  }
0x129: {  	[sflag:s14] =	ssyncset.done $0x0  }
0x12a: {  	[sflag:s14] =	ssyncadd.s32 $0xFFFFC000  }
0x12b: {  	_ =	swait.ge [sflag:s16], $0x4000  }
0x12c: {  	[sflag:s16] =	ssyncset.done $0x0  }
0x12d: {  	[sflag:s16] =	ssyncadd.s32 $0xFFFFC000  }
0x12e: {  	[tilespmem:s13], [sflag:$0x1] =	stream.indirect.gather [hbm4b:s1+s12], $0x80, s25, s12, $0xb8;
	[tilespmem:$0x1D000] =	vst v63  }
0x12f: {  	_ = 	snop  }
0x130: {  	[spmem:s4] =	stream.indirect.scatter.add.f32 [tilespmem:s15], [sflag:$0x2], $0x80, s26, s12, $0xb8;
	[tilespmem:$0x1D000] =	vst v63  }
0x131: {  	_ =	swait.ge [sflag:s14], $0x4000  }
0x132: {  	[sflag:s14] =	ssyncset.done $0x0  }
0x133: {  	[sflag:s14] =	ssyncadd.s32 $0xFFFFC000  }
0x134: {  	_ =	swait.ge [sflag:s16], $0x4000  }
0x135: {  	[sflag:s16] =	ssyncset.done $0x0  }
0x136: {  	[sflag:s16] =	ssyncadd.s32 $0xFFFFC000  }
0x137: {  	[tilespmem:s15], [sflag:$0x1] =	stream.indirect.gather [hbm4b:s1+s12], $0x80, s28, s12, $0xb8;
	[tilespmem:$0x1D000] =	vst v63  }
0x138: {  	_ = 	snop  }
0x139: {  	[spmem:s4] =	stream.indirect.scatter.add.f32 [tilespmem:s13], [sflag:$0x2], $0x80, s29, s12, $0xb8;
	[tilespmem:$0x1D000] =	vst v63  }
0x13a: {  	_ =	swait.ge [sflag:s14], $0x4000  }
0x13b: {  	[sflag:s14] =	ssyncset.done $0x0  }
0x13c: {  	[sflag:s14] =	ssyncadd.s32 $0xFFFFC000  }
0x13d: {  	_ =	swait.ge [sflag:s16], $0x4000  }
0x13e: {  	[sflag:s16] =	ssyncset.done $0x0  }
0x13f: {  	[sflag:s16] =	ssyncadd.s32 $0xFFFFC000  }
0x140: {  	[tilespmem:s13], [sflag:$0x1] =	stream.indirect.gather [hbm4b:s1+s12], $0x80, s30, s12, $0xb8;
	[tilespmem:$0x1D000] =	vst v63  }
0x141: {  	_ = 	snop  }
0x142: {  	[spmem:s4] =	stream.indirect.scatter.add.f32 [tilespmem:s15], [sflag:$0x2], $0x80, s31, s12, $0xb8;
	[tilespmem:$0x1D000] =	vst v63  }
0x143: {  	_ =	swait.ge [sflag:s14], $0x4000  }
0x144: {  	[sflag:s14] =	ssyncset.done $0x0  }
0x145: {  	[sflag:s14] =	ssyncadd.s32 $0xFFFFC000  }
0x146: {  	_ =	swait.ge [sflag:s16], $0x4000  }
0x147: {  	[sflag:s16] =	ssyncset.done $0x0  }
0x148: {  	[sflag:s16] =	ssyncadd.s32 $0xFFFFC000  }
0x149: {  	[tilespmem:s15], [sflag:$0x1] =	stream.indirect.gather [hbm4b:s1+s12], $0x80, s2, s12, $0xb8;
	[tilespmem:$0x1D000] =	vst v63  }
0x14a: {  	_ = 	snop  }
0x14b: {  	[spmem:s4] =	stream.indirect.scatter.add.f32 [tilespmem:s13], [sflag:$0x2], $0x80, s0, s12, $0xb8;
	[tilespmem:$0x1D000] =	vst v63  }
0x14c: {  	_ =	swait.ge [sflag:s14], $0x4000  }
0x14d: {  	[sflag:s14] =	ssyncset.done $0x0  }
0x14e: {  	[sflag:s14] =	ssyncadd.s32 $0xFFFFC000  }
0x14f: {  	p0 =	sne.s32 s6, $0x400;
	_ =	swait.ge [sflag:s16], $0x4000  }
.Ltmp0:
0x150: {  	[sflag:s16] =	ssyncset.done $0x0;
	(pc) =	sbr.rel @p0 .LBB2_2-.Ltmp0, $4  }
0x151: {  	[sflag:s16] =	ssyncadd.s32 $0xFFFFC000  }
0x152: {  	[spmem:s4] =	stream.indirect.scatter.add.f32 [tilespmem:s15], [sflag:$0x2], $0x80, s3, s12, $0xb8;
	[tilespmem:$0x1D000] =	vst v63  }
0x153: {  	_ =	swait.ge [sflag:s16], $0x4000  }
0x154: {  	s6 =	sadd.s32 $0x100, s6;
	s9 =	rddreg [dreg:$0x6];
	[sflag:s16] =	ssyncset.done $0x0  }
0x155: {  	[sflag:s16] =	ssyncadd.s32 $0xFFFFC000;
	s6 =	sadd.s32 s8, s9  }
0x156: {  	[tilespmem:s5], [sflag:$0x3] =	stream.linear.gather [hbm4b:s6+s5], $0x800, $0x38;
	[tilespmem:$0x1D000] =	vst v63  }
0x157: {  	_ =	swait.ge [sflag:s10], $0x800  }
0x158: {  	s7 =	rddreg [dreg:$0x5];
	[sflag:s10] =	ssyncset.done $0x0  }
0x159: {  	[sflag:s10] =	ssyncadd.s32 $0xFFFFF800;
	s6 =	sadd.s32 s8, s7  }
0x15a: {  	[tilespmem:s11], [sflag:$0x3] =	stream.linear.gather [hbm4b:s6+s5], $0x800, $0x38;
	[tilespmem:$0x1D000] =	vst v63  }
0x15b: {  	_ =	swait.ge [sflag:s10], $0x800  }
0x15c: {  	[sflag:s10] =	ssyncset.done $0x0  }
0x15d: {  	[sflag:s10] =	ssyncadd.s32 $0xFFFFF800  }
0x15e: {  	[tilespmem:s13], [sflag:$0x1] =	stream.indirect.gather [hbm4b:s1+s12], $0x80, s5, s12, $0xb8;
	[tilespmem:$0x1D000] =	vst v63  }
0x15f: {  	_ =	swait.ge [sflag:s14], $0x4000  }
0x160: {  	[sflag:s14] =	ssyncset.done $0x0  }
0x161: {  	[sflag:s14] =	ssyncadd.s32 $0xFFFFC000  }
0x162: {  	[tilespmem:s15], [sflag:$0x1] =	stream.indirect.gather [hbm4b:s1+s12], $0x80, s12, s12, $0xb8;
	[tilespmem:$0x1D000] =	vst v63  }
0x163: {  	_ = 	snop  }
0x164: {  	[spmem:s4] =	stream.indirect.scatter.add.f32 [tilespmem:s13], [sflag:$0x2], $0x80, s11, s12, $0xb8;
	[tilespmem:$0x1D000] =	vst v63  }
0x165: {  	_ =	swait.ge [sflag:s14], $0x4000  }
0x166: {  	[sflag:s14] =	ssyncset.done $0x0  }
0x167: {  	[sflag:s14] =	ssyncadd.s32 $0xFFFFC000  }
0x168: {  	_ =	swait.ge [sflag:s16], $0x4000  }
0x169: {  	[sflag:s16] =	ssyncset.done $0x0  }
0x16a: {  	s9 =	rddreg [dreg:$0x7];
	[sflag:s16] =	ssyncadd.s32 $0xFFFFC000  }
0x16b: {  	[tilespmem:s13], [sflag:$0x1] =	stream.indirect.gather [hbm4b:s1+s12], $0x80, s9, s12, $0xb8;
	[tilespmem:$0x1D000] =	vst v63  }
0x16c: {  	s7 =	rddreg [dreg:$0x8]  }
0x16d: {  	[spmem:s4] =	stream.indirect.scatter.add.f32 [tilespmem:s15], [sflag:$0x2], $0x80, s7, s12, $0xb8;
	[tilespmem:$0x1D000] =	vst v63  }
0x16e: {  	_ =	swait.ge [sflag:s14], $0x4000  }
0x16f: {  	[sflag:s14] =	ssyncset.done $0x0  }
0x170: {  	[sflag:s14] =	ssyncadd.s32 $0xFFFFC000  }
0x171: {  	_ =	swait.ge [sflag:s16], $0x4000  }
0x172: {  	[sflag:s16] =	ssyncset.done $0x0  }
0x173: {  	s8 =	rddreg [dreg:$0x9];
	[sflag:s16] =	ssyncadd.s32 $0xFFFFC000  }
0x174: {  	[tilespmem:s15], [sflag:$0x1] =	stream.indirect.gather [hbm4b:s1+s12], $0x80, s8, s12, $0xb8;
	[tilespmem:$0x1D000] =	vst v63  }
0x175: {  	s9 =	rddreg [dreg:$0xa]  }
0x176: {  	[spmem:s4] =	stream.indirect.scatter.add.f32 [tilespmem:s13], [sflag:$0x2], $0x80, s9, s12, $0xb8;
	[tilespmem:$0x1D000] =	vst v63  }
0x177: {  	_ =	swait.ge [sflag:s14], $0x4000  }
0x178: {  	[sflag:s14] =	ssyncset.done $0x0  }
0x179: {  	[sflag:s14] =	ssyncadd.s32 $0xFFFFC000  }
0x17a: {  	_ =	swait.ge [sflag:s16], $0x4000  }
0x17b: {  	[sflag:s16] =	ssyncset.done $0x0  }
0x17c: {  	s8 =	rddreg [dreg:$0xb];
	[sflag:s16] =	ssyncadd.s32 $0xFFFFC000  }
0x17d: {  	[tilespmem:s13], [sflag:$0x1] =	stream.indirect.gather [hbm4b:s1+s12], $0x80, s8, s12, $0xb8;
	[tilespmem:$0x1D000] =	vst v63  }
0x17e: {  	s9 =	rddreg [dreg:$0xc]  }
0x17f: {  	[spmem:s4] =	stream.indirect.scatter.add.f32 [tilespmem:s15], [sflag:$0x2], $0x80, s9, s12, $0xb8;
	[tilespmem:$0x1D000] =	vst v63  }
0x180: {  	_ =	swait.ge [sflag:s14], $0x4000  }
0x181: {  	[sflag:s14] =	ssyncset.done $0x0  }
0x182: {  	[sflag:s14] =	ssyncadd.s32 $0xFFFFC000  }
0x183: {  	_ =	swait.ge [sflag:s16], $0x4000  }
0x184: {  	[sflag:s16] =	ssyncset.done $0x0  }
0x185: {  	s8 =	rddreg [dreg:$0xd];
	[sflag:s16] =	ssyncadd.s32 $0xFFFFC000  }
0x186: {  	[tilespmem:s15], [sflag:$0x1] =	stream.indirect.gather [hbm4b:s1+s12], $0x80, s8, s12, $0xb8;
	[tilespmem:$0x1D000] =	vst v63  }
0x187: {  	s9 =	rddreg [dreg:$0xe]  }
0x188: {  	[spmem:s4] =	stream.indirect.scatter.add.f32 [tilespmem:s13], [sflag:$0x2], $0x80, s9, s12, $0xb8;
	[tilespmem:$0x1D000] =	vst v63  }
0x189: {  	_ =	swait.ge [sflag:s14], $0x4000  }
0x18a: {  	[sflag:s14] =	ssyncset.done $0x0  }
0x18b: {  	[sflag:s14] =	ssyncadd.s32 $0xFFFFC000  }
0x18c: {  	_ =	swait.ge [sflag:s16], $0x4000  }
0x18d: {  	[sflag:s16] =	ssyncset.done $0x0  }
0x18e: {  	s8 =	rddreg [dreg:$0xf];
	[sflag:s16] =	ssyncadd.s32 $0xFFFFC000  }
0x18f: {  	[tilespmem:s13], [sflag:$0x1] =	stream.indirect.gather [hbm4b:s1+s12], $0x80, s8, s12, $0xb8;
	[tilespmem:$0x1D000] =	vst v63  }
0x190: {  	s9 =	rddreg [dreg:$0x10]  }
0x191: {  	[spmem:s4] =	stream.indirect.scatter.add.f32 [tilespmem:s15], [sflag:$0x2], $0x80, s9, s12, $0xb8;
	[tilespmem:$0x1D000] =	vst v63  }
0x192: {  	_ =	swait.ge [sflag:s14], $0x4000  }
0x193: {  	[sflag:s14] =	ssyncset.done $0x0  }
0x194: {  	[sflag:s14] =	ssyncadd.s32 $0xFFFFC000  }
0x195: {  	_ =	swait.ge [sflag:s16], $0x4000  }
0x196: {  	[sflag:s16] =	ssyncset.done $0x0  }
0x197: {  	s7 =	rddreg [dreg:$0x11];
	[sflag:s16] =	ssyncadd.s32 $0xFFFFC000  }
0x198: {  	[tilespmem:s15], [sflag:$0x1] =	stream.indirect.gather [hbm4b:s1+s12], $0x80, s7, s12, $0xb8;
	[tilespmem:$0x1D000] =	vst v63  }
0x199: {  	s8 =	rddreg [dreg:$0x12]  }
0x19a: {  	[spmem:s4] =	stream.indirect.scatter.add.f32 [tilespmem:s13], [sflag:$0x2], $0x80, s8, s12, $0xb8;
	[tilespmem:$0x1D000] =	vst v63  }
0x19b: {  	_ =	swait.ge [sflag:s14], $0x4000  }
0x19c: {  	[sflag:s14] =	ssyncset.done $0x0  }
0x19d: {  	[sflag:s14] =	ssyncadd.s32 $0xFFFFC000  }
0x19e: {  	_ =	swait.ge [sflag:s16], $0x4000  }
0x19f: {  	[sflag:s16] =	ssyncset.done $0x0  }
0x1a0: {  	[sflag:s16] =	ssyncadd.s32 $0xFFFFC000  }
0x1a1: {  	[tilespmem:s13], [sflag:$0x1] =	stream.indirect.gather [hbm4b:s1+s12], $0x80, s17, s12, $0xb8;
	[tilespmem:$0x1D000] =	vst v63  }
0x1a2: {  	_ = 	snop  }
0x1a3: {  	[spmem:s4] =	stream.indirect.scatter.add.f32 [tilespmem:s15], [sflag:$0x2], $0x80, s18, s12, $0xb8;
	[tilespmem:$0x1D000] =	vst v63  }
0x1a4: {  	_ =	swait.ge [sflag:s14], $0x4000  }
0x1a5: {  	[sflag:s14] =	ssyncset.done $0x0  }
0x1a6: {  	[sflag:s14] =	ssyncadd.s32 $0xFFFFC000  }
0x1a7: {  	_ =	swait.ge [sflag:s16], $0x4000  }
0x1a8: {  	[sflag:s16] =	ssyncset.done $0x0  }
0x1a9: {  	[sflag:s16] =	ssyncadd.s32 $0xFFFFC000  }
0x1aa: {  	[tilespmem:s15], [sflag:$0x1] =	stream.indirect.gather [hbm4b:s1+s12], $0x80, s19, s12, $0xb8;
	[tilespmem:$0x1D000] =	vst v63  }
0x1ab: {  	_ = 	snop  }
0x1ac: {  	[spmem:s4] =	stream.indirect.scatter.add.f32 [tilespmem:s13], [sflag:$0x2], $0x80, s20, s12, $0xb8;
	[tilespmem:$0x1D000] =	vst v63  }
0x1ad: {  	_ =	swait.ge [sflag:s14], $0x4000  }
0x1ae: {  	[sflag:s14] =	ssyncset.done $0x0  }
0x1af: {  	[sflag:s14] =	ssyncadd.s32 $0xFFFFC000  }
0x1b0: {  	_ =	swait.ge [sflag:s16], $0x4000  }
0x1b1: {  	[sflag:s16] =	ssyncset.done $0x0  }
0x1b2: {  	[sflag:s16] =	ssyncadd.s32 $0xFFFFC000  }
0x1b3: {  	[tilespmem:s13], [sflag:$0x1] =	stream.indirect.gather [hbm4b:s1+s12], $0x80, s21, s12, $0xb8;
	[tilespmem:$0x1D000] =	vst v63  }
0x1b4: {  	_ = 	snop  }
0x1b5: {  	[spmem:s4] =	stream.indirect.scatter.add.f32 [tilespmem:s15], [sflag:$0x2], $0x80, s22, s12, $0xb8;
	[tilespmem:$0x1D000] =	vst v63  }
0x1b6: {  	_ =	swait.ge [sflag:s14], $0x4000  }
0x1b7: {  	[sflag:s14] =	ssyncset.done $0x0  }
0x1b8: {  	[sflag:s14] =	ssyncadd.s32 $0xFFFFC000  }
0x1b9: {  	_ =	swait.ge [sflag:s16], $0x4000  }
0x1ba: {  	[sflag:s16] =	ssyncset.done $0x0  }
0x1bb: {  	[sflag:s16] =	ssyncadd.s32 $0xFFFFC000  }
0x1bc: {  	[tilespmem:s15], [sflag:$0x1] =	stream.indirect.gather [hbm4b:s1+s12], $0x80, s23, s12, $0xb8;
	[tilespmem:$0x1D000] =	vst v63  }
0x1bd: {  	_ = 	snop  }
0x1be: {  	[spmem:s4] =	stream.indirect.scatter.add.f32 [tilespmem:s13], [sflag:$0x2], $0x80, s24, s12, $0xb8;
	[tilespmem:$0x1D000] =	vst v63  }
0x1bf: {  	_ =	swait.ge [sflag:s14], $0x4000  }
0x1c0: {  	[sflag:s14] =	ssyncset.done $0x0  }
0x1c1: {  	[sflag:s14] =	ssyncadd.s32 $0xFFFFC000  }
0x1c2: {  	_ =	swait.ge [sflag:s16], $0x4000  }
0x1c3: {  	[sflag:s16] =	ssyncset.done $0x0  }
0x1c4: {  	[sflag:s16] =	ssyncadd.s32 $0xFFFFC000  }
0x1c5: {  	[tilespmem:s13], [sflag:$0x1] =	stream.indirect.gather [hbm4b:s1+s12], $0x80, s25, s12, $0xb8;
	[tilespmem:$0x1D000] =	vst v63  }
0x1c6: {  	_ = 	snop  }
0x1c7: {  	[spmem:s4] =	stream.indirect.scatter.add.f32 [tilespmem:s15], [sflag:$0x2], $0x80, s26, s12, $0xb8;
	[tilespmem:$0x1D000] =	vst v63  }
0x1c8: {  	_ =	swait.ge [sflag:s14], $0x4000  }
0x1c9: {  	[sflag:s14] =	ssyncset.done $0x0  }
0x1ca: {  	[sflag:s14] =	ssyncadd.s32 $0xFFFFC000  }
0x1cb: {  	_ =	swait.ge [sflag:s16], $0x4000  }
0x1cc: {  	[sflag:s16] =	ssyncset.done $0x0  }
0x1cd: {  	[sflag:s16] =	ssyncadd.s32 $0xFFFFC000  }
0x1ce: {  	[tilespmem:s15], [sflag:$0x1] =	stream.indirect.gather [hbm4b:s1+s12], $0x80, s28, s12, $0xb8;
	[tilespmem:$0x1D000] =	vst v63  }
0x1cf: {  	_ = 	snop  }
0x1d0: {  	[spmem:s4] =	stream.indirect.scatter.add.f32 [tilespmem:s13], [sflag:$0x2], $0x80, s29, s12, $0xb8;
	[tilespmem:$0x1D000] =	vst v63  }
0x1d1: {  	_ =	swait.ge [sflag:s14], $0x4000  }
0x1d2: {  	[sflag:s14] =	ssyncset.done $0x0  }
0x1d3: {  	[sflag:s14] =	ssyncadd.s32 $0xFFFFC000  }
0x1d4: {  	_ =	swait.ge [sflag:s16], $0x4000  }
0x1d5: {  	[sflag:s16] =	ssyncset.done $0x0  }
0x1d6: {  	[sflag:s16] =	ssyncadd.s32 $0xFFFFC000  }
0x1d7: {  	[tilespmem:s13], [sflag:$0x1] =	stream.indirect.gather [hbm4b:s1+s12], $0x80, s30, s12, $0xb8;
	[tilespmem:$0x1D000] =	vst v63  }
0x1d8: {  	_ = 	snop  }
0x1d9: {  	[spmem:s4] =	stream.indirect.scatter.add.f32 [tilespmem:s15], [sflag:$0x2], $0x80, s31, s12, $0xb8;
	[tilespmem:$0x1D000] =	vst v63  }
0x1da: {  	_ =	swait.ge [sflag:s14], $0x4000  }
0x1db: {  	[sflag:s14] =	ssyncset.done $0x0  }
0x1dc: {  	[sflag:s14] =	ssyncadd.s32 $0xFFFFC000  }
0x1dd: {  	_ =	swait.ge [sflag:s16], $0x4000  }
0x1de: {  	[sflag:s16] =	ssyncset.done $0x0  }
0x1df: {  	[sflag:s16] =	ssyncadd.s32 $0xFFFFC000  }
0x1e0: {  	[tilespmem:s15], [sflag:$0x1] =	stream.indirect.gather [hbm4b:s1+s12], $0x80, s2, s12, $0xb8;
	[tilespmem:$0x1D000] =	vst v63  }
0x1e1: {  	_ = 	snop  }
0x1e2: {  	[spmem:s4] =	stream.indirect.scatter.add.f32 [tilespmem:s13], [sflag:$0x2], $0x80, s0, s12, $0xb8;
	[tilespmem:$0x1D000] =	vst v63  }
0x1e3: {  	_ =	swait.ge [sflag:s14], $0x4000  }
0x1e4: {  	[sflag:s14] =	ssyncset.done $0x0  }
0x1e5: {  	[sflag:s14] =	ssyncadd.s32 $0xFFFFC000  }
0x1e6: {  	_ =	swait.ge [sflag:s16], $0x4000  }
0x1e7: {  	[sflag:s16] =	ssyncset.done $0x0  }
0x1e8: {  	[sflag:s16] =	ssyncadd.s32 $0xFFFFC000  }
0x1e9: {  	[spmem:s4] =	stream.indirect.scatter.add.f32 [tilespmem:s15], [sflag:$0x2], $0x80, s3, s12, $0xb8;
	[tilespmem:$0x1D000] =	vst v63  }
0x1ea: {  	_ =	swait.ge [sflag:s16], $0x4000  }
0x1eb: {  	[sflag:s16] =	ssyncset.done $0x0  }
0x1ec: {  	[sflag:s16] =	ssyncadd.s32 $0xFFFFC000  }
0x1ed: {  	[bflag:$0x0] =	sbarrier.arrive $0xFFFF  }
0x1ee: {  	s7 =	rddreg [dreg:$0x13]  }
0x1ef: {  	s9 =	rddreg [dreg:$0x14]  }
0x1f0: {  	s8 =	rddreg [dreg:$0x16]  }
0x1f1: {  	[hbm:s9], [sflag:s7] =	dma.local [spmem:s8], $0x2800  }
0x1f2: {  	_ =	swait.ge [sflag:s10], $0x2800  }
0x1f3: {  	s6 =	rddreg [dreg:$0x17]  }
0x1f4: {  	s9 =	sadd.s32 $0x1, s6;
	s6 =	rddreg [dreg:$0x15]  }
0x1f5: {  	p0 =	sne.s32 s9, s6  }
.Ltmp1:
0x1f6: {  	_ = 	snop;
	(pc) =	sbr.rel @p0 .LBB2_1-.Ltmp1, $3  }
0x1f7: {  	_ =	sdelay $0x1  }
0x1f8: {  	[sflag:s10] =	ssyncset.done $0x0  }
0x1f9: {  	[sflag:s10] =	ssyncadd.s32 $0xFFFFD800  }
0x1fa: {  	_ =	sfence.sel $0x180000  }
0x1fb: {  	[bflag:$0x0] =	sbarrier.arrive $0xFFFF  }
0x1fc: {  	_ =	strace $0x90000050  }
0x1fd: {  	s0 =	stileid.u32;
	[bflag:$0x2] =	sbarrier.arrive $0xFFFF  }
0x1fe: {  	p0 =	sne.s32 s0, $0x0;
	s0 =	rddreg [dreg:$0x4]  }
0x1ff: {  	s0 =	sadd.s32 @!p0 $0x100000, s0  }
0x200: {  	[sflag:s0] =	ssyncadd.tile.s32 @!p0 $0x1;
	_ =	shalt  }
.Lfunc_end2:
_tile_overlayer_lowered:
.L_overlay_start_2:
0x201: {  	(tag) =	ssettag $0x2  }
0x202: {  	s0 =	rddreg [dreg:$0x0];
	s2 =	stileid.u32  }
0x203: {  	s1 =	rddreg [dreg:$0x1];
	p0 =	sne.s32 s2, $0x0  }
0x204: {  	s3 =	rddreg [dreg:$0x2];
	[bflag:$0x3] =	sbarrier.arrive $0xFFFF;
	s2 =	simm.s32 @!p0 $0x1C03  }
0x205: {  	[timem:s3], [sflag:s2] =	dma.local @!p0 [hbm:s0], s1  }
0x206: {  	s0 =	simm.s32 @!p0 $0x3  }
0x207: {  	_ =	swait.ge @!p0 [sflag:s0], s1  }
0x208: {  	s1 =	ssub.s32 @!p0 $0x0, s1;
	[sflag:s0] =	ssyncset.done @!p0 $0x0  }
0x209: {  	[sflag:s0] =	ssyncadd.s32 @!p0 s1  }
0x20a: {  	[bflag:$0x3] =	sbarrier.arrive $0xFFFF  }
0x20b: {  	_ =	shalt  }

// kernel: kernel.25.cloned.1.call-start
scs
__scs_entry_jumppad:
0x0: {  	(pc) =	sbr.rel $0x88, $3  }
0x1: {  	(tag) =	ssettag $0x0;
	lr =	simm.s32 $0x1  }
0x2: {  	[smem:$0x3F95] =	sst lr;
	_ =	strace $0xD0000000  }
0x3: {  	_ = 	snop  }
0x4: {  	_ = 	snop  }
0x5: {  	_ = 	snop  }
0x6: {  	_ = 	snop  }
0x7: {  	_ = 	snop  }
__scs_overlays_trampoline_lowered:
0x8: {  	[smem:$0x3FA4] =	sst s0  }
0x9: {  	[smem:$0x3FA5] =	sst s1  }
0xa: {  	[smem:$0x3FA6] =	sst s2  }
0xb: {  	[smem:$0x3FA7] =	sst s3  }
0xc: {  	[smem:$0x3FA8] =	sst s4  }
0xd: {  	[smem:$0x3FA9] =	sst s5  }
0xe: {  	[smem:$0x3FAA] =	sst s6  }
0xf: {  	[smem:$0x3FAB] =	sst s7  }
0x10: {  	[smem:$0x3FAC] =	sst s8  }
0x11: {  	[smem:$0x3FAD] =	sst s9;
	s0 =	simm.s32 @!p0 $0x0  }
0x12: {  	s1 =	sld [smem:$0x3F93];
	s0 =	simm.s32 @p0 $0x1  }
0x13: {  	[smem:$0x3FAE] =	sst s0;
	s0 =	simm.s32 @!p1 $0x0  }
0x14: {  	s2 =	sld [smem:$0x3F92];
	s0 =	simm.s32 @p1 $0x1  }
0x15: {  	[smem:$0x3FAF] =	sst s0;
	s0 =	simm.s32 @!p2 $0x0  }
0x16: {  	s3 =	sld [smem:$0x3FDB];
	s0 =	simm.s32 @p2 $0x1  }
0x17: {  	s4 =	simm.s32 $0x1BF5;
	[smem:$0x3FB1] =	sst s0  }
0x18: {  	s0 =	sld [smem:$0x3F94];
	_ =	swait.ge [sflag:s4], $0x0  }
0x19: {  	s7 =	sld [smem:$0x3F95]  }
0x1a: {  	s8 =	sadd.s32 $0xFFFFE003, lr  }
0x1b: {  	s9 =	sadd.s32 $0xFFFFFEF7, lr;
	s5 =	simm.s32 $0xFFFFFFFF;
	p2 =	slt.u32 s8, $0xFFFFF086  }
0x1c: {  	p1 =	slt.u32 s9, $0xF7A;
	s5 =	simm.s32 @!p2 $0x0  }
0x1d: {  	s5 =	simm.s32 @p1 $0x1;
	p0 =	seq.s32 s7, s2  }
0x1e: {  	s7 =	smul.u32 @!p0 $0xF7A, s2;
	p2 =	seq.s32 @!p0 s5, $0x0  }
0x1f: {  	s9 =	smul.u32 $0xF7A, s1;
	s8 =	simm.s32 @!p0 $0x1BF5;
	p2 =	por !p2, p0  }
0x20: {  	[sflag:s8] =	ssyncset.s32 @!p0 $0xFFFFF086;
	s6 =	sadd.s32 @!p0 s3, s7;
	s7 =	simm.s32 @!p0 $0x108  }
0x21: {  	s3 =	sadd.s32 s3, s9;
	s6 =	sadd.s32 @!p0 $0x88, s6;
	s7 =	simm.s32 @p2 $0x1082  }
0x22: {  	[simem:s7], [sflag:s8] =	dma.local @!p0 [hbm:s6], $0xF7A  }
0x23: {  	s9 =	sor.u32 $0xD0000000, s2;
	s6 =	simm.s32 $0x108;
	_ =	swait.ge @!p0 [sflag:s8], $0x0  }
0x24: {  	s3 =	sadd.s32 $0x88, s3;
	s6 =	simm.s32 @!p1 $0x1082;
	[sflag:s4] =	ssyncset.s32 $0xFFFFF086  }
0x25: {  	[simem:s6], [sflag:s4] =	dma.local [hbm:s3], $0xF7A  }
0x26: {  	[smem:$0x3F95] =	sst s1;
	(tag) =	ssettag s2;
	_ =	strace s9  }
0x27: {  	s1 =	sld [smem:$0x3FA5]  }
0x28: {  	s2 =	sld [smem:$0x3FA6]  }
0x29: {  	s4 =	sld [smem:$0x3FA8]  }
0x2a: {  	p0 =	seq.s32 s5, $0x0;
	s5 =	sld [smem:$0x3FA9]  }
0x2b: {  	s6 =	sld [smem:$0x3FAA]  }
0x2c: {  	s7 =	sld [smem:$0x3FAB]  }
0x2d: {  	s3 =	simm.s32 $0x108;
	s8 =	sld [smem:$0x3FAC]  }
0x2e: {  	s3 =	simm.s32 @!p0 $0x1082;
	s9 =	sld [smem:$0x3FAD]  }
0x2f: {  	lr =	sadd.s32 s0, s3;
	s0 =	sld [smem:$0x3FA4]  }
0x30: {  	s3 =	sld [smem:$0x3FA7]  }
0x31: {  	[smem:$0x3FB0] =	sst s10  }
0x32: {  	s10 =	sld [smem:$0x3FAE];
	_ =	sdelay $0x3  }
0x33: {  	p0 =	seq.s32 s10, $0x1;
	s10 =	sld [smem:$0x3FB0];
	_ =	sdelay $0x3  }
0x34: {  	[smem:$0x3FB0] =	sst s10  }
0x35: {  	s10 =	sld [smem:$0x3FAF];
	_ =	sdelay $0x3  }
0x36: {  	p1 =	seq.s32 s10, $0x1;
	s10 =	sld [smem:$0x3FB0];
	_ =	sdelay $0x3  }
0x37: {  	[smem:$0x3FB0] =	sst s10  }
0x38: {  	s10 =	sld [smem:$0x3FB1]  }
0x39: {  	_ = 	snop;
	(pc) =	sbr.ind lr, $3  }
0x3a: {  	_ = 	snop  }
0x3b: {  	_ = 	snop  }
0x3c: {  	p2 =	seq.s32 s10, $0x1;
	s10 =	sld [smem:$0x3FB0]  }
0x3d: {  	_ =	shalt  }
0x3e: {  	_ =	shalt  }
0x3f: {  	_ =	shalt  }
0x40: {  	_ =	shalt  }
0x41: {  	_ =	shalt  }
0x42: {  	_ =	shalt  }
0x43: {  	_ =	shalt  }
0x44: {  	_ =	shalt  }
0x45: {  	_ =	shalt  }
0x46: {  	_ =	shalt  }
0x47: {  	_ =	shalt  }
0x48: {  	_ =	shalt  }
0x49: {  	_ =	shalt  }
0x4a: {  	_ =	shalt  }
0x4b: {  	_ =	shalt  }
0x4c: {  	_ =	shalt  }
0x4d: {  	_ =	shalt  }
0x4e: {  	_ =	shalt  }
0x4f: {  	_ =	shalt  }
0x50: {  	_ =	shalt  }
0x51: {  	_ =	shalt  }
0x52: {  	_ =	shalt  }
0x53: {  	_ =	shalt  }
0x54: {  	_ =	shalt  }
0x55: {  	_ =	shalt  }
0x56: {  	_ =	shalt  }
0x57: {  	_ =	shalt  }
0x58: {  	_ =	shalt  }
0x59: {  	_ =	shalt  }
0x5a: {  	_ =	shalt  }
0x5b: {  	_ =	shalt  }
0x5c: {  	_ =	shalt  }
0x5d: {  	_ =	shalt  }
0x5e: {  	_ =	shalt  }
0x5f: {  	_ =	shalt  }
0x60: {  	_ =	shalt  }
0x61: {  	_ =	shalt  }
0x62: {  	_ =	shalt  }
0x63: {  	_ =	shalt  }
0x64: {  	_ =	shalt  }
0x65: {  	_ =	shalt  }
0x66: {  	_ =	shalt  }
0x67: {  	_ =	shalt  }
0x68: {  	_ =	shalt  }
0x69: {  	_ =	shalt  }
0x6a: {  	_ =	shalt  }
0x6b: {  	_ =	shalt  }
0x6c: {  	_ =	shalt  }
0x6d: {  	_ =	shalt  }
0x6e: {  	_ =	shalt  }
0x6f: {  	_ =	shalt  }
0x70: {  	_ =	shalt  }
0x71: {  	_ =	shalt  }
0x72: {  	_ =	shalt  }
0x73: {  	_ =	shalt  }
0x74: {  	_ =	shalt  }
0x75: {  	_ =	shalt  }
0x76: {  	_ =	shalt  }
0x77: {  	_ =	shalt  }
0x78: {  	_ =	shalt  }
0x79: {  	_ =	shalt  }
0x7a: {  	_ =	shalt  }
0x7b: {  	_ =	shalt  }
0x7c: {  	_ =	shalt  }
0x7d: {  	_ =	shalt  }
0x7e: {  	_ =	shalt  }
0x7f: {  	_ =	shalt  }
0x80: {  	_ =	shalt  }
0x81: {  	_ =	shalt  }
0x82: {  	_ =	shalt  }
0x83: {  	_ =	shalt  }
0x84: {  	_ =	shalt  }
0x85: {  	_ =	shalt  }
0x86: {  	_ =	shalt  }
0x87: {  	_ =	shalt  }
.Lfunc_end0:
.L_simem_size_0:
called_computation.4_lowered:
.L_overlay_start_0:
0x88: {  	s2 =	sld [smem:$0x3FD9]  }
0x89: {  	s3 =	sld [smem:$0x3FFE];
	_ =	sdelay $0x1  }
0x8a: {  	s1 =	srdreg.scid  }
0x8b: {  	s0 =	sand.u32 $0x1, s1  }
0x8c: {  	s14 =	sshll.u32 s0, $0xA;
	s2 =	sadd.s32 s3, s2  }
0x8d: {  	s2 =	sadd.s32 s2, s14  }
0x8e: {  	[smem:$0x3FBC] =	sst s2  }
0x8f: {  	_ = 	snop  }
0x90: {  	s2 =	sld [smem:$0x3FD0];
	_ =	sdelay $0x2  }
0x91: {  	s15 =	simm.s32 $0xA;
	s4 =	simm.s32 $0x10  }
0x92: {  	[smem:s4], [sflag:s15] =	dma.local [hbm:s2], $0x1  }
0x93: {  	_ =	swait.eq [sflag:s15], $0x1  }
0x94: {  	[sflag:s15] =	ssyncset.done $0x0  }
0x95: {  	[sflag:s15] =	ssyncadd.s32 $0xFFFFFFFF  }
0x96: {  	s16 =	sld [smem:$0x10];
	(tm) =	ssettm $0x1  }
0x97: {  	s17 =	sld [smem:$0x3FFB];
	_ =	sdelay $0x3  }
0x98: {  	_ =	strace s17  }
0x99: {  	s3 =	sld [smem:$0x3FFC];
	_ =	sdelay $0x3  }
0x9a: {  	_ =	strace s3  }
0x9b: {  	s3 =	sld [smem:$0x3FFD];
	_ =	sdelay $0x3  }
0x9c: {  	_ =	strace s3  }
0x9d: {  	_ =	strace $0x8FFFFFFF  }
0x9e: {  	s18 =	sld [smem:$0x3FDB];
	_ =	sdelay $0x1  }
0x9f: {  	s19 =	simm.s32 $_scs_section_size  }
0xa0: {  	s5 =	simm.s32 $_size__tile_overlayer_lowered;
	s6 =	simm.s32 $_tile_overlayer_lowered  }
0xa1: {  	s22 =	simm.s32 $0x1BFF;
	s21 =	sshll.u32 s6, $0x1;
	s3 =	sadd.s32 s19, s18  }
0xa2: {  	s7 =	simm.s32 $0x0;
	s20 =	sshll.u32 s5, $0x1;
	s5 =	sadd.s32 s21, s3  }
0xa3: {  	[timem:s7], [sflag:s22] =	dma.local [hbm:s5], s20  }
0xa4: {  	_ =	swait.ge [sflag:s22], s20  }
0xa5: {  	s4 =	ssub.s32 $0x0, s20;
	[sflag:s22] =	ssyncset.done $0x0  }
0xa6: {  	[sflag:s22] =	ssyncadd.s32 s4;
	_ =	sdelay $0x1  }
0xa7: {  	s23 =	simm.s32 $0x1B8B  }
0xa8: {  	_ =	swait.ge [sflag:s23], $0x1  }
0xa9: {  	[sflag:s23] =	ssyncset.done $0x0  }
0xaa: {  	s25 =	simm.s32 $0x1B8E;
	s24 =	sld [smem:$0x3FFE];
	[sflag:s23] =	ssyncadd.s32 $0xFFFFFFFF  }
0xab: {  	s26 =	simm.s32 $execute0_lowered;
	[smem:$0x3FD2] =	sst s25  }
0xac: {  	s5 =	sshll.u32 s26, $0x1;
	_ =	strace $0x80000052;
	[dreg:$0x1] =	wrdreg $0xFFFFFFFF  }
0xad: {  	s28 =	simm.s32 $_size_execute0_lowered;
	s3 =	sadd.s32 s3, s5;
	[dreg:$0x0] =	wrdreg $0x0  }
0xae: {  	s5 =	sshll.u32 s28, $0x1;
	[dreg:$0x2] =	wrdreg s3  }
0xaf: {  	[dreg:$0x3] =	wrdreg s5  }
0xb0: {  	[dreg:$0x4] =	wrdreg $0xC0  }
0xb1: {  	_ =	task [dreg:s7], $0x5FFFF  }
0xb2: {  	[dreg:$0x1] =	wrdreg $0xFFFFFFFF  }
0xb3: {  	[dreg:$0x0] =	wrdreg $0x60  }
0xb4: {  	[dreg:$0x2] =	wrdreg s16  }
0xb5: {  	[dreg:$0x3] =	wrdreg s24  }
0xb6: {  	[dreg:$0x4] =	wrdreg $0x9  }
0xb7: {  	_ =	task.clear_ibuf [dreg:s7], $0x5FFFF;
	_ =	strace $0x90000052  }
0xb8: {  	s29 =	simm.s32 $0x9;
	_ =	strace $0x80000054  }
0xb9: {  	_ =	swait.ge [sflag:s29], $0x1  }
0xba: {  	[sflag:s29] =	ssyncadd.s32 $0xFFFFFFFF  }
0xbb: {  	_ =	strace $0x90000054  }
0xbc: {  	_ =	sfence  }
0xbd: {  	s30 =	sld [smem:$0x0];
	_ =	sdelay $0x2  }
0xbe: {  	s31 =	sshll.u32 s1, $0xD;
	s1 =	sshrl.u32 s1, $0x2  }
0xbf: {  	s3 =	sand.u32 $0x4000, s31;
	s1 =	sadd.s32 s1, s30  }
0xc0: {  	s0 =	sor.u32 s3, s0;
	s1 =	sshll.u32 s1, $0x11  }
0xc1: {  	s0 =	sor.u32 s1, s0  }
0xc2: {  	s0 =	sadd.s32 $0x8F2B, s0  }
0xc3: {  	[sflag:s0] =	ssyncadd.remote.s32 $0x1  }
0xc4: {  	_ =	sfence.sel $0xFFFF  }
0xc5: {  	[dreg:$0x0] =	wrdreg $0xFFFFFFFF;
	(pc) =	sbr.abs _section_cstart, $3  }
0xc6: {  	[dreg:$0x1] =	wrdreg $0xFFFFFFFF  }
0xc7: {  	_ =	task.clear_ibuf [dreg:s7], $0x2FFFF;
	_ =	strace $0x9FFFFFFF  }
0xc8: {  	(tm) =	ssettm $0x7FFFFFFF  }
0xc9: {  	_ =	shalt  }
tec
execute0_lowered:
.L_overlay_start_1:
0x0: {  	(tag) =	ssettag $0x1  }
0x1: {  	s1 =	srdreg.scid;
	s2 =	rddreg [dreg:$0x0]  }
0x2: {  	s0 =	stileid.u32;
	s6 =	rddreg [dreg:$0x1]  }
0x3: {  	s3 =	simm.s32 $0x0;
	s10 =	simm.s32 $0x2;
	s11 =	simm.s32 $0x1900  }
0x4: {  	s12 =	simm.s32 $0x80;
	s13 =	simm.s32 $0x3200;
	s14 =	simm.s32 $0x7200  }
0x5: {  	s15 =	simm.s32 $0x1;
	s5 =	sand.u32 $0x1, s1;
	s30 =	sshll.u32 s0, $0x1  }
0x6: {  	s16 =	simm.s32 $0xB200;
	s17 =	simm.s32 $0xF200;
	s8 =	sor.u32 s5, s30  }
0x7: {  	s18 =	simm.s32 $0x13200;
	[smem:$0x7FF] =	sst s3;
	s4 =	smul.u32 $0x1900, s8  }
0x8: {  	s19 =	simm.s32 $0x0;
	_ =	strace $0x80000053;
	s9 =	ssub.s32 $0x2, s5  }
0x9: {  	s5 =	sadd.s32 $0x4400, s6;
	s31 =	sshrl.u32 s9, $0x1;
	s7 =	sshrl.u32 s4, $0x3  }
0xa: {  	s8 =	smul.u32 $0x19000, s8;
	s9 =	ssub.s32 s9, s31;
	s7 =	sadd.s32 s7, s6  }
0xb: {  	s9 =	smax.u32 s9, $0x1;
	s6 =	sadd.s32 $0x68400, s7;
	s7 =	sadd.s32 $0x6E800, s7  }
.LBB2_1:
0xc: {  	[tilespmem:s3], [sflag:$0x2] =	stream.linear.gather [hbm4b:s6+s3], $0x1900, $0x38;
	[tilespmem:$0x13A00] =	vst v63  }
0xd: {  	_ =	swait.ge [sflag:s10], $0x1900  }
0xe: {  	[sflag:s10] =	ssyncset.done $0x0  }
0xf: {  	[sflag:s10] =	ssyncadd.s32 $0xFFFFE700  }
0x10: {  	[tilespmem:s11], [sflag:$0x2] =	stream.linear.gather [hbm4b:s7+s3], $0x1900, $0x38;
	[tilespmem:$0x13A00] =	vst v63  }
0x11: {  	_ =	swait.ge [sflag:s10], $0x1900  }
0x12: {  	[sflag:s10] =	ssyncset.done $0x0  }
0x13: {  	[sflag:s10] =	ssyncadd.s32 $0xFFFFE700  }
0x14: {  	[tilespmem:s13], [sflag:$0x1] =	stream.indirect.gather [hbm4b:s2+s12], $0x80, s3, s12, $0xb8;
	[tilespmem:$0x13A00] =	vst v63  }
0x15: {  	s20 =	simm.s32 $0x0  }
0x16: {  	[tilespmem:s14], [sflag:$0x1] =	stream.indirect.gather [hbm4b:s2+s12], $0x80, s11, s12, $0xb8;
	[tilespmem:$0x13A00] =	vst v63  }
.LBB2_2:
0x17: {  	_ =	swait.ge [sflag:s15], $0x4000  }
0x18: {  	[sflag:s15] =	ssyncset.done $0x0  }
0x19: {  	[sflag:s15] =	ssyncadd.s32 $0xFFFFC000  }
0x1a: {  	_ =	swait.ge [sflag:s15], $0x4000  }
0x1b: {  	s22 =	sshll.u32 s20, $0x8;
	[sflag:s15] =	ssyncset.done $0x0  }
0x1c: {  	s21 =	sor.u32 $0x80, s22;
	[sflag:s15] =	ssyncadd.s32 $0xFFFFC000  }
0x1d: {  	[tilespmem:s16], [sflag:$0x1] =	stream.indirect.gather [hbm4b:s2+s12], $0x80, s21, s12, $0xb8;
	[tilespmem:$0x13A00] =	vst v63  }
0x1e: {  	s26 =	simm.s32 $0x3300;
	s22 =	sadd.s32 $0x1980, s22  }
0x1f: {  	[tilespmem:s17], [sflag:$0x1] =	stream.indirect.gather [hbm4b:s2+s12], $0x80, s22, s12, $0xb8;
	[tilespmem:$0x13A00] =	vst v63  }
0x20: {  	s22 =	simm.s32 $0x7300;
	v0 =	vld [tilespmem:s26+$0x80]  }
0x21: {  	v1 =	vld [tilespmem:s22+$0x80]  }
0x22: {  	v2 =	vld [tilespmem:s26+$0x90]  }
0x23: {  	v3 =	vld [tilespmem:s22+$0x90]  }
0x24: {  	v4 =	vld [tilespmem:s26+$0xA0]  }
0x25: {  	v5 =	vld [tilespmem:s22+$0xA0]  }
0x26: {  	v6 =	vld [tilespmem:s26+$0xB0]  }
0x27: {  	v7 =	vld [tilespmem:s22+$0xB0]  }
0x28: {  	v8 =	vld [tilespmem:s26+$0xC0]  }
0x29: {  	v9 =	vld [tilespmem:s22+$0xC0]  }
0x2a: {  	v10 =	vld [tilespmem:s26+$0xD0]  }
0x2b: {  	v11 =	vld [tilespmem:s22+$0xD0]  }
0x2c: {  	v12 =	vld [tilespmem:s26+$0xE0]  }
0x2d: {  	v13 =	vld [tilespmem:s22+$0xE0]  }
0x2e: {  	v14 =	vld [tilespmem:s26+$0xF0]  }
0x2f: {  	v15 =	vld [tilespmem:s22+$0xF0]  }
0x30: {  	v16 =	vld [tilespmem:s22+$0xFFFFFF00]  }
0x31: {  	v17 =	vld [tilespmem:s26+$0xFFFFFF10]  }
0x32: {  	v18 =	vld [tilespmem:s22+$0xFFFFFF10]  }
0x33: {  	v19 =	vld [tilespmem:s26+$0xFFFFFF80]  }
0x34: {  	v20 =	vld [tilespmem:s22+$0xFFFFFF80]  }
0x35: {  	v21 =	vld [tilespmem:s26+$0xFFFFFF90]  }
0x36: {  	v22 =	vld [tilespmem:s22+$0xFFFFFF90]  }
0x37: {  	v23 =	vld [tilespmem:s26+$0x0]  }
0x38: {  	v24 =	vld [tilespmem:s22+$0x0]  }
0x39: {  	v25 =	vld [tilespmem:s26+$0x10]  }
0x3a: {  	v26 =	vld [tilespmem:s22+$0x10]  }
0x3b: {  	v27 =	vld [tilespmem:s26+$0xFFFFFF00]  }
0x3c: {  	v28 =	vld [tilespmem:s26+$0xFFFFFF20]  }
0x3d: {  	v29 =	vld [tilespmem:s22+$0xFFFFFF20]  }
0x3e: {  	v30 =	vld [tilespmem:s26+$0xFFFFFFA0]  }
0x3f: {  	v31 =	vld [tilespmem:s22+$0xFFFFFFA0]  }
0x40: {  	v32 =	vld [tilespmem:s26+$0x20]  }
0x41: {  	v33 =	vld [tilespmem:s22+$0x20]  }
0x42: {  	v34 =	vld [tilespmem:s26+$0xFFFFFF30]  }
0x43: {  	v35 =	vld [tilespmem:s22+$0xFFFFFF30]  }
0x44: {  	v36 =	vld [tilespmem:s26+$0xFFFFFFB0]  }
0x45: {  	v37 =	vld [tilespmem:s22+$0xFFFFFFB0]  }
0x46: {  	v38 =	vld [tilespmem:s26+$0x30]  }
0x47: {  	v39 =	vld [tilespmem:s22+$0x30]  }
0x48: {  	v46 =	vld [tilespmem:s22+$0xFFFFFFD0];
	v0 =	vmul.f32 v1, v0;
	v1 =	vmul.f32 v3, v2  }
0x49: {  	v47 =	vld [tilespmem:s26+$0x50]  }
0x4a: {  	v50 =	vld [tilespmem:s22+$0x50];
	v0 =	vadd.f32 v1, v0;
	v1 =	vmul.f32 v5, v4  }
0x4b: {  	v53 =	vld [tilespmem:s26+$0xFFFFFF60]  }
0x4c: {  	v57 =	vld [tilespmem:s26+$0xFFFFFFE0];
	v0 =	vadd.f32 v1, v0;
	v1 =	vmul.f32 v7, v6  }
0x4d: {  	v2 =	vld [tilespmem:s26+$0xFFFFFF40]  }
0x4e: {  	v3 =	vld [tilespmem:s22+$0xFFFFFF40];
	v0 =	vadd.f32 v1, v0;
	v1 =	vmul.f32 v9, v8  }
0x4f: {  	v44 =	vmul.f32 v20, v19;
	v4 =	vld [tilespmem:s26+$0xFFFFFFC0]  }
0x50: {  	v45 =	vmul.f32 v22, v21;
	v5 =	vld [tilespmem:s22+$0xFFFFFFC0];
	v0 =	vadd.f32 v1, v0;
	v1 =	vmul.f32 v11, v10  }
0x51: {  	v16 =	vmul.f32 v16, v27;
	v48 =	vmul.f32 v24, v23;
	v6 =	vld [tilespmem:s26+$0x40]  }
0x52: {  	v49 =	vmul.f32 v26, v25;
	v7 =	vld [tilespmem:s22+$0x40];
	v0 =	vadd.f32 v1, v0;
	v1 =	vmul.f32 v18, v17  }
0x53: {  	v52 =	vmul.f32 v31, v30;
	v8 =	vld [tilespmem:s26+$0xFFFFFF50];
	v10 =	vmul.f32 v13, v12;
	v12 =	vadd.f32 v45, v44  }
0x54: {  	v51 =	vmul.f32 v29, v28;
	v54 =	vmul.f32 v33, v32;
	v11 =	vld [tilespmem:s26+$0xFFFFFFD0];
	v1 =	vadd.f32 v1, v16  }
0x55: {  	v58 =	vmul.f32 v37, v36;
	v9 =	vld [tilespmem:s22+$0xFFFFFF50];
	v12 =	vadd.f32 v52, v12;
	v10 =	vadd.f32 v10, v0  }
0x56: {  	v60 =	vld [tilespmem:s22+$0xFFFFFFE0];
	v56 =	vmul.f32 v35, v34;
	v0 =	vadd.f32 v49, v48;
	v1 =	vadd.f32 v51, v1  }
0x57: {  	v55 =	vld [tilespmem:s22+$0xFFFFFF60];
	v2 =	vmul.f32 v3, v2;
	v4 =	vmul.f32 v5, v4;
	v3 =	vadd.f32 v58, v12  }
0x58: {  	v61 =	vld [tilespmem:s26+$0x60];
	v59 =	vmul.f32 v39, v38;
	v0 =	vadd.f32 v54, v0;
	v1 =	vadd.f32 v56, v1  }
0x59: {  	v63 =	vld [tilespmem:s22+$0x60];
	v5 =	vmul.f32 v7, v6;
	v3 =	vadd.f32 v4, v3;
	v4 =	vmul.f32 v46, v11  }
0x5a: {  	s23 =	simm.s32 $0x0;
	s24 =	simm.s32 $0x30;
	s25 =	simm.s32 $0x0;
	v6 =	vmul.f32 v9, v8;
	v62 =	vadd.f32 v59, v0;
	v0 =	vld [tilespmem:s26+$0xFFFFFF70];
	v2 =	vadd.f32 v2, v1  }
0x5b: {  	s29 =	simm.s32 $0x0;
	s31 =	simm.s32 $0x10;
	s28 =	sand.u32 $0x1E00, s23;
	v14 =	vmul.f32 v15, v14;
	v11 =	vmul.f32 v60, v57;
	v9 =	vadd.f32 v4, v3;
	v1 =	vld [tilespmem:s22+$0xFFFFFF70]  }
0x5c: {  	s1 =	simm.s32 $0x20;
	s30 =	sand.u32 $0x70, s24;
	s28 =	sshrl.u32 s28, $0x2;
	v4 =	vld [tilespmem:s22+$0xFFFFFFF0];
	v5 =	vadd.f32 v5, v62;
	v8 =	vadd.f32 v6, v2;
	v6 =	vmul.f32 v50, v47  }
0x5d: {  	s29 =	sand.u32 $0x40, s29;
	s31 =	sand.u32 $0x50, s31;
	s28 =	sadd.s32 $0x13200, s28;
	v7 =	vadd.f32 v14, v10;
	v10 =	vmul.f32 v55, v53;
	v2 =	vld [tilespmem:s26+$0xFFFFFFF0]  }
0x5e: {  	s1 =	sand.u32 $0x60, s1;
	s0 =	sor.u32 s30, s28;
	s30 =	sor.u32 s29, s28;
	v3 =	vld [tilespmem:s26+$0x70];
	v6 =	vadd.f32 v6, v5;
	v5 =	vadd.f32 v11, v9;
	v9 =	vmul.f32 v63, v61  }
0x5f: {  	s29 =	sor.u32 s31, s28;
	s28 =	sor.u32 s1, s28;
	[tilespmem:s0+$0x0] =	vst v7;
	s26 =	simm.s32 $0x3500;
	v7 =	vadd.f32 v10, v8;
	v8 =	vld [tilespmem:s22+$0x70]  }
.LBB2_3:
0x60: {  	v10 =	vld [tilespmem:s26+$0x80];
	v0 =	vmul.f32 v1, v0;
	v1 =	vadd.f32 v9, v6;
	s22 =	sadd.s32 $0x200, s22  }
0x61: {  	v6 =	vld [tilespmem:s22+$0x80]  }
0x62: {  	v9 =	vld [tilespmem:s26+$0x90];
	v0 =	vadd.f32 v0, v7;
	v2 =	vmul.f32 v4, v2  }
0x63: {  	s25 =	sadd.s32 $0x4, s25;
	v4 =	vld [tilespmem:s22+$0x90]  }
0x64: {  	p0 =	slt.u32 s25, $0x7C;
	v7 =	vld [tilespmem:s26+$0xA0];
	[tilespmem:s30+$0x0] =	vst v0;
	v0 =	vadd.f32 v2, v5;
	v2 =	vmul.f32 v8, v3  }
0x65: {  	v3 =	vld [tilespmem:s22+$0xA0]  }
0x66: {  	v5 =	vld [tilespmem:s26+$0xB0];
	[tilespmem:s29+$0x0] =	vst v0;
	v0 =	vadd.f32 v2, v1  }
0x67: {  	v1 =	vld [tilespmem:s22+$0xB0]  }
0x68: {  	v2 =	vmul.f32 v6, v10;
	v4 =	vmul.f32 v4, v9;
	v6 =	vld [tilespmem:s26+$0xC0];
	[tilespmem:s28+$0x0] =	vst v0  }
0x69: {  	v0 =	vld [tilespmem:s22+$0xC0]  }
0x6a: {  	v2 =	vadd.f32 v4, v2;
	v3 =	vmul.f32 v3, v7;
	v4 =	vld [tilespmem:s26+$0xD0]  }
0x6b: {  	v7 =	vld [tilespmem:s22+$0xD0]  }
0x6c: {  	v2 =	vadd.f32 v3, v2;
	v1 =	vmul.f32 v1, v5;
	v3 =	vld [tilespmem:s26+$0xE0]  }
0x6d: {  	v5 =	vld [tilespmem:s22+$0xE0]  }
0x6e: {  	v1 =	vadd.f32 v1, v2;
	v0 =	vmul.f32 v0, v6;
	v2 =	vld [tilespmem:s26+$0xF0]  }
0x6f: {  	v6 =	vld [tilespmem:s22+$0xF0]  }
0x70: {  	v8 =	vld [tilespmem:s22+$0xFFFFFF00];
	v0 =	vadd.f32 v0, v1;
	v1 =	vmul.f32 v7, v4  }
0x71: {  	v4 =	vld [tilespmem:s26+$0xFFFFFF10]  }
0x72: {  	v7 =	vld [tilespmem:s22+$0xFFFFFF10];
	v0 =	vadd.f32 v1, v0;
	v1 =	vmul.f32 v5, v3  }
0x73: {  	s23 =	sadd.s32 $0x100, s23;
	v3 =	vld [tilespmem:s26+$0xFFFFFF80]  }
0x74: {  	s0 =	sand.u32 $0x1E00, s23;
	v5 =	vld [tilespmem:s22+$0xFFFFFF80];
	v0 =	vadd.f32 v1, v0;
	v1 =	vmul.f32 v6, v2  }
0x75: {  	s24 =	sadd.s32 $0x40, s24;
	s0 =	sshrl.u32 s0, $0x2;
	v2 =	vld [tilespmem:s26+$0xFFFFFF90]  }
0x76: {  	s1 =	sadd.s32 $0xFFFFFFD0, s24;
	s0 =	sadd.s32 $0x13200, s0;
	s28 =	sand.u32 $0x70, s24;
	v6 =	vld [tilespmem:s22+$0xFFFFFF90];
	v0 =	vadd.f32 v1, v0  }
0x77: {  	s30 =	sadd.s32 $0xFFFFFFF0, s24;
	s29 =	sadd.s32 $0xFFFFFFE0, s24;
	s28 =	sor.u32 s28, s0;
	v1 =	vmul.f32 v7, v4;
	v4 =	vld [tilespmem:s26+$0x0]  }
0x78: {  	s1 =	sand.u32 $0x40, s1;
	s31 =	sand.u32 $0x60, s30;
	s29 =	sand.u32 $0x50, s29;
	v7 =	vld [tilespmem:s22+$0x0];
	[tilespmem:s28+$0x0] =	vst v0  }
0x79: {  	s30 =	sor.u32 s1, s0;
	s29 =	sor.u32 s29, s0;
	s28 =	sor.u32 s31, s0;
	v0 =	vmul.f32 v5, v3;
	v3 =	vld [tilespmem:s26+$0x10]  }
0x7a: {  	v5 =	vld [tilespmem:s22+$0x10]  }
0x7b: {  	v9 =	vld [tilespmem:s26+$0xFFFFFF00];
	v2 =	vmul.f32 v6, v2  }
0x7c: {  	v6 =	vld [tilespmem:s26+$0xFFFFFF20]  }
0x7d: {  	v10 =	vld [tilespmem:s22+$0xFFFFFF20];
	v0 =	vadd.f32 v2, v0;
	v2 =	vmul.f32 v7, v4  }
0x7e: {  	v4 =	vld [tilespmem:s26+$0xFFFFFFA0]  }
0x7f: {  	v7 =	vld [tilespmem:s22+$0xFFFFFFA0];
	v3 =	vmul.f32 v5, v3  }
0x80: {  	v5 =	vmul.f32 v8, v9;
	v8 =	vld [tilespmem:s26+$0x20]  }
0x81: {  	v2 =	vadd.f32 v3, v2;
	v3 =	vld [tilespmem:s22+$0x20]  }
0x82: {  	v1 =	vadd.f32 v1, v5;
	v5 =	vmul.f32 v10, v6;
	v6 =	vld [tilespmem:s26+$0xFFFFFF30]  }
0x83: {  	v9 =	vld [tilespmem:s22+$0xFFFFFF30]  }
0x84: {  	v1 =	vadd.f32 v5, v1;
	v4 =	vmul.f32 v7, v4;
	v5 =	vld [tilespmem:s26+$0xFFFFFFB0]  }
0x85: {  	v7 =	vld [tilespmem:s22+$0xFFFFFFB0]  }
0x86: {  	v0 =	vadd.f32 v4, v0;
	v3 =	vmul.f32 v3, v8;
	v4 =	vld [tilespmem:s26+$0x30]  }
0x87: {  	v8 =	vld [tilespmem:s22+$0x30]  }
0x88: {  	v6 =	vmul.f32 v9, v6;
	v9 =	vld [tilespmem:s26+$0xFFFFFF40];
	v2 =	vadd.f32 v3, v2  }
0x89: {  	v3 =	vld [tilespmem:s22+$0xFFFFFF40]  }
0x8a: {  	v1 =	vadd.f32 v6, v1;
	v5 =	vmul.f32 v7, v5;
	v6 =	vld [tilespmem:s26+$0xFFFFFFC0]  }
0x8b: {  	v7 =	vld [tilespmem:s22+$0xFFFFFFC0]  }
0x8c: {  	v0 =	vadd.f32 v5, v0;
	v4 =	vmul.f32 v8, v4;
	v5 =	vld [tilespmem:s26+$0x40]  }
0x8d: {  	v8 =	vld [tilespmem:s22+$0x40]  }
0x8e: {  	v3 =	vmul.f32 v3, v9;
	v9 =	vld [tilespmem:s26+$0xFFFFFF50];
	v2 =	vadd.f32 v4, v2  }
0x8f: {  	v4 =	vld [tilespmem:s22+$0xFFFFFF50]  }
0x90: {  	v1 =	vadd.f32 v3, v1;
	v3 =	vmul.f32 v7, v6;
	v6 =	vld [tilespmem:s26+$0xFFFFFFD0]  }
0x91: {  	v7 =	vld [tilespmem:s22+$0xFFFFFFD0]  }
0x92: {  	v0 =	vadd.f32 v3, v0;
	v3 =	vmul.f32 v8, v5;
	v5 =	vld [tilespmem:s26+$0x50]  }
0x93: {  	v8 =	vld [tilespmem:s22+$0x50]  }
0x94: {  	v4 =	vmul.f32 v4, v9;
	v9 =	vld [tilespmem:s26+$0xFFFFFF60];
	v2 =	vadd.f32 v3, v2  }
0x95: {  	v3 =	vld [tilespmem:s22+$0xFFFFFF60]  }
0x96: {  	v4 =	vadd.f32 v4, v1;
	v1 =	vmul.f32 v7, v6;
	v10 =	vld [tilespmem:s26+$0xFFFFFFE0]  }
0x97: {  	v11 =	vld [tilespmem:s22+$0xFFFFFFE0]  }
0x98: {  	v12 =	vadd.f32 v1, v0;
	v1 =	vmul.f32 v8, v5;
	v8 =	vld [tilespmem:s26+$0x60]  }
0x99: {  	v13 =	vld [tilespmem:s22+$0x60]  }
0x9a: {  	v3 =	vmul.f32 v3, v9;
	v0 =	vld [tilespmem:s26+$0xFFFFFF70];
	v6 =	vadd.f32 v1, v2  }
.Ltmp0:
0x9b: {  	v1 =	vld [tilespmem:s22+$0xFFFFFF70];
	(pc) =	sbr.rel @p0 .LBB2_3-.Ltmp0, $4  }
0x9c: {  	v7 =	vadd.f32 v3, v4;
	v3 =	vmul.f32 v11, v10;
	v2 =	vld [tilespmem:s26+$0xFFFFFFF0]  }
0x9d: {  	v4 =	vld [tilespmem:s22+$0xFFFFFFF0]  }
0x9e: {  	v5 =	vadd.f32 v3, v12;
	v9 =	vmul.f32 v13, v8;
	v3 =	vld [tilespmem:s26+$0x70]  }
0x9f: {  	s26 =	sadd.s32 $0x200, s26;
	v8 =	vld [tilespmem:s22+$0x70]  }
0xa0: {  	_ =	sdelay $0x1  }
0xa1: {  	v0 =	vmul.f32 v1, v0  }
0xa2: {  	v1 =	vmul.f32 v4, v2  }
0xa3: {  	v2 =	vadd.f32 v9, v6;
	v0 =	vadd.f32 v0, v7;
	v3 =	vmul.f32 v8, v3  }
0xa4: {  	s0 =	sshll.u32 s20, $0xC;
	v1 =	vadd.f32 v1, v5  }
0xa5: {  	s0 =	sadd.s32 s8, s0;
	[tilespmem:s30+$0x0] =	vst v0;
	v0 =	vadd.f32 v3, v2  }
0xa6: {  	s0 =	sshrl.u32 s0, $0x3;
	[tilespmem:s29+$0x0] =	vst v1  }
0xa7: {  	s22 =	simm.s32 $0x0;
	s0 =	sadd.s32 s5, s0;
	[tilespmem:s28+$0x0] =	vst v0  }
0xa8: {  	[hbm4b:s0+s22] =	stream.linear.scatter [tilespmem:s18], [sflag:$0x2], $0x800, $0x38;
	[tilespmem:$0x13A00] =	vst v63  }
0xa9: {  	_ =	swait.ge [sflag:s10], $0x800  }
0xaa: {  	[sflag:s10] =	ssyncset.done $0x0  }
0xab: {  	[sflag:s10] =	ssyncadd.s32 $0xFFFFF800  }
0xac: {  	_ =	swait.ge [sflag:s15], $0x4000  }
0xad: {  	[sflag:s15] =	ssyncset.done $0x0  }
0xae: {  	s31 =	sshll.u32 s20, $0x1;
	[sflag:s15] =	ssyncadd.s32 $0xFFFFC000  }
0xaf: {  	s0 =	smin.u32 s31, $0x2F;
	_ =	swait.ge [sflag:s15], $0x4000  }
0xb0: {  	s0 =	sshll.u32 s0, $0x7;
	[sflag:s15] =	ssyncset.done $0x0  }
0xb1: {  	s1 =	sadd.s32 $0x100, s0;
	[sflag:s15] =	ssyncadd.s32 $0xFFFFC000  }
0xb2: {  	[tilespmem:s13], [sflag:$0x1] =	stream.indirect.gather [hbm4b:s2+s12], $0x80, s1, s12, $0xb8;
	[tilespmem:$0x13A00] =	vst v63  }
0xb3: {  	s26 =	simm.s32 $0xB300;
	s0 =	sadd.s32 $0x1A00, s0  }
0xb4: {  	[tilespmem:s14], [sflag:$0x1] =	stream.indirect.gather [hbm4b:s2+s12], $0x80, s0, s12, $0xb8;
	[tilespmem:$0x13A00] =	vst v63  }
0xb5: {  	s23 =	simm.s32 $0xF300;
	v0 =	vld [tilespmem:s26+$0x80]  }
0xb6: {  	v1 =	vld [tilespmem:s23+$0x80]  }
0xb7: {  	v2 =	vld [tilespmem:s26+$0x90]  }
0xb8: {  	v3 =	vld [tilespmem:s23+$0x90]  }
0xb9: {  	v4 =	vld [tilespmem:s26+$0xA0]  }
0xba: {  	v5 =	vld [tilespmem:s23+$0xA0]  }
0xbb: {  	v6 =	vld [tilespmem:s26+$0xB0]  }
0xbc: {  	v7 =	vld [tilespmem:s23+$0xB0]  }
0xbd: {  	v8 =	vld [tilespmem:s26+$0xC0]  }
0xbe: {  	v9 =	vld [tilespmem:s23+$0xC0]  }
0xbf: {  	v10 =	vld [tilespmem:s26+$0xD0]  }
0xc0: {  	v11 =	vld [tilespmem:s23+$0xD0]  }
0xc1: {  	v12 =	vld [tilespmem:s26+$0xE0]  }
0xc2: {  	v13 =	vld [tilespmem:s23+$0xE0]  }
0xc3: {  	v14 =	vld [tilespmem:s26+$0xF0]  }
0xc4: {  	v15 =	vld [tilespmem:s23+$0xF0]  }
0xc5: {  	v16 =	vld [tilespmem:s23+$0xFFFFFF00]  }
0xc6: {  	v17 =	vld [tilespmem:s26+$0xFFFFFF10]  }
0xc7: {  	v18 =	vld [tilespmem:s23+$0xFFFFFF10]  }
0xc8: {  	v19 =	vld [tilespmem:s26+$0xFFFFFF80]  }
0xc9: {  	v20 =	vld [tilespmem:s23+$0xFFFFFF80]  }
0xca: {  	v21 =	vld [tilespmem:s26+$0xFFFFFF90]  }
0xcb: {  	v22 =	vld [tilespmem:s23+$0xFFFFFF90]  }
0xcc: {  	v23 =	vld [tilespmem:s26+$0x0]  }
0xcd: {  	v24 =	vld [tilespmem:s23+$0x0]  }
0xce: {  	v25 =	vld [tilespmem:s26+$0x10]  }
0xcf: {  	v26 =	vld [tilespmem:s23+$0x10]  }
0xd0: {  	v27 =	vld [tilespmem:s26+$0xFFFFFF00]  }
0xd1: {  	v28 =	vld [tilespmem:s26+$0xFFFFFF20]  }
0xd2: {  	v29 =	vld [tilespmem:s23+$0xFFFFFF20]  }
0xd3: {  	v30 =	vld [tilespmem:s26+$0xFFFFFFA0]  }
0xd4: {  	v31 =	vld [tilespmem:s23+$0xFFFFFFA0]  }
0xd5: {  	v32 =	vld [tilespmem:s26+$0x20]  }
0xd6: {  	v33 =	vld [tilespmem:s23+$0x20]  }
0xd7: {  	v34 =	vld [tilespmem:s26+$0xFFFFFF30]  }
0xd8: {  	v35 =	vld [tilespmem:s23+$0xFFFFFF30]  }
0xd9: {  	v36 =	vld [tilespmem:s26+$0xFFFFFFB0]  }
0xda: {  	v37 =	vld [tilespmem:s23+$0xFFFFFFB0]  }
0xdb: {  	v38 =	vld [tilespmem:s26+$0x30]  }
0xdc: {  	v39 =	vld [tilespmem:s23+$0x30]  }
0xdd: {  	v46 =	vld [tilespmem:s23+$0xFFFFFFD0];
	v0 =	vmul.f32 v1, v0;
	v1 =	vmul.f32 v3, v2  }
0xde: {  	v47 =	vld [tilespmem:s26+$0x50]  }
0xdf: {  	v50 =	vld [tilespmem:s23+$0x50];
	v0 =	vadd.f32 v1, v0;
	v1 =	vmul.f32 v5, v4  }
0xe0: {  	v53 =	vld [tilespmem:s26+$0xFFFFFF60]  }
0xe1: {  	v57 =	vld [tilespmem:s26+$0xFFFFFFE0];
	v0 =	vadd.f32 v1, v0;
	v1 =	vmul.f32 v7, v6  }
0xe2: {  	v2 =	vld [tilespmem:s26+$0xFFFFFF40]  }
0xe3: {  	v3 =	vld [tilespmem:s23+$0xFFFFFF40];
	v0 =	vadd.f32 v1, v0;
	v1 =	vmul.f32 v9, v8  }
0xe4: {  	v44 =	vmul.f32 v20, v19;
	v4 =	vld [tilespmem:s26+$0xFFFFFFC0]  }
0xe5: {  	v45 =	vmul.f32 v22, v21;
	v5 =	vld [tilespmem:s23+$0xFFFFFFC0];
	v0 =	vadd.f32 v1, v0;
	v1 =	vmul.f32 v11, v10  }
0xe6: {  	v16 =	vmul.f32 v16, v27;
	v48 =	vmul.f32 v24, v23;
	v6 =	vld [tilespmem:s26+$0x40]  }
0xe7: {  	v49 =	vmul.f32 v26, v25;
	v7 =	vld [tilespmem:s23+$0x40];
	v0 =	vadd.f32 v1, v0;
	v1 =	vmul.f32 v18, v17  }
0xe8: {  	v52 =	vmul.f32 v31, v30;
	v8 =	vld [tilespmem:s26+$0xFFFFFF50];
	v10 =	vmul.f32 v13, v12;
	v12 =	vadd.f32 v45, v44  }
0xe9: {  	v51 =	vmul.f32 v29, v28;
	v54 =	vmul.f32 v33, v32;
	v11 =	vld [tilespmem:s26+$0xFFFFFFD0];
	v1 =	vadd.f32 v1, v16  }
0xea: {  	v58 =	vmul.f32 v37, v36;
	v9 =	vld [tilespmem:s23+$0xFFFFFF50];
	v12 =	vadd.f32 v52, v12;
	v10 =	vadd.f32 v10, v0  }
0xeb: {  	v60 =	vld [tilespmem:s23+$0xFFFFFFE0];
	v56 =	vmul.f32 v35, v34;
	v0 =	vadd.f32 v49, v48;
	v1 =	vadd.f32 v51, v1  }
0xec: {  	v55 =	vld [tilespmem:s23+$0xFFFFFF60];
	v2 =	vmul.f32 v3, v2;
	v4 =	vmul.f32 v5, v4;
	v3 =	vadd.f32 v58, v12  }
0xed: {  	v61 =	vld [tilespmem:s26+$0x60];
	v59 =	vmul.f32 v39, v38;
	v0 =	vadd.f32 v54, v0;
	v1 =	vadd.f32 v56, v1  }
0xee: {  	v63 =	vld [tilespmem:s23+$0x60];
	v5 =	vmul.f32 v7, v6;
	v3 =	vadd.f32 v4, v3;
	v4 =	vmul.f32 v46, v11  }
0xef: {  	s24 =	simm.s32 $0x30;
	s25 =	simm.s32 $0x0;
	v6 =	vmul.f32 v9, v8;
	v62 =	vadd.f32 v59, v0;
	v0 =	vld [tilespmem:s26+$0xFFFFFF70];
	v2 =	vadd.f32 v2, v1  }
0xf0: {  	s30 =	simm.s32 $0x20;
	s29 =	simm.s32 $0x10;
	s1 =	sand.u32 $0x1E00, s22;
	v14 =	vmul.f32 v15, v14;
	v11 =	vmul.f32 v60, v57;
	v9 =	vadd.f32 v4, v3;
	v1 =	vld [tilespmem:s23+$0xFFFFFF70]  }
0xf1: {  	s29 =	sand.u32 $0x50, s29;
	s31 =	simm.s32 $0x0;
	s0 =	sshrl.u32 s1, $0x2;
	v4 =	vld [tilespmem:s23+$0xFFFFFFF0];
	v5 =	vadd.f32 v5, v62;
	v8 =	vadd.f32 v6, v2;
	v6 =	vmul.f32 v50, v47  }
0xf2: {  	s28 =	sand.u32 $0x70, s24;
	s1 =	sand.u32 $0x40, s31;
	s0 =	sadd.s32 $0x13200, s0;
	v7 =	vadd.f32 v14, v10;
	v10 =	vmul.f32 v55, v53;
	v2 =	vld [tilespmem:s26+$0xFFFFFFF0]  }
0xf3: {  	s31 =	sand.u32 $0x60, s30;
	s28 =	sor.u32 s28, s0;
	s30 =	sor.u32 s1, s0;
	v3 =	vld [tilespmem:s26+$0x70];
	v6 =	vadd.f32 v6, v5;
	v5 =	vadd.f32 v11, v9;
	v9 =	vmul.f32 v63, v61  }
0xf4: {  	s29 =	sor.u32 s29, s0;
	[tilespmem:s28+$0x0] =	vst v7;
	s28 =	sor.u32 s31, s0;
	s26 =	simm.s32 $0xB500;
	v7 =	vadd.f32 v10, v8;
	v8 =	vld [tilespmem:s23+$0x70]  }
.LBB2_5:
0xf5: {  	v10 =	vld [tilespmem:s26+$0x80];
	v0 =	vmul.f32 v1, v0;
	v1 =	vadd.f32 v9, v6;
	s23 =	sadd.s32 $0x200, s23  }
0xf6: {  	v6 =	vld [tilespmem:s23+$0x80]  }
0xf7: {  	v9 =	vld [tilespmem:s26+$0x90];
	v0 =	vadd.f32 v0, v7;
	v2 =	vmul.f32 v4, v2  }
0xf8: {  	s25 =	sadd.s32 $0x4, s25;
	v4 =	vld [tilespmem:s23+$0x90]  }
0xf9: {  	p0 =	slt.u32 s25, $0x7C;
	v7 =	vld [tilespmem:s26+$0xA0];
	[tilespmem:s30+$0x0] =	vst v0;
	v0 =	vadd.f32 v2, v5;
	v2 =	vmul.f32 v8, v3  }
0xfa: {  	v3 =	vld [tilespmem:s23+$0xA0]  }
0xfb: {  	v5 =	vld [tilespmem:s26+$0xB0];
	[tilespmem:s29+$0x0] =	vst v0;
	v0 =	vadd.f32 v2, v1  }
0xfc: {  	v1 =	vld [tilespmem:s23+$0xB0]  }
0xfd: {  	v2 =	vmul.f32 v6, v10;
	v4 =	vmul.f32 v4, v9;
	v6 =	vld [tilespmem:s26+$0xC0];
	[tilespmem:s28+$0x0] =	vst v0  }
0xfe: {  	v0 =	vld [tilespmem:s23+$0xC0]  }
0xff: {  	v2 =	vadd.f32 v4, v2;
	v3 =	vmul.f32 v3, v7;
	v4 =	vld [tilespmem:s26+$0xD0]  }
0x100: {  	v7 =	vld [tilespmem:s23+$0xD0]  }
0x101: {  	v2 =	vadd.f32 v3, v2;
	v1 =	vmul.f32 v1, v5;
	v3 =	vld [tilespmem:s26+$0xE0]  }
0x102: {  	v5 =	vld [tilespmem:s23+$0xE0]  }
0x103: {  	v1 =	vadd.f32 v1, v2;
	v0 =	vmul.f32 v0, v6;
	v2 =	vld [tilespmem:s26+$0xF0]  }
0x104: {  	v6 =	vld [tilespmem:s23+$0xF0]  }
0x105: {  	v8 =	vld [tilespmem:s23+$0xFFFFFF00];
	v0 =	vadd.f32 v0, v1;
	v1 =	vmul.f32 v7, v4  }
0x106: {  	v4 =	vld [tilespmem:s26+$0xFFFFFF10]  }
0x107: {  	v7 =	vld [tilespmem:s23+$0xFFFFFF10];
	v0 =	vadd.f32 v1, v0;
	v1 =	vmul.f32 v5, v3  }
0x108: {  	s22 =	sadd.s32 $0x100, s22;
	v3 =	vld [tilespmem:s26+$0xFFFFFF80]  }
0x109: {  	s0 =	sand.u32 $0x1E00, s22;
	v5 =	vld [tilespmem:s23+$0xFFFFFF80];
	v0 =	vadd.f32 v1, v0;
	v1 =	vmul.f32 v6, v2  }
0x10a: {  	s24 =	sadd.s32 $0x40, s24;
	s0 =	sshrl.u32 s0, $0x2;
	v2 =	vld [tilespmem:s26+$0xFFFFFF90]  }
0x10b: {  	s1 =	sadd.s32 $0xFFFFFFD0, s24;
	s0 =	sadd.s32 $0x13200, s0;
	s28 =	sand.u32 $0x70, s24;
	v6 =	vld [tilespmem:s23+$0xFFFFFF90];
	v0 =	vadd.f32 v1, v0  }
0x10c: {  	s30 =	sadd.s32 $0xFFFFFFF0, s24;
	s29 =	sadd.s32 $0xFFFFFFE0, s24;
	s28 =	sor.u32 s28, s0;
	v1 =	vmul.f32 v7, v4;
	v4 =	vld [tilespmem:s26+$0x0]  }
0x10d: {  	s1 =	sand.u32 $0x40, s1;
	s31 =	sand.u32 $0x60, s30;
	s29 =	sand.u32 $0x50, s29;
	v7 =	vld [tilespmem:s23+$0x0];
	[tilespmem:s28+$0x0] =	vst v0  }
0x10e: {  	s30 =	sor.u32 s1, s0;
	s29 =	sor.u32 s29, s0;
	s28 =	sor.u32 s31, s0;
	v0 =	vmul.f32 v5, v3;
	v3 =	vld [tilespmem:s26+$0x10]  }
0x10f: {  	v5 =	vld [tilespmem:s23+$0x10]  }
0x110: {  	v9 =	vld [tilespmem:s26+$0xFFFFFF00];
	v2 =	vmul.f32 v6, v2  }
0x111: {  	v6 =	vld [tilespmem:s26+$0xFFFFFF20]  }
0x112: {  	v10 =	vld [tilespmem:s23+$0xFFFFFF20];
	v0 =	vadd.f32 v2, v0;
	v2 =	vmul.f32 v7, v4  }
0x113: {  	v4 =	vld [tilespmem:s26+$0xFFFFFFA0]  }
0x114: {  	v7 =	vld [tilespmem:s23+$0xFFFFFFA0];
	v3 =	vmul.f32 v5, v3  }
0x115: {  	v5 =	vmul.f32 v8, v9;
	v8 =	vld [tilespmem:s26+$0x20]  }
0x116: {  	v2 =	vadd.f32 v3, v2;
	v3 =	vld [tilespmem:s23+$0x20]  }
0x117: {  	v1 =	vadd.f32 v1, v5;
	v5 =	vmul.f32 v10, v6;
	v6 =	vld [tilespmem:s26+$0xFFFFFF30]  }
0x118: {  	v9 =	vld [tilespmem:s23+$0xFFFFFF30]  }
0x119: {  	v1 =	vadd.f32 v5, v1;
	v4 =	vmul.f32 v7, v4;
	v5 =	vld [tilespmem:s26+$0xFFFFFFB0]  }
0x11a: {  	v7 =	vld [tilespmem:s23+$0xFFFFFFB0]  }
0x11b: {  	v0 =	vadd.f32 v4, v0;
	v3 =	vmul.f32 v3, v8;
	v4 =	vld [tilespmem:s26+$0x30]  }
0x11c: {  	v8 =	vld [tilespmem:s23+$0x30]  }
0x11d: {  	v6 =	vmul.f32 v9, v6;
	v9 =	vld [tilespmem:s26+$0xFFFFFF40];
	v2 =	vadd.f32 v3, v2  }
0x11e: {  	v3 =	vld [tilespmem:s23+$0xFFFFFF40]  }
0x11f: {  	v1 =	vadd.f32 v6, v1;
	v5 =	vmul.f32 v7, v5;
	v6 =	vld [tilespmem:s26+$0xFFFFFFC0]  }
0x120: {  	v7 =	vld [tilespmem:s23+$0xFFFFFFC0]  }
0x121: {  	v0 =	vadd.f32 v5, v0;
	v4 =	vmul.f32 v8, v4;
	v5 =	vld [tilespmem:s26+$0x40]  }
0x122: {  	v8 =	vld [tilespmem:s23+$0x40]  }
0x123: {  	v3 =	vmul.f32 v3, v9;
	v9 =	vld [tilespmem:s26+$0xFFFFFF50];
	v2 =	vadd.f32 v4, v2  }
0x124: {  	v4 =	vld [tilespmem:s23+$0xFFFFFF50]  }
0x125: {  	v1 =	vadd.f32 v3, v1;
	v3 =	vmul.f32 v7, v6;
	v6 =	vld [tilespmem:s26+$0xFFFFFFD0]  }
0x126: {  	v7 =	vld [tilespmem:s23+$0xFFFFFFD0]  }
0x127: {  	v0 =	vadd.f32 v3, v0;
	v3 =	vmul.f32 v8, v5;
	v5 =	vld [tilespmem:s26+$0x50]  }
0x128: {  	v8 =	vld [tilespmem:s23+$0x50]  }
0x129: {  	v4 =	vmul.f32 v4, v9;
	v9 =	vld [tilespmem:s26+$0xFFFFFF60];
	v2 =	vadd.f32 v3, v2  }
0x12a: {  	v3 =	vld [tilespmem:s23+$0xFFFFFF60]  }
0x12b: {  	v4 =	vadd.f32 v4, v1;
	v1 =	vmul.f32 v7, v6;
	v10 =	vld [tilespmem:s26+$0xFFFFFFE0]  }
0x12c: {  	v11 =	vld [tilespmem:s23+$0xFFFFFFE0]  }
0x12d: {  	v12 =	vadd.f32 v1, v0;
	v1 =	vmul.f32 v8, v5;
	v8 =	vld [tilespmem:s26+$0x60]  }
0x12e: {  	v13 =	vld [tilespmem:s23+$0x60]  }
0x12f: {  	v3 =	vmul.f32 v3, v9;
	v0 =	vld [tilespmem:s26+$0xFFFFFF70];
	v6 =	vadd.f32 v1, v2  }
.Ltmp1:
0x130: {  	v1 =	vld [tilespmem:s23+$0xFFFFFF70];
	(pc) =	sbr.rel @p0 .LBB2_5-.Ltmp1, $4  }
0x131: {  	v7 =	vadd.f32 v3, v4;
	v3 =	vmul.f32 v11, v10;
	v2 =	vld [tilespmem:s26+$0xFFFFFFF0]  }
0x132: {  	v4 =	vld [tilespmem:s23+$0xFFFFFFF0]  }
0x133: {  	v5 =	vadd.f32 v3, v12;
	v9 =	vmul.f32 v13, v8;
	v3 =	vld [tilespmem:s26+$0x70]  }
0x134: {  	s26 =	sadd.s32 $0x200, s26;
	v8 =	vld [tilespmem:s23+$0x70]  }
0x135: {  	_ =	sdelay $0x1  }
0x136: {  	v0 =	vmul.f32 v1, v0  }
0x137: {  	v61 =	vmul.f32 v4, v2  }
0x138: {  	v62 =	vadd.f32 v9, v6;
	v0 =	vadd.f32 v0, v7;
	v3 =	vmul.f32 v8, v3  }
0x139: {  	v1 =	vadd.f32 v61, v5  }
0x13a: {  	s0 =	sadd.s32 s4, s21;
	s20 =	sadd.s32 $0x1, s20;
	[tilespmem:s30+$0x0] =	vst v0;
	v63 =	vadd.f32 v3, v62  }
0x13b: {  	s0 =	sshll.u32 s0, $0x1;
	p0 =	sne.s32 s20, $0x19;
	[tilespmem:s29+$0x0] =	vst v1  }
.Ltmp2:
0x13c: {  	s0 =	sadd.s32 s5, s0;
	[tilespmem:s28+$0x0] =	vst v63;
	(pc) =	sbr.rel @p0 .LBB2_2-.Ltmp2, $4  }
0x13d: {  	[hbm4b:s0+s3] =	stream.linear.scatter [tilespmem:s18], [sflag:$0x2], $0x800, $0x38;
	[tilespmem:$0x13A00] =	vst v63  }
0x13e: {  	_ =	swait.ge [sflag:s10], $0x800  }
0x13f: {  	[sflag:s10] =	ssyncset.done $0x0  }
0x140: {  	[sflag:s10] =	ssyncadd.s32 $0xFFFFF800  }
0x141: {  	s19 =	sadd.s32 $0x1, s19  }
0x142: {  	_ =	swait.ge [sflag:s15], $0x4000;
	p0 =	sne.s32 s19, s9  }
.Ltmp3:
0x143: {  	[sflag:s15] =	ssyncset.done $0x0;
	(pc) =	sbr.rel @p0 .LBB2_1-.Ltmp3, $4  }
0x144: {  	[sflag:s15] =	ssyncadd.s32 $0xFFFFC000  }
0x145: {  	_ =	swait.ge [sflag:s15], $0x4000  }
0x146: {  	[sflag:s15] =	ssyncset.done $0x0  }
0x147: {  	[sflag:s15] =	ssyncadd.s32 $0xFFFFC000  }
0x148: {  	_ =	sfence.sel $0x180000  }
0x149: {  	[bflag:$0x0] =	sbarrier.arrive $0xFFFF  }
0x14a: {  	_ =	strace $0x90000053  }
0x14b: {  	s0 =	stileid.u32;
	[bflag:$0x2] =	sbarrier.arrive $0xFFFF  }
0x14c: {  	p0 =	sne.s32 s0, $0x0;
	s0 =	rddreg [dreg:$0x2]  }
0x14d: {  	s0 =	sadd.s32 @!p0 $0x100000, s0  }
0x14e: {  	[sflag:s0] =	ssyncadd.tile.s32 @!p0 $0x1;
	_ =	shalt  }
.Lfunc_end2:
_tile_overlayer_lowered:
.L_overlay_start_2:
0x14f: {  	(tag) =	ssettag $0x2  }
0x150: {  	s0 =	rddreg [dreg:$0x0];
	s2 =	stileid.u32  }
0x151: {  	s1 =	rddreg [dreg:$0x1];
	p0 =	sne.s32 s2, $0x0  }
0x152: {  	s3 =	rddreg [dreg:$0x2];
	[bflag:$0x3] =	sbarrier.arrive $0xFFFF;
	s2 =	simm.s32 @!p0 $0x1C02  }
0x153: {  	[timem:s3], [sflag:s2] =	dma.local @!p0 [hbm:s0], s1  }
0x154: {  	s0 =	simm.s32 @!p0 $0x2  }
0x155: {  	_ =	swait.ge @!p0 [sflag:s0], s1  }
0x156: {  	s1 =	ssub.s32 @!p0 $0x0, s1;
	[sflag:s0] =	ssyncset.done @!p0 $0x0  }
0x157: {  	[sflag:s0] =	ssyncadd.s32 @!p0 s1  }
0x158: {  	[bflag:$0x3] =	sbarrier.arrive $0xFFFF  }
0x159: {  	_ =	shalt  }

</sc_bundles>
